<compile_context>
chip_gen: v7x
topology: tpu7x:2x2x1
jax: 0.10.2.dev20260603
libtpu: 0.0.44.dev20260713+nightly
codegen_flags: <defaults>
</compile_context>

<pallas_src>
import functools

import jax
import jax.numpy as jnp
from jax import lax
from jax.experimental import pallas as pl
from jax.experimental.pallas import tpu as pltpu
from jax.experimental.pallas import tpu_sc as plsc

S = 10000
SH = 5000
D = 128
N = 320000
BLK = 128
NBLK = N // BLK
NC = 2
NS = 16
NPAIR = 79
CROWS = 157
IDX_PAD = NS * CROWS
U_SUB = 312
U_TAIL = SH - NS * U_SUB

_mesh = plsc.VectorSubcoreMesh(core_axis_name="c", subcore_axis_name="s")


@functools.partial(
    pl.kernel,
    out_type=jax.ShapeDtypeStruct((S, D), jnp.float32),
    mesh=_mesh,
    scratch_types=[
        pltpu.VMEM_SHARED((SH + 8, D), jnp.float32),
        pltpu.VMEM_SHARED((NS, 8, 16), jnp.int32),
        pltpu.VMEM((2, BLK, D), jnp.float32),
        pltpu.VMEM((2, 1, BLK), jnp.int32),
        pltpu.VMEM((2, 1, BLK), jnp.int32),
        pltpu.VMEM((CROWS, 1, BLK), jnp.int32),
        pltpu.VMEM((8, 16), jnp.int32),
        pltpu.VMEM((NS, 8, 16), jnp.int32),
        pltpu.SemaphoreType.DMA((2,)),
        pltpu.SemaphoreType.DMA,
    ],
)
def _segsum(u_hbm, v_hbm, idx_hbm, out_hbm, acc, cnts, vbuf, ibuf, sbuf,
            cibuf, cbuf, crbuf, gsem, usem):
    c = lax.axis_index("c")
    s = lax.axis_index("s")
    ubase = s * U_SUB
    urow = c * SH + ubase

    pltpu.async_copy(u_hbm.at[pl.ds(urow, U_SUB)],
                     acc.at[pl.ds(ubase, U_SUB)], usem)

    @pl.when(s == NS - 1)
    def _():
        pltpu.async_copy(u_hbm.at[pl.ds(c * SH + NS * U_SUB, U_TAIL)],
                         acc.at[pl.ds(NS * U_SUB, U_TAIL)], usem)

    pltpu.sync_copy(idx_hbm.at[pl.ds(s * CROWS, CROWS)], cibuf)
    lim = jnp.full((16,), SH, jnp.int32)
    one = jnp.full((16,), 1, jnp.int32)
    zero = jnp.zeros((16,), jnp.int32)

    tot = zero
    for r in range(CROWS):
        seg = cibuf[r, 0, pl.ds(0, 16)]
        tot = tot + jnp.where(seg < lim, one, zero)
    cbuf[0, :] = tot
    for k in range(NS):
        @pl.when(s == k)
        def _():
            pltpu.sync_copy(cbuf, cnts.at[k])

    pltpu.make_async_copy(u_hbm.at[pl.ds(urow, U_SUB)],
                          acc.at[pl.ds(ubase, U_SUB)], usem).wait()

    @pl.when(s == NS - 1)
    def _():
        pltpu.make_async_copy(u_hbm.at[pl.ds(c * SH + NS * U_SUB, U_TAIL)],
                              acc.at[pl.ds(NS * U_SUB, U_TAIL)], usem).wait()

    plsc.subcore_barrier()

    pltpu.sync_copy(cnts, crbuf)
    tvec = zero
    for t2 in range(NS):
        tvec = tvec + crbuf[t2, 0, pl.ds(0, 16)]
    big_h = tvec[0]

    first1 = jnp.maximum(big_h - 1, 0)
    first = jnp.where(c == 0, 0, first1)
    nblk = jnp.where(c == 0, big_h, NBLK - first1)
    segbase = jnp.full((16,), c * SH, jnp.int32)
    guard = jnp.full((16,), SH, jnp.int32)

    def fire(t, b):
        j = s + t * NS

        @pl.when(j < nblk)
        def _():
            blk = first + j
            pltpu.async_copy(idx_hbm.at[blk], ibuf.at[b], gsem.at[b])
            pltpu.async_copy(v_hbm.at[pl.ds(blk * BLK, BLK)],
                             vbuf.at[b], gsem.at[b])

    def consume(t, b):
        j = s + t * NS

        @pl.when(j < nblk)
        def _():
            blk = first + j
            pltpu.make_async_copy(v_hbm.at[pl.ds(blk * BLK, BLK)],
                                  vbuf.at[b], gsem.at[b]).wait()
            pltpu.make_async_copy(idx_hbm.at[blk], ibuf.at[b],
                                  gsem.at[b]).wait()
            for k in range(BLK // 16):
                seg = ibuf[b, 0, pl.ds(16 * k, 16)]
                loc = seg - segbase
                ok = jnp.logical_and(loc >= zero, loc < lim)
                sbuf[b, 0, pl.ds(16 * k, 16)] = jnp.where(ok, loc, guard)
            pltpu.sync_copy(vbuf.at[b], acc.at[sbuf.at[b, 0]], add=True)

    fire(0, 0)

    def mbody(i, carry):
        t0 = 2 * i
        fire(t0 + 1, 1)
        consume(t0, 0)
        fire(t0 + 2, 0)
        consume(t0 + 1, 1)
        return carry

    lax.fori_loop(0, NPAIR, mbody, 0)
    plsc.subcore_barrier()

    pltpu.sync_copy(acc.at[pl.ds(ubase, U_SUB)],
                    out_hbm.at[pl.ds(urow, U_SUB)])

    @pl.when(s == NS - 1)
    def _():
        pltpu.sync_copy(acc.at[pl.ds(NS * U_SUB, U_TAIL)],
                        out_hbm.at[pl.ds(c * SH + NS * U_SUB, U_TAIL)])


def kernel(u, v, batch):
    idx = batch.astype(jnp.int32).reshape(NBLK, BLK)
    idx = jnp.pad(idx, ((0, IDX_PAD - NBLK), (0, 0)),
                  constant_values=S).reshape(IDX_PAD, 1, BLK)
    return _segsum(u, v, idx)

# --- scband reference (transcript-rebuilt; emitter-appended) ---
"""Pipeline reference for scband-update-u-spherenet-48034914238948 (READ-ONLY COPY).

The authoritative reference and input builder live on the scoring server;
editing this copy changes nothing except your own understanding.
"""

import jax, jax.numpy as jnp
import numpy as np


def setup_inputs(seed: int = 0) -> dict:
    key = jax.random.key(seed)
    k1, k2, k3 = jax.random.split(key, 3)
    u = jax.random.normal(k1, (10000, 128), dtype=jnp.float32)
    v = jax.random.normal(k2, (320000, 128), dtype=jnp.float32)
    batch = jnp.sort(jax.random.randint(k3, (320000,), 0, 10000, dtype=jnp.int64))
    return {"u": u, "v": v, "batch": batch}


def reference(u, v, batch):
    # u += scatter(v, batch, dim=0)  (scatter-add / segment sum)
    out = u + jax.ops.segment_sum(v, batch, num_segments=u.shape[0])
    return out

if __name__ == "__main__":
    import jax
    _d = setup_inputs()
    print(jax.jit(kernel)(*tuple(_d.values())))

</pallas_src>

<mosaic_0001>
#map = affine_map<(d0, d1) -> (0, 0)>
#map1 = affine_map<(d0, d1) -> (0, 0, 0)>
module attributes {stable_mosaic.version = 14 : i64} {
  func.func @_segsum(%arg0: i32, %arg1: i32, %arg2: memref<10000x128xf32, #tpu.memory_space<hbm>>, %arg3: memref<320000x128xf32, #tpu.memory_space<hbm>>, %arg4: memref<2512x1x128xi32, #tpu.memory_space<hbm>>, %arg5: memref<10000x128xf32, #tpu.memory_space<hbm>>, %arg6: memref<5008x128xf32, #tpu.memory_space<vmem_shared>>, %arg7: memref<16x8x16xi32, #tpu.memory_space<vmem_shared>>, %arg8: memref<2x128x128xf32, #tpu.memory_space<vmem>>, %arg9: memref<2x1x128xi32, #tpu.memory_space<vmem>>, %arg10: memref<2x1x128xi32, #tpu.memory_space<vmem>>, %arg11: memref<157x1x128xi32, #tpu.memory_space<vmem>>, %arg12: memref<8x16xi32, #tpu.memory_space<vmem>>, %arg13: memref<16x8x16xi32, #tpu.memory_space<vmem>>, %arg14: memref<2x!tpu.dma_semaphore, #tpu.memory_space<semaphore_mem>>, %arg15: memref<!tpu.dma_semaphore, #tpu.memory_space<semaphore_mem>>) attributes {dimension_semantics = [#tpu.dimension_semantics<core_parallel>, #tpu.dimension_semantics<subcore_parallel>], iteration_bounds = array<i64: 2, 16>, scalar_prefetch = 0 : i64, scratch_operands = 10 : i64, tpu.core_type = #tpu.core_type<sc_vector_subcore>, window_params = [{transform_indices = #map}, {transform_indices = #map}, {transform_indices = #map1}, {transform_indices = #map}]} {
    %mul3A = arith.constant 312 : i32
    %mul3A_0 = arith.muli %arg1, %mul3A : i32
    %mul3A_1 = arith.constant 5000 : i32
    %mul3A_2 = arith.muli %arg0, %mul3A_1 : i32
    %add3A = arith.addi %mul3A_2, %mul3A_0 : i32
    %dma_start3A = arith.constant 0 : i32
    %dma_start3A_3 = tpu.memref_slice %arg6[%mul3A_0, %dma_start3A] : memref<5008x128xf32, #tpu.memory_space<vmem_shared>> -> memref<312x128xf32, #tpu.memory_space<vmem_shared>>
    %dma_start3A_4 = arith.constant 0 : i32
    %dma_start3A_5 = tpu.memref_slice %arg2[%add3A, %dma_start3A_4] : memref<10000x128xf32, #tpu.memory_space<hbm>> -> memref<312x128xf32, #tpu.memory_space<hbm>>
    tpu.enqueue_dma source(%dma_start3A_5 : memref<312x128xf32, #tpu.memory_space<hbm>>) target(%dma_start3A_3 : memref<312x128xf32, #tpu.memory_space<vmem_shared>>) target_semaphore(%arg15 : memref<!tpu.dma_semaphore, #tpu.memory_space<semaphore_mem>>)
    %eq3A = arith.constant 15 : i32
    %eq3A_6 = arith.cmpi eq, %arg1, %eq3A : i32
    %convert_element_type3A = arith.extui %eq3A_6 : i1 to i32
    %cond3A = arith.constant 0 : i32
    %cond3A_7 = arith.cmpi ne, %convert_element_type3A, %cond3A : i32
    scf.if %cond3A_7 {
      %mul3A_1835 = arith.constant 5000 : i32
      %mul3A_1836 = arith.muli %arg0, %mul3A_1835 : i32
      %add3A_1837 = arith.constant 4992 : i32
      %add3A_1838 = arith.addi %mul3A_1836, %add3A_1837 : i32
      %dma_start3A_1839 = arith.constant 4992 : i32
      %dma_start3A_1840 = arith.constant 0 : i32
      %dma_start3A_1841 = tpu.memref_slice %arg6[%dma_start3A_1839, %dma_start3A_1840] : memref<5008x128xf32, #tpu.memory_space<vmem_shared>> -> memref<8x128xf32, #tpu.memory_space<vmem_shared>>
      %dma_start3A_1842 = arith.constant 0 : i32
      %dma_start3A_1843 = tpu.memref_slice %arg2[%add3A_1838, %dma_start3A_1842] : memref<10000x128xf32, #tpu.memory_space<hbm>> -> memref<8x128xf32, #tpu.memory_space<hbm>>
      tpu.enqueue_dma source(%dma_start3A_1843 : memref<8x128xf32, #tpu.memory_space<hbm>>) target(%dma_start3A_1841 : memref<8x128xf32, #tpu.memory_space<vmem_shared>>) target_semaphore(%arg15 : memref<!tpu.dma_semaphore, #tpu.memory_space<semaphore_mem>>)
    } else {
    }
    %mul3A_8 = arith.constant 157 : i32
    %mul3A_9 = arith.muli %arg1, %mul3A_8 : i32
    "tpu.region"() ({
      %run_scoped3A = tpu.sem_alloc : memref<!tpu.dma_semaphore, #tpu.memory_space<semaphore_mem>>
      %dma_start3A_1835 = arith.constant 0 : i32
      %dma_start3A_1836 = arith.constant 0 : i32
      %dma_start3A_1837 = tpu.memref_slice %arg4[%mul3A_9, %dma_start3A_1835, %dma_start3A_1836] : memref<2512x1x128xi32, #tpu.memory_space<hbm>> -> memref<157x1x128xi32, #tpu.memory_space<hbm>>
      %dma_start3A_1838 = arith.constant 0 : i32
      %dma_start3A_1839 = arith.constant 0 : i32
      %dma_start3A_1840 = tpu.memref_slice %arg4[%mul3A_9, %dma_start3A_1838, %dma_start3A_1839] : memref<2512x1x128xi32, #tpu.memory_space<hbm>> -> memref<157x1x128xi32, #tpu.memory_space<hbm>>
      tpu.enqueue_dma source(%dma_start3A_1840 : memref<157x1x128xi32, #tpu.memory_space<hbm>>) target(%arg11 : memref<157x1x128xi32, #tpu.memory_space<vmem>>) target_semaphore(%run_scoped3A : memref<!tpu.dma_semaphore, #tpu.memory_space<semaphore_mem>>)
      %dma_wait3A_1841 = arith.constant 0 : i32
      %dma_wait3A_1842 = arith.constant 0 : i32
      %dma_wait3A_1843 = tpu.memref_slice %arg4[%mul3A_9, %dma_wait3A_1841, %dma_wait3A_1842] : memref<2512x1x128xi32, #tpu.memory_space<hbm>> -> memref<157x1x128xi32, #tpu.memory_space<hbm>>
      %dma_wait3A_1844 = arith.constant 0 : i32
      %dma_wait3A_1845 = arith.constant 0 : i32
      %dma_wait3A_1846 = tpu.memref_slice %arg4[%mul3A_9, %dma_wait3A_1844, %dma_wait3A_1845] : memref<2512x1x128xi32, #tpu.memory_space<hbm>> -> memref<157x1x128xi32, #tpu.memory_space<hbm>>
      tpu.wait_dma2 semaphore(%run_scoped3A : memref<!tpu.dma_semaphore, #tpu.memory_space<semaphore_mem>>) src(%dma_wait3A_1846 : memref<157x1x128xi32, #tpu.memory_space<hbm>>) dst(%arg11 : memref<157x1x128xi32, #tpu.memory_space<vmem>>)
      tpu.yield
    }) : () -> ()
    %broadcast_in_dim3A = arith.constant 5000 : i32
    %broadcast_in_dim3A_10 = vector.broadcast %broadcast_in_dim3A : i32 to vector<16xi32>
    %broadcast_in_dim3A_11 = arith.constant 1 : i32
    %broadcast_in_dim3A_12 = vector.broadcast %broadcast_in_dim3A_11 : i32 to vector<16xi32>
    %broadcast_in_dim3A_13 = arith.constant 0 : i32
    %broadcast_in_dim3A_14 = vector.broadcast %broadcast_in_dim3A_13 : i32 to vector<16xi32>
    %get3A = arith.constant 0 : i32
    %get3A_15 = arith.constant 0 : i32
    %get3A_16 = arith.index_cast %get3A : i32 to index
    %get3A_17 = arith.index_cast %get3A_15 : i32 to index
    %get3A_18 = arith.constant 0 : index
    %get3A_19 = tpu.vector_load %arg11[%get3A_16, %get3A_17, %get3A_18] {strides = array<i32>} : memref<157x1x128xi32, #tpu.memory_space<vmem>>, vector<1x1x16xi32>,
    %get3A_20 = vector.shape_cast %get3A_19 : vector<1x1x16xi32> to vector<16xi32>
    %lt3A = arith.cmpi slt, %get3A_20, %broadcast_in_dim3A_10 : vector<16xi32>
    %select_n3A = arith.select %lt3A, %broadcast_in_dim3A_12, %broadcast_in_dim3A_14 : vector<16xi1>, vector<16xi32>
    %add3A_21 = arith.addi %broadcast_in_dim3A_14, %select_n3A : vector<16xi32>
    %get3A_22 = arith.constant 1 : i32
    %get3A_23 = arith.constant 0 : i32
    %get3A_24 = arith.index_cast %get3A_22 : i32 to index
    %get3A_25 = arith.index_cast %get3A_23 : i32 to index
    %get3A_26 = arith.constant 0 : index
    %get3A_27 = tpu.vector_load %arg11[%get3A_24, %get3A_25, %get3A_26] {strides = array<i32>} : memref<157x1x128xi32, #tpu.memory_space<vmem>>, vector<1x1x16xi32>,
    %get3A_28 = vector.shape_cast %get3A_27 : vector<1x1x16xi32> to vector<16xi32>
    %lt3A_29 = arith.cmpi slt, %get3A_28, %broadcast_in_dim3A_10 : vector<16xi32>
    %select_n3A_30 = arith.select %lt3A_29, %broadcast_in_dim3A_12, %broadcast_in_dim3A_14 : vector<16xi1>, vector<16xi32>
    %add3A_31 = arith.addi %add3A_21, %select_n3A_30 : vector<16xi32>
    %get3A_32 = arith.constant 2 : i32
    %get3A_33 = arith.constant 0 : i32
    %get3A_34 = arith.index_cast %get3A_32 : i32 to index
    %get3A_35 = arith.index_cast %get3A_33 : i32 to index
    %get3A_36 = arith.constant 0 : index
    %get3A_37 = tpu.vector_load %arg11[%get3A_34, %get3A_35, %get3A_36] {strides = array<i32>} : memref<157x1x128xi32, #tpu.memory_space<vmem>>, vector<1x1x16xi32>,
    %get3A_38 = vector.shape_cast %get3A_37 : vector<1x1x16xi32> to vector<16xi32>
    %lt3A_39 = arith.cmpi slt, %get3A_38, %broadcast_in_dim3A_10 : vector<16xi32>
    %select_n3A_40 = arith.select %lt3A_39, %broadcast_in_dim3A_12, %broadcast_in_dim3A_14 : vector<16xi1>, vector<16xi32>
    %add3A_41 = arith.addi %add3A_31, %select_n3A_40 : vector<16xi32>
    %get3A_42 = arith.constant 3 : i32
    %get3A_43 = arith.constant 0 : i32
    %get3A_44 = arith.index_cast %get3A_42 : i32 to index
    %get3A_45 = arith.index_cast %get3A_43 : i32 to index
    %get3A_46 = arith.constant 0 : index
    %get3A_47 = tpu.vector_load %arg11[%get3A_44, %get3A_45, %get3A_46] {strides = array<i32>} : memref<157x1x128xi32, #tpu.memory_space<vmem>>, vector<1x1x16xi32>,
    %get3A_48 = vector.shape_cast %get3A_47 : vector<1x1x16xi32> to vector<16xi32>
    %lt3A_49 = arith.cmpi slt, %get3A_48, %broadcast_in_dim3A_10 : vector<16xi32>
    %select_n3A_50 = arith.select %lt3A_49, %broadcast_in_dim3A_12, %broadcast_in_dim3A_14 : vector<16xi1>, vector<16xi32>
    %add3A_51 = arith.addi %add3A_41, %select_n3A_50 : vector<16xi32>
    %get3A_52 = arith.constant 4 : i32
    %get3A_53 = arith.constant 0 : i32
    %get3A_54 = arith.index_cast %get3A_52 : i32 to index
    %get3A_55 = arith.index_cast %get3A_53 : i32 to index
    %get3A_56 = arith.constant 0 : index
    %get3A_57 = tpu.vector_load %arg11[%get3A_54, %get3A_55, %get3A_56] {strides = array<i32>} : memref<157x1x128xi32, #tpu.memory_space<vmem>>, vector<1x1x16xi32>,
    %get3A_58 = vector.shape_cast %get3A_57 : vector<1x1x16xi32> to vector<16xi32>
    %lt3A_59 = arith.cmpi slt, %get3A_58, %broadcast_in_dim3A_10 : vector<16xi32>
    %select_n3A_60 = arith.select %lt3A_59, %broadcast_in_dim3A_12, %broadcast_in_dim3A_14 : vector<16xi1>, vector<16xi32>
    %add3A_61 = arith.addi %add3A_51, %select_n3A_60 : vector<16xi32>
    %get3A_62 = arith.constant 5 : i32
    %get3A_63 = arith.constant 0 : i32
    %get3A_64 = arith.index_cast %get3A_62 : i32 to index
    %get3A_65 = arith.index_cast %get3A_63 : i32 to index
    %get3A_66 = arith.constant 0 : index
    %get3A_67 = tpu.vector_load %arg11[%get3A_64, %get3A_65, %get3A_66] {strides = array<i32>} : memref<157x1x128xi32, #tpu.memory_space<vmem>>, vector<1x1x16xi32>,
    %get3A_68 = vector.shape_cast %get3A_67 : vector<1x1x16xi32> to vector<16xi32>
    %lt3A_69 = arith.cmpi slt, %get3A_68, %broadcast_in_dim3A_10 : vector<16xi32>
    %select_n3A_70 = arith.select %lt3A_69, %broadcast_in_dim3A_12, %broadcast_in_dim3A_14 : vector<16xi1>, vector<16xi32>
    %add3A_71 = arith.addi %add3A_61, %select_n3A_70 : vector<16xi32>
    %get3A_72 = arith.constant 6 : i32
    %get3A_73 = arith.constant 0 : i32
    %get3A_74 = arith.index_cast %get3A_72 : i32 to index
    %get3A_75 = arith.index_cast %get3A_73 : i32 to index
    %get3A_76 = arith.constant 0 : index
    %get3A_77 = tpu.vector_load %arg11[%get3A_74, %get3A_75, %get3A_76] {strides = array<i32>} : memref<157x1x128xi32, #tpu.memory_space<vmem>>, vector<1x1x16xi32>,
    %get3A_78 = vector.shape_cast %get3A_77 : vector<1x1x16xi32> to vector<16xi32>
    %lt3A_79 = arith.cmpi slt, %get3A_78, %broadcast_in_dim3A_10 : vector<16xi32>
    %select_n3A_80 = arith.select %lt3A_79, %broadcast_in_dim3A_12, %broadcast_in_dim3A_14 : vector<16xi1>, vector<16xi32>
    %add3A_81 = arith.addi %add3A_71, %select_n3A_80 : vector<16xi32>
    %get3A_82 = arith.constant 7 : i32
    %get3A_83 = arith.constant 0 : i32
    %get3A_84 = arith.index_cast %get3A_82 : i32 to index
    %get3A_85 = arith.index_cast %get3A_83 : i32 to index
    %get3A_86 = arith.constant 0 : index
    %get3A_87 = tpu.vector_load %arg11[%get3A_84, %get3A_85, %get3A_86] {strides = array<i32>} : memref<157x1x128xi32, #tpu.memory_space<vmem>>, vector<1x1x16xi32>,
    %get3A_88 = vector.shape_cast %get3A_87 : vector<1x1x16xi32> to vector<16xi32>
    %lt3A_89 = arith.cmpi slt, %get3A_88, %broadcast_in_dim3A_10 : vector<16xi32>
    %select_n3A_90 = arith.select %lt3A_89, %broadcast_in_dim3A_12, %broadcast_in_dim3A_14 : vector<16xi1>, vector<16xi32>
    %add3A_91 = arith.addi %add3A_81, %select_n3A_90 : vector<16xi32>
    %get3A_92 = arith.constant 8 : i32
    %get3A_93 = arith.constant 0 : i32
    %get3A_94 = arith.index_cast %get3A_92 : i32 to index
    %get3A_95 = arith.index_cast %get3A_93 : i32 to index
    %get3A_96 = arith.constant 0 : index
    %get3A_97 = tpu.vector_load %arg11[%get3A_94, %get3A_95, %get3A_96] {strides = array<i32>} : memref<157x1x128xi32, #tpu.memory_space<vmem>>, vector<1x1x16xi32>,
    %get3A_98 = vector.shape_cast %get3A_97 : vector<1x1x16xi32> to vector<16xi32>
    %lt3A_99 = arith.cmpi slt, %get3A_98, %broadcast_in_dim3A_10 : vector<16xi32>
    %select_n3A_100 = arith.select %lt3A_99, %broadcast_in_dim3A_12, %broadcast_in_dim3A_14 : vector<16xi1>, vector<16xi32>
    %add3A_101 = arith.addi %add3A_91, %select_n3A_100 : vector<16xi32>
    %get3A_102 = arith.constant 9 : i32
    %get3A_103 = arith.constant 0 : i32
    %get3A_104 = arith.index_cast %get3A_102 : i32 to index
    %get3A_105 = arith.index_cast %get3A_103 : i32 to index
    %get3A_106 = arith.constant 0 : index
    %get3A_107 = tpu.vector_load %arg11[%get3A_104, %get3A_105, %get3A_106] {strides = array<i32>} : memref<157x1x128xi32, #tpu.memory_space<vmem>>, vector<1x1x16xi32>,
    %get3A_108 = vector.shape_cast %get3A_107 : vector<1x1x16xi32> to vector<16xi32>
    %lt3A_109 = arith.cmpi slt, %get3A_108, %broadcast_in_dim3A_10 : vector<16xi32>
    %select_n3A_110 = arith.select %lt3A_109, %broadcast_in_dim3A_12, %broadcast_in_dim3A_14 : vector<16xi1>, vector<16xi32>
    %add3A_111 = arith.addi %add3A_101, %select_n3A_110 : vector<16xi32>
    %get3A_112 = arith.constant 10 : i32
    %get3A_113 = arith.constant 0 : i32
    %get3A_114 = arith.index_cast %get3A_112 : i32 to index
    %get3A_115 = arith.index_cast %get3A_113 : i32 to index
    %get3A_116 = arith.constant 0 : index
    %get3A_117 = tpu.vector_load %arg11[%get3A_114, %get3A_115, %get3A_116] {strides = array<i32>} : memref<157x1x128xi32, #tpu.memory_space<vmem>>, vector<1x1x16xi32>,
    %get3A_118 = vector.shape_cast %get3A_117 : vector<1x1x16xi32> to vector<16xi32>
    %lt3A_119 = arith.cmpi slt, %get3A_118, %broadcast_in_dim3A_10 : vector<16xi32>
    %select_n3A_120 = arith.select %lt3A_119, %broadcast_in_dim3A_12, %broadcast_in_dim3A_14 : vector<16xi1>, vector<16xi32>
    %add3A_121 = arith.addi %add3A_111, %select_n3A_120 : vector<16xi32>
    %get3A_122 = arith.constant 11 : i32
    %get3A_123 = arith.constant 0 : i32
    %get3A_124 = arith.index_cast %get3A_122 : i32 to index
    %get3A_125 = arith.index_cast %get3A_123 : i32 to index
    %get3A_126 = arith.constant 0 : index
    %get3A_127 = tpu.vector_load %arg11[%get3A_124, %get3A_125, %get3A_126] {strides = array<i32>} : memref<157x1x128xi32, #tpu.memory_space<vmem>>, vector<1x1x16xi32>,
    %get3A_128 = vector.shape_cast %get3A_127 : vector<1x1x16xi32> to vector<16xi32>
    %lt3A_129 = arith.cmpi slt, %get3A_128, %broadcast_in_dim3A_10 : vector<16xi32>
    %select_n3A_130 = arith.select %lt3A_129, %broadcast_in_dim3A_12, %broadcast_in_dim3A_14 : vector<16xi1>, vector<16xi32>
    %add3A_131 = arith.addi %add3A_121, %select_n3A_130 : vector<16xi32>
    %get3A_132 = arith.constant 12 : i32
    %get3A_133 = arith.constant 0 : i32
    %get3A_134 = arith.index_cast %get3A_132 : i32 to index
    %get3A_135 = arith.index_cast %get3A_133 : i32 to index
    %get3A_136 = arith.constant 0 : index
    %get3A_137 = tpu.vector_load %arg11[%get3A_134, %get3A_135, %get3A_136] {strides = array<i32>} : memref<157x1x128xi32, #tpu.memory_space<vmem>>, vector<1x1x16xi32>,
    %get3A_138 = vector.shape_cast %get3A_137 : vector<1x1x16xi32> to vector<16xi32>
    %lt3A_139 = arith.cmpi slt, %get3A_138, %broadcast_in_dim3A_10 : vector<16xi32>
    %select_n3A_140 = arith.select %lt3A_139, %broadcast_in_dim3A_12, %broadcast_in_dim3A_14 : vector<16xi1>, vector<16xi32>
    %add3A_141 = arith.addi %add3A_131, %select_n3A_140 : vector<16xi32>
    %get3A_142 = arith.constant 13 : i32
    %get3A_143 = arith.constant 0 : i32
    %get3A_144 = arith.index_cast %get3A_142 : i32 to index
    %get3A_145 = arith.index_cast %get3A_143 : i32 to index
    %get3A_146 = arith.constant 0 : index
    %get3A_147 = tpu.vector_load %arg11[%get3A_144, %get3A_145, %get3A_146] {strides = array<i32>} : memref<157x1x128xi32, #tpu.memory_space<vmem>>, vector<1x1x16xi32>,
    %get3A_148 = vector.shape_cast %get3A_147 : vector<1x1x16xi32> to vector<16xi32>
    %lt3A_149 = arith.cmpi slt, %get3A_148, %broadcast_in_dim3A_10 : vector<16xi32>
    %select_n3A_150 = arith.select %lt3A_149, %broadcast_in_dim3A_12, %broadcast_in_dim3A_14 : vector<16xi1>, vector<16xi32>
    %add3A_151 = arith.addi %add3A_141, %select_n3A_150 : vector<16xi32>
    %get3A_152 = arith.constant 14 : i32
    %get3A_153 = arith.constant 0 : i32
    %get3A_154 = arith.index_cast %get3A_152 : i32 to index
    %get3A_155 = arith.index_cast %get3A_153 : i32 to index
    %get3A_156 = arith.constant 0 : index
    %get3A_157 = tpu.vector_load %arg11[%get3A_154, %get3A_155, %get3A_156] {strides = array<i32>} : memref<157x1x128xi32, #tpu.memory_space<vmem>>, vector<1x1x16xi32>,
    %get3A_158 = vector.shape_cast %get3A_157 : vector<1x1x16xi32> to vector<16xi32>
    %lt3A_159 = arith.cmpi slt, %get3A_158, %broadcast_in_dim3A_10 : vector<16xi32>
    %select_n3A_160 = arith.select %lt3A_159, %broadcast_in_dim3A_12, %broadcast_in_dim3A_14 : vector<16xi1>, vector<16xi32>
    %add3A_161 = arith.addi %add3A_151, %select_n3A_160 : vector<16xi32>
    %get3A_162 = arith.constant 15 : i32
    %get3A_163 = arith.constant 0 : i32
    %get3A_164 = arith.index_cast %get3A_162 : i32 to index
    %get3A_165 = arith.index_cast %get3A_163 : i32 to index
    %get3A_166 = arith.constant 0 : index
    %get3A_167 = tpu.vector_load %arg11[%get3A_164, %get3A_165, %get3A_166] {strides = array<i32>} : memref<157x1x128xi32, #tpu.memory_space<vmem>>, vector<1x1x16xi32>,
    %get3A_168 = vector.shape_cast %get3A_167 : vector<1x1x16xi32> to vector<16xi32>
    %lt3A_169 = arith.cmpi slt, %get3A_168, %broadcast_in_dim3A_10 : vector<16xi32>
    %select_n3A_170 = arith.select %lt3A_169, %broadcast_in_dim3A_12, %broadcast_in_dim3A_14 : vector<16xi1>, vector<16xi32>
    %add3A_171 = arith.addi %add3A_161, %select_n3A_170 : vector<16xi32>
    %get3A_172 = arith.constant 16 : i32
    %get3A_173 = arith.constant 0 : i32
    %get3A_174 = arith.index_cast %get3A_172 : i32 to index
    %get3A_175 = arith.index_cast %get3A_173 : i32 to index
    %get3A_176 = arith.constant 0 : index
    %get3A_177 = tpu.vector_load %arg11[%get3A_174, %get3A_175, %get3A_176] {strides = array<i32>} : memref<157x1x128xi32, #tpu.memory_space<vmem>>, vector<1x1x16xi32>,
    %get3A_178 = vector.shape_cast %get3A_177 : vector<1x1x16xi32> to vector<16xi32>
    %lt3A_179 = arith.cmpi slt, %get3A_178, %broadcast_in_dim3A_10 : vector<16xi32>
    %select_n3A_180 = arith.select %lt3A_179, %broadcast_in_dim3A_12, %broadcast_in_dim3A_14 : vector<16xi1>, vector<16xi32>
    %add3A_181 = arith.addi %add3A_171, %select_n3A_180 : vector<16xi32>
    %get3A_182 = arith.constant 17 : i32
    %get3A_183 = arith.constant 0 : i32
    %get3A_184 = arith.index_cast %get3A_182 : i32 to index
    %get3A_185 = arith.index_cast %get3A_183 : i32 to index
    %get3A_186 = arith.constant 0 : index
    %get3A_187 = tpu.vector_load %arg11[%get3A_184, %get3A_185, %get3A_186] {strides = array<i32>} : memref<157x1x128xi32, #tpu.memory_space<vmem>>, vector<1x1x16xi32>,
    %get3A_188 = vector.shape_cast %get3A_187 : vector<1x1x16xi32> to vector<16xi32>
    %lt3A_189 = arith.cmpi slt, %get3A_188, %broadcast_in_dim3A_10 : vector<16xi32>
    %select_n3A_190 = arith.select %lt3A_189, %broadcast_in_dim3A_12, %broadcast_in_dim3A_14 : vector<16xi1>, vector<16xi32>
    %add3A_191 = arith.addi %add3A_181, %select_n3A_190 : vector<16xi32>
    %get3A_192 = arith.constant 18 : i32
    %get3A_193 = arith.constant 0 : i32
    %get3A_194 = arith.index_cast %get3A_192 : i32 to index
    %get3A_195 = arith.index_cast %get3A_193 : i32 to index
    %get3A_196 = arith.constant 0 : index
    %get3A_197 = tpu.vector_load %arg11[%get3A_194, %get3A_195, %get3A_196] {strides = array<i32>} : memref<157x1x128xi32, #tpu.memory_space<vmem>>, vector<1x1x16xi32>,
    %get3A_198 = vector.shape_cast %get3A_197 : vector<1x1x16xi32> to vector<16xi32>
    %lt3A_199 = arith.cmpi slt, %get3A_198, %broadcast_in_dim3A_10 : vector<16xi32>
    %select_n3A_200 = arith.select %lt3A_199, %broadcast_in_dim3A_12, %broadcast_in_dim3A_14 : vector<16xi1>, vector<16xi32>
    %add3A_201 = arith.addi %add3A_191, %select_n3A_200 : vector<16xi32>
    %get3A_202 = arith.constant 19 : i32
    %get3A_203 = arith.constant 0 : i32
    %get3A_204 = arith.index_cast %get3A_202 : i32 to index
    %get3A_205 = arith.index_cast %get3A_203 : i32 to index
    %get3A_206 = arith.constant 0 : index
    %get3A_207 = tpu.vector_load %arg11[%get3A_204, %get3A_205, %get3A_206] {strides = array<i32>} : memref<157x1x128xi32, #tpu.memory_space<vmem>>, vector<1x1x16xi32>,
    %get3A_208 = vector.shape_cast %get3A_207 : vector<1x1x16xi32> to vector<16xi32>
    %lt3A_209 = arith.cmpi slt, %get3A_208, %broadcast_in_dim3A_10 : vector<16xi32>
    %select_n3A_210 = arith.select %lt3A_209, %broadcast_in_dim3A_12, %broadcast_in_dim3A_14 : vector<16xi1>, vector<16xi32>
    %add3A_211 = arith.addi %add3A_201, %select_n3A_210 : vector<16xi32>
    %get3A_212 = arith.constant 20 : i32
    %get3A_213 = arith.constant 0 : i32
    %get3A_214 = arith.index_cast %get3A_212 : i32 to index
    %get3A_215 = arith.index_cast %get3A_213 : i32 to index
    %get3A_216 = arith.constant 0 : index
    %get3A_217 = tpu.vector_load %arg11[%get3A_214, %get3A_215, %get3A_216] {strides = array<i32>} : memref<157x1x128xi32, #tpu.memory_space<vmem>>, vector<1x1x16xi32>,
    %get3A_218 = vector.shape_cast %get3A_217 : vector<1x1x16xi32> to vector<16xi32>
    %lt3A_219 = arith.cmpi slt, %get3A_218, %broadcast_in_dim3A_10 : vector<16xi32>
    %select_n3A_220 = arith.select %lt3A_219, %broadcast_in_dim3A_12, %broadcast_in_dim3A_14 : vector<16xi1>, vector<16xi32>
    %add3A_221 = arith.addi %add3A_211, %select_n3A_220 : vector<16xi32>
    %get3A_222 = arith.constant 21 : i32
    %get3A_223 = arith.constant 0 : i32
    %get3A_224 = arith.index_cast %get3A_222 : i32 to index
    %get3A_225 = arith.index_cast %get3A_223 : i32 to index
    %get3A_226 = arith.constant 0 : index
    %get3A_227 = tpu.vector_load %arg11[%get3A_224, %get3A_225, %get3A_226] {strides = array<i32>} : memref<157x1x128xi32, #tpu.memory_space<vmem>>, vector<1x1x16xi32>,
    %get3A_228 = vector.shape_cast %get3A_227 : vector<1x1x16xi32> to vector<16xi32>
    %lt3A_229 = arith.cmpi slt, %get3A_228, %broadcast_in_dim3A_10 : vector<16xi32>
    %select_n3A_230 = arith.select %lt3A_229, %broadcast_in_dim3A_12, %broadcast_in_dim3A_14 : vector<16xi1>, vector<16xi32>
    %add3A_231 = arith.addi %add3A_221, %select_n3A_230 : vector<16xi32>
    %get3A_232 = arith.constant 22 : i32
    %get3A_233 = arith.constant 0 : i32
    %get3A_234 = arith.index_cast %get3A_232 : i32 to index
    %get3A_235 = arith.index_cast %get3A_233 : i32 to index
    %get3A_236 = arith.constant 0 : index
    %get3A_237 = tpu.vector_load %arg11[%get3A_234, %get3A_235, %get3A_236] {strides = array<i32>} : memref<157x1x128xi32, #tpu.memory_space<vmem>>, vector<1x1x16xi32>,
    %get3A_238 = vector.shape_cast %get3A_237 : vector<1x1x16xi32> to vector<16xi32>
    %lt3A_239 = arith.cmpi slt, %get3A_238, %broadcast_in_dim3A_10 : vector<16xi32>
    %select_n3A_240 = arith.select %lt3A_239, %broadcast_in_dim3A_12, %broadcast_in_dim3A_14 : vector<16xi1>, vector<16xi32>
    %add3A_241 = arith.addi %add3A_231, %select_n3A_240 : vector<16xi32>
    %get3A_242 = arith.constant 23 : i32
    %get3A_243 = arith.constant 0 : i32
    %get3A_244 = arith.index_cast %get3A_242 : i32 to index
    %get3A_245 = arith.index_cast %get3A_243 : i32 to index
    %get3A_246 = arith.constant 0 : index
    %get3A_247 = tpu.vector_load %arg11[%get3A_244, %get3A_245, %get3A_246] {strides = array<i32>} : memref<157x1x128xi32, #tpu.memory_space<vmem>>, vector<1x1x16xi32>,
    %get3A_248 = vector.shape_cast %get3A_247 : vector<1x1x16xi32> to vector<16xi32>
    %lt3A_249 = arith.cmpi slt, %get3A_248, %broadcast_in_dim3A_10 : vector<16xi32>
    %select_n3A_250 = arith.select %lt3A_249, %broadcast_in_dim3A_12, %broadcast_in_dim3A_14 : vector<16xi1>, vector<16xi32>
    %add3A_251 = arith.addi %add3A_241, %select_n3A_250 : vector<16xi32>
    %get3A_252 = arith.constant 24 : i32
    %get3A_253 = arith.constant 0 : i32
    %get3A_254 = arith.index_cast %get3A_252 : i32 to index
    %get3A_255 = arith.index_cast %get3A_253 : i32 to index
    %get3A_256 = arith.constant 0 : index
    %get3A_257 = tpu.vector_load %arg11[%get3A_254, %get3A_255, %get3A_256] {strides = array<i32>} : memref<157x1x128xi32, #tpu.memory_space<vmem>>, vector<1x1x16xi32>,
    %get3A_258 = vector.shape_cast %get3A_257 : vector<1x1x16xi32> to vector<16xi32>
    %lt3A_259 = arith.cmpi slt, %get3A_258, %broadcast_in_dim3A_10 : vector<16xi32>
    %select_n3A_260 = arith.select %lt3A_259, %broadcast_in_dim3A_12, %broadcast_in_dim3A_14 : vector<16xi1>, vector<16xi32>
    %add3A_261 = arith.addi %add3A_251, %select_n3A_260 : vector<16xi32>
    %get3A_262 = arith.constant 25 : i32
    %get3A_263 = arith.constant 0 : i32
    %get3A_264 = arith.index_cast %get3A_262 : i32 to index
    %get3A_265 = arith.index_cast %get3A_263 : i32 to index
    %get3A_266 = arith.constant 0 : index
    %get3A_267 = tpu.vector_load %arg11[%get3A_264, %get3A_265, %get3A_266] {strides = array<i32>} : memref<157x1x128xi32, #tpu.memory_space<vmem>>, vector<1x1x16xi32>,
    %get3A_268 = vector.shape_cast %get3A_267 : vector<1x1x16xi32> to vector<16xi32>
    %lt3A_269 = arith.cmpi slt, %get3A_268, %broadcast_in_dim3A_10 : vector<16xi32>
    %select_n3A_270 = arith.select %lt3A_269, %broadcast_in_dim3A_12, %broadcast_in_dim3A_14 : vector<16xi1>, vector<16xi32>
    %add3A_271 = arith.addi %add3A_261, %select_n3A_270 : vector<16xi32>
    %get3A_272 = arith.constant 26 : i32
    %get3A_273 = arith.constant 0 : i32
    %get3A_274 = arith.index_cast %get3A_272 : i32 to index
    %get3A_275 = arith.index_cast %get3A_273 : i32 to index
    %get3A_276 = arith.constant 0 : index
    %get3A_277 = tpu.vector_load %arg11[%get3A_274, %get3A_275, %get3A_276] {strides = array<i32>} : memref<157x1x128xi32, #tpu.memory_space<vmem>>, vector<1x1x16xi32>,
    %get3A_278 = vector.shape_cast %get3A_277 : vector<1x1x16xi32> to vector<16xi32>
    %lt3A_279 = arith.cmpi slt, %get3A_278, %broadcast_in_dim3A_10 : vector<16xi32>
    %select_n3A_280 = arith.select %lt3A_279, %broadcast_in_dim3A_12, %broadcast_in_dim3A_14 : vector<16xi1>, vector<16xi32>
    %add3A_281 = arith.addi %add3A_271, %select_n3A_280 : vector<16xi32>
    %get3A_282 = arith.constant 27 : i32
    %get3A_283 = arith.constant 0 : i32
    %get3A_284 = arith.index_cast %get3A_282 : i32 to index
    %get3A_285 = arith.index_cast %get3A_283 : i32 to index
    %get3A_286 = arith.constant 0 : index
    %get3A_287 = tpu.vector_load %arg11[%get3A_284, %get3A_285, %get3A_286] {strides = array<i32>} : memref<157x1x128xi32, #tpu.memory_space<vmem>>, vector<1x1x16xi32>,
    %get3A_288 = vector.shape_cast %get3A_287 : vector<1x1x16xi32> to vector<16xi32>
    %lt3A_289 = arith.cmpi slt, %get3A_288, %broadcast_in_dim3A_10 : vector<16xi32>
    %select_n3A_290 = arith.select %lt3A_289, %broadcast_in_dim3A_12, %broadcast_in_dim3A_14 : vector<16xi1>, vector<16xi32>
    %add3A_291 = arith.addi %add3A_281, %select_n3A_290 : vector<16xi32>
    %get3A_292 = arith.constant 28 : i32
    %get3A_293 = arith.constant 0 : i32
    %get3A_294 = arith.index_cast %get3A_292 : i32 to index
    %get3A_295 = arith.index_cast %get3A_293 : i32 to index
    %get3A_296 = arith.constant 0 : index
    %get3A_297 = tpu.vector_load %arg11[%get3A_294, %get3A_295, %get3A_296] {strides = array<i32>} : memref<157x1x128xi32, #tpu.memory_space<vmem>>, vector<1x1x16xi32>,
    %get3A_298 = vector.shape_cast %get3A_297 : vector<1x1x16xi32> to vector<16xi32>
    %lt3A_299 = arith.cmpi slt, %get3A_298, %broadcast_in_dim3A_10 : vector<16xi32>
    %select_n3A_300 = arith.select %lt3A_299, %broadcast_in_dim3A_12, %broadcast_in_dim3A_14 : vector<16xi1>, vector<16xi32>
    %add3A_301 = arith.addi %add3A_291, %select_n3A_300 : vector<16xi32>
    %get3A_302 = arith.constant 29 : i32
    %get3A_303 = arith.constant 0 : i32
    %get3A_304 = arith.index_cast %get3A_302 : i32 to index
    %get3A_305 = arith.index_cast %get3A_303 : i32 to index
    %get3A_306 = arith.constant 0 : index
    %get3A_307 = tpu.vector_load %arg11[%get3A_304, %get3A_305, %get3A_306] {strides = array<i32>} : memref<157x1x128xi32, #tpu.memory_space<vmem>>, vector<1x1x16xi32>,
    %get3A_308 = vector.shape_cast %get3A_307 : vector<1x1x16xi32> to vector<16xi32>
    %lt3A_309 = arith.cmpi slt, %get3A_308, %broadcast_in_dim3A_10 : vector<16xi32>
    %select_n3A_310 = arith.select %lt3A_309, %broadcast_in_dim3A_12, %broadcast_in_dim3A_14 : vector<16xi1>, vector<16xi32>
    %add3A_311 = arith.addi %add3A_301, %select_n3A_310 : vector<16xi32>
    %get3A_312 = arith.constant 30 : i32
    %get3A_313 = arith.constant 0 : i32
    %get3A_314 = arith.index_cast %get3A_312 : i32 to index
    %get3A_315 = arith.index_cast %get3A_313 : i32 to index
    %get3A_316 = arith.constant 0 : index
    %get3A_317 = tpu.vector_load %arg11[%get3A_314, %get3A_315, %get3A_316] {strides = array<i32>} : memref<157x1x128xi32, #tpu.memory_space<vmem>>, vector<1x1x16xi32>,
    %get3A_318 = vector.shape_cast %get3A_317 : vector<1x1x16xi32> to vector<16xi32>
    %lt3A_319 = arith.cmpi slt, %get3A_318, %broadcast_in_dim3A_10 : vector<16xi32>
    %select_n3A_320 = arith.select %lt3A_319, %broadcast_in_dim3A_12, %broadcast_in_dim3A_14 : vector<16xi1>, vector<16xi32>
    %add3A_321 = arith.addi %add3A_311, %select_n3A_320 : vector<16xi32>
    %get3A_322 = arith.constant 31 : i32
    %get3A_323 = arith.constant 0 : i32
    %get3A_324 = arith.index_cast %get3A_322 : i32 to index
    %get3A_325 = arith.index_cast %get3A_323 : i32 to index
    %get3A_326 = arith.constant 0 : index
    %get3A_327 = tpu.vector_load %arg11[%get3A_324, %get3A_325, %get3A_326] {strides = array<i32>} : memref<157x1x128xi32, #tpu.memory_space<vmem>>, vector<1x1x16xi32>,
    %get3A_328 = vector.shape_cast %get3A_327 : vector<1x1x16xi32> to vector<16xi32>
    %lt3A_329 = arith.cmpi slt, %get3A_328, %broadcast_in_dim3A_10 : vector<16xi32>
    %select_n3A_330 = arith.select %lt3A_329, %broadcast_in_dim3A_12, %broadcast_in_dim3A_14 : vector<16xi1>, vector<16xi32>
    %add3A_331 = arith.addi %add3A_321, %select_n3A_330 : vector<16xi32>
    %get3A_332 = arith.constant 32 : i32
    %get3A_333 = arith.constant 0 : i32
    %get3A_334 = arith.index_cast %get3A_332 : i32 to index
    %get3A_335 = arith.index_cast %get3A_333 : i32 to index
    %get3A_336 = arith.constant 0 : index
    %get3A_337 = tpu.vector_load %arg11[%get3A_334, %get3A_335, %get3A_336] {strides = array<i32>} : memref<157x1x128xi32, #tpu.memory_space<vmem>>, vector<1x1x16xi32>,
    %get3A_338 = vector.shape_cast %get3A_337 : vector<1x1x16xi32> to vector<16xi32>
    %lt3A_339 = arith.cmpi slt, %get3A_338, %broadcast_in_dim3A_10 : vector<16xi32>
    %select_n3A_340 = arith.select %lt3A_339, %broadcast_in_dim3A_12, %broadcast_in_dim3A_14 : vector<16xi1>, vector<16xi32>
    %add3A_341 = arith.addi %add3A_331, %select_n3A_340 : vector<16xi32>
    %get3A_342 = arith.constant 33 : i32
    %get3A_343 = arith.constant 0 : i32
    %get3A_344 = arith.index_cast %get3A_342 : i32 to index
    %get3A_345 = arith.index_cast %get3A_343 : i32 to index
    %get3A_346 = arith.constant 0 : index
    %get3A_347 = tpu.vector_load %arg11[%get3A_344, %get3A_345, %get3A_346] {strides = array<i32>} : memref<157x1x128xi32, #tpu.memory_space<vmem>>, vector<1x1x16xi32>,
    %get3A_348 = vector.shape_cast %get3A_347 : vector<1x1x16xi32> to vector<16xi32>
    %lt3A_349 = arith.cmpi slt, %get3A_348, %broadcast_in_dim3A_10 : vector<16xi32>
    %select_n3A_350 = arith.select %lt3A_349, %broadcast_in_dim3A_12, %broadcast_in_dim3A_14 : vector<16xi1>, vector<16xi32>
    %add3A_351 = arith.addi %add3A_341, %select_n3A_350 : vector<16xi32>
    %get3A_352 = arith.constant 34 : i32
    %get3A_353 = arith.constant 0 : i32
    %get3A_354 = arith.index_cast %get3A_352 : i32 to index
    %get3A_355 = arith.index_cast %get3A_353 : i32 to index
    %get3A_356 = arith.constant 0 : index
    %get3A_357 = tpu.vector_load %arg11[%get3A_354, %get3A_355, %get3A_356] {strides = array<i32>} : memref<157x1x128xi32, #tpu.memory_space<vmem>>, vector<1x1x16xi32>,
    %get3A_358 = vector.shape_cast %get3A_357 : vector<1x1x16xi32> to vector<16xi32>
    %lt3A_359 = arith.cmpi slt, %get3A_358, %broadcast_in_dim3A_10 : vector<16xi32>
    %select_n3A_360 = arith.select %lt3A_359, %broadcast_in_dim3A_12, %broadcast_in_dim3A_14 : vector<16xi1>, vector<16xi32>
    %add3A_361 = arith.addi %add3A_351, %select_n3A_360 : vector<16xi32>
    %get3A_362 = arith.constant 35 : i32
    %get3A_363 = arith.constant 0 : i32
    %get3A_364 = arith.index_cast %get3A_362 : i32 to index
    %get3A_365 = arith.index_cast %get3A_363 : i32 to index
    %get3A_366 = arith.constant 0 : index
    %get3A_367 = tpu.vector_load %arg11[%get3A_364, %get3A_365, %get3A_366] {strides = array<i32>} : memref<157x1x128xi32, #tpu.memory_space<vmem>>, vector<1x1x16xi32>,
    %get3A_368 = vector.shape_cast %get3A_367 : vector<1x1x16xi32> to vector<16xi32>
    %lt3A_369 = arith.cmpi slt, %get3A_368, %broadcast_in_dim3A_10 : vector<16xi32>
    %select_n3A_370 = arith.select %lt3A_369, %broadcast_in_dim3A_12, %broadcast_in_dim3A_14 : vector<16xi1>, vector<16xi32>
    %add3A_371 = arith.addi %add3A_361, %select_n3A_370 : vector<16xi32>
    %get3A_372 = arith.constant 36 : i32
    %get3A_373 = arith.constant 0 : i32
    %get3A_374 = arith.index_cast %get3A_372 : i32 to index
    %get3A_375 = arith.index_cast %get3A_373 : i32 to index
    %get3A_376 = arith.constant 0 : index
    %get3A_377 = tpu.vector_load %arg11[%get3A_374, %get3A_375, %get3A_376] {strides = array<i32>} : memref<157x1x128xi32, #tpu.memory_space<vmem>>, vector<1x1x16xi32>,
    %get3A_378 = vector.shape_cast %get3A_377 : vector<1x1x16xi32> to vector<16xi32>
    %lt3A_379 = arith.cmpi slt, %get3A_378, %broadcast_in_dim3A_10 : vector<16xi32>
    %select_n3A_380 = arith.select %lt3A_379, %broadcast_in_dim3A_12, %broadcast_in_dim3A_14 : vector<16xi1>, vector<16xi32>
    %add3A_381 = arith.addi %add3A_371, %select_n3A_380 : vector<16xi32>
    %get3A_382 = arith.constant 37 : i32
    %get3A_383 = arith.constant 0 : i32
    %get3A_384 = arith.index_cast %get3A_382 : i32 to index
    %get3A_385 = arith.index_cast %get3A_383 : i32 to index
    %get3A_386 = arith.constant 0 : index
    %get3A_387 = tpu.vector_load %arg11[%get3A_384, %get3A_385, %get3A_386] {strides = array<i32>} : memref<157x1x128xi32, #tpu.memory_space<vmem>>, vector<1x1x16xi32>,
    %get3A_388 = vector.shape_cast %get3A_387 : vector<1x1x16xi32> to vector<16xi32>
    %lt3A_389 = arith.cmpi slt, %get3A_388, %broadcast_in_dim3A_10 : vector<16xi32>
    %select_n3A_390 = arith.select %lt3A_389, %broadcast_in_dim3A_12, %broadcast_in_dim3A_14 : vector<16xi1>, vector<16xi32>
    %add3A_391 = arith.addi %add3A_381, %select_n3A_390 : vector<16xi32>
    %get3A_392 = arith.constant 38 : i32
    %get3A_393 = arith.constant 0 : i32
    %get3A_394 = arith.index_cast %get3A_392 : i32 to index
    %get3A_395 = arith.index_cast %get3A_393 : i32 to index
    %get3A_396 = arith.constant 0 : index
    %get3A_397 = tpu.vector_load %arg11[%get3A_394, %get3A_395, %get3A_396] {strides = array<i32>} : memref<157x1x128xi32, #tpu.memory_space<vmem>>, vector<1x1x16xi32>,
    %get3A_398 = vector.shape_cast %get3A_397 : vector<1x1x16xi32> to vector<16xi32>
    %lt3A_399 = arith.cmpi slt, %get3A_398, %broadcast_in_dim3A_10 : vector<16xi32>
    %select_n3A_400 = arith.select %lt3A_399, %broadcast_in_dim3A_12, %broadcast_in_dim3A_14 : vector<16xi1>, vector<16xi32>
    %add3A_401 = arith.addi %add3A_391, %select_n3A_400 : vector<16xi32>
    %get3A_402 = arith.constant 39 : i32
    %get3A_403 = arith.constant 0 : i32
    %get3A_404 = arith.index_cast %get3A_402 : i32 to index
    %get3A_405 = arith.index_cast %get3A_403 : i32 to index
    %get3A_406 = arith.constant 0 : index
    %get3A_407 = tpu.vector_load %arg11[%get3A_404, %get3A_405, %get3A_406] {strides = array<i32>} : memref<157x1x128xi32, #tpu.memory_space<vmem>>, vector<1x1x16xi32>,
    %get3A_408 = vector.shape_cast %get3A_407 : vector<1x1x16xi32> to vector<16xi32>
    %lt3A_409 = arith.cmpi slt, %get3A_408, %broadcast_in_dim3A_10 : vector<16xi32>
    %select_n3A_410 = arith.select %lt3A_409, %broadcast_in_dim3A_12, %broadcast_in_dim3A_14 : vector<16xi1>, vector<16xi32>
    %add3A_411 = arith.addi %add3A_401, %select_n3A_410 : vector<16xi32>
    %get3A_412 = arith.constant 40 : i32
    %get3A_413 = arith.constant 0 : i32
    %get3A_414 = arith.index_cast %get3A_412 : i32 to index
    %get3A_415 = arith.index_cast %get3A_413 : i32 to index
    %get3A_416 = arith.constant 0 : index
    %get3A_417 = tpu.vector_load %arg11[%get3A_414, %get3A_415, %get3A_416] {strides = array<i32>} : memref<157x1x128xi32, #tpu.memory_space<vmem>>, vector<1x1x16xi32>,
    %get3A_418 = vector.shape_cast %get3A_417 : vector<1x1x16xi32> to vector<16xi32>
    %lt3A_419 = arith.cmpi slt, %get3A_418, %broadcast_in_dim3A_10 : vector<16xi32>
    %select_n3A_420 = arith.select %lt3A_419, %broadcast_in_dim3A_12, %broadcast_in_dim3A_14 : vector<16xi1>, vector<16xi32>
    %add3A_421 = arith.addi %add3A_411, %select_n3A_420 : vector<16xi32>
    %get3A_422 = arith.constant 41 : i32
    %get3A_423 = arith.constant 0 : i32
    %get3A_424 = arith.index_cast %get3A_422 : i32 to index
    %get3A_425 = arith.index_cast %get3A_423 : i32 to index
    %get3A_426 = arith.constant 0 : index
    %get3A_427 = tpu.vector_load %arg11[%get3A_424, %get3A_425, %get3A_426] {strides = array<i32>} : memref<157x1x128xi32, #tpu.memory_space<vmem>>, vector<1x1x16xi32>,
    %get3A_428 = vector.shape_cast %get3A_427 : vector<1x1x16xi32> to vector<16xi32>
    %lt3A_429 = arith.cmpi slt, %get3A_428, %broadcast_in_dim3A_10 : vector<16xi32>
    %select_n3A_430 = arith.select %lt3A_429, %broadcast_in_dim3A_12, %broadcast_in_dim3A_14 : vector<16xi1>, vector<16xi32>
    %add3A_431 = arith.addi %add3A_421, %select_n3A_430 : vector<16xi32>
    %get3A_432 = arith.constant 42 : i32
    %get3A_433 = arith.constant 0 : i32
    %get3A_434 = arith.index_cast %get3A_432 : i32 to index
    %get3A_435 = arith.index_cast %get3A_433 : i32 to index
    %get3A_436 = arith.constant 0 : index
    %get3A_437 = tpu.vector_load %arg11[%get3A_434, %get3A_435, %get3A_436] {strides = array<i32>} : memref<157x1x128xi32, #tpu.memory_space<vmem>>, vector<1x1x16xi32>,
    %get3A_438 = vector.shape_cast %get3A_437 : vector<1x1x16xi32> to vector<16xi32>
    %lt3A_439 = arith.cmpi slt, %get3A_438, %broadcast_in_dim3A_10 : vector<16xi32>
    %select_n3A_440 = arith.select %lt3A_439, %broadcast_in_dim3A_12, %broadcast_in_dim3A_14 : vector<16xi1>, vector<16xi32>
    %add3A_441 = arith.addi %add3A_431, %select_n3A_440 : vector<16xi32>
    %get3A_442 = arith.constant 43 : i32
    %get3A_443 = arith.constant 0 : i32
    %get3A_444 = arith.index_cast %get3A_442 : i32 to index
    %get3A_445 = arith.index_cast %get3A_443 : i32 to index
    %get3A_446 = arith.constant 0 : index
    %get3A_447 = tpu.vector_load %arg11[%get3A_444, %get3A_445, %get3A_446] {strides = array<i32>} : memref<157x1x128xi32, #tpu.memory_space<vmem>>, vector<1x1x16xi32>,
    %get3A_448 = vector.shape_cast %get3A_447 : vector<1x1x16xi32> to vector<16xi32>
    %lt3A_449 = arith.cmpi slt, %get3A_448, %broadcast_in_dim3A_10 : vector<16xi32>
    %select_n3A_450 = arith.select %lt3A_449, %broadcast_in_dim3A_12, %broadcast_in_dim3A_14 : vector<16xi1>, vector<16xi32>
    %add3A_451 = arith.addi %add3A_441, %select_n3A_450 : vector<16xi32>
    %get3A_452 = arith.constant 44 : i32
    %get3A_453 = arith.constant 0 : i32
    %get3A_454 = arith.index_cast %get3A_452 : i32 to index
    %get3A_455 = arith.index_cast %get3A_453 : i32 to index
    %get3A_456 = arith.constant 0 : index
    %get3A_457 = tpu.vector_load %arg11[%get3A_454, %get3A_455, %get3A_456] {strides = array<i32>} : memref<157x1x128xi32, #tpu.memory_space<vmem>>, vector<1x1x16xi32>,
    %get3A_458 = vector.shape_cast %get3A_457 : vector<1x1x16xi32> to vector<16xi32>
    %lt3A_459 = arith.cmpi slt, %get3A_458, %broadcast_in_dim3A_10 : vector<16xi32>
    %select_n3A_460 = arith.select %lt3A_459, %broadcast_in_dim3A_12, %broadcast_in_dim3A_14 : vector<16xi1>, vector<16xi32>
    %add3A_461 = arith.addi %add3A_451, %select_n3A_460 : vector<16xi32>
    %get3A_462 = arith.constant 45 : i32
    %get3A_463 = arith.constant 0 : i32
    %get3A_464 = arith.index_cast %get3A_462 : i32 to index
    %get3A_465 = arith.index_cast %get3A_463 : i32 to index
    %get3A_466 = arith.constant 0 : index
    %get3A_467 = tpu.vector_load %arg11[%get3A_464, %get3A_465, %get3A_466] {strides = array<i32>} : memref<157x1x128xi32, #tpu.memory_space<vmem>>, vector<1x1x16xi32>,
    %get3A_468 = vector.shape_cast %get3A_467 : vector<1x1x16xi32> to vector<16xi32>
    %lt3A_469 = arith.cmpi slt, %get3A_468, %broadcast_in_dim3A_10 : vector<16xi32>
    %select_n3A_470 = arith.select %lt3A_469, %broadcast_in_dim3A_12, %broadcast_in_dim3A_14 : vector<16xi1>, vector<16xi32>
    %add3A_471 = arith.addi %add3A_461, %select_n3A_470 : vector<16xi32>
    %get3A_472 = arith.constant 46 : i32
    %get3A_473 = arith.constant 0 : i32
    %get3A_474 = arith.index_cast %get3A_472 : i32 to index
    %get3A_475 = arith.index_cast %get3A_473 : i32 to index
    %get3A_476 = arith.constant 0 : index
    %get3A_477 = tpu.vector_load %arg11[%get3A_474, %get3A_475, %get3A_476] {strides = array<i32>} : memref<157x1x128xi32, #tpu.memory_space<vmem>>, vector<1x1x16xi32>,
    %get3A_478 = vector.shape_cast %get3A_477 : vector<1x1x16xi32> to vector<16xi32>
    %lt3A_479 = arith.cmpi slt, %get3A_478, %broadcast_in_dim3A_10 : vector<16xi32>
    %select_n3A_480 = arith.select %lt3A_479, %broadcast_in_dim3A_12, %broadcast_in_dim3A_14 : vector<16xi1>, vector<16xi32>
    %add3A_481 = arith.addi %add3A_471, %select_n3A_480 : vector<16xi32>
    %get3A_482 = arith.constant 47 : i32
    %get3A_483 = arith.constant 0 : i32
    %get3A_484 = arith.index_cast %get3A_482 : i32 to index
    %get3A_485 = arith.index_cast %get3A_483 : i32 to index
    %get3A_486 = arith.constant 0 : index
    %get3A_487 = tpu.vector_load %arg11[%get3A_484, %get3A_485, %get3A_486] {strides = array<i32>} : memref<157x1x128xi32, #tpu.memory_space<vmem>>, vector<1x1x16xi32>,
    %get3A_488 = vector.shape_cast %get3A_487 : vector<1x1x16xi32> to vector<16xi32>
    %lt3A_489 = arith.cmpi slt, %get3A_488, %broadcast_in_dim3A_10 : vector<16xi32>
    %select_n3A_490 = arith.select %lt3A_489, %broadcast_in_dim3A_12, %broadcast_in_dim3A_14 : vector<16xi1>, vector<16xi32>
    %add3A_491 = arith.addi %add3A_481, %select_n3A_490 : vector<16xi32>
    %get3A_492 = arith.constant 48 : i32
    %get3A_493 = arith.constant 0 : i32
    %get3A_494 = arith.index_cast %get3A_492 : i32 to index
    %get3A_495 = arith.index_cast %get3A_493 : i32 to index
    %get3A_496 = arith.constant 0 : index
    %get3A_497 = tpu.vector_load %arg11[%get3A_494, %get3A_495, %get3A_496] {strides = array<i32>} : memref<157x1x128xi32, #tpu.memory_space<vmem>>, vector<1x1x16xi32>,
    %get3A_498 = vector.shape_cast %get3A_497 : vector<1x1x16xi32> to vector<16xi32>
    %lt3A_499 = arith.cmpi slt, %get3A_498, %broadcast_in_dim3A_10 : vector<16xi32>
    %select_n3A_500 = arith.select %lt3A_499, %broadcast_in_dim3A_12, %broadcast_in_dim3A_14 : vector<16xi1>, vector<16xi32>
    %add3A_501 = arith.addi %add3A_491, %select_n3A_500 : vector<16xi32>
    %get3A_502 = arith.constant 49 : i32
    %get3A_503 = arith.constant 0 : i32
    %get3A_504 = arith.index_cast %get3A_502 : i32 to index
    %get3A_505 = arith.index_cast %get3A_503 : i32 to index
    %get3A_506 = arith.constant 0 : index
    %get3A_507 = tpu.vector_load %arg11[%get3A_504, %get3A_505, %get3A_506] {strides = array<i32>} : memref<157x1x128xi32, #tpu.memory_space<vmem>>, vector<1x1x16xi32>,
    %get3A_508 = vector.shape_cast %get3A_507 : vector<1x1x16xi32> to vector<16xi32>
    %lt3A_509 = arith.cmpi slt, %get3A_508, %broadcast_in_dim3A_10 : vector<16xi32>
    %select_n3A_510 = arith.select %lt3A_509, %broadcast_in_dim3A_12, %broadcast_in_dim3A_14 : vector<16xi1>, vector<16xi32>
    %add3A_511 = arith.addi %add3A_501, %select_n3A_510 : vector<16xi32>
    %get3A_512 = arith.constant 50 : i32
    %get3A_513 = arith.constant 0 : i32
    %get3A_514 = arith.index_cast %get3A_512 : i32 to index
    %get3A_515 = arith.index_cast %get3A_513 : i32 to index
    %get3A_516 = arith.constant 0 : index
    %get3A_517 = tpu.vector_load %arg11[%get3A_514, %get3A_515, %get3A_516] {strides = array<i32>} : memref<157x1x128xi32, #tpu.memory_space<vmem>>, vector<1x1x16xi32>,
    %get3A_518 = vector.shape_cast %get3A_517 : vector<1x1x16xi32> to vector<16xi32>
    %lt3A_519 = arith.cmpi slt, %get3A_518, %broadcast_in_dim3A_10 : vector<16xi32>
    %select_n3A_520 = arith.select %lt3A_519, %broadcast_in_dim3A_12, %broadcast_in_dim3A_14 : vector<16xi1>, vector<16xi32>
    %add3A_521 = arith.addi %add3A_511, %select_n3A_520 : vector<16xi32>
    %get3A_522 = arith.constant 51 : i32
    %get3A_523 = arith.constant 0 : i32
    %get3A_524 = arith.index_cast %get3A_522 : i32 to index
    %get3A_525 = arith.index_cast %get3A_523 : i32 to index
    %get3A_526 = arith.constant 0 : index
    %get3A_527 = tpu.vector_load %arg11[%get3A_524, %get3A_525, %get3A_526] {strides = array<i32>} : memref<157x1x128xi32, #tpu.memory_space<vmem>>, vector<1x1x16xi32>,
    %get3A_528 = vector.shape_cast %get3A_527 : vector<1x1x16xi32> to vector<16xi32>
    %lt3A_529 = arith.cmpi slt, %get3A_528, %broadcast_in_dim3A_10 : vector<16xi32>
    %select_n3A_530 = arith.select %lt3A_529, %broadcast_in_dim3A_12, %broadcast_in_dim3A_14 : vector<16xi1>, vector<16xi32>
    %add3A_531 = arith.addi %add3A_521, %select_n3A_530 : vector<16xi32>
    %get3A_532 = arith.constant 52 : i32
    %get3A_533 = arith.constant 0 : i32
    %get3A_534 = arith.index_cast %get3A_532 : i32 to index
    %get3A_535 = arith.index_cast %get3A_533 : i32 to index
    %get3A_536 = arith.constant 0 : index
    %get3A_537 = tpu.vector_load %arg11[%get3A_534, %get3A_535, %get3A_536] {strides = array<i32>} : memref<157x1x128xi32, #tpu.memory_space<vmem>>, vector<1x1x16xi32>,
    %get3A_538 = vector.shape_cast %get3A_537 : vector<1x1x16xi32> to vector<16xi32>
    %lt3A_539 = arith.cmpi slt, %get3A_538, %broadcast_in_dim3A_10 : vector<16xi32>
    %select_n3A_540 = arith.select %lt3A_539, %broadcast_in_dim3A_12, %broadcast_in_dim3A_14 : vector<16xi1>, vector<16xi32>
    %add3A_541 = arith.addi %add3A_531, %select_n3A_540 : vector<16xi32>
    %get3A_542 = arith.constant 53 : i32
    %get3A_543 = arith.constant 0 : i32
    %get3A_544 = arith.index_cast %get3A_542 : i32 to index
    %get3A_545 = arith.index_cast %get3A_543 : i32 to index
    %get3A_546 = arith.constant 0 : index
    %get3A_547 = tpu.vector_load %arg11[%get3A_544, %get3A_545, %get3A_546] {strides = array<i32>} : memref<157x1x128xi32, #tpu.memory_space<vmem>>, vector<1x1x16xi32>,
    %get3A_548 = vector.shape_cast %get3A_547 : vector<1x1x16xi32> to vector<16xi32>
    %lt3A_549 = arith.cmpi slt, %get3A_548, %broadcast_in_dim3A_10 : vector<16xi32>
    %select_n3A_550 = arith.select %lt3A_549, %broadcast_in_dim3A_12, %broadcast_in_dim3A_14 : vector<16xi1>, vector<16xi32>
    %add3A_551 = arith.addi %add3A_541, %select_n3A_550 : vector<16xi32>
    %get3A_552 = arith.constant 54 : i32
    %get3A_553 = arith.constant 0 : i32
    %get3A_554 = arith.index_cast %get3A_552 : i32 to index
    %get3A_555 = arith.index_cast %get3A_553 : i32 to index
    %get3A_556 = arith.constant 0 : index
    %get3A_557 = tpu.vector_load %arg11[%get3A_554, %get3A_555, %get3A_556] {strides = array<i32>} : memref<157x1x128xi32, #tpu.memory_space<vmem>>, vector<1x1x16xi32>,
    %get3A_558 = vector.shape_cast %get3A_557 : vector<1x1x16xi32> to vector<16xi32>
    %lt3A_559 = arith.cmpi slt, %get3A_558, %broadcast_in_dim3A_10 : vector<16xi32>
    %select_n3A_560 = arith.select %lt3A_559, %broadcast_in_dim3A_12, %broadcast_in_dim3A_14 : vector<16xi1>, vector<16xi32>
    %add3A_561 = arith.addi %add3A_551, %select_n3A_560 : vector<16xi32>
    %get3A_562 = arith.constant 55 : i32
    %get3A_563 = arith.constant 0 : i32
    %get3A_564 = arith.index_cast %get3A_562 : i32 to index
    %get3A_565 = arith.index_cast %get3A_563 : i32 to index
    %get3A_566 = arith.constant 0 : index
    %get3A_567 = tpu.vector_load %arg11[%get3A_564, %get3A_565, %get3A_566] {strides = array<i32>} : memref<157x1x128xi32, #tpu.memory_space<vmem>>, vector<1x1x16xi32>,
    %get3A_568 = vector.shape_cast %get3A_567 : vector<1x1x16xi32> to vector<16xi32>
    %lt3A_569 = arith.cmpi slt, %get3A_568, %broadcast_in_dim3A_10 : vector<16xi32>
    %select_n3A_570 = arith.select %lt3A_569, %broadcast_in_dim3A_12, %broadcast_in_dim3A_14 : vector<16xi1>, vector<16xi32>
    %add3A_571 = arith.addi %add3A_561, %select_n3A_570 : vector<16xi32>
    %get3A_572 = arith.constant 56 : i32
    %get3A_573 = arith.constant 0 : i32
    %get3A_574 = arith.index_cast %get3A_572 : i32 to index
    %get3A_575 = arith.index_cast %get3A_573 : i32 to index
    %get3A_576 = arith.constant 0 : index
    %get3A_577 = tpu.vector_load %arg11[%get3A_574, %get3A_575, %get3A_576] {strides = array<i32>} : memref<157x1x128xi32, #tpu.memory_space<vmem>>, vector<1x1x16xi32>,
    %get3A_578 = vector.shape_cast %get3A_577 : vector<1x1x16xi32> to vector<16xi32>
    %lt3A_579 = arith.cmpi slt, %get3A_578, %broadcast_in_dim3A_10 : vector<16xi32>
    %select_n3A_580 = arith.select %lt3A_579, %broadcast_in_dim3A_12, %broadcast_in_dim3A_14 : vector<16xi1>, vector<16xi32>
    %add3A_581 = arith.addi %add3A_571, %select_n3A_580 : vector<16xi32>
    %get3A_582 = arith.constant 57 : i32
    %get3A_583 = arith.constant 0 : i32
    %get3A_584 = arith.index_cast %get3A_582 : i32 to index
    %get3A_585 = arith.index_cast %get3A_583 : i32 to index
    %get3A_586 = arith.constant 0 : index
    %get3A_587 = tpu.vector_load %arg11[%get3A_584, %get3A_585, %get3A_586] {strides = array<i32>} : memref<157x1x128xi32, #tpu.memory_space<vmem>>, vector<1x1x16xi32>,
    %get3A_588 = vector.shape_cast %get3A_587 : vector<1x1x16xi32> to vector<16xi32>
    %lt3A_589 = arith.cmpi slt, %get3A_588, %broadcast_in_dim3A_10 : vector<16xi32>
    %select_n3A_590 = arith.select %lt3A_589, %broadcast_in_dim3A_12, %broadcast_in_dim3A_14 : vector<16xi1>, vector<16xi32>
    %add3A_591 = arith.addi %add3A_581, %select_n3A_590 : vector<16xi32>
    %get3A_592 = arith.constant 58 : i32
    %get3A_593 = arith.constant 0 : i32
    %get3A_594 = arith.index_cast %get3A_592 : i32 to index
    %get3A_595 = arith.index_cast %get3A_593 : i32 to index
    %get3A_596 = arith.constant 0 : index
    %get3A_597 = tpu.vector_load %arg11[%get3A_594, %get3A_595, %get3A_596] {strides = array<i32>} : memref<157x1x128xi32, #tpu.memory_space<vmem>>, vector<1x1x16xi32>,
    %get3A_598 = vector.shape_cast %get3A_597 : vector<1x1x16xi32> to vector<16xi32>
    %lt3A_599 = arith.cmpi slt, %get3A_598, %broadcast_in_dim3A_10 : vector<16xi32>
    %select_n3A_600 = arith.select %lt3A_599, %broadcast_in_dim3A_12, %broadcast_in_dim3A_14 : vector<16xi1>, vector<16xi32>
    %add3A_601 = arith.addi %add3A_591, %select_n3A_600 : vector<16xi32>
    %get3A_602 = arith.constant 59 : i32
    %get3A_603 = arith.constant 0 : i32
    %get3A_604 = arith.index_cast %get3A_602 : i32 to index
    %get3A_605 = arith.index_cast %get3A_603 : i32 to index
    %get3A_606 = arith.constant 0 : index
    %get3A_607 = tpu.vector_load %arg11[%get3A_604, %get3A_605, %get3A_606] {strides = array<i32>} : memref<157x1x128xi32, #tpu.memory_space<vmem>>, vector<1x1x16xi32>,
    %get3A_608 = vector.shape_cast %get3A_607 : vector<1x1x16xi32> to vector<16xi32>
    %lt3A_609 = arith.cmpi slt, %get3A_608, %broadcast_in_dim3A_10 : vector<16xi32>
    %select_n3A_610 = arith.select %lt3A_609, %broadcast_in_dim3A_12, %broadcast_in_dim3A_14 : vector<16xi1>, vector<16xi32>
    %add3A_611 = arith.addi %add3A_601, %select_n3A_610 : vector<16xi32>
    %get3A_612 = arith.constant 60 : i32
    %get3A_613 = arith.constant 0 : i32
    %get3A_614 = arith.index_cast %get3A_612 : i32 to index
    %get3A_615 = arith.index_cast %get3A_613 : i32 to index
    %get3A_616 = arith.constant 0 : index
    %get3A_617 = tpu.vector_load %arg11[%get3A_614, %get3A_615, %get3A_616] {strides = array<i32>} : memref<157x1x128xi32, #tpu.memory_space<vmem>>, vector<1x1x16xi32>,
    %get3A_618 = vector.shape_cast %get3A_617 : vector<1x1x16xi32> to vector<16xi32>
    %lt3A_619 = arith.cmpi slt, %get3A_618, %broadcast_in_dim3A_10 : vector<16xi32>
    %select_n3A_620 = arith.select %lt3A_619, %broadcast_in_dim3A_12, %broadcast_in_dim3A_14 : vector<16xi1>, vector<16xi32>
    %add3A_621 = arith.addi %add3A_611, %select_n3A_620 : vector<16xi32>
    %get3A_622 = arith.constant 61 : i32
    %get3A_623 = arith.constant 0 : i32
    %get3A_624 = arith.index_cast %get3A_622 : i32 to index
    %get3A_625 = arith.index_cast %get3A_623 : i32 to index
    %get3A_626 = arith.constant 0 : index
    %get3A_627 = tpu.vector_load %arg11[%get3A_624, %get3A_625, %get3A_626] {strides = array<i32>} : memref<157x1x128xi32, #tpu.memory_space<vmem>>, vector<1x1x16xi32>,
    %get3A_628 = vector.shape_cast %get3A_627 : vector<1x1x16xi32> to vector<16xi32>
    %lt3A_629 = arith.cmpi slt, %get3A_628, %broadcast_in_dim3A_10 : vector<16xi32>
    %select_n3A_630 = arith.select %lt3A_629, %broadcast_in_dim3A_12, %broadcast_in_dim3A_14 : vector<16xi1>, vector<16xi32>
    %add3A_631 = arith.addi %add3A_621, %select_n3A_630 : vector<16xi32>
    %get3A_632 = arith.constant 62 : i32
    %get3A_633 = arith.constant 0 : i32
    %get3A_634 = arith.index_cast %get3A_632 : i32 to index
    %get3A_635 = arith.index_cast %get3A_633 : i32 to index
    %get3A_636 = arith.constant 0 : index
    %get3A_637 = tpu.vector_load %arg11[%get3A_634, %get3A_635, %get3A_636] {strides = array<i32>} : memref<157x1x128xi32, #tpu.memory_space<vmem>>, vector<1x1x16xi32>,
    %get3A_638 = vector.shape_cast %get3A_637 : vector<1x1x16xi32> to vector<16xi32>
    %lt3A_639 = arith.cmpi slt, %get3A_638, %broadcast_in_dim3A_10 : vector<16xi32>
    %select_n3A_640 = arith.select %lt3A_639, %broadcast_in_dim3A_12, %broadcast_in_dim3A_14 : vector<16xi1>, vector<16xi32>
    %add3A_641 = arith.addi %add3A_631, %select_n3A_640 : vector<16xi32>
    %get3A_642 = arith.constant 63 : i32
    %get3A_643 = arith.constant 0 : i32
    %get3A_644 = arith.index_cast %get3A_642 : i32 to index
    %get3A_645 = arith.index_cast %get3A_643 : i32 to index
    %get3A_646 = arith.constant 0 : index
    %get3A_647 = tpu.vector_load %arg11[%get3A_644, %get3A_645, %get3A_646] {strides = array<i32>} : memref<157x1x128xi32, #tpu.memory_space<vmem>>, vector<1x1x16xi32>,
    %get3A_648 = vector.shape_cast %get3A_647 : vector<1x1x16xi32> to vector<16xi32>
    %lt3A_649 = arith.cmpi slt, %get3A_648, %broadcast_in_dim3A_10 : vector<16xi32>
    %select_n3A_650 = arith.select %lt3A_649, %broadcast_in_dim3A_12, %broadcast_in_dim3A_14 : vector<16xi1>, vector<16xi32>
    %add3A_651 = arith.addi %add3A_641, %select_n3A_650 : vector<16xi32>
    %get3A_652 = arith.constant 64 : i32
    %get3A_653 = arith.constant 0 : i32
    %get3A_654 = arith.index_cast %get3A_652 : i32 to index
    %get3A_655 = arith.index_cast %get3A_653 : i32 to index
    %get3A_656 = arith.constant 0 : index
    %get3A_657 = tpu.vector_load %arg11[%get3A_654, %get3A_655, %get3A_656] {strides = array<i32>} : memref<157x1x128xi32, #tpu.memory_space<vmem>>, vector<1x1x16xi32>,
    %get3A_658 = vector.shape_cast %get3A_657 : vector<1x1x16xi32> to vector<16xi32>
    %lt3A_659 = arith.cmpi slt, %get3A_658, %broadcast_in_dim3A_10 : vector<16xi32>
    %select_n3A_660 = arith.select %lt3A_659, %broadcast_in_dim3A_12, %broadcast_in_dim3A_14 : vector<16xi1>, vector<16xi32>
    %add3A_661 = arith.addi %add3A_651, %select_n3A_660 : vector<16xi32>
    %get3A_662 = arith.constant 65 : i32
    %get3A_663 = arith.constant 0 : i32
    %get3A_664 = arith.index_cast %get3A_662 : i32 to index
    %get3A_665 = arith.index_cast %get3A_663 : i32 to index
    %get3A_666 = arith.constant 0 : index
    %get3A_667 = tpu.vector_load %arg11[%get3A_664, %get3A_665, %get3A_666] {strides = array<i32>} : memref<157x1x128xi32, #tpu.memory_space<vmem>>, vector<1x1x16xi32>,
    %get3A_668 = vector.shape_cast %get3A_667 : vector<1x1x16xi32> to vector<16xi32>
    %lt3A_669 = arith.cmpi slt, %get3A_668, %broadcast_in_dim3A_10 : vector<16xi32>
    %select_n3A_670 = arith.select %lt3A_669, %broadcast_in_dim3A_12, %broadcast_in_dim3A_14 : vector<16xi1>, vector<16xi32>
    %add3A_671 = arith.addi %add3A_661, %select_n3A_670 : vector<16xi32>
    %get3A_672 = arith.constant 66 : i32
    %get3A_673 = arith.constant 0 : i32
    %get3A_674 = arith.index_cast %get3A_672 : i32 to index
    %get3A_675 = arith.index_cast %get3A_673 : i32 to index
    %get3A_676 = arith.constant 0 : index
    %get3A_677 = tpu.vector_load %arg11[%get3A_674, %get3A_675, %get3A_676] {strides = array<i32>} : memref<157x1x128xi32, #tpu.memory_space<vmem>>, vector<1x1x16xi32>,
    %get3A_678 = vector.shape_cast %get3A_677 : vector<1x1x16xi32> to vector<16xi32>
    %lt3A_679 = arith.cmpi slt, %get3A_678, %broadcast_in_dim3A_10 : vector<16xi32>
    %select_n3A_680 = arith.select %lt3A_679, %broadcast_in_dim3A_12, %broadcast_in_dim3A_14 : vector<16xi1>, vector<16xi32>
    %add3A_681 = arith.addi %add3A_671, %select_n3A_680 : vector<16xi32>
    %get3A_682 = arith.constant 67 : i32
    %get3A_683 = arith.constant 0 : i32
    %get3A_684 = arith.index_cast %get3A_682 : i32 to index
    %get3A_685 = arith.index_cast %get3A_683 : i32 to index
    %get3A_686 = arith.constant 0 : index
    %get3A_687 = tpu.vector_load %arg11[%get3A_684, %get3A_685, %get3A_686] {strides = array<i32>} : memref<157x1x128xi32, #tpu.memory_space<vmem>>, vector<1x1x16xi32>,
    %get3A_688 = vector.shape_cast %get3A_687 : vector<1x1x16xi32> to vector<16xi32>
    %lt3A_689 = arith.cmpi slt, %get3A_688, %broadcast_in_dim3A_10 : vector<16xi32>
    %select_n3A_690 = arith.select %lt3A_689, %broadcast_in_dim3A_12, %broadcast_in_dim3A_14 : vector<16xi1>, vector<16xi32>
    %add3A_691 = arith.addi %add3A_681, %select_n3A_690 : vector<16xi32>
    %get3A_692 = arith.constant 68 : i32
    %get3A_693 = arith.constant 0 : i32
    %get3A_694 = arith.index_cast %get3A_692 : i32 to index
    %get3A_695 = arith.index_cast %get3A_693 : i32 to index
    %get3A_696 = arith.constant 0 : index
    %get3A_697 = tpu.vector_load %arg11[%get3A_694, %get3A_695, %get3A_696] {strides = array<i32>} : memref<157x1x128xi32, #tpu.memory_space<vmem>>, vector<1x1x16xi32>,
    %get3A_698 = vector.shape_cast %get3A_697 : vector<1x1x16xi32> to vector<16xi32>
    %lt3A_699 = arith.cmpi slt, %get3A_698, %broadcast_in_dim3A_10 : vector<16xi32>
    %select_n3A_700 = arith.select %lt3A_699, %broadcast_in_dim3A_12, %broadcast_in_dim3A_14 : vector<16xi1>, vector<16xi32>
    %add3A_701 = arith.addi %add3A_691, %select_n3A_700 : vector<16xi32>
    %get3A_702 = arith.constant 69 : i32
    %get3A_703 = arith.constant 0 : i32
    %get3A_704 = arith.index_cast %get3A_702 : i32 to index
    %get3A_705 = arith.index_cast %get3A_703 : i32 to index
    %get3A_706 = arith.constant 0 : index
    %get3A_707 = tpu.vector_load %arg11[%get3A_704, %get3A_705, %get3A_706] {strides = array<i32>} : memref<157x1x128xi32, #tpu.memory_space<vmem>>, vector<1x1x16xi32>,
    %get3A_708 = vector.shape_cast %get3A_707 : vector<1x1x16xi32> to vector<16xi32>
    %lt3A_709 = arith.cmpi slt, %get3A_708, %broadcast_in_dim3A_10 : vector<16xi32>
    %select_n3A_710 = arith.select %lt3A_709, %broadcast_in_dim3A_12, %broadcast_in_dim3A_14 : vector<16xi1>, vector<16xi32>
    %add3A_711 = arith.addi %add3A_701, %select_n3A_710 : vector<16xi32>
    %get3A_712 = arith.constant 70 : i32
    %get3A_713 = arith.constant 0 : i32
    %get3A_714 = arith.index_cast %get3A_712 : i32 to index
    %get3A_715 = arith.index_cast %get3A_713 : i32 to index
    %get3A_716 = arith.constant 0 : index
    %get3A_717 = tpu.vector_load %arg11[%get3A_714, %get3A_715, %get3A_716] {strides = array<i32>} : memref<157x1x128xi32, #tpu.memory_space<vmem>>, vector<1x1x16xi32>,
    %get3A_718 = vector.shape_cast %get3A_717 : vector<1x1x16xi32> to vector<16xi32>
    %lt3A_719 = arith.cmpi slt, %get3A_718, %broadcast_in_dim3A_10 : vector<16xi32>
    %select_n3A_720 = arith.select %lt3A_719, %broadcast_in_dim3A_12, %broadcast_in_dim3A_14 : vector<16xi1>, vector<16xi32>
    %add3A_721 = arith.addi %add3A_711, %select_n3A_720 : vector<16xi32>
    %get3A_722 = arith.constant 71 : i32
    %get3A_723 = arith.constant 0 : i32
    %get3A_724 = arith.index_cast %get3A_722 : i32 to index
    %get3A_725 = arith.index_cast %get3A_723 : i32 to index
    %get3A_726 = arith.constant 0 : index
    %get3A_727 = tpu.vector_load %arg11[%get3A_724, %get3A_725, %get3A_726] {strides = array<i32>} : memref<157x1x128xi32, #tpu.memory_space<vmem>>, vector<1x1x16xi32>,
    %get3A_728 = vector.shape_cast %get3A_727 : vector<1x1x16xi32> to vector<16xi32>
    %lt3A_729 = arith.cmpi slt, %get3A_728, %broadcast_in_dim3A_10 : vector<16xi32>
    %select_n3A_730 = arith.select %lt3A_729, %broadcast_in_dim3A_12, %broadcast_in_dim3A_14 : vector<16xi1>, vector<16xi32>
    %add3A_731 = arith.addi %add3A_721, %select_n3A_730 : vector<16xi32>
    %get3A_732 = arith.constant 72 : i32
    %get3A_733 = arith.constant 0 : i32
    %get3A_734 = arith.index_cast %get3A_732 : i32 to index
    %get3A_735 = arith.index_cast %get3A_733 : i32 to index
    %get3A_736 = arith.constant 0 : index
    %get3A_737 = tpu.vector_load %arg11[%get3A_734, %get3A_735, %get3A_736] {strides = array<i32>} : memref<157x1x128xi32, #tpu.memory_space<vmem>>, vector<1x1x16xi32>,
    %get3A_738 = vector.shape_cast %get3A_737 : vector<1x1x16xi32> to vector<16xi32>
    %lt3A_739 = arith.cmpi slt, %get3A_738, %broadcast_in_dim3A_10 : vector<16xi32>
    %select_n3A_740 = arith.select %lt3A_739, %broadcast_in_dim3A_12, %broadcast_in_dim3A_14 : vector<16xi1>, vector<16xi32>
    %add3A_741 = arith.addi %add3A_731, %select_n3A_740 : vector<16xi32>
    %get3A_742 = arith.constant 73 : i32
    %get3A_743 = arith.constant 0 : i32
    %get3A_744 = arith.index_cast %get3A_742 : i32 to index
    %get3A_745 = arith.index_cast %get3A_743 : i32 to index
    %get3A_746 = arith.constant 0 : index
    %get3A_747 = tpu.vector_load %arg11[%get3A_744, %get3A_745, %get3A_746] {strides = array<i32>} : memref<157x1x128xi32, #tpu.memory_space<vmem>>, vector<1x1x16xi32>,
    %get3A_748 = vector.shape_cast %get3A_747 : vector<1x1x16xi32> to vector<16xi32>
    %lt3A_749 = arith.cmpi slt, %get3A_748, %broadcast_in_dim3A_10 : vector<16xi32>
    %select_n3A_750 = arith.select %lt3A_749, %broadcast_in_dim3A_12, %broadcast_in_dim3A_14 : vector<16xi1>, vector<16xi32>
    %add3A_751 = arith.addi %add3A_741, %select_n3A_750 : vector<16xi32>
    %get3A_752 = arith.constant 74 : i32
    %get3A_753 = arith.constant 0 : i32
    %get3A_754 = arith.index_cast %get3A_752 : i32 to index
    %get3A_755 = arith.index_cast %get3A_753 : i32 to index
    %get3A_756 = arith.constant 0 : index
    %get3A_757 = tpu.vector_load %arg11[%get3A_754, %get3A_755, %get3A_756] {strides = array<i32>} : memref<157x1x128xi32, #tpu.memory_space<vmem>>, vector<1x1x16xi32>,
    %get3A_758 = vector.shape_cast %get3A_757 : vector<1x1x16xi32> to vector<16xi32>
    %lt3A_759 = arith.cmpi slt, %get3A_758, %broadcast_in_dim3A_10 : vector<16xi32>
    %select_n3A_760 = arith.select %lt3A_759, %broadcast_in_dim3A_12, %broadcast_in_dim3A_14 : vector<16xi1>, vector<16xi32>
    %add3A_761 = arith.addi %add3A_751, %select_n3A_760 : vector<16xi32>
    %get3A_762 = arith.constant 75 : i32
    %get3A_763 = arith.constant 0 : i32
    %get3A_764 = arith.index_cast %get3A_762 : i32 to index
    %get3A_765 = arith.index_cast %get3A_763 : i32 to index
    %get3A_766 = arith.constant 0 : index
    %get3A_767 = tpu.vector_load %arg11[%get3A_764, %get3A_765, %get3A_766] {strides = array<i32>} : memref<157x1x128xi32, #tpu.memory_space<vmem>>, vector<1x1x16xi32>,
    %get3A_768 = vector.shape_cast %get3A_767 : vector<1x1x16xi32> to vector<16xi32>
    %lt3A_769 = arith.cmpi slt, %get3A_768, %broadcast_in_dim3A_10 : vector<16xi32>
    %select_n3A_770 = arith.select %lt3A_769, %broadcast_in_dim3A_12, %broadcast_in_dim3A_14 : vector<16xi1>, vector<16xi32>
    %add3A_771 = arith.addi %add3A_761, %select_n3A_770 : vector<16xi32>
    %get3A_772 = arith.constant 76 : i32
    %get3A_773 = arith.constant 0 : i32
    %get3A_774 = arith.index_cast %get3A_772 : i32 to index
    %get3A_775 = arith.index_cast %get3A_773 : i32 to index
    %get3A_776 = arith.constant 0 : index
    %get3A_777 = tpu.vector_load %arg11[%get3A_774, %get3A_775, %get3A_776] {strides = array<i32>} : memref<157x1x128xi32, #tpu.memory_space<vmem>>, vector<1x1x16xi32>,
    %get3A_778 = vector.shape_cast %get3A_777 : vector<1x1x16xi32> to vector<16xi32>
    %lt3A_779 = arith.cmpi slt, %get3A_778, %broadcast_in_dim3A_10 : vector<16xi32>
    %select_n3A_780 = arith.select %lt3A_779, %broadcast_in_dim3A_12, %broadcast_in_dim3A_14 : vector<16xi1>, vector<16xi32>
    %add3A_781 = arith.addi %add3A_771, %select_n3A_780 : vector<16xi32>
    %get3A_782 = arith.constant 77 : i32
    %get3A_783 = arith.constant 0 : i32
    %get3A_784 = arith.index_cast %get3A_782 : i32 to index
    %get3A_785 = arith.index_cast %get3A_783 : i32 to index
    %get3A_786 = arith.constant 0 : index
    %get3A_787 = tpu.vector_load %arg11[%get3A_784, %get3A_785, %get3A_786] {strides = array<i32>} : memref<157x1x128xi32, #tpu.memory_space<vmem>>, vector<1x1x16xi32>,
    %get3A_788 = vector.shape_cast %get3A_787 : vector<1x1x16xi32> to vector<16xi32>
    %lt3A_789 = arith.cmpi slt, %get3A_788, %broadcast_in_dim3A_10 : vector<16xi32>
    %select_n3A_790 = arith.select %lt3A_789, %broadcast_in_dim3A_12, %broadcast_in_dim3A_14 : vector<16xi1>, vector<16xi32>
    %add3A_791 = arith.addi %add3A_781, %select_n3A_790 : vector<16xi32>
    %get3A_792 = arith.constant 78 : i32
    %get3A_793 = arith.constant 0 : i32
    %get3A_794 = arith.index_cast %get3A_792 : i32 to index
    %get3A_795 = arith.index_cast %get3A_793 : i32 to index
    %get3A_796 = arith.constant 0 : index
    %get3A_797 = tpu.vector_load %arg11[%get3A_794, %get3A_795, %get3A_796] {strides = array<i32>} : memref<157x1x128xi32, #tpu.memory_space<vmem>>, vector<1x1x16xi32>,
    %get3A_798 = vector.shape_cast %get3A_797 : vector<1x1x16xi32> to vector<16xi32>
    %lt3A_799 = arith.cmpi slt, %get3A_798, %broadcast_in_dim3A_10 : vector<16xi32>
    %select_n3A_800 = arith.select %lt3A_799, %broadcast_in_dim3A_12, %broadcast_in_dim3A_14 : vector<16xi1>, vector<16xi32>
    %add3A_801 = arith.addi %add3A_791, %select_n3A_800 : vector<16xi32>
    %get3A_802 = arith.constant 79 : i32
    %get3A_803 = arith.constant 0 : i32
    %get3A_804 = arith.index_cast %get3A_802 : i32 to index
    %get3A_805 = arith.index_cast %get3A_803 : i32 to index
    %get3A_806 = arith.constant 0 : index
    %get3A_807 = tpu.vector_load %arg11[%get3A_804, %get3A_805, %get3A_806] {strides = array<i32>} : memref<157x1x128xi32, #tpu.memory_space<vmem>>, vector<1x1x16xi32>,
    %get3A_808 = vector.shape_cast %get3A_807 : vector<1x1x16xi32> to vector<16xi32>
    %lt3A_809 = arith.cmpi slt, %get3A_808, %broadcast_in_dim3A_10 : vector<16xi32>
    %select_n3A_810 = arith.select %lt3A_809, %broadcast_in_dim3A_12, %broadcast_in_dim3A_14 : vector<16xi1>, vector<16xi32>
    %add3A_811 = arith.addi %add3A_801, %select_n3A_810 : vector<16xi32>
    %get3A_812 = arith.constant 80 : i32
    %get3A_813 = arith.constant 0 : i32
    %get3A_814 = arith.index_cast %get3A_812 : i32 to index
    %get3A_815 = arith.index_cast %get3A_813 : i32 to index
    %get3A_816 = arith.constant 0 : index
    %get3A_817 = tpu.vector_load %arg11[%get3A_814, %get3A_815, %get3A_816] {strides = array<i32>} : memref<157x1x128xi32, #tpu.memory_space<vmem>>, vector<1x1x16xi32>,
    %get3A_818 = vector.shape_cast %get3A_817 : vector<1x1x16xi32> to vector<16xi32>
    %lt3A_819 = arith.cmpi slt, %get3A_818, %broadcast_in_dim3A_10 : vector<16xi32>
    %select_n3A_820 = arith.select %lt3A_819, %broadcast_in_dim3A_12, %broadcast_in_dim3A_14 : vector<16xi1>, vector<16xi32>
    %add3A_821 = arith.addi %add3A_811, %select_n3A_820 : vector<16xi32>
    %get3A_822 = arith.constant 81 : i32
    %get3A_823 = arith.constant 0 : i32
    %get3A_824 = arith.index_cast %get3A_822 : i32 to index
    %get3A_825 = arith.index_cast %get3A_823 : i32 to index
    %get3A_826 = arith.constant 0 : index
    %get3A_827 = tpu.vector_load %arg11[%get3A_824, %get3A_825, %get3A_826] {strides = array<i32>} : memref<157x1x128xi32, #tpu.memory_space<vmem>>, vector<1x1x16xi32>,
    %get3A_828 = vector.shape_cast %get3A_827 : vector<1x1x16xi32> to vector<16xi32>
    %lt3A_829 = arith.cmpi slt, %get3A_828, %broadcast_in_dim3A_10 : vector<16xi32>
    %select_n3A_830 = arith.select %lt3A_829, %broadcast_in_dim3A_12, %broadcast_in_dim3A_14 : vector<16xi1>, vector<16xi32>
    %add3A_831 = arith.addi %add3A_821, %select_n3A_830 : vector<16xi32>
    %get3A_832 = arith.constant 82 : i32
    %get3A_833 = arith.constant 0 : i32
    %get3A_834 = arith.index_cast %get3A_832 : i32 to index
    %get3A_835 = arith.index_cast %get3A_833 : i32 to index
    %get3A_836 = arith.constant 0 : index
    %get3A_837 = tpu.vector_load %arg11[%get3A_834, %get3A_835, %get3A_836] {strides = array<i32>} : memref<157x1x128xi32, #tpu.memory_space<vmem>>, vector<1x1x16xi32>,
    %get3A_838 = vector.shape_cast %get3A_837 : vector<1x1x16xi32> to vector<16xi32>
    %lt3A_839 = arith.cmpi slt, %get3A_838, %broadcast_in_dim3A_10 : vector<16xi32>
    %select_n3A_840 = arith.select %lt3A_839, %broadcast_in_dim3A_12, %broadcast_in_dim3A_14 : vector<16xi1>, vector<16xi32>
    %add3A_841 = arith.addi %add3A_831, %select_n3A_840 : vector<16xi32>
    %get3A_842 = arith.constant 83 : i32
    %get3A_843 = arith.constant 0 : i32
    %get3A_844 = arith.index_cast %get3A_842 : i32 to index
    %get3A_845 = arith.index_cast %get3A_843 : i32 to index
    %get3A_846 = arith.constant 0 : index
    %get3A_847 = tpu.vector_load %arg11[%get3A_844, %get3A_845, %get3A_846] {strides = array<i32>} : memref<157x1x128xi32, #tpu.memory_space<vmem>>, vector<1x1x16xi32>,
    %get3A_848 = vector.shape_cast %get3A_847 : vector<1x1x16xi32> to vector<16xi32>
    %lt3A_849 = arith.cmpi slt, %get3A_848, %broadcast_in_dim3A_10 : vector<16xi32>
    %select_n3A_850 = arith.select %lt3A_849, %broadcast_in_dim3A_12, %broadcast_in_dim3A_14 : vector<16xi1>, vector<16xi32>
    %add3A_851 = arith.addi %add3A_841, %select_n3A_850 : vector<16xi32>
    %get3A_852 = arith.constant 84 : i32
    %get3A_853 = arith.constant 0 : i32
    %get3A_854 = arith.index_cast %get3A_852 : i32 to index
    %get3A_855 = arith.index_cast %get3A_853 : i32 to index
    %get3A_856 = arith.constant 0 : index
    %get3A_857 = tpu.vector_load %arg11[%get3A_854, %get3A_855, %get3A_856] {strides = array<i32>} : memref<157x1x128xi32, #tpu.memory_space<vmem>>, vector<1x1x16xi32>,
    %get3A_858 = vector.shape_cast %get3A_857 : vector<1x1x16xi32> to vector<16xi32>
    %lt3A_859 = arith.cmpi slt, %get3A_858, %broadcast_in_dim3A_10 : vector<16xi32>
    %select_n3A_860 = arith.select %lt3A_859, %broadcast_in_dim3A_12, %broadcast_in_dim3A_14 : vector<16xi1>, vector<16xi32>
    %add3A_861 = arith.addi %add3A_851, %select_n3A_860 : vector<16xi32>
    %get3A_862 = arith.constant 85 : i32
    %get3A_863 = arith.constant 0 : i32
    %get3A_864 = arith.index_cast %get3A_862 : i32 to index
    %get3A_865 = arith.index_cast %get3A_863 : i32 to index
    %get3A_866 = arith.constant 0 : index
    %get3A_867 = tpu.vector_load %arg11[%get3A_864, %get3A_865, %get3A_866] {strides = array<i32>} : memref<157x1x128xi32, #tpu.memory_space<vmem>>, vector<1x1x16xi32>,
    %get3A_868 = vector.shape_cast %get3A_867 : vector<1x1x16xi32> to vector<16xi32>
    %lt3A_869 = arith.cmpi slt, %get3A_868, %broadcast_in_dim3A_10 : vector<16xi32>
    %select_n3A_870 = arith.select %lt3A_869, %broadcast_in_dim3A_12, %broadcast_in_dim3A_14 : vector<16xi1>, vector<16xi32>
    %add3A_871 = arith.addi %add3A_861, %select_n3A_870 : vector<16xi32>
    %get3A_872 = arith.constant 86 : i32
    %get3A_873 = arith.constant 0 : i32
    %get3A_874 = arith.index_cast %get3A_872 : i32 to index
    %get3A_875 = arith.index_cast %get3A_873 : i32 to index
    %get3A_876 = arith.constant 0 : index
    %get3A_877 = tpu.vector_load %arg11[%get3A_874, %get3A_875, %get3A_876] {strides = array<i32>} : memref<157x1x128xi32, #tpu.memory_space<vmem>>, vector<1x1x16xi32>,
    %get3A_878 = vector.shape_cast %get3A_877 : vector<1x1x16xi32> to vector<16xi32>
    %lt3A_879 = arith.cmpi slt, %get3A_878, %broadcast_in_dim3A_10 : vector<16xi32>
    %select_n3A_880 = arith.select %lt3A_879, %broadcast_in_dim3A_12, %broadcast_in_dim3A_14 : vector<16xi1>, vector<16xi32>
    %add3A_881 = arith.addi %add3A_871, %select_n3A_880 : vector<16xi32>
    %get3A_882 = arith.constant 87 : i32
    %get3A_883 = arith.constant 0 : i32
    %get3A_884 = arith.index_cast %get3A_882 : i32 to index
    %get3A_885 = arith.index_cast %get3A_883 : i32 to index
    %get3A_886 = arith.constant 0 : index
    %get3A_887 = tpu.vector_load %arg11[%get3A_884, %get3A_885, %get3A_886] {strides = array<i32>} : memref<157x1x128xi32, #tpu.memory_space<vmem>>, vector<1x1x16xi32>,
    %get3A_888 = vector.shape_cast %get3A_887 : vector<1x1x16xi32> to vector<16xi32>
    %lt3A_889 = arith.cmpi slt, %get3A_888, %broadcast_in_dim3A_10 : vector<16xi32>
    %select_n3A_890 = arith.select %lt3A_889, %broadcast_in_dim3A_12, %broadcast_in_dim3A_14 : vector<16xi1>, vector<16xi32>
    %add3A_891 = arith.addi %add3A_881, %select_n3A_890 : vector<16xi32>
    %get3A_892 = arith.constant 88 : i32
    %get3A_893 = arith.constant 0 : i32
    %get3A_894 = arith.index_cast %get3A_892 : i32 to index
    %get3A_895 = arith.index_cast %get3A_893 : i32 to index
    %get3A_896 = arith.constant 0 : index
    %get3A_897 = tpu.vector_load %arg11[%get3A_894, %get3A_895, %get3A_896] {strides = array<i32>} : memref<157x1x128xi32, #tpu.memory_space<vmem>>, vector<1x1x16xi32>,
    %get3A_898 = vector.shape_cast %get3A_897 : vector<1x1x16xi32> to vector<16xi32>
    %lt3A_899 = arith.cmpi slt, %get3A_898, %broadcast_in_dim3A_10 : vector<16xi32>
    %select_n3A_900 = arith.select %lt3A_899, %broadcast_in_dim3A_12, %broadcast_in_dim3A_14 : vector<16xi1>, vector<16xi32>
    %add3A_901 = arith.addi %add3A_891, %select_n3A_900 : vector<16xi32>
    %get3A_902 = arith.constant 89 : i32
    %get3A_903 = arith.constant 0 : i32
    %get3A_904 = arith.index_cast %get3A_902 : i32 to index
    %get3A_905 = arith.index_cast %get3A_903 : i32 to index
    %get3A_906 = arith.constant 0 : index
    %get3A_907 = tpu.vector_load %arg11[%get3A_904, %get3A_905, %get3A_906] {strides = array<i32>} : memref<157x1x128xi32, #tpu.memory_space<vmem>>, vector<1x1x16xi32>,
    %get3A_908 = vector.shape_cast %get3A_907 : vector<1x1x16xi32> to vector<16xi32>
    %lt3A_909 = arith.cmpi slt, %get3A_908, %broadcast_in_dim3A_10 : vector<16xi32>
    %select_n3A_910 = arith.select %lt3A_909, %broadcast_in_dim3A_12, %broadcast_in_dim3A_14 : vector<16xi1>, vector<16xi32>
    %add3A_911 = arith.addi %add3A_901, %select_n3A_910 : vector<16xi32>
    %get3A_912 = arith.constant 90 : i32
    %get3A_913 = arith.constant 0 : i32
    %get3A_914 = arith.index_cast %get3A_912 : i32 to index
    %get3A_915 = arith.index_cast %get3A_913 : i32 to index
    %get3A_916 = arith.constant 0 : index
    %get3A_917 = tpu.vector_load %arg11[%get3A_914, %get3A_915, %get3A_916] {strides = array<i32>} : memref<157x1x128xi32, #tpu.memory_space<vmem>>, vector<1x1x16xi32>,
    %get3A_918 = vector.shape_cast %get3A_917 : vector<1x1x16xi32> to vector<16xi32>
    %lt3A_919 = arith.cmpi slt, %get3A_918, %broadcast_in_dim3A_10 : vector<16xi32>
    %select_n3A_920 = arith.select %lt3A_919, %broadcast_in_dim3A_12, %broadcast_in_dim3A_14 : vector<16xi1>, vector<16xi32>
    %add3A_921 = arith.addi %add3A_911, %select_n3A_920 : vector<16xi32>
    %get3A_922 = arith.constant 91 : i32
    %get3A_923 = arith.constant 0 : i32
    %get3A_924 = arith.index_cast %get3A_922 : i32 to index
    %get3A_925 = arith.index_cast %get3A_923 : i32 to index
    %get3A_926 = arith.constant 0 : index
    %get3A_927 = tpu.vector_load %arg11[%get3A_924, %get3A_925, %get3A_926] {strides = array<i32>} : memref<157x1x128xi32, #tpu.memory_space<vmem>>, vector<1x1x16xi32>,
    %get3A_928 = vector.shape_cast %get3A_927 : vector<1x1x16xi32> to vector<16xi32>
    %lt3A_929 = arith.cmpi slt, %get3A_928, %broadcast_in_dim3A_10 : vector<16xi32>
    %select_n3A_930 = arith.select %lt3A_929, %broadcast_in_dim3A_12, %broadcast_in_dim3A_14 : vector<16xi1>, vector<16xi32>
    %add3A_931 = arith.addi %add3A_921, %select_n3A_930 : vector<16xi32>
    %get3A_932 = arith.constant 92 : i32
    %get3A_933 = arith.constant 0 : i32
    %get3A_934 = arith.index_cast %get3A_932 : i32 to index
    %get3A_935 = arith.index_cast %get3A_933 : i32 to index
    %get3A_936 = arith.constant 0 : index
    %get3A_937 = tpu.vector_load %arg11[%get3A_934, %get3A_935, %get3A_936] {strides = array<i32>} : memref<157x1x128xi32, #tpu.memory_space<vmem>>, vector<1x1x16xi32>,
    %get3A_938 = vector.shape_cast %get3A_937 : vector<1x1x16xi32> to vector<16xi32>
    %lt3A_939 = arith.cmpi slt, %get3A_938, %broadcast_in_dim3A_10 : vector<16xi32>
    %select_n3A_940 = arith.select %lt3A_939, %broadcast_in_dim3A_12, %broadcast_in_dim3A_14 : vector<16xi1>, vector<16xi32>
    %add3A_941 = arith.addi %add3A_931, %select_n3A_940 : vector<16xi32>
    %get3A_942 = arith.constant 93 : i32
    %get3A_943 = arith.constant 0 : i32
    %get3A_944 = arith.index_cast %get3A_942 : i32 to index
    %get3A_945 = arith.index_cast %get3A_943 : i32 to index
    %get3A_946 = arith.constant 0 : index
    %get3A_947 = tpu.vector_load %arg11[%get3A_944, %get3A_945, %get3A_946] {strides = array<i32>} : memref<157x1x128xi32, #tpu.memory_space<vmem>>, vector<1x1x16xi32>,
    %get3A_948 = vector.shape_cast %get3A_947 : vector<1x1x16xi32> to vector<16xi32>
    %lt3A_949 = arith.cmpi slt, %get3A_948, %broadcast_in_dim3A_10 : vector<16xi32>
    %select_n3A_950 = arith.select %lt3A_949, %broadcast_in_dim3A_12, %broadcast_in_dim3A_14 : vector<16xi1>, vector<16xi32>
    %add3A_951 = arith.addi %add3A_941, %select_n3A_950 : vector<16xi32>
    %get3A_952 = arith.constant 94 : i32
    %get3A_953 = arith.constant 0 : i32
    %get3A_954 = arith.index_cast %get3A_952 : i32 to index
    %get3A_955 = arith.index_cast %get3A_953 : i32 to index
    %get3A_956 = arith.constant 0 : index
    %get3A_957 = tpu.vector_load %arg11[%get3A_954, %get3A_955, %get3A_956] {strides = array<i32>} : memref<157x1x128xi32, #tpu.memory_space<vmem>>, vector<1x1x16xi32>,
    %get3A_958 = vector.shape_cast %get3A_957 : vector<1x1x16xi32> to vector<16xi32>
    %lt3A_959 = arith.cmpi slt, %get3A_958, %broadcast_in_dim3A_10 : vector<16xi32>
    %select_n3A_960 = arith.select %lt3A_959, %broadcast_in_dim3A_12, %broadcast_in_dim3A_14 : vector<16xi1>, vector<16xi32>
    %add3A_961 = arith.addi %add3A_951, %select_n3A_960 : vector<16xi32>
    %get3A_962 = arith.constant 95 : i32
    %get3A_963 = arith.constant 0 : i32
    %get3A_964 = arith.index_cast %get3A_962 : i32 to index
    %get3A_965 = arith.index_cast %get3A_963 : i32 to index
    %get3A_966 = arith.constant 0 : index
    %get3A_967 = tpu.vector_load %arg11[%get3A_964, %get3A_965, %get3A_966] {strides = array<i32>} : memref<157x1x128xi32, #tpu.memory_space<vmem>>, vector<1x1x16xi32>,
    %get3A_968 = vector.shape_cast %get3A_967 : vector<1x1x16xi32> to vector<16xi32>
    %lt3A_969 = arith.cmpi slt, %get3A_968, %broadcast_in_dim3A_10 : vector<16xi32>
    %select_n3A_970 = arith.select %lt3A_969, %broadcast_in_dim3A_12, %broadcast_in_dim3A_14 : vector<16xi1>, vector<16xi32>
    %add3A_971 = arith.addi %add3A_961, %select_n3A_970 : vector<16xi32>
    %get3A_972 = arith.constant 96 : i32
    %get3A_973 = arith.constant 0 : i32
    %get3A_974 = arith.index_cast %get3A_972 : i32 to index
    %get3A_975 = arith.index_cast %get3A_973 : i32 to index
    %get3A_976 = arith.constant 0 : index
    %get3A_977 = tpu.vector_load %arg11[%get3A_974, %get3A_975, %get3A_976] {strides = array<i32>} : memref<157x1x128xi32, #tpu.memory_space<vmem>>, vector<1x1x16xi32>,
    %get3A_978 = vector.shape_cast %get3A_977 : vector<1x1x16xi32> to vector<16xi32>
    %lt3A_979 = arith.cmpi slt, %get3A_978, %broadcast_in_dim3A_10 : vector<16xi32>
    %select_n3A_980 = arith.select %lt3A_979, %broadcast_in_dim3A_12, %broadcast_in_dim3A_14 : vector<16xi1>, vector<16xi32>
    %add3A_981 = arith.addi %add3A_971, %select_n3A_980 : vector<16xi32>
    %get3A_982 = arith.constant 97 : i32
    %get3A_983 = arith.constant 0 : i32
    %get3A_984 = arith.index_cast %get3A_982 : i32 to index
    %get3A_985 = arith.index_cast %get3A_983 : i32 to index
    %get3A_986 = arith.constant 0 : index
    %get3A_987 = tpu.vector_load %arg11[%get3A_984, %get3A_985, %get3A_986] {strides = array<i32>} : memref<157x1x128xi32, #tpu.memory_space<vmem>>, vector<1x1x16xi32>,
    %get3A_988 = vector.shape_cast %get3A_987 : vector<1x1x16xi32> to vector<16xi32>
    %lt3A_989 = arith.cmpi slt, %get3A_988, %broadcast_in_dim3A_10 : vector<16xi32>
    %select_n3A_990 = arith.select %lt3A_989, %broadcast_in_dim3A_12, %broadcast_in_dim3A_14 : vector<16xi1>, vector<16xi32>
    %add3A_991 = arith.addi %add3A_981, %select_n3A_990 : vector<16xi32>
    %get3A_992 = arith.constant 98 : i32
    %get3A_993 = arith.constant 0 : i32
    %get3A_994 = arith.index_cast %get3A_992 : i32 to index
    %get3A_995 = arith.index_cast %get3A_993 : i32 to index
    %get3A_996 = arith.constant 0 : index
    %get3A_997 = tpu.vector_load %arg11[%get3A_994, %get3A_995, %get3A_996] {strides = array<i32>} : memref<157x1x128xi32, #tpu.memory_space<vmem>>, vector<1x1x16xi32>,
    %get3A_998 = vector.shape_cast %get3A_997 : vector<1x1x16xi32> to vector<16xi32>
    %lt3A_999 = arith.cmpi slt, %get3A_998, %broadcast_in_dim3A_10 : vector<16xi32>
    %select_n3A_1000 = arith.select %lt3A_999, %broadcast_in_dim3A_12, %broadcast_in_dim3A_14 : vector<16xi1>, vector<16xi32>
    %add3A_1001 = arith.addi %add3A_991, %select_n3A_1000 : vector<16xi32>
    %get3A_1002 = arith.constant 99 : i32
    %get3A_1003 = arith.constant 0 : i32
    %get3A_1004 = arith.index_cast %get3A_1002 : i32 to index
    %get3A_1005 = arith.index_cast %get3A_1003 : i32 to index
    %get3A_1006 = arith.constant 0 : index
    %get3A_1007 = tpu.vector_load %arg11[%get3A_1004, %get3A_1005, %get3A_1006] {strides = array<i32>} : memref<157x1x128xi32, #tpu.memory_space<vmem>>, vector<1x1x16xi32>,
    %get3A_1008 = vector.shape_cast %get3A_1007 : vector<1x1x16xi32> to vector<16xi32>
    %lt3A_1009 = arith.cmpi slt, %get3A_1008, %broadcast_in_dim3A_10 : vector<16xi32>
    %select_n3A_1010 = arith.select %lt3A_1009, %broadcast_in_dim3A_12, %broadcast_in_dim3A_14 : vector<16xi1>, vector<16xi32>
    %add3A_1011 = arith.addi %add3A_1001, %select_n3A_1010 : vector<16xi32>
    %get3A_1012 = arith.constant 100 : i32
    %get3A_1013 = arith.constant 0 : i32
    %get3A_1014 = arith.index_cast %get3A_1012 : i32 to index
    %get3A_1015 = arith.index_cast %get3A_1013 : i32 to index
    %get3A_1016 = arith.constant 0 : index
    %get3A_1017 = tpu.vector_load %arg11[%get3A_1014, %get3A_1015, %get3A_1016] {strides = array<i32>} : memref<157x1x128xi32, #tpu.memory_space<vmem>>, vector<1x1x16xi32>,
    %get3A_1018 = vector.shape_cast %get3A_1017 : vector<1x1x16xi32> to vector<16xi32>
    %lt3A_1019 = arith.cmpi slt, %get3A_1018, %broadcast_in_dim3A_10 : vector<16xi32>
    %select_n3A_1020 = arith.select %lt3A_1019, %broadcast_in_dim3A_12, %broadcast_in_dim3A_14 : vector<16xi1>, vector<16xi32>
    %add3A_1021 = arith.addi %add3A_1011, %select_n3A_1020 : vector<16xi32>
    %get3A_1022 = arith.constant 101 : i32
    %get3A_1023 = arith.constant 0 : i32
    %get3A_1024 = arith.index_cast %get3A_1022 : i32 to index
    %get3A_1025 = arith.index_cast %get3A_1023 : i32 to index
    %get3A_1026 = arith.constant 0 : index
    %get3A_1027 = tpu.vector_load %arg11[%get3A_1024, %get3A_1025, %get3A_1026] {strides = array<i32>} : memref<157x1x128xi32, #tpu.memory_space<vmem>>, vector<1x1x16xi32>,
    %get3A_1028 = vector.shape_cast %get3A_1027 : vector<1x1x16xi32> to vector<16xi32>
    %lt3A_1029 = arith.cmpi slt, %get3A_1028, %broadcast_in_dim3A_10 : vector<16xi32>
    %select_n3A_1030 = arith.select %lt3A_1029, %broadcast_in_dim3A_12, %broadcast_in_dim3A_14 : vector<16xi1>, vector<16xi32>
    %add3A_1031 = arith.addi %add3A_1021, %select_n3A_1030 : vector<16xi32>
    %get3A_1032 = arith.constant 102 : i32
    %get3A_1033 = arith.constant 0 : i32
    %get3A_1034 = arith.index_cast %get3A_1032 : i32 to index
    %get3A_1035 = arith.index_cast %get3A_1033 : i32 to index
    %get3A_1036 = arith.constant 0 : index
    %get3A_1037 = tpu.vector_load %arg11[%get3A_1034, %get3A_1035, %get3A_1036] {strides = array<i32>} : memref<157x1x128xi32, #tpu.memory_space<vmem>>, vector<1x1x16xi32>,
    %get3A_1038 = vector.shape_cast %get3A_1037 : vector<1x1x16xi32> to vector<16xi32>
    %lt3A_1039 = arith.cmpi slt, %get3A_1038, %broadcast_in_dim3A_10 : vector<16xi32>
    %select_n3A_1040 = arith.select %lt3A_1039, %broadcast_in_dim3A_12, %broadcast_in_dim3A_14 : vector<16xi1>, vector<16xi32>
    %add3A_1041 = arith.addi %add3A_1031, %select_n3A_1040 : vector<16xi32>
    %get3A_1042 = arith.constant 103 : i32
    %get3A_1043 = arith.constant 0 : i32
    %get3A_1044 = arith.index_cast %get3A_1042 : i32 to index
    %get3A_1045 = arith.index_cast %get3A_1043 : i32 to index
    %get3A_1046 = arith.constant 0 : index
    %get3A_1047 = tpu.vector_load %arg11[%get3A_1044, %get3A_1045, %get3A_1046] {strides = array<i32>} : memref<157x1x128xi32, #tpu.memory_space<vmem>>, vector<1x1x16xi32>,
    %get3A_1048 = vector.shape_cast %get3A_1047 : vector<1x1x16xi32> to vector<16xi32>
    %lt3A_1049 = arith.cmpi slt, %get3A_1048, %broadcast_in_dim3A_10 : vector<16xi32>
    %select_n3A_1050 = arith.select %lt3A_1049, %broadcast_in_dim3A_12, %broadcast_in_dim3A_14 : vector<16xi1>, vector<16xi32>
    %add3A_1051 = arith.addi %add3A_1041, %select_n3A_1050 : vector<16xi32>
    %get3A_1052 = arith.constant 104 : i32
    %get3A_1053 = arith.constant 0 : i32
    %get3A_1054 = arith.index_cast %get3A_1052 : i32 to index
    %get3A_1055 = arith.index_cast %get3A_1053 : i32 to index
    %get3A_1056 = arith.constant 0 : index
    %get3A_1057 = tpu.vector_load %arg11[%get3A_1054, %get3A_1055, %get3A_1056] {strides = array<i32>} : memref<157x1x128xi32, #tpu.memory_space<vmem>>, vector<1x1x16xi32>,
    %get3A_1058 = vector.shape_cast %get3A_1057 : vector<1x1x16xi32> to vector<16xi32>
    %lt3A_1059 = arith.cmpi slt, %get3A_1058, %broadcast_in_dim3A_10 : vector<16xi32>
    %select_n3A_1060 = arith.select %lt3A_1059, %broadcast_in_dim3A_12, %broadcast_in_dim3A_14 : vector<16xi1>, vector<16xi32>
    %add3A_1061 = arith.addi %add3A_1051, %select_n3A_1060 : vector<16xi32>
    %get3A_1062 = arith.constant 105 : i32
    %get3A_1063 = arith.constant 0 : i32
    %get3A_1064 = arith.index_cast %get3A_1062 : i32 to index
    %get3A_1065 = arith.index_cast %get3A_1063 : i32 to index
    %get3A_1066 = arith.constant 0 : index
    %get3A_1067 = tpu.vector_load %arg11[%get3A_1064, %get3A_1065, %get3A_1066] {strides = array<i32>} : memref<157x1x128xi32, #tpu.memory_space<vmem>>, vector<1x1x16xi32>,
    %get3A_1068 = vector.shape_cast %get3A_1067 : vector<1x1x16xi32> to vector<16xi32>
    %lt3A_1069 = arith.cmpi slt, %get3A_1068, %broadcast_in_dim3A_10 : vector<16xi32>
    %select_n3A_1070 = arith.select %lt3A_1069, %broadcast_in_dim3A_12, %broadcast_in_dim3A_14 : vector<16xi1>, vector<16xi32>
    %add3A_1071 = arith.addi %add3A_1061, %select_n3A_1070 : vector<16xi32>
    %get3A_1072 = arith.constant 106 : i32
    %get3A_1073 = arith.constant 0 : i32
    %get3A_1074 = arith.index_cast %get3A_1072 : i32 to index
    %get3A_1075 = arith.index_cast %get3A_1073 : i32 to index
    %get3A_1076 = arith.constant 0 : index
    %get3A_1077 = tpu.vector_load %arg11[%get3A_1074, %get3A_1075, %get3A_1076] {strides = array<i32>} : memref<157x1x128xi32, #tpu.memory_space<vmem>>, vector<1x1x16xi32>,
    %get3A_1078 = vector.shape_cast %get3A_1077 : vector<1x1x16xi32> to vector<16xi32>
    %lt3A_1079 = arith.cmpi slt, %get3A_1078, %broadcast_in_dim3A_10 : vector<16xi32>
    %select_n3A_1080 = arith.select %lt3A_1079, %broadcast_in_dim3A_12, %broadcast_in_dim3A_14 : vector<16xi1>, vector<16xi32>
    %add3A_1081 = arith.addi %add3A_1071, %select_n3A_1080 : vector<16xi32>
    %get3A_1082 = arith.constant 107 : i32
    %get3A_1083 = arith.constant 0 : i32
    %get3A_1084 = arith.index_cast %get3A_1082 : i32 to index
    %get3A_1085 = arith.index_cast %get3A_1083 : i32 to index
    %get3A_1086 = arith.constant 0 : index
    %get3A_1087 = tpu.vector_load %arg11[%get3A_1084, %get3A_1085, %get3A_1086] {strides = array<i32>} : memref<157x1x128xi32, #tpu.memory_space<vmem>>, vector<1x1x16xi32>,
    %get3A_1088 = vector.shape_cast %get3A_1087 : vector<1x1x16xi32> to vector<16xi32>
    %lt3A_1089 = arith.cmpi slt, %get3A_1088, %broadcast_in_dim3A_10 : vector<16xi32>
    %select_n3A_1090 = arith.select %lt3A_1089, %broadcast_in_dim3A_12, %broadcast_in_dim3A_14 : vector<16xi1>, vector<16xi32>
    %add3A_1091 = arith.addi %add3A_1081, %select_n3A_1090 : vector<16xi32>
    %get3A_1092 = arith.constant 108 : i32
    %get3A_1093 = arith.constant 0 : i32
    %get3A_1094 = arith.index_cast %get3A_1092 : i32 to index
    %get3A_1095 = arith.index_cast %get3A_1093 : i32 to index
    %get3A_1096 = arith.constant 0 : index
    %get3A_1097 = tpu.vector_load %arg11[%get3A_1094, %get3A_1095, %get3A_1096] {strides = array<i32>} : memref<157x1x128xi32, #tpu.memory_space<vmem>>, vector<1x1x16xi32>,
    %get3A_1098 = vector.shape_cast %get3A_1097 : vector<1x1x16xi32> to vector<16xi32>
    %lt3A_1099 = arith.cmpi slt, %get3A_1098, %broadcast_in_dim3A_10 : vector<16xi32>
    %select_n3A_1100 = arith.select %lt3A_1099, %broadcast_in_dim3A_12, %broadcast_in_dim3A_14 : vector<16xi1>, vector<16xi32>
    %add3A_1101 = arith.addi %add3A_1091, %select_n3A_1100 : vector<16xi32>
    %get3A_1102 = arith.constant 109 : i32
    %get3A_1103 = arith.constant 0 : i32
    %get3A_1104 = arith.index_cast %get3A_1102 : i32 to index
    %get3A_1105 = arith.index_cast %get3A_1103 : i32 to index
    %get3A_1106 = arith.constant 0 : index
    %get3A_1107 = tpu.vector_load %arg11[%get3A_1104, %get3A_1105, %get3A_1106] {strides = array<i32>} : memref<157x1x128xi32, #tpu.memory_space<vmem>>, vector<1x1x16xi32>,
    %get3A_1108 = vector.shape_cast %get3A_1107 : vector<1x1x16xi32> to vector<16xi32>
    %lt3A_1109 = arith.cmpi slt, %get3A_1108, %broadcast_in_dim3A_10 : vector<16xi32>
    %select_n3A_1110 = arith.select %lt3A_1109, %broadcast_in_dim3A_12, %broadcast_in_dim3A_14 : vector<16xi1>, vector<16xi32>
    %add3A_1111 = arith.addi %add3A_1101, %select_n3A_1110 : vector<16xi32>
    %get3A_1112 = arith.constant 110 : i32
    %get3A_1113 = arith.constant 0 : i32
    %get3A_1114 = arith.index_cast %get3A_1112 : i32 to index
    %get3A_1115 = arith.index_cast %get3A_1113 : i32 to index
    %get3A_1116 = arith.constant 0 : index
    %get3A_1117 = tpu.vector_load %arg11[%get3A_1114, %get3A_1115, %get3A_1116] {strides = array<i32>} : memref<157x1x128xi32, #tpu.memory_space<vmem>>, vector<1x1x16xi32>,
    %get3A_1118 = vector.shape_cast %get3A_1117 : vector<1x1x16xi32> to vector<16xi32>
    %lt3A_1119 = arith.cmpi slt, %get3A_1118, %broadcast_in_dim3A_10 : vector<16xi32>
    %select_n3A_1120 = arith.select %lt3A_1119, %broadcast_in_dim3A_12, %broadcast_in_dim3A_14 : vector<16xi1>, vector<16xi32>
    %add3A_1121 = arith.addi %add3A_1111, %select_n3A_1120 : vector<16xi32>
    %get3A_1122 = arith.constant 111 : i32
    %get3A_1123 = arith.constant 0 : i32
    %get3A_1124 = arith.index_cast %get3A_1122 : i32 to index
    %get3A_1125 = arith.index_cast %get3A_1123 : i32 to index
    %get3A_1126 = arith.constant 0 : index
    %get3A_1127 = tpu.vector_load %arg11[%get3A_1124, %get3A_1125, %get3A_1126] {strides = array<i32>} : memref<157x1x128xi32, #tpu.memory_space<vmem>>, vector<1x1x16xi32>,
    %get3A_1128 = vector.shape_cast %get3A_1127 : vector<1x1x16xi32> to vector<16xi32>
    %lt3A_1129 = arith.cmpi slt, %get3A_1128, %broadcast_in_dim3A_10 : vector<16xi32>
    %select_n3A_1130 = arith.select %lt3A_1129, %broadcast_in_dim3A_12, %broadcast_in_dim3A_14 : vector<16xi1>, vector<16xi32>
    %add3A_1131 = arith.addi %add3A_1121, %select_n3A_1130 : vector<16xi32>
    %get3A_1132 = arith.constant 112 : i32
    %get3A_1133 = arith.constant 0 : i32
    %get3A_1134 = arith.index_cast %get3A_1132 : i32 to index
    %get3A_1135 = arith.index_cast %get3A_1133 : i32 to index
    %get3A_1136 = arith.constant 0 : index
    %get3A_1137 = tpu.vector_load %arg11[%get3A_1134, %get3A_1135, %get3A_1136] {strides = array<i32>} : memref<157x1x128xi32, #tpu.memory_space<vmem>>, vector<1x1x16xi32>,
    %get3A_1138 = vector.shape_cast %get3A_1137 : vector<1x1x16xi32> to vector<16xi32>
    %lt3A_1139 = arith.cmpi slt, %get3A_1138, %broadcast_in_dim3A_10 : vector<16xi32>
    %select_n3A_1140 = arith.select %lt3A_1139, %broadcast_in_dim3A_12, %broadcast_in_dim3A_14 : vector<16xi1>, vector<16xi32>
    %add3A_1141 = arith.addi %add3A_1131, %select_n3A_1140 : vector<16xi32>
    %get3A_1142 = arith.constant 113 : i32
    %get3A_1143 = arith.constant 0 : i32
    %get3A_1144 = arith.index_cast %get3A_1142 : i32 to index
    %get3A_1145 = arith.index_cast %get3A_1143 : i32 to index
    %get3A_1146 = arith.constant 0 : index
    %get3A_1147 = tpu.vector_load %arg11[%get3A_1144, %get3A_1145, %get3A_1146] {strides = array<i32>} : memref<157x1x128xi32, #tpu.memory_space<vmem>>, vector<1x1x16xi32>,
    %get3A_1148 = vector.shape_cast %get3A_1147 : vector<1x1x16xi32> to vector<16xi32>
    %lt3A_1149 = arith.cmpi slt, %get3A_1148, %broadcast_in_dim3A_10 : vector<16xi32>
    %select_n3A_1150 = arith.select %lt3A_1149, %broadcast_in_dim3A_12, %broadcast_in_dim3A_14 : vector<16xi1>, vector<16xi32>
    %add3A_1151 = arith.addi %add3A_1141, %select_n3A_1150 : vector<16xi32>
    %get3A_1152 = arith.constant 114 : i32
    %get3A_1153 = arith.constant 0 : i32
    %get3A_1154 = arith.index_cast %get3A_1152 : i32 to index
    %get3A_1155 = arith.index_cast %get3A_1153 : i32 to index
    %get3A_1156 = arith.constant 0 : index
    %get3A_1157 = tpu.vector_load %arg11[%get3A_1154, %get3A_1155, %get3A_1156] {strides = array<i32>} : memref<157x1x128xi32, #tpu.memory_space<vmem>>, vector<1x1x16xi32>,
    %get3A_1158 = vector.shape_cast %get3A_1157 : vector<1x1x16xi32> to vector<16xi32>
    %lt3A_1159 = arith.cmpi slt, %get3A_1158, %broadcast_in_dim3A_10 : vector<16xi32>
    %select_n3A_1160 = arith.select %lt3A_1159, %broadcast_in_dim3A_12, %broadcast_in_dim3A_14 : vector<16xi1>, vector<16xi32>
    %add3A_1161 = arith.addi %add3A_1151, %select_n3A_1160 : vector<16xi32>
    %get3A_1162 = arith.constant 115 : i32
    %get3A_1163 = arith.constant 0 : i32
    %get3A_1164 = arith.index_cast %get3A_1162 : i32 to index
    %get3A_1165 = arith.index_cast %get3A_1163 : i32 to index
    %get3A_1166 = arith.constant 0 : index
    %get3A_1167 = tpu.vector_load %arg11[%get3A_1164, %get3A_1165, %get3A_1166] {strides = array<i32>} : memref<157x1x128xi32, #tpu.memory_space<vmem>>, vector<1x1x16xi32>,
    %get3A_1168 = vector.shape_cast %get3A_1167 : vector<1x1x16xi32> to vector<16xi32>
    %lt3A_1169 = arith.cmpi slt, %get3A_1168, %broadcast_in_dim3A_10 : vector<16xi32>
    %select_n3A_1170 = arith.select %lt3A_1169, %broadcast_in_dim3A_12, %broadcast_in_dim3A_14 : vector<16xi1>, vector<16xi32>
    %add3A_1171 = arith.addi %add3A_1161, %select_n3A_1170 : vector<16xi32>
    %get3A_1172 = arith.constant 116 : i32
    %get3A_1173 = arith.constant 0 : i32
    %get3A_1174 = arith.index_cast %get3A_1172 : i32 to index
    %get3A_1175 = arith.index_cast %get3A_1173 : i32 to index
    %get3A_1176 = arith.constant 0 : index
    %get3A_1177 = tpu.vector_load %arg11[%get3A_1174, %get3A_1175, %get3A_1176] {strides = array<i32>} : memref<157x1x128xi32, #tpu.memory_space<vmem>>, vector<1x1x16xi32>,
    %get3A_1178 = vector.shape_cast %get3A_1177 : vector<1x1x16xi32> to vector<16xi32>
    %lt3A_1179 = arith.cmpi slt, %get3A_1178, %broadcast_in_dim3A_10 : vector<16xi32>
    %select_n3A_1180 = arith.select %lt3A_1179, %broadcast_in_dim3A_12, %broadcast_in_dim3A_14 : vector<16xi1>, vector<16xi32>
    %add3A_1181 = arith.addi %add3A_1171, %select_n3A_1180 : vector<16xi32>
    %get3A_1182 = arith.constant 117 : i32
    %get3A_1183 = arith.constant 0 : i32
    %get3A_1184 = arith.index_cast %get3A_1182 : i32 to index
    %get3A_1185 = arith.index_cast %get3A_1183 : i32 to index
    %get3A_1186 = arith.constant 0 : index
    %get3A_1187 = tpu.vector_load %arg11[%get3A_1184, %get3A_1185, %get3A_1186] {strides = array<i32>} : memref<157x1x128xi32, #tpu.memory_space<vmem>>, vector<1x1x16xi32>,
    %get3A_1188 = vector.shape_cast %get3A_1187 : vector<1x1x16xi32> to vector<16xi32>
    %lt3A_1189 = arith.cmpi slt, %get3A_1188, %broadcast_in_dim3A_10 : vector<16xi32>
    %select_n3A_1190 = arith.select %lt3A_1189, %broadcast_in_dim3A_12, %broadcast_in_dim3A_14 : vector<16xi1>, vector<16xi32>
    %add3A_1191 = arith.addi %add3A_1181, %select_n3A_1190 : vector<16xi32>
    %get3A_1192 = arith.constant 118 : i32
    %get3A_1193 = arith.constant 0 : i32
    %get3A_1194 = arith.index_cast %get3A_1192 : i32 to index
    %get3A_1195 = arith.index_cast %get3A_1193 : i32 to index
    %get3A_1196 = arith.constant 0 : index
    %get3A_1197 = tpu.vector_load %arg11[%get3A_1194, %get3A_1195, %get3A_1196] {strides = array<i32>} : memref<157x1x128xi32, #tpu.memory_space<vmem>>, vector<1x1x16xi32>,
    %get3A_1198 = vector.shape_cast %get3A_1197 : vector<1x1x16xi32> to vector<16xi32>
    %lt3A_1199 = arith.cmpi slt, %get3A_1198, %broadcast_in_dim3A_10 : vector<16xi32>
    %select_n3A_1200 = arith.select %lt3A_1199, %broadcast_in_dim3A_12, %broadcast_in_dim3A_14 : vector<16xi1>, vector<16xi32>
    %add3A_1201 = arith.addi %add3A_1191, %select_n3A_1200 : vector<16xi32>
    %get3A_1202 = arith.constant 119 : i32
    %get3A_1203 = arith.constant 0 : i32
    %get3A_1204 = arith.index_cast %get3A_1202 : i32 to index
    %get3A_1205 = arith.index_cast %get3A_1203 : i32 to index
    %get3A_1206 = arith.constant 0 : index
    %get3A_1207 = tpu.vector_load %arg11[%get3A_1204, %get3A_1205, %get3A_1206] {strides = array<i32>} : memref<157x1x128xi32, #tpu.memory_space<vmem>>, vector<1x1x16xi32>,
    %get3A_1208 = vector.shape_cast %get3A_1207 : vector<1x1x16xi32> to vector<16xi32>
    %lt3A_1209 = arith.cmpi slt, %get3A_1208, %broadcast_in_dim3A_10 : vector<16xi32>
    %select_n3A_1210 = arith.select %lt3A_1209, %broadcast_in_dim3A_12, %broadcast_in_dim3A_14 : vector<16xi1>, vector<16xi32>
    %add3A_1211 = arith.addi %add3A_1201, %select_n3A_1210 : vector<16xi32>
    %get3A_1212 = arith.constant 120 : i32
    %get3A_1213 = arith.constant 0 : i32
    %get3A_1214 = arith.index_cast %get3A_1212 : i32 to index
    %get3A_1215 = arith.index_cast %get3A_1213 : i32 to index
    %get3A_1216 = arith.constant 0 : index
    %get3A_1217 = tpu.vector_load %arg11[%get3A_1214, %get3A_1215, %get3A_1216] {strides = array<i32>} : memref<157x1x128xi32, #tpu.memory_space<vmem>>, vector<1x1x16xi32>,
    %get3A_1218 = vector.shape_cast %get3A_1217 : vector<1x1x16xi32> to vector<16xi32>
    %lt3A_1219 = arith.cmpi slt, %get3A_1218, %broadcast_in_dim3A_10 : vector<16xi32>
    %select_n3A_1220 = arith.select %lt3A_1219, %broadcast_in_dim3A_12, %broadcast_in_dim3A_14 : vector<16xi1>, vector<16xi32>
    %add3A_1221 = arith.addi %add3A_1211, %select_n3A_1220 : vector<16xi32>
    %get3A_1222 = arith.constant 121 : i32
    %get3A_1223 = arith.constant 0 : i32
    %get3A_1224 = arith.index_cast %get3A_1222 : i32 to index
    %get3A_1225 = arith.index_cast %get3A_1223 : i32 to index
    %get3A_1226 = arith.constant 0 : index
    %get3A_1227 = tpu.vector_load %arg11[%get3A_1224, %get3A_1225, %get3A_1226] {strides = array<i32>} : memref<157x1x128xi32, #tpu.memory_space<vmem>>, vector<1x1x16xi32>,
    %get3A_1228 = vector.shape_cast %get3A_1227 : vector<1x1x16xi32> to vector<16xi32>
    %lt3A_1229 = arith.cmpi slt, %get3A_1228, %broadcast_in_dim3A_10 : vector<16xi32>
    %select_n3A_1230 = arith.select %lt3A_1229, %broadcast_in_dim3A_12, %broadcast_in_dim3A_14 : vector<16xi1>, vector<16xi32>
    %add3A_1231 = arith.addi %add3A_1221, %select_n3A_1230 : vector<16xi32>
    %get3A_1232 = arith.constant 122 : i32
    %get3A_1233 = arith.constant 0 : i32
    %get3A_1234 = arith.index_cast %get3A_1232 : i32 to index
    %get3A_1235 = arith.index_cast %get3A_1233 : i32 to index
    %get3A_1236 = arith.constant 0 : index
    %get3A_1237 = tpu.vector_load %arg11[%get3A_1234, %get3A_1235, %get3A_1236] {strides = array<i32>} : memref<157x1x128xi32, #tpu.memory_space<vmem>>, vector<1x1x16xi32>,
    %get3A_1238 = vector.shape_cast %get3A_1237 : vector<1x1x16xi32> to vector<16xi32>
    %lt3A_1239 = arith.cmpi slt, %get3A_1238, %broadcast_in_dim3A_10 : vector<16xi32>
    %select_n3A_1240 = arith.select %lt3A_1239, %broadcast_in_dim3A_12, %broadcast_in_dim3A_14 : vector<16xi1>, vector<16xi32>
    %add3A_1241 = arith.addi %add3A_1231, %select_n3A_1240 : vector<16xi32>
    %get3A_1242 = arith.constant 123 : i32
    %get3A_1243 = arith.constant 0 : i32
    %get3A_1244 = arith.index_cast %get3A_1242 : i32 to index
    %get3A_1245 = arith.index_cast %get3A_1243 : i32 to index
    %get3A_1246 = arith.constant 0 : index
    %get3A_1247 = tpu.vector_load %arg11[%get3A_1244, %get3A_1245, %get3A_1246] {strides = array<i32>} : memref<157x1x128xi32, #tpu.memory_space<vmem>>, vector<1x1x16xi32>,
    %get3A_1248 = vector.shape_cast %get3A_1247 : vector<1x1x16xi32> to vector<16xi32>
    %lt3A_1249 = arith.cmpi slt, %get3A_1248, %broadcast_in_dim3A_10 : vector<16xi32>
    %select_n3A_1250 = arith.select %lt3A_1249, %broadcast_in_dim3A_12, %broadcast_in_dim3A_14 : vector<16xi1>, vector<16xi32>
    %add3A_1251 = arith.addi %add3A_1241, %select_n3A_1250 : vector<16xi32>
    %get3A_1252 = arith.constant 124 : i32
    %get3A_1253 = arith.constant 0 : i32
    %get3A_1254 = arith.index_cast %get3A_1252 : i32 to index
    %get3A_1255 = arith.index_cast %get3A_1253 : i32 to index
    %get3A_1256 = arith.constant 0 : index
    %get3A_1257 = tpu.vector_load %arg11[%get3A_1254, %get3A_1255, %get3A_1256] {strides = array<i32>} : memref<157x1x128xi32, #tpu.memory_space<vmem>>, vector<1x1x16xi32>,
    %get3A_1258 = vector.shape_cast %get3A_1257 : vector<1x1x16xi32> to vector<16xi32>
    %lt3A_1259 = arith.cmpi slt, %get3A_1258, %broadcast_in_dim3A_10 : vector<16xi32>
    %select_n3A_1260 = arith.select %lt3A_1259, %broadcast_in_dim3A_12, %broadcast_in_dim3A_14 : vector<16xi1>, vector<16xi32>
    %add3A_1261 = arith.addi %add3A_1251, %select_n3A_1260 : vector<16xi32>
    %get3A_1262 = arith.constant 125 : i32
    %get3A_1263 = arith.constant 0 : i32
    %get3A_1264 = arith.index_cast %get3A_1262 : i32 to index
    %get3A_1265 = arith.index_cast %get3A_1263 : i32 to index
    %get3A_1266 = arith.constant 0 : index
    %get3A_1267 = tpu.vector_load %arg11[%get3A_1264, %get3A_1265, %get3A_1266] {strides = array<i32>} : memref<157x1x128xi32, #tpu.memory_space<vmem>>, vector<1x1x16xi32>,
    %get3A_1268 = vector.shape_cast %get3A_1267 : vector<1x1x16xi32> to vector<16xi32>
    %lt3A_1269 = arith.cmpi slt, %get3A_1268, %broadcast_in_dim3A_10 : vector<16xi32>
    %select_n3A_1270 = arith.select %lt3A_1269, %broadcast_in_dim3A_12, %broadcast_in_dim3A_14 : vector<16xi1>, vector<16xi32>
    %add3A_1271 = arith.addi %add3A_1261, %select_n3A_1270 : vector<16xi32>
    %get3A_1272 = arith.constant 126 : i32
    %get3A_1273 = arith.constant 0 : i32
    %get3A_1274 = arith.index_cast %get3A_1272 : i32 to index
    %get3A_1275 = arith.index_cast %get3A_1273 : i32 to index
    %get3A_1276 = arith.constant 0 : index
    %get3A_1277 = tpu.vector_load %arg11[%get3A_1274, %get3A_1275, %get3A_1276] {strides = array<i32>} : memref<157x1x128xi32, #tpu.memory_space<vmem>>, vector<1x1x16xi32>,
    %get3A_1278 = vector.shape_cast %get3A_1277 : vector<1x1x16xi32> to vector<16xi32>
    %lt3A_1279 = arith.cmpi slt, %get3A_1278, %broadcast_in_dim3A_10 : vector<16xi32>
    %select_n3A_1280 = arith.select %lt3A_1279, %broadcast_in_dim3A_12, %broadcast_in_dim3A_14 : vector<16xi1>, vector<16xi32>
    %add3A_1281 = arith.addi %add3A_1271, %select_n3A_1280 : vector<16xi32>
    %get3A_1282 = arith.constant 127 : i32
    %get3A_1283 = arith.constant 0 : i32
    %get3A_1284 = arith.index_cast %get3A_1282 : i32 to index
    %get3A_1285 = arith.index_cast %get3A_1283 : i32 to index
    %get3A_1286 = arith.constant 0 : index
    %get3A_1287 = tpu.vector_load %arg11[%get3A_1284, %get3A_1285, %get3A_1286] {strides = array<i32>} : memref<157x1x128xi32, #tpu.memory_space<vmem>>, vector<1x1x16xi32>,
    %get3A_1288 = vector.shape_cast %get3A_1287 : vector<1x1x16xi32> to vector<16xi32>
    %lt3A_1289 = arith.cmpi slt, %get3A_1288, %broadcast_in_dim3A_10 : vector<16xi32>
    %select_n3A_1290 = arith.select %lt3A_1289, %broadcast_in_dim3A_12, %broadcast_in_dim3A_14 : vector<16xi1>, vector<16xi32>
    %add3A_1291 = arith.addi %add3A_1281, %select_n3A_1290 : vector<16xi32>
    %get3A_1292 = arith.constant 128 : i32
    %get3A_1293 = arith.constant 0 : i32
    %get3A_1294 = arith.index_cast %get3A_1292 : i32 to index
    %get3A_1295 = arith.index_cast %get3A_1293 : i32 to index
    %get3A_1296 = arith.constant 0 : index
    %get3A_1297 = tpu.vector_load %arg11[%get3A_1294, %get3A_1295, %get3A_1296] {strides = array<i32>} : memref<157x1x128xi32, #tpu.memory_space<vmem>>, vector<1x1x16xi32>,
    %get3A_1298 = vector.shape_cast %get3A_1297 : vector<1x1x16xi32> to vector<16xi32>
    %lt3A_1299 = arith.cmpi slt, %get3A_1298, %broadcast_in_dim3A_10 : vector<16xi32>
    %select_n3A_1300 = arith.select %lt3A_1299, %broadcast_in_dim3A_12, %broadcast_in_dim3A_14 : vector<16xi1>, vector<16xi32>
    %add3A_1301 = arith.addi %add3A_1291, %select_n3A_1300 : vector<16xi32>
    %get3A_1302 = arith.constant 129 : i32
    %get3A_1303 = arith.constant 0 : i32
    %get3A_1304 = arith.index_cast %get3A_1302 : i32 to index
    %get3A_1305 = arith.index_cast %get3A_1303 : i32 to index
    %get3A_1306 = arith.constant 0 : index
    %get3A_1307 = tpu.vector_load %arg11[%get3A_1304, %get3A_1305, %get3A_1306] {strides = array<i32>} : memref<157x1x128xi32, #tpu.memory_space<vmem>>, vector<1x1x16xi32>,
    %get3A_1308 = vector.shape_cast %get3A_1307 : vector<1x1x16xi32> to vector<16xi32>
    %lt3A_1309 = arith.cmpi slt, %get3A_1308, %broadcast_in_dim3A_10 : vector<16xi32>
    %select_n3A_1310 = arith.select %lt3A_1309, %broadcast_in_dim3A_12, %broadcast_in_dim3A_14 : vector<16xi1>, vector<16xi32>
    %add3A_1311 = arith.addi %add3A_1301, %select_n3A_1310 : vector<16xi32>
    %get3A_1312 = arith.constant 130 : i32
    %get3A_1313 = arith.constant 0 : i32
    %get3A_1314 = arith.index_cast %get3A_1312 : i32 to index
    %get3A_1315 = arith.index_cast %get3A_1313 : i32 to index
    %get3A_1316 = arith.constant 0 : index
    %get3A_1317 = tpu.vector_load %arg11[%get3A_1314, %get3A_1315, %get3A_1316] {strides = array<i32>} : memref<157x1x128xi32, #tpu.memory_space<vmem>>, vector<1x1x16xi32>,
    %get3A_1318 = vector.shape_cast %get3A_1317 : vector<1x1x16xi32> to vector<16xi32>
    %lt3A_1319 = arith.cmpi slt, %get3A_1318, %broadcast_in_dim3A_10 : vector<16xi32>
    %select_n3A_1320 = arith.select %lt3A_1319, %broadcast_in_dim3A_12, %broadcast_in_dim3A_14 : vector<16xi1>, vector<16xi32>
    %add3A_1321 = arith.addi %add3A_1311, %select_n3A_1320 : vector<16xi32>
    %get3A_1322 = arith.constant 131 : i32
    %get3A_1323 = arith.constant 0 : i32
    %get3A_1324 = arith.index_cast %get3A_1322 : i32 to index
    %get3A_1325 = arith.index_cast %get3A_1323 : i32 to index
    %get3A_1326 = arith.constant 0 : index
    %get3A_1327 = tpu.vector_load %arg11[%get3A_1324, %get3A_1325, %get3A_1326] {strides = array<i32>} : memref<157x1x128xi32, #tpu.memory_space<vmem>>, vector<1x1x16xi32>,
    %get3A_1328 = vector.shape_cast %get3A_1327 : vector<1x1x16xi32> to vector<16xi32>
    %lt3A_1329 = arith.cmpi slt, %get3A_1328, %broadcast_in_dim3A_10 : vector<16xi32>
    %select_n3A_1330 = arith.select %lt3A_1329, %broadcast_in_dim3A_12, %broadcast_in_dim3A_14 : vector<16xi1>, vector<16xi32>
    %add3A_1331 = arith.addi %add3A_1321, %select_n3A_1330 : vector<16xi32>
    %get3A_1332 = arith.constant 132 : i32
    %get3A_1333 = arith.constant 0 : i32
    %get3A_1334 = arith.index_cast %get3A_1332 : i32 to index
    %get3A_1335 = arith.index_cast %get3A_1333 : i32 to index
    %get3A_1336 = arith.constant 0 : index
    %get3A_1337 = tpu.vector_load %arg11[%get3A_1334, %get3A_1335, %get3A_1336] {strides = array<i32>} : memref<157x1x128xi32, #tpu.memory_space<vmem>>, vector<1x1x16xi32>,
    %get3A_1338 = vector.shape_cast %get3A_1337 : vector<1x1x16xi32> to vector<16xi32>
    %lt3A_1339 = arith.cmpi slt, %get3A_1338, %broadcast_in_dim3A_10 : vector<16xi32>
    %select_n3A_1340 = arith.select %lt3A_1339, %broadcast_in_dim3A_12, %broadcast_in_dim3A_14 : vector<16xi1>, vector<16xi32>
    %add3A_1341 = arith.addi %add3A_1331, %select_n3A_1340 : vector<16xi32>
    %get3A_1342 = arith.constant 133 : i32
    %get3A_1343 = arith.constant 0 : i32
    %get3A_1344 = arith.index_cast %get3A_1342 : i32 to index
    %get3A_1345 = arith.index_cast %get3A_1343 : i32 to index
    %get3A_1346 = arith.constant 0 : index
    %get3A_1347 = tpu.vector_load %arg11[%get3A_1344, %get3A_1345, %get3A_1346] {strides = array<i32>} : memref<157x1x128xi32, #tpu.memory_space<vmem>>, vector<1x1x16xi32>,
    %get3A_1348 = vector.shape_cast %get3A_1347 : vector<1x1x16xi32> to vector<16xi32>
    %lt3A_1349 = arith.cmpi slt, %get3A_1348, %broadcast_in_dim3A_10 : vector<16xi32>
    %select_n3A_1350 = arith.select %lt3A_1349, %broadcast_in_dim3A_12, %broadcast_in_dim3A_14 : vector<16xi1>, vector<16xi32>
    %add3A_1351 = arith.addi %add3A_1341, %select_n3A_1350 : vector<16xi32>
    %get3A_1352 = arith.constant 134 : i32
    %get3A_1353 = arith.constant 0 : i32
    %get3A_1354 = arith.index_cast %get3A_1352 : i32 to index
    %get3A_1355 = arith.index_cast %get3A_1353 : i32 to index
    %get3A_1356 = arith.constant 0 : index
    %get3A_1357 = tpu.vector_load %arg11[%get3A_1354, %get3A_1355, %get3A_1356] {strides = array<i32>} : memref<157x1x128xi32, #tpu.memory_space<vmem>>, vector<1x1x16xi32>,
    %get3A_1358 = vector.shape_cast %get3A_1357 : vector<1x1x16xi32> to vector<16xi32>
    %lt3A_1359 = arith.cmpi slt, %get3A_1358, %broadcast_in_dim3A_10 : vector<16xi32>
    %select_n3A_1360 = arith.select %lt3A_1359, %broadcast_in_dim3A_12, %broadcast_in_dim3A_14 : vector<16xi1>, vector<16xi32>
    %add3A_1361 = arith.addi %add3A_1351, %select_n3A_1360 : vector<16xi32>
    %get3A_1362 = arith.constant 135 : i32
    %get3A_1363 = arith.constant 0 : i32
    %get3A_1364 = arith.index_cast %get3A_1362 : i32 to index
    %get3A_1365 = arith.index_cast %get3A_1363 : i32 to index
    %get3A_1366 = arith.constant 0 : index
    %get3A_1367 = tpu.vector_load %arg11[%get3A_1364, %get3A_1365, %get3A_1366] {strides = array<i32>} : memref<157x1x128xi32, #tpu.memory_space<vmem>>, vector<1x1x16xi32>,
    %get3A_1368 = vector.shape_cast %get3A_1367 : vector<1x1x16xi32> to vector<16xi32>
    %lt3A_1369 = arith.cmpi slt, %get3A_1368, %broadcast_in_dim3A_10 : vector<16xi32>
    %select_n3A_1370 = arith.select %lt3A_1369, %broadcast_in_dim3A_12, %broadcast_in_dim3A_14 : vector<16xi1>, vector<16xi32>
    %add3A_1371 = arith.addi %add3A_1361, %select_n3A_1370 : vector<16xi32>
    %get3A_1372 = arith.constant 136 : i32
    %get3A_1373 = arith.constant 0 : i32
    %get3A_1374 = arith.index_cast %get3A_1372 : i32 to index
    %get3A_1375 = arith.index_cast %get3A_1373 : i32 to index
    %get3A_1376 = arith.constant 0 : index
    %get3A_1377 = tpu.vector_load %arg11[%get3A_1374, %get3A_1375, %get3A_1376] {strides = array<i32>} : memref<157x1x128xi32, #tpu.memory_space<vmem>>, vector<1x1x16xi32>,
    %get3A_1378 = vector.shape_cast %get3A_1377 : vector<1x1x16xi32> to vector<16xi32>
    %lt3A_1379 = arith.cmpi slt, %get3A_1378, %broadcast_in_dim3A_10 : vector<16xi32>
    %select_n3A_1380 = arith.select %lt3A_1379, %broadcast_in_dim3A_12, %broadcast_in_dim3A_14 : vector<16xi1>, vector<16xi32>
    %add3A_1381 = arith.addi %add3A_1371, %select_n3A_1380 : vector<16xi32>
    %get3A_1382 = arith.constant 137 : i32
    %get3A_1383 = arith.constant 0 : i32
    %get3A_1384 = arith.index_cast %get3A_1382 : i32 to index
    %get3A_1385 = arith.index_cast %get3A_1383 : i32 to index
    %get3A_1386 = arith.constant 0 : index
    %get3A_1387 = tpu.vector_load %arg11[%get3A_1384, %get3A_1385, %get3A_1386] {strides = array<i32>} : memref<157x1x128xi32, #tpu.memory_space<vmem>>, vector<1x1x16xi32>,
    %get3A_1388 = vector.shape_cast %get3A_1387 : vector<1x1x16xi32> to vector<16xi32>
    %lt3A_1389 = arith.cmpi slt, %get3A_1388, %broadcast_in_dim3A_10 : vector<16xi32>
    %select_n3A_1390 = arith.select %lt3A_1389, %broadcast_in_dim3A_12, %broadcast_in_dim3A_14 : vector<16xi1>, vector<16xi32>
    %add3A_1391 = arith.addi %add3A_1381, %select_n3A_1390 : vector<16xi32>
    %get3A_1392 = arith.constant 138 : i32
    %get3A_1393 = arith.constant 0 : i32
    %get3A_1394 = arith.index_cast %get3A_1392 : i32 to index
    %get3A_1395 = arith.index_cast %get3A_1393 : i32 to index
    %get3A_1396 = arith.constant 0 : index
    %get3A_1397 = tpu.vector_load %arg11[%get3A_1394, %get3A_1395, %get3A_1396] {strides = array<i32>} : memref<157x1x128xi32, #tpu.memory_space<vmem>>, vector<1x1x16xi32>,
    %get3A_1398 = vector.shape_cast %get3A_1397 : vector<1x1x16xi32> to vector<16xi32>
    %lt3A_1399 = arith.cmpi slt, %get3A_1398, %broadcast_in_dim3A_10 : vector<16xi32>
    %select_n3A_1400 = arith.select %lt3A_1399, %broadcast_in_dim3A_12, %broadcast_in_dim3A_14 : vector<16xi1>, vector<16xi32>
    %add3A_1401 = arith.addi %add3A_1391, %select_n3A_1400 : vector<16xi32>
    %get3A_1402 = arith.constant 139 : i32
    %get3A_1403 = arith.constant 0 : i32
    %get3A_1404 = arith.index_cast %get3A_1402 : i32 to index
    %get3A_1405 = arith.index_cast %get3A_1403 : i32 to index
    %get3A_1406 = arith.constant 0 : index
    %get3A_1407 = tpu.vector_load %arg11[%get3A_1404, %get3A_1405, %get3A_1406] {strides = array<i32>} : memref<157x1x128xi32, #tpu.memory_space<vmem>>, vector<1x1x16xi32>,
    %get3A_1408 = vector.shape_cast %get3A_1407 : vector<1x1x16xi32> to vector<16xi32>
    %lt3A_1409 = arith.cmpi slt, %get3A_1408, %broadcast_in_dim3A_10 : vector<16xi32>
    %select_n3A_1410 = arith.select %lt3A_1409, %broadcast_in_dim3A_12, %broadcast_in_dim3A_14 : vector<16xi1>, vector<16xi32>
    %add3A_1411 = arith.addi %add3A_1401, %select_n3A_1410 : vector<16xi32>
    %get3A_1412 = arith.constant 140 : i32
    %get3A_1413 = arith.constant 0 : i32
    %get3A_1414 = arith.index_cast %get3A_1412 : i32 to index
    %get3A_1415 = arith.index_cast %get3A_1413 : i32 to index
    %get3A_1416 = arith.constant 0 : index
    %get3A_1417 = tpu.vector_load %arg11[%get3A_1414, %get3A_1415, %get3A_1416] {strides = array<i32>} : memref<157x1x128xi32, #tpu.memory_space<vmem>>, vector<1x1x16xi32>,
    %get3A_1418 = vector.shape_cast %get3A_1417 : vector<1x1x16xi32> to vector<16xi32>
    %lt3A_1419 = arith.cmpi slt, %get3A_1418, %broadcast_in_dim3A_10 : vector<16xi32>
    %select_n3A_1420 = arith.select %lt3A_1419, %broadcast_in_dim3A_12, %broadcast_in_dim3A_14 : vector<16xi1>, vector<16xi32>
    %add3A_1421 = arith.addi %add3A_1411, %select_n3A_1420 : vector<16xi32>
    %get3A_1422 = arith.constant 141 : i32
    %get3A_1423 = arith.constant 0 : i32
    %get3A_1424 = arith.index_cast %get3A_1422 : i32 to index
    %get3A_1425 = arith.index_cast %get3A_1423 : i32 to index
    %get3A_1426 = arith.constant 0 : index
    %get3A_1427 = tpu.vector_load %arg11[%get3A_1424, %get3A_1425, %get3A_1426] {strides = array<i32>} : memref<157x1x128xi32, #tpu.memory_space<vmem>>, vector<1x1x16xi32>,
    %get3A_1428 = vector.shape_cast %get3A_1427 : vector<1x1x16xi32> to vector<16xi32>
    %lt3A_1429 = arith.cmpi slt, %get3A_1428, %broadcast_in_dim3A_10 : vector<16xi32>
    %select_n3A_1430 = arith.select %lt3A_1429, %broadcast_in_dim3A_12, %broadcast_in_dim3A_14 : vector<16xi1>, vector<16xi32>
    %add3A_1431 = arith.addi %add3A_1421, %select_n3A_1430 : vector<16xi32>
    %get3A_1432 = arith.constant 142 : i32
    %get3A_1433 = arith.constant 0 : i32
    %get3A_1434 = arith.index_cast %get3A_1432 : i32 to index
    %get3A_1435 = arith.index_cast %get3A_1433 : i32 to index
    %get3A_1436 = arith.constant 0 : index
    %get3A_1437 = tpu.vector_load %arg11[%get3A_1434, %get3A_1435, %get3A_1436] {strides = array<i32>} : memref<157x1x128xi32, #tpu.memory_space<vmem>>, vector<1x1x16xi32>,
    %get3A_1438 = vector.shape_cast %get3A_1437 : vector<1x1x16xi32> to vector<16xi32>
    %lt3A_1439 = arith.cmpi slt, %get3A_1438, %broadcast_in_dim3A_10 : vector<16xi32>
    %select_n3A_1440 = arith.select %lt3A_1439, %broadcast_in_dim3A_12, %broadcast_in_dim3A_14 : vector<16xi1>, vector<16xi32>
    %add3A_1441 = arith.addi %add3A_1431, %select_n3A_1440 : vector<16xi32>
    %get3A_1442 = arith.constant 143 : i32
    %get3A_1443 = arith.constant 0 : i32
    %get3A_1444 = arith.index_cast %get3A_1442 : i32 to index
    %get3A_1445 = arith.index_cast %get3A_1443 : i32 to index
    %get3A_1446 = arith.constant 0 : index
    %get3A_1447 = tpu.vector_load %arg11[%get3A_1444, %get3A_1445, %get3A_1446] {strides = array<i32>} : memref<157x1x128xi32, #tpu.memory_space<vmem>>, vector<1x1x16xi32>,
    %get3A_1448 = vector.shape_cast %get3A_1447 : vector<1x1x16xi32> to vector<16xi32>
    %lt3A_1449 = arith.cmpi slt, %get3A_1448, %broadcast_in_dim3A_10 : vector<16xi32>
    %select_n3A_1450 = arith.select %lt3A_1449, %broadcast_in_dim3A_12, %broadcast_in_dim3A_14 : vector<16xi1>, vector<16xi32>
    %add3A_1451 = arith.addi %add3A_1441, %select_n3A_1450 : vector<16xi32>
    %get3A_1452 = arith.constant 144 : i32
    %get3A_1453 = arith.constant 0 : i32
    %get3A_1454 = arith.index_cast %get3A_1452 : i32 to index
    %get3A_1455 = arith.index_cast %get3A_1453 : i32 to index
    %get3A_1456 = arith.constant 0 : index
    %get3A_1457 = tpu.vector_load %arg11[%get3A_1454, %get3A_1455, %get3A_1456] {strides = array<i32>} : memref<157x1x128xi32, #tpu.memory_space<vmem>>, vector<1x1x16xi32>,
    %get3A_1458 = vector.shape_cast %get3A_1457 : vector<1x1x16xi32> to vector<16xi32>
    %lt3A_1459 = arith.cmpi slt, %get3A_1458, %broadcast_in_dim3A_10 : vector<16xi32>
    %select_n3A_1460 = arith.select %lt3A_1459, %broadcast_in_dim3A_12, %broadcast_in_dim3A_14 : vector<16xi1>, vector<16xi32>
    %add3A_1461 = arith.addi %add3A_1451, %select_n3A_1460 : vector<16xi32>
    %get3A_1462 = arith.constant 145 : i32
    %get3A_1463 = arith.constant 0 : i32
    %get3A_1464 = arith.index_cast %get3A_1462 : i32 to index
    %get3A_1465 = arith.index_cast %get3A_1463 : i32 to index
    %get3A_1466 = arith.constant 0 : index
    %get3A_1467 = tpu.vector_load %arg11[%get3A_1464, %get3A_1465, %get3A_1466] {strides = array<i32>} : memref<157x1x128xi32, #tpu.memory_space<vmem>>, vector<1x1x16xi32>,
    %get3A_1468 = vector.shape_cast %get3A_1467 : vector<1x1x16xi32> to vector<16xi32>
    %lt3A_1469 = arith.cmpi slt, %get3A_1468, %broadcast_in_dim3A_10 : vector<16xi32>
    %select_n3A_1470 = arith.select %lt3A_1469, %broadcast_in_dim3A_12, %broadcast_in_dim3A_14 : vector<16xi1>, vector<16xi32>
    %add3A_1471 = arith.addi %add3A_1461, %select_n3A_1470 : vector<16xi32>
    %get3A_1472 = arith.constant 146 : i32
    %get3A_1473 = arith.constant 0 : i32
    %get3A_1474 = arith.index_cast %get3A_1472 : i32 to index
    %get3A_1475 = arith.index_cast %get3A_1473 : i32 to index
    %get3A_1476 = arith.constant 0 : index
    %get3A_1477 = tpu.vector_load %arg11[%get3A_1474, %get3A_1475, %get3A_1476] {strides = array<i32>} : memref<157x1x128xi32, #tpu.memory_space<vmem>>, vector<1x1x16xi32>,
    %get3A_1478 = vector.shape_cast %get3A_1477 : vector<1x1x16xi32> to vector<16xi32>
    %lt3A_1479 = arith.cmpi slt, %get3A_1478, %broadcast_in_dim3A_10 : vector<16xi32>
    %select_n3A_1480 = arith.select %lt3A_1479, %broadcast_in_dim3A_12, %broadcast_in_dim3A_14 : vector<16xi1>, vector<16xi32>
    %add3A_1481 = arith.addi %add3A_1471, %select_n3A_1480 : vector<16xi32>
    %get3A_1482 = arith.constant 147 : i32
    %get3A_1483 = arith.constant 0 : i32
    %get3A_1484 = arith.index_cast %get3A_1482 : i32 to index
    %get3A_1485 = arith.index_cast %get3A_1483 : i32 to index
    %get3A_1486 = arith.constant 0 : index
    %get3A_1487 = tpu.vector_load %arg11[%get3A_1484, %get3A_1485, %get3A_1486] {strides = array<i32>} : memref<157x1x128xi32, #tpu.memory_space<vmem>>, vector<1x1x16xi32>,
    %get3A_1488 = vector.shape_cast %get3A_1487 : vector<1x1x16xi32> to vector<16xi32>
    %lt3A_1489 = arith.cmpi slt, %get3A_1488, %broadcast_in_dim3A_10 : vector<16xi32>
    %select_n3A_1490 = arith.select %lt3A_1489, %broadcast_in_dim3A_12, %broadcast_in_dim3A_14 : vector<16xi1>, vector<16xi32>
    %add3A_1491 = arith.addi %add3A_1481, %select_n3A_1490 : vector<16xi32>
    %get3A_1492 = arith.constant 148 : i32
    %get3A_1493 = arith.constant 0 : i32
    %get3A_1494 = arith.index_cast %get3A_1492 : i32 to index
    %get3A_1495 = arith.index_cast %get3A_1493 : i32 to index
    %get3A_1496 = arith.constant 0 : index
    %get3A_1497 = tpu.vector_load %arg11[%get3A_1494, %get3A_1495, %get3A_1496] {strides = array<i32>} : memref<157x1x128xi32, #tpu.memory_space<vmem>>, vector<1x1x16xi32>,
    %get3A_1498 = vector.shape_cast %get3A_1497 : vector<1x1x16xi32> to vector<16xi32>
    %lt3A_1499 = arith.cmpi slt, %get3A_1498, %broadcast_in_dim3A_10 : vector<16xi32>
    %select_n3A_1500 = arith.select %lt3A_1499, %broadcast_in_dim3A_12, %broadcast_in_dim3A_14 : vector<16xi1>, vector<16xi32>
    %add3A_1501 = arith.addi %add3A_1491, %select_n3A_1500 : vector<16xi32>
    %get3A_1502 = arith.constant 149 : i32
    %get3A_1503 = arith.constant 0 : i32
    %get3A_1504 = arith.index_cast %get3A_1502 : i32 to index
    %get3A_1505 = arith.index_cast %get3A_1503 : i32 to index
    %get3A_1506 = arith.constant 0 : index
    %get3A_1507 = tpu.vector_load %arg11[%get3A_1504, %get3A_1505, %get3A_1506] {strides = array<i32>} : memref<157x1x128xi32, #tpu.memory_space<vmem>>, vector<1x1x16xi32>,
    %get3A_1508 = vector.shape_cast %get3A_1507 : vector<1x1x16xi32> to vector<16xi32>
    %lt3A_1509 = arith.cmpi slt, %get3A_1508, %broadcast_in_dim3A_10 : vector<16xi32>
    %select_n3A_1510 = arith.select %lt3A_1509, %broadcast_in_dim3A_12, %broadcast_in_dim3A_14 : vector<16xi1>, vector<16xi32>
    %add3A_1511 = arith.addi %add3A_1501, %select_n3A_1510 : vector<16xi32>
    %get3A_1512 = arith.constant 150 : i32
    %get3A_1513 = arith.constant 0 : i32
    %get3A_1514 = arith.index_cast %get3A_1512 : i32 to index
    %get3A_1515 = arith.index_cast %get3A_1513 : i32 to index
    %get3A_1516 = arith.constant 0 : index
    %get3A_1517 = tpu.vector_load %arg11[%get3A_1514, %get3A_1515, %get3A_1516] {strides = array<i32>} : memref<157x1x128xi32, #tpu.memory_space<vmem>>, vector<1x1x16xi32>,
    %get3A_1518 = vector.shape_cast %get3A_1517 : vector<1x1x16xi32> to vector<16xi32>
    %lt3A_1519 = arith.cmpi slt, %get3A_1518, %broadcast_in_dim3A_10 : vector<16xi32>
    %select_n3A_1520 = arith.select %lt3A_1519, %broadcast_in_dim3A_12, %broadcast_in_dim3A_14 : vector<16xi1>, vector<16xi32>
    %add3A_1521 = arith.addi %add3A_1511, %select_n3A_1520 : vector<16xi32>
    %get3A_1522 = arith.constant 151 : i32
    %get3A_1523 = arith.constant 0 : i32
    %get3A_1524 = arith.index_cast %get3A_1522 : i32 to index
    %get3A_1525 = arith.index_cast %get3A_1523 : i32 to index
    %get3A_1526 = arith.constant 0 : index
    %get3A_1527 = tpu.vector_load %arg11[%get3A_1524, %get3A_1525, %get3A_1526] {strides = array<i32>} : memref<157x1x128xi32, #tpu.memory_space<vmem>>, vector<1x1x16xi32>,
    %get3A_1528 = vector.shape_cast %get3A_1527 : vector<1x1x16xi32> to vector<16xi32>
    %lt3A_1529 = arith.cmpi slt, %get3A_1528, %broadcast_in_dim3A_10 : vector<16xi32>
    %select_n3A_1530 = arith.select %lt3A_1529, %broadcast_in_dim3A_12, %broadcast_in_dim3A_14 : vector<16xi1>, vector<16xi32>
    %add3A_1531 = arith.addi %add3A_1521, %select_n3A_1530 : vector<16xi32>
    %get3A_1532 = arith.constant 152 : i32
    %get3A_1533 = arith.constant 0 : i32
    %get3A_1534 = arith.index_cast %get3A_1532 : i32 to index
    %get3A_1535 = arith.index_cast %get3A_1533 : i32 to index
    %get3A_1536 = arith.constant 0 : index
    %get3A_1537 = tpu.vector_load %arg11[%get3A_1534, %get3A_1535, %get3A_1536] {strides = array<i32>} : memref<157x1x128xi32, #tpu.memory_space<vmem>>, vector<1x1x16xi32>,
    %get3A_1538 = vector.shape_cast %get3A_1537 : vector<1x1x16xi32> to vector<16xi32>
    %lt3A_1539 = arith.cmpi slt, %get3A_1538, %broadcast_in_dim3A_10 : vector<16xi32>
    %select_n3A_1540 = arith.select %lt3A_1539, %broadcast_in_dim3A_12, %broadcast_in_dim3A_14 : vector<16xi1>, vector<16xi32>
    %add3A_1541 = arith.addi %add3A_1531, %select_n3A_1540 : vector<16xi32>
    %get3A_1542 = arith.constant 153 : i32
    %get3A_1543 = arith.constant 0 : i32
    %get3A_1544 = arith.index_cast %get3A_1542 : i32 to index
    %get3A_1545 = arith.index_cast %get3A_1543 : i32 to index
    %get3A_1546 = arith.constant 0 : index
    %get3A_1547 = tpu.vector_load %arg11[%get3A_1544, %get3A_1545, %get3A_1546] {strides = array<i32>} : memref<157x1x128xi32, #tpu.memory_space<vmem>>, vector<1x1x16xi32>,
    %get3A_1548 = vector.shape_cast %get3A_1547 : vector<1x1x16xi32> to vector<16xi32>
    %lt3A_1549 = arith.cmpi slt, %get3A_1548, %broadcast_in_dim3A_10 : vector<16xi32>
    %select_n3A_1550 = arith.select %lt3A_1549, %broadcast_in_dim3A_12, %broadcast_in_dim3A_14 : vector<16xi1>, vector<16xi32>
    %add3A_1551 = arith.addi %add3A_1541, %select_n3A_1550 : vector<16xi32>
    %get3A_1552 = arith.constant 154 : i32
    %get3A_1553 = arith.constant 0 : i32
    %get3A_1554 = arith.index_cast %get3A_1552 : i32 to index
    %get3A_1555 = arith.index_cast %get3A_1553 : i32 to index
    %get3A_1556 = arith.constant 0 : index
    %get3A_1557 = tpu.vector_load %arg11[%get3A_1554, %get3A_1555, %get3A_1556] {strides = array<i32>} : memref<157x1x128xi32, #tpu.memory_space<vmem>>, vector<1x1x16xi32>,
    %get3A_1558 = vector.shape_cast %get3A_1557 : vector<1x1x16xi32> to vector<16xi32>
    %lt3A_1559 = arith.cmpi slt, %get3A_1558, %broadcast_in_dim3A_10 : vector<16xi32>
    %select_n3A_1560 = arith.select %lt3A_1559, %broadcast_in_dim3A_12, %broadcast_in_dim3A_14 : vector<16xi1>, vector<16xi32>
    %add3A_1561 = arith.addi %add3A_1551, %select_n3A_1560 : vector<16xi32>
    %get3A_1562 = arith.constant 155 : i32
    %get3A_1563 = arith.constant 0 : i32
    %get3A_1564 = arith.index_cast %get3A_1562 : i32 to index
    %get3A_1565 = arith.index_cast %get3A_1563 : i32 to index
    %get3A_1566 = arith.constant 0 : index
    %get3A_1567 = tpu.vector_load %arg11[%get3A_1564, %get3A_1565, %get3A_1566] {strides = array<i32>} : memref<157x1x128xi32, #tpu.memory_space<vmem>>, vector<1x1x16xi32>,
    %get3A_1568 = vector.shape_cast %get3A_1567 : vector<1x1x16xi32> to vector<16xi32>
    %lt3A_1569 = arith.cmpi slt, %get3A_1568, %broadcast_in_dim3A_10 : vector<16xi32>
    %select_n3A_1570 = arith.select %lt3A_1569, %broadcast_in_dim3A_12, %broadcast_in_dim3A_14 : vector<16xi1>, vector<16xi32>
    %add3A_1571 = arith.addi %add3A_1561, %select_n3A_1570 : vector<16xi32>
    %get3A_1572 = arith.constant 156 : i32
    %get3A_1573 = arith.constant 0 : i32
    %get3A_1574 = arith.index_cast %get3A_1572 : i32 to index
    %get3A_1575 = arith.index_cast %get3A_1573 : i32 to index
    %get3A_1576 = arith.constant 0 : index
    %get3A_1577 = tpu.vector_load %arg11[%get3A_1574, %get3A_1575, %get3A_1576] {strides = array<i32>} : memref<157x1x128xi32, #tpu.memory_space<vmem>>, vector<1x1x16xi32>,
    %get3A_1578 = vector.shape_cast %get3A_1577 : vector<1x1x16xi32> to vector<16xi32>
    %lt3A_1579 = arith.cmpi slt, %get3A_1578, %broadcast_in_dim3A_10 : vector<16xi32>
    %select_n3A_1580 = arith.select %lt3A_1579, %broadcast_in_dim3A_12, %broadcast_in_dim3A_14 : vector<16xi1>, vector<16xi32>
    %add3A_1581 = arith.addi %add3A_1571, %select_n3A_1580 : vector<16xi32>
    %swap3A = arith.constant 0 : i32
    %swap3A_1582 = arith.index_cast %swap3A : i32 to index
    %swap3A_1583 = arith.constant 0 : index
    %swap3A_1584 = tpu.vector_load %arg12[%swap3A_1582, %swap3A_1583] {strides = array<i32>} : memref<8x16xi32, #tpu.memory_space<vmem>>, vector<1x16xi32>,
    %swap3A_1585 = vector.shape_cast %swap3A_1584 : vector<1x16xi32> to vector<16xi32>
    %swap3A_1586 = vector.shape_cast %add3A_1581 : vector<16xi32> to vector<1x16xi32>
    tpu.vector_store %arg12[%swap3A_1582, %swap3A_1583], %swap3A_1586 {strides = array<i32>} : memref<8x16xi32, #tpu.memory_space<vmem>>, vector<1x16xi32>,
    %eq3A_1587 = arith.constant 0 : i32
    %eq3A_1588 = arith.cmpi eq, %arg1, %eq3A_1587 : i32
    %convert_element_type3A_1589 = arith.extui %eq3A_1588 : i1 to i32
    %cond3A_1590 = arith.constant 0 : i32
    %cond3A_1591 = arith.cmpi ne, %convert_element_type3A_1589, %cond3A_1590 : i32
    scf.if %cond3A_1591 {
      %run_scoped3A = arith.constant 0 : i32
      "tpu.region"() ({
        %run_scoped3A_1835 = tpu.sem_alloc : memref<!tpu.dma_semaphore, #tpu.memory_space<semaphore_mem>>
        %dma_start3A_1836 = arith.constant 0 : i32
        %dma_start3A_1837 = arith.constant 0 : i32
        %dma_start3A_1838 = tpu.memref_slice %arg7[%run_scoped3A, %dma_start3A_1836, %dma_start3A_1837] : memref<16x8x16xi32, #tpu.memory_space<vmem_shared>> -> memref<1x8x16xi32, #tpu.memory_space<vmem_shared>>
        %dma_start3A_1839 = tpu.memref_squeeze %dma_start3A_1838 : memref<1x8x16xi32, #tpu.memory_space<vmem_shared>> -> memref<8x16xi32, #tpu.memory_space<vmem_shared>>
        %dma_start3A_1840 = arith.constant 0 : i32
        %dma_start3A_1841 = arith.constant 0 : i32
        %dma_start3A_1842 = tpu.memref_slice %arg7[%run_scoped3A, %dma_start3A_1840, %dma_start3A_1841] : memref<16x8x16xi32, #tpu.memory_space<vmem_shared>> -> memref<1x8x16xi32, #tpu.memory_space<vmem_shared>>
        %dma_start3A_1843 = tpu.memref_squeeze %dma_start3A_1842 : memref<1x8x16xi32, #tpu.memory_space<vmem_shared>> -> memref<8x16xi32, #tpu.memory_space<vmem_shared>>
        tpu.enqueue_dma source(%arg12 : memref<8x16xi32, #tpu.memory_space<vmem>>) target(%dma_start3A_1843 : memref<8x16xi32, #tpu.memory_space<vmem_shared>>) target_semaphore(%run_scoped3A_1835 : memref<!tpu.dma_semaphore, #tpu.memory_space<semaphore_mem>>)
        %dma_wait3A_1844 = arith.constant 0 : i32
        %dma_wait3A_1845 = arith.constant 0 : i32
        %dma_wait3A_1846 = tpu.memref_slice %arg7[%run_scoped3A, %dma_wait3A_1844, %dma_wait3A_1845] : memref<16x8x16xi32, #tpu.memory_space<vmem_shared>> -> memref<1x8x16xi32, #tpu.memory_space<vmem_shared>>
        %dma_wait3A_1847 = tpu.memref_squeeze %dma_wait3A_1846 : memref<1x8x16xi32, #tpu.memory_space<vmem_shared>> -> memref<8x16xi32, #tpu.memory_space<vmem_shared>>
        %dma_wait3A_1848 = arith.constant 0 : i32
        %dma_wait3A_1849 = arith.constant 0 : i32
        %dma_wait3A_1850 = tpu.memref_slice %arg7[%run_scoped3A, %dma_wait3A_1848, %dma_wait3A_1849] : memref<16x8x16xi32, #tpu.memory_space<vmem_shared>> -> memref<1x8x16xi32, #tpu.memory_space<vmem_shared>>
        %dma_wait3A_1851 = tpu.memref_squeeze %dma_wait3A_1850 : memref<1x8x16xi32, #tpu.memory_space<vmem_shared>> -> memref<8x16xi32, #tpu.memory_space<vmem_shared>>
        tpu.wait_dma2 semaphore(%run_scoped3A_1835 : memref<!tpu.dma_semaphore, #tpu.memory_space<semaphore_mem>>) src(%arg12 : memref<8x16xi32, #tpu.memory_space<vmem>>) dst(%dma_wait3A_1851 : memref<8x16xi32, #tpu.memory_space<vmem_shared>>)
        tpu.yield
      }) : () -> ()
    } else {
    }
    %eq3A_1592 = arith.constant 1 : i32
    %eq3A_1593 = arith.cmpi eq, %arg1, %eq3A_1592 : i32
    %convert_element_type3A_1594 = arith.extui %eq3A_1593 : i1 to i32
    %cond3A_1595 = arith.constant 0 : i32
    %cond3A_1596 = arith.cmpi ne, %convert_element_type3A_1594, %cond3A_1595 : i32
    scf.if %cond3A_1596 {
      %run_scoped3A = arith.constant 1 : i32
      "tpu.region"() ({
        %run_scoped3A_1835 = tpu.sem_alloc : memref<!tpu.dma_semaphore, #tpu.memory_space<semaphore_mem>>
        %dma_start3A_1836 = arith.constant 0 : i32
        %dma_start3A_1837 = arith.constant 0 : i32
        %dma_start3A_1838 = tpu.memref_slice %arg7[%run_scoped3A, %dma_start3A_1836, %dma_start3A_1837] : memref<16x8x16xi32, #tpu.memory_space<vmem_shared>> -> memref<1x8x16xi32, #tpu.memory_space<vmem_shared>>
        %dma_start3A_1839 = tpu.memref_squeeze %dma_start3A_1838 : memref<1x8x16xi32, #tpu.memory_space<vmem_shared>> -> memref<8x16xi32, #tpu.memory_space<vmem_shared>>
        %dma_start3A_1840 = arith.constant 0 : i32
        %dma_start3A_1841 = arith.constant 0 : i32
        %dma_start3A_1842 = tpu.memref_slice %arg7[%run_scoped3A, %dma_start3A_1840, %dma_start3A_1841] : memref<16x8x16xi32, #tpu.memory_space<vmem_shared>> -> memref<1x8x16xi32, #tpu.memory_space<vmem_shared>>
        %dma_start3A_1843 = tpu.memref_squeeze %dma_start3A_1842 : memref<1x8x16xi32, #tpu.memory_space<vmem_shared>> -> memref<8x16xi32, #tpu.memory_space<vmem_shared>>
        tpu.enqueue_dma source(%arg12 : memref<8x16xi32, #tpu.memory_space<vmem>>) target(%dma_start3A_1843 : memref<8x16xi32, #tpu.memory_space<vmem_shared>>) target_semaphore(%run_scoped3A_1835 : memref<!tpu.dma_semaphore, #tpu.memory_space<semaphore_mem>>)
        %dma_wait3A_1844 = arith.constant 0 : i32
        %dma_wait3A_1845 = arith.constant 0 : i32
        %dma_wait3A_1846 = tpu.memref_slice %arg7[%run_scoped3A, %dma_wait3A_1844, %dma_wait3A_1845] : memref<16x8x16xi32, #tpu.memory_space<vmem_shared>> -> memref<1x8x16xi32, #tpu.memory_space<vmem_shared>>
        %dma_wait3A_1847 = tpu.memref_squeeze %dma_wait3A_1846 : memref<1x8x16xi32, #tpu.memory_space<vmem_shared>> -> memref<8x16xi32, #tpu.memory_space<vmem_shared>>
        %dma_wait3A_1848 = arith.constant 0 : i32
        %dma_wait3A_1849 = arith.constant 0 : i32
        %dma_wait3A_1850 = tpu.memref_slice %arg7[%run_scoped3A, %dma_wait3A_1848, %dma_wait3A_1849] : memref<16x8x16xi32, #tpu.memory_space<vmem_shared>> -> memref<1x8x16xi32, #tpu.memory_space<vmem_shared>>
        %dma_wait3A_1851 = tpu.memref_squeeze %dma_wait3A_1850 : memref<1x8x16xi32, #tpu.memory_space<vmem_shared>> -> memref<8x16xi32, #tpu.memory_space<vmem_shared>>
        tpu.wait_dma2 semaphore(%run_scoped3A_1835 : memref<!tpu.dma_semaphore, #tpu.memory_space<semaphore_mem>>) src(%arg12 : memref<8x16xi32, #tpu.memory_space<vmem>>) dst(%dma_wait3A_1851 : memref<8x16xi32, #tpu.memory_space<vmem_shared>>)
        tpu.yield
      }) : () -> ()
    } else {
    }
    %eq3A_1597 = arith.constant 2 : i32
    %eq3A_1598 = arith.cmpi eq, %arg1, %eq3A_1597 : i32
    %convert_element_type3A_1599 = arith.extui %eq3A_1598 : i1 to i32
    %cond3A_1600 = arith.constant 0 : i32
    %cond3A_1601 = arith.cmpi ne, %convert_element_type3A_1599, %cond3A_1600 : i32
    scf.if %cond3A_1601 {
      %run_scoped3A = arith.constant 2 : i32
      "tpu.region"() ({
        %run_scoped3A_1835 = tpu.sem_alloc : memref<!tpu.dma_semaphore, #tpu.memory_space<semaphore_mem>>
        %dma_start3A_1836 = arith.constant 0 : i32
        %dma_start3A_1837 = arith.constant 0 : i32
        %dma_start3A_1838 = tpu.memref_slice %arg7[%run_scoped3A, %dma_start3A_1836, %dma_start3A_1837] : memref<16x8x16xi32, #tpu.memory_space<vmem_shared>> -> memref<1x8x16xi32, #tpu.memory_space<vmem_shared>>
        %dma_start3A_1839 = tpu.memref_squeeze %dma_start3A_1838 : memref<1x8x16xi32, #tpu.memory_space<vmem_shared>> -> memref<8x16xi32, #tpu.memory_space<vmem_shared>>
        %dma_start3A_1840 = arith.constant 0 : i32
        %dma_start3A_1841 = arith.constant 0 : i32
        %dma_start3A_1842 = tpu.memref_slice %arg7[%run_scoped3A, %dma_start3A_1840, %dma_start3A_1841] : memref<16x8x16xi32, #tpu.memory_space<vmem_shared>> -> memref<1x8x16xi32, #tpu.memory_space<vmem_shared>>
        %dma_start3A_1843 = tpu.memref_squeeze %dma_start3A_1842 : memref<1x8x16xi32, #tpu.memory_space<vmem_shared>> -> memref<8x16xi32, #tpu.memory_space<vmem_shared>>
        tpu.enqueue_dma source(%arg12 : memref<8x16xi32, #tpu.memory_space<vmem>>) target(%dma_start3A_1843 : memref<8x16xi32, #tpu.memory_space<vmem_shared>>) target_semaphore(%run_scoped3A_1835 : memref<!tpu.dma_semaphore, #tpu.memory_space<semaphore_mem>>)
        %dma_wait3A_1844 = arith.constant 0 : i32
        %dma_wait3A_1845 = arith.constant 0 : i32
        %dma_wait3A_1846 = tpu.memref_slice %arg7[%run_scoped3A, %dma_wait3A_1844, %dma_wait3A_1845] : memref<16x8x16xi32, #tpu.memory_space<vmem_shared>> -> memref<1x8x16xi32, #tpu.memory_space<vmem_shared>>
        %dma_wait3A_1847 = tpu.memref_squeeze %dma_wait3A_1846 : memref<1x8x16xi32, #tpu.memory_space<vmem_shared>> -> memref<8x16xi32, #tpu.memory_space<vmem_shared>>
        %dma_wait3A_1848 = arith.constant 0 : i32
        %dma_wait3A_1849 = arith.constant 0 : i32
        %dma_wait3A_1850 = tpu.memref_slice %arg7[%run_scoped3A, %dma_wait3A_1848, %dma_wait3A_1849] : memref<16x8x16xi32, #tpu.memory_space<vmem_shared>> -> memref<1x8x16xi32, #tpu.memory_space<vmem_shared>>
        %dma_wait3A_1851 = tpu.memref_squeeze %dma_wait3A_1850 : memref<1x8x16xi32, #tpu.memory_space<vmem_shared>> -> memref<8x16xi32, #tpu.memory_space<vmem_shared>>
        tpu.wait_dma2 semaphore(%run_scoped3A_1835 : memref<!tpu.dma_semaphore, #tpu.memory_space<semaphore_mem>>) src(%arg12 : memref<8x16xi32, #tpu.memory_space<vmem>>) dst(%dma_wait3A_1851 : memref<8x16xi32, #tpu.memory_space<vmem_shared>>)
        tpu.yield
      }) : () -> ()
    } else {
    }
    %eq3A_1602 = arith.constant 3 : i32
    %eq3A_1603 = arith.cmpi eq, %arg1, %eq3A_1602 : i32
    %convert_element_type3A_1604 = arith.extui %eq3A_1603 : i1 to i32
    %cond3A_1605 = arith.constant 0 : i32
    %cond3A_1606 = arith.cmpi ne, %convert_element_type3A_1604, %cond3A_1605 : i32
    scf.if %cond3A_1606 {
      %run_scoped3A = arith.constant 3 : i32
      "tpu.region"() ({
        %run_scoped3A_1835 = tpu.sem_alloc : memref<!tpu.dma_semaphore, #tpu.memory_space<semaphore_mem>>
        %dma_start3A_1836 = arith.constant 0 : i32
        %dma_start3A_1837 = arith.constant 0 : i32
        %dma_start3A_1838 = tpu.memref_slice %arg7[%run_scoped3A, %dma_start3A_1836, %dma_start3A_1837] : memref<16x8x16xi32, #tpu.memory_space<vmem_shared>> -> memref<1x8x16xi32, #tpu.memory_space<vmem_shared>>
        %dma_start3A_1839 = tpu.memref_squeeze %dma_start3A_1838 : memref<1x8x16xi32, #tpu.memory_space<vmem_shared>> -> memref<8x16xi32, #tpu.memory_space<vmem_shared>>
        %dma_start3A_1840 = arith.constant 0 : i32
        %dma_start3A_1841 = arith.constant 0 : i32
        %dma_start3A_1842 = tpu.memref_slice %arg7[%run_scoped3A, %dma_start3A_1840, %dma_start3A_1841] : memref<16x8x16xi32, #tpu.memory_space<vmem_shared>> -> memref<1x8x16xi32, #tpu.memory_space<vmem_shared>>
        %dma_start3A_1843 = tpu.memref_squeeze %dma_start3A_1842 : memref<1x8x16xi32, #tpu.memory_space<vmem_shared>> -> memref<8x16xi32, #tpu.memory_space<vmem_shared>>
        tpu.enqueue_dma source(%arg12 : memref<8x16xi32, #tpu.memory_space<vmem>>) target(%dma_start3A_1843 : memref<8x16xi32, #tpu.memory_space<vmem_shared>>) target_semaphore(%run_scoped3A_1835 : memref<!tpu.dma_semaphore, #tpu.memory_space<semaphore_mem>>)
        %dma_wait3A_1844 = arith.constant 0 : i32
        %dma_wait3A_1845 = arith.constant 0 : i32
        %dma_wait3A_1846 = tpu.memref_slice %arg7[%run_scoped3A, %dma_wait3A_1844, %dma_wait3A_1845] : memref<16x8x16xi32, #tpu.memory_space<vmem_shared>> -> memref<1x8x16xi32, #tpu.memory_space<vmem_shared>>
        %dma_wait3A_1847 = tpu.memref_squeeze %dma_wait3A_1846 : memref<1x8x16xi32, #tpu.memory_space<vmem_shared>> -> memref<8x16xi32, #tpu.memory_space<vmem_shared>>
        %dma_wait3A_1848 = arith.constant 0 : i32
        %dma_wait3A_1849 = arith.constant 0 : i32
        %dma_wait3A_1850 = tpu.memref_slice %arg7[%run_scoped3A, %dma_wait3A_1848, %dma_wait3A_1849] : memref<16x8x16xi32, #tpu.memory_space<vmem_shared>> -> memref<1x8x16xi32, #tpu.memory_space<vmem_shared>>
        %dma_wait3A_1851 = tpu.memref_squeeze %dma_wait3A_1850 : memref<1x8x16xi32, #tpu.memory_space<vmem_shared>> -> memref<8x16xi32, #tpu.memory_space<vmem_shared>>
        tpu.wait_dma2 semaphore(%run_scoped3A_1835 : memref<!tpu.dma_semaphore, #tpu.memory_space<semaphore_mem>>) src(%arg12 : memref<8x16xi32, #tpu.memory_space<vmem>>) dst(%dma_wait3A_1851 : memref<8x16xi32, #tpu.memory_space<vmem_shared>>)
        tpu.yield
      }) : () -> ()
    } else {
    }
    %eq3A_1607 = arith.constant 4 : i32
    %eq3A_1608 = arith.cmpi eq, %arg1, %eq3A_1607 : i32
    %convert_element_type3A_1609 = arith.extui %eq3A_1608 : i1 to i32
    %cond3A_1610 = arith.constant 0 : i32
    %cond3A_1611 = arith.cmpi ne, %convert_element_type3A_1609, %cond3A_1610 : i32
    scf.if %cond3A_1611 {
      %run_scoped3A = arith.constant 4 : i32
      "tpu.region"() ({
        %run_scoped3A_1835 = tpu.sem_alloc : memref<!tpu.dma_semaphore, #tpu.memory_space<semaphore_mem>>
        %dma_start3A_1836 = arith.constant 0 : i32
        %dma_start3A_1837 = arith.constant 0 : i32
        %dma_start3A_1838 = tpu.memref_slice %arg7[%run_scoped3A, %dma_start3A_1836, %dma_start3A_1837] : memref<16x8x16xi32, #tpu.memory_space<vmem_shared>> -> memref<1x8x16xi32, #tpu.memory_space<vmem_shared>>
        %dma_start3A_1839 = tpu.memref_squeeze %dma_start3A_1838 : memref<1x8x16xi32, #tpu.memory_space<vmem_shared>> -> memref<8x16xi32, #tpu.memory_space<vmem_shared>>
        %dma_start3A_1840 = arith.constant 0 : i32
        %dma_start3A_1841 = arith.constant 0 : i32
        %dma_start3A_1842 = tpu.memref_slice %arg7[%run_scoped3A, %dma_start3A_1840, %dma_start3A_1841] : memref<16x8x16xi32, #tpu.memory_space<vmem_shared>> -> memref<1x8x16xi32, #tpu.memory_space<vmem_shared>>
        %dma_start3A_1843 = tpu.memref_squeeze %dma_start3A_1842 : memref<1x8x16xi32, #tpu.memory_space<vmem_shared>> -> memref<8x16xi32, #tpu.memory_space<vmem_shared>>
        tpu.enqueue_dma source(%arg12 : memref<8x16xi32, #tpu.memory_space<vmem>>) target(%dma_start3A_1843 : memref<8x16xi32, #tpu.memory_space<vmem_shared>>) target_semaphore(%run_scoped3A_1835 : memref<!tpu.dma_semaphore, #tpu.memory_space<semaphore_mem>>)
        %dma_wait3A_1844 = arith.constant 0 : i32
        %dma_wait3A_1845 = arith.constant 0 : i32
        %dma_wait3A_1846 = tpu.memref_slice %arg7[%run_scoped3A, %dma_wait3A_1844, %dma_wait3A_1845] : memref<16x8x16xi32, #tpu.memory_space<vmem_shared>> -> memref<1x8x16xi32, #tpu.memory_space<vmem_shared>>
        %dma_wait3A_1847 = tpu.memref_squeeze %dma_wait3A_1846 : memref<1x8x16xi32, #tpu.memory_space<vmem_shared>> -> memref<8x16xi32, #tpu.memory_space<vmem_shared>>
        %dma_wait3A_1848 = arith.constant 0 : i32
        %dma_wait3A_1849 = arith.constant 0 : i32
        %dma_wait3A_1850 = tpu.memref_slice %arg7[%run_scoped3A, %dma_wait3A_1848, %dma_wait3A_1849] : memref<16x8x16xi32, #tpu.memory_space<vmem_shared>> -> memref<1x8x16xi32, #tpu.memory_space<vmem_shared>>
        %dma_wait3A_1851 = tpu.memref_squeeze %dma_wait3A_1850 : memref<1x8x16xi32, #tpu.memory_space<vmem_shared>> -> memref<8x16xi32, #tpu.memory_space<vmem_shared>>
        tpu.wait_dma2 semaphore(%run_scoped3A_1835 : memref<!tpu.dma_semaphore, #tpu.memory_space<semaphore_mem>>) src(%arg12 : memref<8x16xi32, #tpu.memory_space<vmem>>) dst(%dma_wait3A_1851 : memref<8x16xi32, #tpu.memory_space<vmem_shared>>)
        tpu.yield
      }) : () -> ()
    } else {
    }
    %eq3A_1612 = arith.constant 5 : i32
    %eq3A_1613 = arith.cmpi eq, %arg1, %eq3A_1612 : i32
    %convert_element_type3A_1614 = arith.extui %eq3A_1613 : i1 to i32
    %cond3A_1615 = arith.constant 0 : i32
    %cond3A_1616 = arith.cmpi ne, %convert_element_type3A_1614, %cond3A_1615 : i32
    scf.if %cond3A_1616 {
      %run_scoped3A = arith.constant 5 : i32
      "tpu.region"() ({
        %run_scoped3A_1835 = tpu.sem_alloc : memref<!tpu.dma_semaphore, #tpu.memory_space<semaphore_mem>>
        %dma_start3A_1836 = arith.constant 0 : i32
        %dma_start3A_1837 = arith.constant 0 : i32
        %dma_start3A_1838 = tpu.memref_slice %arg7[%run_scoped3A, %dma_start3A_1836, %dma_start3A_1837] : memref<16x8x16xi32, #tpu.memory_space<vmem_shared>> -> memref<1x8x16xi32, #tpu.memory_space<vmem_shared>>
        %dma_start3A_1839 = tpu.memref_squeeze %dma_start3A_1838 : memref<1x8x16xi32, #tpu.memory_space<vmem_shared>> -> memref<8x16xi32, #tpu.memory_space<vmem_shared>>
        %dma_start3A_1840 = arith.constant 0 : i32
        %dma_start3A_1841 = arith.constant 0 : i32
        %dma_start3A_1842 = tpu.memref_slice %arg7[%run_scoped3A, %dma_start3A_1840, %dma_start3A_1841] : memref<16x8x16xi32, #tpu.memory_space<vmem_shared>> -> memref<1x8x16xi32, #tpu.memory_space<vmem_shared>>
        %dma_start3A_1843 = tpu.memref_squeeze %dma_start3A_1842 : memref<1x8x16xi32, #tpu.memory_space<vmem_shared>> -> memref<8x16xi32, #tpu.memory_space<vmem_shared>>
        tpu.enqueue_dma source(%arg12 : memref<8x16xi32, #tpu.memory_space<vmem>>) target(%dma_start3A_1843 : memref<8x16xi32, #tpu.memory_space<vmem_shared>>) target_semaphore(%run_scoped3A_1835 : memref<!tpu.dma_semaphore, #tpu.memory_space<semaphore_mem>>)
        %dma_wait3A_1844 = arith.constant 0 : i32
        %dma_wait3A_1845 = arith.constant 0 : i32
        %dma_wait3A_1846 = tpu.memref_slice %arg7[%run_scoped3A, %dma_wait3A_1844, %dma_wait3A_1845] : memref<16x8x16xi32, #tpu.memory_space<vmem_shared>> -> memref<1x8x16xi32, #tpu.memory_space<vmem_shared>>
        %dma_wait3A_1847 = tpu.memref_squeeze %dma_wait3A_1846 : memref<1x8x16xi32, #tpu.memory_space<vmem_shared>> -> memref<8x16xi32, #tpu.memory_space<vmem_shared>>
        %dma_wait3A_1848 = arith.constant 0 : i32
        %dma_wait3A_1849 = arith.constant 0 : i32
        %dma_wait3A_1850 = tpu.memref_slice %arg7[%run_scoped3A, %dma_wait3A_1848, %dma_wait3A_1849] : memref<16x8x16xi32, #tpu.memory_space<vmem_shared>> -> memref<1x8x16xi32, #tpu.memory_space<vmem_shared>>
        %dma_wait3A_1851 = tpu.memref_squeeze %dma_wait3A_1850 : memref<1x8x16xi32, #tpu.memory_space<vmem_shared>> -> memref<8x16xi32, #tpu.memory_space<vmem_shared>>
        tpu.wait_dma2 semaphore(%run_scoped3A_1835 : memref<!tpu.dma_semaphore, #tpu.memory_space<semaphore_mem>>) src(%arg12 : memref<8x16xi32, #tpu.memory_space<vmem>>) dst(%dma_wait3A_1851 : memref<8x16xi32, #tpu.memory_space<vmem_shared>>)
        tpu.yield
      }) : () -> ()
    } else {
    }
    %eq3A_1617 = arith.constant 6 : i32
    %eq3A_1618 = arith.cmpi eq, %arg1, %eq3A_1617 : i32
    %convert_element_type3A_1619 = arith.extui %eq3A_1618 : i1 to i32
    %cond3A_1620 = arith.constant 0 : i32
    %cond3A_1621 = arith.cmpi ne, %convert_element_type3A_1619, %cond3A_1620 : i32
    scf.if %cond3A_1621 {
      %run_scoped3A = arith.constant 6 : i32
      "tpu.region"() ({
        %run_scoped3A_1835 = tpu.sem_alloc : memref<!tpu.dma_semaphore, #tpu.memory_space<semaphore_mem>>
        %dma_start3A_1836 = arith.constant 0 : i32
        %dma_start3A_1837 = arith.constant 0 : i32
        %dma_start3A_1838 = tpu.memref_slice %arg7[%run_scoped3A, %dma_start3A_1836, %dma_start3A_1837] : memref<16x8x16xi32, #tpu.memory_space<vmem_shared>> -> memref<1x8x16xi32, #tpu.memory_space<vmem_shared>>
        %dma_start3A_1839 = tpu.memref_squeeze %dma_start3A_1838 : memref<1x8x16xi32, #tpu.memory_space<vmem_shared>> -> memref<8x16xi32, #tpu.memory_space<vmem_shared>>
        %dma_start3A_1840 = arith.constant 0 : i32
        %dma_start3A_1841 = arith.constant 0 : i32
        %dma_start3A_1842 = tpu.memref_slice %arg7[%run_scoped3A, %dma_start3A_1840, %dma_start3A_1841] : memref<16x8x16xi32, #tpu.memory_space<vmem_shared>> -> memref<1x8x16xi32, #tpu.memory_space<vmem_shared>>
        %dma_start3A_1843 = tpu.memref_squeeze %dma_start3A_1842 : memref<1x8x16xi32, #tpu.memory_space<vmem_shared>> -> memref<8x16xi32, #tpu.memory_space<vmem_shared>>
        tpu.enqueue_dma source(%arg12 : memref<8x16xi32, #tpu.memory_space<vmem>>) target(%dma_start3A_1843 : memref<8x16xi32, #tpu.memory_space<vmem_shared>>) target_semaphore(%run_scoped3A_1835 : memref<!tpu.dma_semaphore, #tpu.memory_space<semaphore_mem>>)
        %dma_wait3A_1844 = arith.constant 0 : i32
        %dma_wait3A_1845 = arith.constant 0 : i32
        %dma_wait3A_1846 = tpu.memref_slice %arg7[%run_scoped3A, %dma_wait3A_1844, %dma_wait3A_1845] : memref<16x8x16xi32, #tpu.memory_space<vmem_shared>> -> memref<1x8x16xi32, #tpu.memory_space<vmem_shared>>
        %dma_wait3A_1847 = tpu.memref_squeeze %dma_wait3A_1846 : memref<1x8x16xi32, #tpu.memory_space<vmem_shared>> -> memref<8x16xi32, #tpu.memory_space<vmem_shared>>
        %dma_wait3A_1848 = arith.constant 0 : i32
        %dma_wait3A_1849 = arith.constant 0 : i32
        %dma_wait3A_1850 = tpu.memref_slice %arg7[%run_scoped3A, %dma_wait3A_1848, %dma_wait3A_1849] : memref<16x8x16xi32, #tpu.memory_space<vmem_shared>> -> memref<1x8x16xi32, #tpu.memory_space<vmem_shared>>
        %dma_wait3A_1851 = tpu.memref_squeeze %dma_wait3A_1850 : memref<1x8x16xi32, #tpu.memory_space<vmem_shared>> -> memref<8x16xi32, #tpu.memory_space<vmem_shared>>
        tpu.wait_dma2 semaphore(%run_scoped3A_1835 : memref<!tpu.dma_semaphore, #tpu.memory_space<semaphore_mem>>) src(%arg12 : memref<8x16xi32, #tpu.memory_space<vmem>>) dst(%dma_wait3A_1851 : memref<8x16xi32, #tpu.memory_space<vmem_shared>>)
        tpu.yield
      }) : () -> ()
    } else {
    }
    %eq3A_1622 = arith.constant 7 : i32
    %eq3A_1623 = arith.cmpi eq, %arg1, %eq3A_1622 : i32
    %convert_element_type3A_1624 = arith.extui %eq3A_1623 : i1 to i32
    %cond3A_1625 = arith.constant 0 : i32
    %cond3A_1626 = arith.cmpi ne, %convert_element_type3A_1624, %cond3A_1625 : i32
    scf.if %cond3A_1626 {
      %run_scoped3A = arith.constant 7 : i32
      "tpu.region"() ({
        %run_scoped3A_1835 = tpu.sem_alloc : memref<!tpu.dma_semaphore, #tpu.memory_space<semaphore_mem>>
        %dma_start3A_1836 = arith.constant 0 : i32
        %dma_start3A_1837 = arith.constant 0 : i32
        %dma_start3A_1838 = tpu.memref_slice %arg7[%run_scoped3A, %dma_start3A_1836, %dma_start3A_1837] : memref<16x8x16xi32, #tpu.memory_space<vmem_shared>> -> memref<1x8x16xi32, #tpu.memory_space<vmem_shared>>
        %dma_start3A_1839 = tpu.memref_squeeze %dma_start3A_1838 : memref<1x8x16xi32, #tpu.memory_space<vmem_shared>> -> memref<8x16xi32, #tpu.memory_space<vmem_shared>>
        %dma_start3A_1840 = arith.constant 0 : i32
        %dma_start3A_1841 = arith.constant 0 : i32
        %dma_start3A_1842 = tpu.memref_slice %arg7[%run_scoped3A, %dma_start3A_1840, %dma_start3A_1841] : memref<16x8x16xi32, #tpu.memory_space<vmem_shared>> -> memref<1x8x16xi32, #tpu.memory_space<vmem_shared>>
        %dma_start3A_1843 = tpu.memref_squeeze %dma_start3A_1842 : memref<1x8x16xi32, #tpu.memory_space<vmem_shared>> -> memref<8x16xi32, #tpu.memory_space<vmem_shared>>
        tpu.enqueue_dma source(%arg12 : memref<8x16xi32, #tpu.memory_space<vmem>>) target(%dma_start3A_1843 : memref<8x16xi32, #tpu.memory_space<vmem_shared>>) target_semaphore(%run_scoped3A_1835 : memref<!tpu.dma_semaphore, #tpu.memory_space<semaphore_mem>>)
        %dma_wait3A_1844 = arith.constant 0 : i32
        %dma_wait3A_1845 = arith.constant 0 : i32
        %dma_wait3A_1846 = tpu.memref_slice %arg7[%run_scoped3A, %dma_wait3A_1844, %dma_wait3A_1845] : memref<16x8x16xi32, #tpu.memory_space<vmem_shared>> -> memref<1x8x16xi32, #tpu.memory_space<vmem_shared>>
        %dma_wait3A_1847 = tpu.memref_squeeze %dma_wait3A_1846 : memref<1x8x16xi32, #tpu.memory_space<vmem_shared>> -> memref<8x16xi32, #tpu.memory_space<vmem_shared>>
        %dma_wait3A_1848 = arith.constant 0 : i32
        %dma_wait3A_1849 = arith.constant 0 : i32
        %dma_wait3A_1850 = tpu.memref_slice %arg7[%run_scoped3A, %dma_wait3A_1848, %dma_wait3A_1849] : memref<16x8x16xi32, #tpu.memory_space<vmem_shared>> -> memref<1x8x16xi32, #tpu.memory_space<vmem_shared>>
        %dma_wait3A_1851 = tpu.memref_squeeze %dma_wait3A_1850 : memref<1x8x16xi32, #tpu.memory_space<vmem_shared>> -> memref<8x16xi32, #tpu.memory_space<vmem_shared>>
        tpu.wait_dma2 semaphore(%run_scoped3A_1835 : memref<!tpu.dma_semaphore, #tpu.memory_space<semaphore_mem>>) src(%arg12 : memref<8x16xi32, #tpu.memory_space<vmem>>) dst(%dma_wait3A_1851 : memref<8x16xi32, #tpu.memory_space<vmem_shared>>)
        tpu.yield
      }) : () -> ()
    } else {
    }
    %eq3A_1627 = arith.constant 8 : i32
    %eq3A_1628 = arith.cmpi eq, %arg1, %eq3A_1627 : i32
    %convert_element_type3A_1629 = arith.extui %eq3A_1628 : i1 to i32
    %cond3A_1630 = arith.constant 0 : i32
    %cond3A_1631 = arith.cmpi ne, %convert_element_type3A_1629, %cond3A_1630 : i32
    scf.if %cond3A_1631 {
      %run_scoped3A = arith.constant 8 : i32
      "tpu.region"() ({
        %run_scoped3A_1835 = tpu.sem_alloc : memref<!tpu.dma_semaphore, #tpu.memory_space<semaphore_mem>>
        %dma_start3A_1836 = arith.constant 0 : i32
        %dma_start3A_1837 = arith.constant 0 : i32
        %dma_start3A_1838 = tpu.memref_slice %arg7[%run_scoped3A, %dma_start3A_1836, %dma_start3A_1837] : memref<16x8x16xi32, #tpu.memory_space<vmem_shared>> -> memref<1x8x16xi32, #tpu.memory_space<vmem_shared>>
        %dma_start3A_1839 = tpu.memref_squeeze %dma_start3A_1838 : memref<1x8x16xi32, #tpu.memory_space<vmem_shared>> -> memref<8x16xi32, #tpu.memory_space<vmem_shared>>
        %dma_start3A_1840 = arith.constant 0 : i32
        %dma_start3A_1841 = arith.constant 0 : i32
        %dma_start3A_1842 = tpu.memref_slice %arg7[%run_scoped3A, %dma_start3A_1840, %dma_start3A_1841] : memref<16x8x16xi32, #tpu.memory_space<vmem_shared>> -> memref<1x8x16xi32, #tpu.memory_space<vmem_shared>>
        %dma_start3A_1843 = tpu.memref_squeeze %dma_start3A_1842 : memref<1x8x16xi32, #tpu.memory_space<vmem_shared>> -> memref<8x16xi32, #tpu.memory_space<vmem_shared>>
        tpu.enqueue_dma source(%arg12 : memref<8x16xi32, #tpu.memory_space<vmem>>) target(%dma_start3A_1843 : memref<8x16xi32, #tpu.memory_space<vmem_shared>>) target_semaphore(%run_scoped3A_1835 : memref<!tpu.dma_semaphore, #tpu.memory_space<semaphore_mem>>)
        %dma_wait3A_1844 = arith.constant 0 : i32
        %dma_wait3A_1845 = arith.constant 0 : i32
        %dma_wait3A_1846 = tpu.memref_slice %arg7[%run_scoped3A, %dma_wait3A_1844, %dma_wait3A_1845] : memref<16x8x16xi32, #tpu.memory_space<vmem_shared>> -> memref<1x8x16xi32, #tpu.memory_space<vmem_shared>>
        %dma_wait3A_1847 = tpu.memref_squeeze %dma_wait3A_1846 : memref<1x8x16xi32, #tpu.memory_space<vmem_shared>> -> memref<8x16xi32, #tpu.memory_space<vmem_shared>>
        %dma_wait3A_1848 = arith.constant 0 : i32
        %dma_wait3A_1849 = arith.constant 0 : i32
        %dma_wait3A_1850 = tpu.memref_slice %arg7[%run_scoped3A, %dma_wait3A_1848, %dma_wait3A_1849] : memref<16x8x16xi32, #tpu.memory_space<vmem_shared>> -> memref<1x8x16xi32, #tpu.memory_space<vmem_shared>>
        %dma_wait3A_1851 = tpu.memref_squeeze %dma_wait3A_1850 : memref<1x8x16xi32, #tpu.memory_space<vmem_shared>> -> memref<8x16xi32, #tpu.memory_space<vmem_shared>>
        tpu.wait_dma2 semaphore(%run_scoped3A_1835 : memref<!tpu.dma_semaphore, #tpu.memory_space<semaphore_mem>>) src(%arg12 : memref<8x16xi32, #tpu.memory_space<vmem>>) dst(%dma_wait3A_1851 : memref<8x16xi32, #tpu.memory_space<vmem_shared>>)
        tpu.yield
      }) : () -> ()
    } else {
    }
    %eq3A_1632 = arith.constant 9 : i32
    %eq3A_1633 = arith.cmpi eq, %arg1, %eq3A_1632 : i32
    %convert_element_type3A_1634 = arith.extui %eq3A_1633 : i1 to i32
    %cond3A_1635 = arith.constant 0 : i32
    %cond3A_1636 = arith.cmpi ne, %convert_element_type3A_1634, %cond3A_1635 : i32
    scf.if %cond3A_1636 {
      %run_scoped3A = arith.constant 9 : i32
      "tpu.region"() ({
        %run_scoped3A_1835 = tpu.sem_alloc : memref<!tpu.dma_semaphore, #tpu.memory_space<semaphore_mem>>
        %dma_start3A_1836 = arith.constant 0 : i32
        %dma_start3A_1837 = arith.constant 0 : i32
        %dma_start3A_1838 = tpu.memref_slice %arg7[%run_scoped3A, %dma_start3A_1836, %dma_start3A_1837] : memref<16x8x16xi32, #tpu.memory_space<vmem_shared>> -> memref<1x8x16xi32, #tpu.memory_space<vmem_shared>>
        %dma_start3A_1839 = tpu.memref_squeeze %dma_start3A_1838 : memref<1x8x16xi32, #tpu.memory_space<vmem_shared>> -> memref<8x16xi32, #tpu.memory_space<vmem_shared>>
        %dma_start3A_1840 = arith.constant 0 : i32
        %dma_start3A_1841 = arith.constant 0 : i32
        %dma_start3A_1842 = tpu.memref_slice %arg7[%run_scoped3A, %dma_start3A_1840, %dma_start3A_1841] : memref<16x8x16xi32, #tpu.memory_space<vmem_shared>> -> memref<1x8x16xi32, #tpu.memory_space<vmem_shared>>
        %dma_start3A_1843 = tpu.memref_squeeze %dma_start3A_1842 : memref<1x8x16xi32, #tpu.memory_space<vmem_shared>> -> memref<8x16xi32, #tpu.memory_space<vmem_shared>>
        tpu.enqueue_dma source(%arg12 : memref<8x16xi32, #tpu.memory_space<vmem>>) target(%dma_start3A_1843 : memref<8x16xi32, #tpu.memory_space<vmem_shared>>) target_semaphore(%run_scoped3A_1835 : memref<!tpu.dma_semaphore, #tpu.memory_space<semaphore_mem>>)
        %dma_wait3A_1844 = arith.constant 0 : i32
        %dma_wait3A_1845 = arith.constant 0 : i32
        %dma_wait3A_1846 = tpu.memref_slice %arg7[%run_scoped3A, %dma_wait3A_1844, %dma_wait3A_1845] : memref<16x8x16xi32, #tpu.memory_space<vmem_shared>> -> memref<1x8x16xi32, #tpu.memory_space<vmem_shared>>
        %dma_wait3A_1847 = tpu.memref_squeeze %dma_wait3A_1846 : memref<1x8x16xi32, #tpu.memory_space<vmem_shared>> -> memref<8x16xi32, #tpu.memory_space<vmem_shared>>
        %dma_wait3A_1848 = arith.constant 0 : i32
        %dma_wait3A_1849 = arith.constant 0 : i32
        %dma_wait3A_1850 = tpu.memref_slice %arg7[%run_scoped3A, %dma_wait3A_1848, %dma_wait3A_1849] : memref<16x8x16xi32, #tpu.memory_space<vmem_shared>> -> memref<1x8x16xi32, #tpu.memory_space<vmem_shared>>
        %dma_wait3A_1851 = tpu.memref_squeeze %dma_wait3A_1850 : memref<1x8x16xi32, #tpu.memory_space<vmem_shared>> -> memref<8x16xi32, #tpu.memory_space<vmem_shared>>
        tpu.wait_dma2 semaphore(%run_scoped3A_1835 : memref<!tpu.dma_semaphore, #tpu.memory_space<semaphore_mem>>) src(%arg12 : memref<8x16xi32, #tpu.memory_space<vmem>>) dst(%dma_wait3A_1851 : memref<8x16xi32, #tpu.memory_space<vmem_shared>>)
        tpu.yield
      }) : () -> ()
    } else {
    }
    %eq3A_1637 = arith.constant 10 : i32
    %eq3A_1638 = arith.cmpi eq, %arg1, %eq3A_1637 : i32
    %convert_element_type3A_1639 = arith.extui %eq3A_1638 : i1 to i32
    %cond3A_1640 = arith.constant 0 : i32
    %cond3A_1641 = arith.cmpi ne, %convert_element_type3A_1639, %cond3A_1640 : i32
    scf.if %cond3A_1641 {
      %run_scoped3A = arith.constant 10 : i32
      "tpu.region"() ({
        %run_scoped3A_1835 = tpu.sem_alloc : memref<!tpu.dma_semaphore, #tpu.memory_space<semaphore_mem>>
        %dma_start3A_1836 = arith.constant 0 : i32
        %dma_start3A_1837 = arith.constant 0 : i32
        %dma_start3A_1838 = tpu.memref_slice %arg7[%run_scoped3A, %dma_start3A_1836, %dma_start3A_1837] : memref<16x8x16xi32, #tpu.memory_space<vmem_shared>> -> memref<1x8x16xi32, #tpu.memory_space<vmem_shared>>
        %dma_start3A_1839 = tpu.memref_squeeze %dma_start3A_1838 : memref<1x8x16xi32, #tpu.memory_space<vmem_shared>> -> memref<8x16xi32, #tpu.memory_space<vmem_shared>>
        %dma_start3A_1840 = arith.constant 0 : i32
        %dma_start3A_1841 = arith.constant 0 : i32
        %dma_start3A_1842 = tpu.memref_slice %arg7[%run_scoped3A, %dma_start3A_1840, %dma_start3A_1841] : memref<16x8x16xi32, #tpu.memory_space<vmem_shared>> -> memref<1x8x16xi32, #tpu.memory_space<vmem_shared>>
        %dma_start3A_1843 = tpu.memref_squeeze %dma_start3A_1842 : memref<1x8x16xi32, #tpu.memory_space<vmem_shared>> -> memref<8x16xi32, #tpu.memory_space<vmem_shared>>
        tpu.enqueue_dma source(%arg12 : memref<8x16xi32, #tpu.memory_space<vmem>>) target(%dma_start3A_1843 : memref<8x16xi32, #tpu.memory_space<vmem_shared>>) target_semaphore(%run_scoped3A_1835 : memref<!tpu.dma_semaphore, #tpu.memory_space<semaphore_mem>>)
        %dma_wait3A_1844 = arith.constant 0 : i32
        %dma_wait3A_1845 = arith.constant 0 : i32
        %dma_wait3A_1846 = tpu.memref_slice %arg7[%run_scoped3A, %dma_wait3A_1844, %dma_wait3A_1845] : memref<16x8x16xi32, #tpu.memory_space<vmem_shared>> -> memref<1x8x16xi32, #tpu.memory_space<vmem_shared>>
        %dma_wait3A_1847 = tpu.memref_squeeze %dma_wait3A_1846 : memref<1x8x16xi32, #tpu.memory_space<vmem_shared>> -> memref<8x16xi32, #tpu.memory_space<vmem_shared>>
        %dma_wait3A_1848 = arith.constant 0 : i32
        %dma_wait3A_1849 = arith.constant 0 : i32
        %dma_wait3A_1850 = tpu.memref_slice %arg7[%run_scoped3A, %dma_wait3A_1848, %dma_wait3A_1849] : memref<16x8x16xi32, #tpu.memory_space<vmem_shared>> -> memref<1x8x16xi32, #tpu.memory_space<vmem_shared>>
        %dma_wait3A_1851 = tpu.memref_squeeze %dma_wait3A_1850 : memref<1x8x16xi32, #tpu.memory_space<vmem_shared>> -> memref<8x16xi32, #tpu.memory_space<vmem_shared>>
        tpu.wait_dma2 semaphore(%run_scoped3A_1835 : memref<!tpu.dma_semaphore, #tpu.memory_space<semaphore_mem>>) src(%arg12 : memref<8x16xi32, #tpu.memory_space<vmem>>) dst(%dma_wait3A_1851 : memref<8x16xi32, #tpu.memory_space<vmem_shared>>)
        tpu.yield
      }) : () -> ()
    } else {
    }
    %eq3A_1642 = arith.constant 11 : i32
    %eq3A_1643 = arith.cmpi eq, %arg1, %eq3A_1642 : i32
    %convert_element_type3A_1644 = arith.extui %eq3A_1643 : i1 to i32
    %cond3A_1645 = arith.constant 0 : i32
    %cond3A_1646 = arith.cmpi ne, %convert_element_type3A_1644, %cond3A_1645 : i32
    scf.if %cond3A_1646 {
      %run_scoped3A = arith.constant 11 : i32
      "tpu.region"() ({
        %run_scoped3A_1835 = tpu.sem_alloc : memref<!tpu.dma_semaphore, #tpu.memory_space<semaphore_mem>>
        %dma_start3A_1836 = arith.constant 0 : i32
        %dma_start3A_1837 = arith.constant 0 : i32
        %dma_start3A_1838 = tpu.memref_slice %arg7[%run_scoped3A, %dma_start3A_1836, %dma_start3A_1837] : memref<16x8x16xi32, #tpu.memory_space<vmem_shared>> -> memref<1x8x16xi32, #tpu.memory_space<vmem_shared>>
        %dma_start3A_1839 = tpu.memref_squeeze %dma_start3A_1838 : memref<1x8x16xi32, #tpu.memory_space<vmem_shared>> -> memref<8x16xi32, #tpu.memory_space<vmem_shared>>
        %dma_start3A_1840 = arith.constant 0 : i32
        %dma_start3A_1841 = arith.constant 0 : i32
        %dma_start3A_1842 = tpu.memref_slice %arg7[%run_scoped3A, %dma_start3A_1840, %dma_start3A_1841] : memref<16x8x16xi32, #tpu.memory_space<vmem_shared>> -> memref<1x8x16xi32, #tpu.memory_space<vmem_shared>>
        %dma_start3A_1843 = tpu.memref_squeeze %dma_start3A_1842 : memref<1x8x16xi32, #tpu.memory_space<vmem_shared>> -> memref<8x16xi32, #tpu.memory_space<vmem_shared>>
        tpu.enqueue_dma source(%arg12 : memref<8x16xi32, #tpu.memory_space<vmem>>) target(%dma_start3A_1843 : memref<8x16xi32, #tpu.memory_space<vmem_shared>>) target_semaphore(%run_scoped3A_1835 : memref<!tpu.dma_semaphore, #tpu.memory_space<semaphore_mem>>)
        %dma_wait3A_1844 = arith.constant 0 : i32
        %dma_wait3A_1845 = arith.constant 0 : i32
        %dma_wait3A_1846 = tpu.memref_slice %arg7[%run_scoped3A, %dma_wait3A_1844, %dma_wait3A_1845] : memref<16x8x16xi32, #tpu.memory_space<vmem_shared>> -> memref<1x8x16xi32, #tpu.memory_space<vmem_shared>>
        %dma_wait3A_1847 = tpu.memref_squeeze %dma_wait3A_1846 : memref<1x8x16xi32, #tpu.memory_space<vmem_shared>> -> memref<8x16xi32, #tpu.memory_space<vmem_shared>>
        %dma_wait3A_1848 = arith.constant 0 : i32
        %dma_wait3A_1849 = arith.constant 0 : i32
        %dma_wait3A_1850 = tpu.memref_slice %arg7[%run_scoped3A, %dma_wait3A_1848, %dma_wait3A_1849] : memref<16x8x16xi32, #tpu.memory_space<vmem_shared>> -> memref<1x8x16xi32, #tpu.memory_space<vmem_shared>>
        %dma_wait3A_1851 = tpu.memref_squeeze %dma_wait3A_1850 : memref<1x8x16xi32, #tpu.memory_space<vmem_shared>> -> memref<8x16xi32, #tpu.memory_space<vmem_shared>>
        tpu.wait_dma2 semaphore(%run_scoped3A_1835 : memref<!tpu.dma_semaphore, #tpu.memory_space<semaphore_mem>>) src(%arg12 : memref<8x16xi32, #tpu.memory_space<vmem>>) dst(%dma_wait3A_1851 : memref<8x16xi32, #tpu.memory_space<vmem_shared>>)
        tpu.yield
      }) : () -> ()
    } else {
    }
    %eq3A_1647 = arith.constant 12 : i32
    %eq3A_1648 = arith.cmpi eq, %arg1, %eq3A_1647 : i32
    %convert_element_type3A_1649 = arith.extui %eq3A_1648 : i1 to i32
    %cond3A_1650 = arith.constant 0 : i32
    %cond3A_1651 = arith.cmpi ne, %convert_element_type3A_1649, %cond3A_1650 : i32
    scf.if %cond3A_1651 {
      %run_scoped3A = arith.constant 12 : i32
      "tpu.region"() ({
        %run_scoped3A_1835 = tpu.sem_alloc : memref<!tpu.dma_semaphore, #tpu.memory_space<semaphore_mem>>
        %dma_start3A_1836 = arith.constant 0 : i32
        %dma_start3A_1837 = arith.constant 0 : i32
        %dma_start3A_1838 = tpu.memref_slice %arg7[%run_scoped3A, %dma_start3A_1836, %dma_start3A_1837] : memref<16x8x16xi32, #tpu.memory_space<vmem_shared>> -> memref<1x8x16xi32, #tpu.memory_space<vmem_shared>>
        %dma_start3A_1839 = tpu.memref_squeeze %dma_start3A_1838 : memref<1x8x16xi32, #tpu.memory_space<vmem_shared>> -> memref<8x16xi32, #tpu.memory_space<vmem_shared>>
        %dma_start3A_1840 = arith.constant 0 : i32
        %dma_start3A_1841 = arith.constant 0 : i32
        %dma_start3A_1842 = tpu.memref_slice %arg7[%run_scoped3A, %dma_start3A_1840, %dma_start3A_1841] : memref<16x8x16xi32, #tpu.memory_space<vmem_shared>> -> memref<1x8x16xi32, #tpu.memory_space<vmem_shared>>
        %dma_start3A_1843 = tpu.memref_squeeze %dma_start3A_1842 : memref<1x8x16xi32, #tpu.memory_space<vmem_shared>> -> memref<8x16xi32, #tpu.memory_space<vmem_shared>>
        tpu.enqueue_dma source(%arg12 : memref<8x16xi32, #tpu.memory_space<vmem>>) target(%dma_start3A_1843 : memref<8x16xi32, #tpu.memory_space<vmem_shared>>) target_semaphore(%run_scoped3A_1835 : memref<!tpu.dma_semaphore, #tpu.memory_space<semaphore_mem>>)
        %dma_wait3A_1844 = arith.constant 0 : i32
        %dma_wait3A_1845 = arith.constant 0 : i32
        %dma_wait3A_1846 = tpu.memref_slice %arg7[%run_scoped3A, %dma_wait3A_1844, %dma_wait3A_1845] : memref<16x8x16xi32, #tpu.memory_space<vmem_shared>> -> memref<1x8x16xi32, #tpu.memory_space<vmem_shared>>
        %dma_wait3A_1847 = tpu.memref_squeeze %dma_wait3A_1846 : memref<1x8x16xi32, #tpu.memory_space<vmem_shared>> -> memref<8x16xi32, #tpu.memory_space<vmem_shared>>
        %dma_wait3A_1848 = arith.constant 0 : i32
        %dma_wait3A_1849 = arith.constant 0 : i32
        %dma_wait3A_1850 = tpu.memref_slice %arg7[%run_scoped3A, %dma_wait3A_1848, %dma_wait3A_1849] : memref<16x8x16xi32, #tpu.memory_space<vmem_shared>> -> memref<1x8x16xi32, #tpu.memory_space<vmem_shared>>
        %dma_wait3A_1851 = tpu.memref_squeeze %dma_wait3A_1850 : memref<1x8x16xi32, #tpu.memory_space<vmem_shared>> -> memref<8x16xi32, #tpu.memory_space<vmem_shared>>
        tpu.wait_dma2 semaphore(%run_scoped3A_1835 : memref<!tpu.dma_semaphore, #tpu.memory_space<semaphore_mem>>) src(%arg12 : memref<8x16xi32, #tpu.memory_space<vmem>>) dst(%dma_wait3A_1851 : memref<8x16xi32, #tpu.memory_space<vmem_shared>>)
        tpu.yield
      }) : () -> ()
    } else {
    }
    %eq3A_1652 = arith.constant 13 : i32
    %eq3A_1653 = arith.cmpi eq, %arg1, %eq3A_1652 : i32
    %convert_element_type3A_1654 = arith.extui %eq3A_1653 : i1 to i32
    %cond3A_1655 = arith.constant 0 : i32
    %cond3A_1656 = arith.cmpi ne, %convert_element_type3A_1654, %cond3A_1655 : i32
    scf.if %cond3A_1656 {
      %run_scoped3A = arith.constant 13 : i32
      "tpu.region"() ({
        %run_scoped3A_1835 = tpu.sem_alloc : memref<!tpu.dma_semaphore, #tpu.memory_space<semaphore_mem>>
        %dma_start3A_1836 = arith.constant 0 : i32
        %dma_start3A_1837 = arith.constant 0 : i32
        %dma_start3A_1838 = tpu.memref_slice %arg7[%run_scoped3A, %dma_start3A_1836, %dma_start3A_1837] : memref<16x8x16xi32, #tpu.memory_space<vmem_shared>> -> memref<1x8x16xi32, #tpu.memory_space<vmem_shared>>
        %dma_start3A_1839 = tpu.memref_squeeze %dma_start3A_1838 : memref<1x8x16xi32, #tpu.memory_space<vmem_shared>> -> memref<8x16xi32, #tpu.memory_space<vmem_shared>>
        %dma_start3A_1840 = arith.constant 0 : i32
        %dma_start3A_1841 = arith.constant 0 : i32
        %dma_start3A_1842 = tpu.memref_slice %arg7[%run_scoped3A, %dma_start3A_1840, %dma_start3A_1841] : memref<16x8x16xi32, #tpu.memory_space<vmem_shared>> -> memref<1x8x16xi32, #tpu.memory_space<vmem_shared>>
        %dma_start3A_1843 = tpu.memref_squeeze %dma_start3A_1842 : memref<1x8x16xi32, #tpu.memory_space<vmem_shared>> -> memref<8x16xi32, #tpu.memory_space<vmem_shared>>
        tpu.enqueue_dma source(%arg12 : memref<8x16xi32, #tpu.memory_space<vmem>>) target(%dma_start3A_1843 : memref<8x16xi32, #tpu.memory_space<vmem_shared>>) target_semaphore(%run_scoped3A_1835 : memref<!tpu.dma_semaphore, #tpu.memory_space<semaphore_mem>>)
        %dma_wait3A_1844 = arith.constant 0 : i32
        %dma_wait3A_1845 = arith.constant 0 : i32
        %dma_wait3A_1846 = tpu.memref_slice %arg7[%run_scoped3A, %dma_wait3A_1844, %dma_wait3A_1845] : memref<16x8x16xi32, #tpu.memory_space<vmem_shared>> -> memref<1x8x16xi32, #tpu.memory_space<vmem_shared>>
        %dma_wait3A_1847 = tpu.memref_squeeze %dma_wait3A_1846 : memref<1x8x16xi32, #tpu.memory_space<vmem_shared>> -> memref<8x16xi32, #tpu.memory_space<vmem_shared>>
        %dma_wait3A_1848 = arith.constant 0 : i32
        %dma_wait3A_1849 = arith.constant 0 : i32
        %dma_wait3A_1850 = tpu.memref_slice %arg7[%run_scoped3A, %dma_wait3A_1848, %dma_wait3A_1849] : memref<16x8x16xi32, #tpu.memory_space<vmem_shared>> -> memref<1x8x16xi32, #tpu.memory_space<vmem_shared>>
        %dma_wait3A_1851 = tpu.memref_squeeze %dma_wait3A_1850 : memref<1x8x16xi32, #tpu.memory_space<vmem_shared>> -> memref<8x16xi32, #tpu.memory_space<vmem_shared>>
        tpu.wait_dma2 semaphore(%run_scoped3A_1835 : memref<!tpu.dma_semaphore, #tpu.memory_space<semaphore_mem>>) src(%arg12 : memref<8x16xi32, #tpu.memory_space<vmem>>) dst(%dma_wait3A_1851 : memref<8x16xi32, #tpu.memory_space<vmem_shared>>)
        tpu.yield
      }) : () -> ()
    } else {
    }
    %eq3A_1657 = arith.constant 14 : i32
    %eq3A_1658 = arith.cmpi eq, %arg1, %eq3A_1657 : i32
    %convert_element_type3A_1659 = arith.extui %eq3A_1658 : i1 to i32
    %cond3A_1660 = arith.constant 0 : i32
    %cond3A_1661 = arith.cmpi ne, %convert_element_type3A_1659, %cond3A_1660 : i32
    scf.if %cond3A_1661 {
      %run_scoped3A = arith.constant 14 : i32
      "tpu.region"() ({
        %run_scoped3A_1835 = tpu.sem_alloc : memref<!tpu.dma_semaphore, #tpu.memory_space<semaphore_mem>>
        %dma_start3A_1836 = arith.constant 0 : i32
        %dma_start3A_1837 = arith.constant 0 : i32
        %dma_start3A_1838 = tpu.memref_slice %arg7[%run_scoped3A, %dma_start3A_1836, %dma_start3A_1837] : memref<16x8x16xi32, #tpu.memory_space<vmem_shared>> -> memref<1x8x16xi32, #tpu.memory_space<vmem_shared>>
        %dma_start3A_1839 = tpu.memref_squeeze %dma_start3A_1838 : memref<1x8x16xi32, #tpu.memory_space<vmem_shared>> -> memref<8x16xi32, #tpu.memory_space<vmem_shared>>
        %dma_start3A_1840 = arith.constant 0 : i32
        %dma_start3A_1841 = arith.constant 0 : i32
        %dma_start3A_1842 = tpu.memref_slice %arg7[%run_scoped3A, %dma_start3A_1840, %dma_start3A_1841] : memref<16x8x16xi32, #tpu.memory_space<vmem_shared>> -> memref<1x8x16xi32, #tpu.memory_space<vmem_shared>>
        %dma_start3A_1843 = tpu.memref_squeeze %dma_start3A_1842 : memref<1x8x16xi32, #tpu.memory_space<vmem_shared>> -> memref<8x16xi32, #tpu.memory_space<vmem_shared>>
        tpu.enqueue_dma source(%arg12 : memref<8x16xi32, #tpu.memory_space<vmem>>) target(%dma_start3A_1843 : memref<8x16xi32, #tpu.memory_space<vmem_shared>>) target_semaphore(%run_scoped3A_1835 : memref<!tpu.dma_semaphore, #tpu.memory_space<semaphore_mem>>)
        %dma_wait3A_1844 = arith.constant 0 : i32
        %dma_wait3A_1845 = arith.constant 0 : i32
        %dma_wait3A_1846 = tpu.memref_slice %arg7[%run_scoped3A, %dma_wait3A_1844, %dma_wait3A_1845] : memref<16x8x16xi32, #tpu.memory_space<vmem_shared>> -> memref<1x8x16xi32, #tpu.memory_space<vmem_shared>>
        %dma_wait3A_1847 = tpu.memref_squeeze %dma_wait3A_1846 : memref<1x8x16xi32, #tpu.memory_space<vmem_shared>> -> memref<8x16xi32, #tpu.memory_space<vmem_shared>>
        %dma_wait3A_1848 = arith.constant 0 : i32
        %dma_wait3A_1849 = arith.constant 0 : i32
        %dma_wait3A_1850 = tpu.memref_slice %arg7[%run_scoped3A, %dma_wait3A_1848, %dma_wait3A_1849] : memref<16x8x16xi32, #tpu.memory_space<vmem_shared>> -> memref<1x8x16xi32, #tpu.memory_space<vmem_shared>>
        %dma_wait3A_1851 = tpu.memref_squeeze %dma_wait3A_1850 : memref<1x8x16xi32, #tpu.memory_space<vmem_shared>> -> memref<8x16xi32, #tpu.memory_space<vmem_shared>>
        tpu.wait_dma2 semaphore(%run_scoped3A_1835 : memref<!tpu.dma_semaphore, #tpu.memory_space<semaphore_mem>>) src(%arg12 : memref<8x16xi32, #tpu.memory_space<vmem>>) dst(%dma_wait3A_1851 : memref<8x16xi32, #tpu.memory_space<vmem_shared>>)
        tpu.yield
      }) : () -> ()
    } else {
    }
    %eq3A_1662 = arith.constant 15 : i32
    %eq3A_1663 = arith.cmpi eq, %arg1, %eq3A_1662 : i32
    %convert_element_type3A_1664 = arith.extui %eq3A_1663 : i1 to i32
    %cond3A_1665 = arith.constant 0 : i32
    %cond3A_1666 = arith.cmpi ne, %convert_element_type3A_1664, %cond3A_1665 : i32
    scf.if %cond3A_1666 {
      %run_scoped3A = arith.constant 15 : i32
      "tpu.region"() ({
        %run_scoped3A_1835 = tpu.sem_alloc : memref<!tpu.dma_semaphore, #tpu.memory_space<semaphore_mem>>
        %dma_start3A_1836 = arith.constant 0 : i32
        %dma_start3A_1837 = arith.constant 0 : i32
        %dma_start3A_1838 = tpu.memref_slice %arg7[%run_scoped3A, %dma_start3A_1836, %dma_start3A_1837] : memref<16x8x16xi32, #tpu.memory_space<vmem_shared>> -> memref<1x8x16xi32, #tpu.memory_space<vmem_shared>>
        %dma_start3A_1839 = tpu.memref_squeeze %dma_start3A_1838 : memref<1x8x16xi32, #tpu.memory_space<vmem_shared>> -> memref<8x16xi32, #tpu.memory_space<vmem_shared>>
        %dma_start3A_1840 = arith.constant 0 : i32
        %dma_start3A_1841 = arith.constant 0 : i32
        %dma_start3A_1842 = tpu.memref_slice %arg7[%run_scoped3A, %dma_start3A_1840, %dma_start3A_1841] : memref<16x8x16xi32, #tpu.memory_space<vmem_shared>> -> memref<1x8x16xi32, #tpu.memory_space<vmem_shared>>
        %dma_start3A_1843 = tpu.memref_squeeze %dma_start3A_1842 : memref<1x8x16xi32, #tpu.memory_space<vmem_shared>> -> memref<8x16xi32, #tpu.memory_space<vmem_shared>>
        tpu.enqueue_dma source(%arg12 : memref<8x16xi32, #tpu.memory_space<vmem>>) target(%dma_start3A_1843 : memref<8x16xi32, #tpu.memory_space<vmem_shared>>) target_semaphore(%run_scoped3A_1835 : memref<!tpu.dma_semaphore, #tpu.memory_space<semaphore_mem>>)
        %dma_wait3A_1844 = arith.constant 0 : i32
        %dma_wait3A_1845 = arith.constant 0 : i32
        %dma_wait3A_1846 = tpu.memref_slice %arg7[%run_scoped3A, %dma_wait3A_1844, %dma_wait3A_1845] : memref<16x8x16xi32, #tpu.memory_space<vmem_shared>> -> memref<1x8x16xi32, #tpu.memory_space<vmem_shared>>
        %dma_wait3A_1847 = tpu.memref_squeeze %dma_wait3A_1846 : memref<1x8x16xi32, #tpu.memory_space<vmem_shared>> -> memref<8x16xi32, #tpu.memory_space<vmem_shared>>
        %dma_wait3A_1848 = arith.constant 0 : i32
        %dma_wait3A_1849 = arith.constant 0 : i32
        %dma_wait3A_1850 = tpu.memref_slice %arg7[%run_scoped3A, %dma_wait3A_1848, %dma_wait3A_1849] : memref<16x8x16xi32, #tpu.memory_space<vmem_shared>> -> memref<1x8x16xi32, #tpu.memory_space<vmem_shared>>
        %dma_wait3A_1851 = tpu.memref_squeeze %dma_wait3A_1850 : memref<1x8x16xi32, #tpu.memory_space<vmem_shared>> -> memref<8x16xi32, #tpu.memory_space<vmem_shared>>
        tpu.wait_dma2 semaphore(%run_scoped3A_1835 : memref<!tpu.dma_semaphore, #tpu.memory_space<semaphore_mem>>) src(%arg12 : memref<8x16xi32, #tpu.memory_space<vmem>>) dst(%dma_wait3A_1851 : memref<8x16xi32, #tpu.memory_space<vmem_shared>>)
        tpu.yield
      }) : () -> ()
    } else {
    }
    %dma_wait3A = arith.constant 0 : i32
    %dma_wait3A_1667 = tpu.memref_slice %arg6[%mul3A_0, %dma_wait3A] : memref<5008x128xf32, #tpu.memory_space<vmem_shared>> -> memref<312x128xf32, #tpu.memory_space<vmem_shared>>
    %dma_wait3A_1668 = arith.constant 0 : i32
    %dma_wait3A_1669 = tpu.memref_slice %arg2[%add3A, %dma_wait3A_1668] : memref<10000x128xf32, #tpu.memory_space<hbm>> -> memref<312x128xf32, #tpu.memory_space<hbm>>
    tpu.wait_dma2 semaphore(%arg15 : memref<!tpu.dma_semaphore, #tpu.memory_space<semaphore_mem>>) src(%dma_wait3A_1669 : memref<312x128xf32, #tpu.memory_space<hbm>>) dst(%dma_wait3A_1667 : memref<312x128xf32, #tpu.memory_space<vmem_shared>>)
    %eq3A_1670 = arith.constant 15 : i32
    %eq3A_1671 = arith.cmpi eq, %arg1, %eq3A_1670 : i32
    %convert_element_type3A_1672 = arith.extui %eq3A_1671 : i1 to i32
    %cond3A_1673 = arith.constant 0 : i32
    %cond3A_1674 = arith.cmpi ne, %convert_element_type3A_1672, %cond3A_1673 : i32
    scf.if %cond3A_1674 {
      %mul3A_1835 = arith.constant 5000 : i32
      %mul3A_1836 = arith.muli %arg0, %mul3A_1835 : i32
      %add3A_1837 = arith.constant 4992 : i32
      %add3A_1838 = arith.addi %mul3A_1836, %add3A_1837 : i32
      %dma_wait3A_1839 = arith.constant 4992 : i32
      %dma_wait3A_1840 = arith.constant 0 : i32
      %dma_wait3A_1841 = tpu.memref_slice %arg6[%dma_wait3A_1839, %dma_wait3A_1840] : memref<5008x128xf32, #tpu.memory_space<vmem_shared>> -> memref<8x128xf32, #tpu.memory_space<vmem_shared>>
      %dma_wait3A_1842 = arith.constant 0 : i32
      %dma_wait3A_1843 = tpu.memref_slice %arg2[%add3A_1838, %dma_wait3A_1842] : memref<10000x128xf32, #tpu.memory_space<hbm>> -> memref<8x128xf32, #tpu.memory_space<hbm>>
      tpu.wait_dma2 semaphore(%arg15 : memref<!tpu.dma_semaphore, #tpu.memory_space<semaphore_mem>>) src(%dma_wait3A_1843 : memref<8x128xf32, #tpu.memory_space<hbm>>) dst(%dma_wait3A_1841 : memref<8x128xf32, #tpu.memory_space<vmem_shared>>)
    } else {
    }
    %barrier3A = arith.constant 0 : index
    tpu.barrier barrier_id(%barrier3A)
    "tpu.region"() ({
      %run_scoped3A = tpu.sem_alloc : memref<!tpu.dma_semaphore, #tpu.memory_space<semaphore_mem>>
      tpu.enqueue_dma source(%arg7 : memref<16x8x16xi32, #tpu.memory_space<vmem_shared>>) target(%arg13 : memref<16x8x16xi32, #tpu.memory_space<vmem>>) target_semaphore(%run_scoped3A : memref<!tpu.dma_semaphore, #tpu.memory_space<semaphore_mem>>)
      tpu.wait_dma2 semaphore(%run_scoped3A : memref<!tpu.dma_semaphore, #tpu.memory_space<semaphore_mem>>) src(%arg7 : memref<16x8x16xi32, #tpu.memory_space<vmem_shared>>) dst(%arg13 : memref<16x8x16xi32, #tpu.memory_space<vmem>>)
      tpu.yield
    }) : () -> ()
    %get3A_1675 = arith.constant 0 : i32
    %get3A_1676 = arith.constant 0 : i32
    %get3A_1677 = arith.index_cast %get3A_1675 : i32 to index
    %get3A_1678 = arith.index_cast %get3A_1676 : i32 to index
    %get3A_1679 = arith.constant 0 : index
    %get3A_1680 = tpu.vector_load %arg13[%get3A_1677, %get3A_1678, %get3A_1679] {strides = array<i32>} : memref<16x8x16xi32, #tpu.memory_space<vmem>>, vector<1x1x16xi32>,
    %get3A_1681 = vector.shape_cast %get3A_1680 : vector<1x1x16xi32> to vector<16xi32>
    %add3A_1682 = arith.addi %broadcast_in_dim3A_14, %get3A_1681 : vector<16xi32>
    %get3A_1683 = arith.constant 1 : i32
    %get3A_1684 = arith.constant 0 : i32
    %get3A_1685 = arith.index_cast %get3A_1683 : i32 to index
    %get3A_1686 = arith.index_cast %get3A_1684 : i32 to index
    %get3A_1687 = arith.constant 0 : index
    %get3A_1688 = tpu.vector_load %arg13[%get3A_1685, %get3A_1686, %get3A_1687] {strides = array<i32>} : memref<16x8x16xi32, #tpu.memory_space<vmem>>, vector<1x1x16xi32>,
    %get3A_1689 = vector.shape_cast %get3A_1688 : vector<1x1x16xi32> to vector<16xi32>
    %add3A_1690 = arith.addi %add3A_1682, %get3A_1689 : vector<16xi32>
    %get3A_1691 = arith.constant 2 : i32
    %get3A_1692 = arith.constant 0 : i32
    %get3A_1693 = arith.index_cast %get3A_1691 : i32 to index
    %get3A_1694 = arith.index_cast %get3A_1692 : i32 to index
    %get3A_1695 = arith.constant 0 : index
    %get3A_1696 = tpu.vector_load %arg13[%get3A_1693, %get3A_1694, %get3A_1695] {strides = array<i32>} : memref<16x8x16xi32, #tpu.memory_space<vmem>>, vector<1x1x16xi32>,
    %get3A_1697 = vector.shape_cast %get3A_1696 : vector<1x1x16xi32> to vector<16xi32>
    %add3A_1698 = arith.addi %add3A_1690, %get3A_1697 : vector<16xi32>
    %get3A_1699 = arith.constant 3 : i32
    %get3A_1700 = arith.constant 0 : i32
    %get3A_1701 = arith.index_cast %get3A_1699 : i32 to index
    %get3A_1702 = arith.index_cast %get3A_1700 : i32 to index
    %get3A_1703 = arith.constant 0 : index
    %get3A_1704 = tpu.vector_load %arg13[%get3A_1701, %get3A_1702, %get3A_1703] {strides = array<i32>} : memref<16x8x16xi32, #tpu.memory_space<vmem>>, vector<1x1x16xi32>,
    %get3A_1705 = vector.shape_cast %get3A_1704 : vector<1x1x16xi32> to vector<16xi32>
    %add3A_1706 = arith.addi %add3A_1698, %get3A_1705 : vector<16xi32>
    %get3A_1707 = arith.constant 4 : i32
    %get3A_1708 = arith.constant 0 : i32
    %get3A_1709 = arith.index_cast %get3A_1707 : i32 to index
    %get3A_1710 = arith.index_cast %get3A_1708 : i32 to index
    %get3A_1711 = arith.constant 0 : index
    %get3A_1712 = tpu.vector_load %arg13[%get3A_1709, %get3A_1710, %get3A_1711] {strides = array<i32>} : memref<16x8x16xi32, #tpu.memory_space<vmem>>, vector<1x1x16xi32>,
    %get3A_1713 = vector.shape_cast %get3A_1712 : vector<1x1x16xi32> to vector<16xi32>
    %add3A_1714 = arith.addi %add3A_1706, %get3A_1713 : vector<16xi32>
    %get3A_1715 = arith.constant 5 : i32
    %get3A_1716 = arith.constant 0 : i32
    %get3A_1717 = arith.index_cast %get3A_1715 : i32 to index
    %get3A_1718 = arith.index_cast %get3A_1716 : i32 to index
    %get3A_1719 = arith.constant 0 : index
    %get3A_1720 = tpu.vector_load %arg13[%get3A_1717, %get3A_1718, %get3A_1719] {strides = array<i32>} : memref<16x8x16xi32, #tpu.memory_space<vmem>>, vector<1x1x16xi32>,
    %get3A_1721 = vector.shape_cast %get3A_1720 : vector<1x1x16xi32> to vector<16xi32>
    %add3A_1722 = arith.addi %add3A_1714, %get3A_1721 : vector<16xi32>
    %get3A_1723 = arith.constant 6 : i32
    %get3A_1724 = arith.constant 0 : i32
    %get3A_1725 = arith.index_cast %get3A_1723 : i32 to index
    %get3A_1726 = arith.index_cast %get3A_1724 : i32 to index
    %get3A_1727 = arith.constant 0 : index
    %get3A_1728 = tpu.vector_load %arg13[%get3A_1725, %get3A_1726, %get3A_1727] {strides = array<i32>} : memref<16x8x16xi32, #tpu.memory_space<vmem>>, vector<1x1x16xi32>,
    %get3A_1729 = vector.shape_cast %get3A_1728 : vector<1x1x16xi32> to vector<16xi32>
    %add3A_1730 = arith.addi %add3A_1722, %get3A_1729 : vector<16xi32>
    %get3A_1731 = arith.constant 7 : i32
    %get3A_1732 = arith.constant 0 : i32
    %get3A_1733 = arith.index_cast %get3A_1731 : i32 to index
    %get3A_1734 = arith.index_cast %get3A_1732 : i32 to index
    %get3A_1735 = arith.constant 0 : index
    %get3A_1736 = tpu.vector_load %arg13[%get3A_1733, %get3A_1734, %get3A_1735] {strides = array<i32>} : memref<16x8x16xi32, #tpu.memory_space<vmem>>, vector<1x1x16xi32>,
    %get3A_1737 = vector.shape_cast %get3A_1736 : vector<1x1x16xi32> to vector<16xi32>
    %add3A_1738 = arith.addi %add3A_1730, %get3A_1737 : vector<16xi32>
    %get3A_1739 = arith.constant 8 : i32
    %get3A_1740 = arith.constant 0 : i32
    %get3A_1741 = arith.index_cast %get3A_1739 : i32 to index
    %get3A_1742 = arith.index_cast %get3A_1740 : i32 to index
    %get3A_1743 = arith.constant 0 : index
    %get3A_1744 = tpu.vector_load %arg13[%get3A_1741, %get3A_1742, %get3A_1743] {strides = array<i32>} : memref<16x8x16xi32, #tpu.memory_space<vmem>>, vector<1x1x16xi32>,
    %get3A_1745 = vector.shape_cast %get3A_1744 : vector<1x1x16xi32> to vector<16xi32>
    %add3A_1746 = arith.addi %add3A_1738, %get3A_1745 : vector<16xi32>
    %get3A_1747 = arith.constant 9 : i32
    %get3A_1748 = arith.constant 0 : i32
    %get3A_1749 = arith.index_cast %get3A_1747 : i32 to index
    %get3A_1750 = arith.index_cast %get3A_1748 : i32 to index
    %get3A_1751 = arith.constant 0 : index
    %get3A_1752 = tpu.vector_load %arg13[%get3A_1749, %get3A_1750, %get3A_1751] {strides = array<i32>} : memref<16x8x16xi32, #tpu.memory_space<vmem>>, vector<1x1x16xi32>,
    %get3A_1753 = vector.shape_cast %get3A_1752 : vector<1x1x16xi32> to vector<16xi32>
    %add3A_1754 = arith.addi %add3A_1746, %get3A_1753 : vector<16xi32>
    %get3A_1755 = arith.constant 10 : i32
    %get3A_1756 = arith.constant 0 : i32
    %get3A_1757 = arith.index_cast %get3A_1755 : i32 to index
    %get3A_1758 = arith.index_cast %get3A_1756 : i32 to index
    %get3A_1759 = arith.constant 0 : index
    %get3A_1760 = tpu.vector_load %arg13[%get3A_1757, %get3A_1758, %get3A_1759] {strides = array<i32>} : memref<16x8x16xi32, #tpu.memory_space<vmem>>, vector<1x1x16xi32>,
    %get3A_1761 = vector.shape_cast %get3A_1760 : vector<1x1x16xi32> to vector<16xi32>
    %add3A_1762 = arith.addi %add3A_1754, %get3A_1761 : vector<16xi32>
    %get3A_1763 = arith.constant 11 : i32
    %get3A_1764 = arith.constant 0 : i32
    %get3A_1765 = arith.index_cast %get3A_1763 : i32 to index
    %get3A_1766 = arith.index_cast %get3A_1764 : i32 to index
    %get3A_1767 = arith.constant 0 : index
    %get3A_1768 = tpu.vector_load %arg13[%get3A_1765, %get3A_1766, %get3A_1767] {strides = array<i32>} : memref<16x8x16xi32, #tpu.memory_space<vmem>>, vector<1x1x16xi32>,
    %get3A_1769 = vector.shape_cast %get3A_1768 : vector<1x1x16xi32> to vector<16xi32>
    %add3A_1770 = arith.addi %add3A_1762, %get3A_1769 : vector<16xi32>
    %get3A_1771 = arith.constant 12 : i32
    %get3A_1772 = arith.constant 0 : i32
    %get3A_1773 = arith.index_cast %get3A_1771 : i32 to index
    %get3A_1774 = arith.index_cast %get3A_1772 : i32 to index
    %get3A_1775 = arith.constant 0 : index
    %get3A_1776 = tpu.vector_load %arg13[%get3A_1773, %get3A_1774, %get3A_1775] {strides = array<i32>} : memref<16x8x16xi32, #tpu.memory_space<vmem>>, vector<1x1x16xi32>,
    %get3A_1777 = vector.shape_cast %get3A_1776 : vector<1x1x16xi32> to vector<16xi32>
    %add3A_1778 = arith.addi %add3A_1770, %get3A_1777 : vector<16xi32>
    %get3A_1779 = arith.constant 13 : i32
    %get3A_1780 = arith.constant 0 : i32
    %get3A_1781 = arith.index_cast %get3A_1779 : i32 to index
    %get3A_1782 = arith.index_cast %get3A_1780 : i32 to index
    %get3A_1783 = arith.constant 0 : index
    %get3A_1784 = tpu.vector_load %arg13[%get3A_1781, %get3A_1782, %get3A_1783] {strides = array<i32>} : memref<16x8x16xi32, #tpu.memory_space<vmem>>, vector<1x1x16xi32>,
    %get3A_1785 = vector.shape_cast %get3A_1784 : vector<1x1x16xi32> to vector<16xi32>
    %add3A_1786 = arith.addi %add3A_1778, %get3A_1785 : vector<16xi32>
    %get3A_1787 = arith.constant 14 : i32
    %get3A_1788 = arith.constant 0 : i32
    %get3A_1789 = arith.index_cast %get3A_1787 : i32 to index
    %get3A_1790 = arith.index_cast %get3A_1788 : i32 to index
    %get3A_1791 = arith.constant 0 : index
    %get3A_1792 = tpu.vector_load %arg13[%get3A_1789, %get3A_1790, %get3A_1791] {strides = array<i32>} : memref<16x8x16xi32, #tpu.memory_space<vmem>>, vector<1x1x16xi32>,
    %get3A_1793 = vector.shape_cast %get3A_1792 : vector<1x1x16xi32> to vector<16xi32>
    %add3A_1794 = arith.addi %add3A_1786, %get3A_1793 : vector<16xi32>
    %get3A_1795 = arith.constant 15 : i32
    %get3A_1796 = arith.constant 0 : i32
    %get3A_1797 = arith.index_cast %get3A_1795 : i32 to index
    %get3A_1798 = arith.index_cast %get3A_1796 : i32 to index
    %get3A_1799 = arith.constant 0 : index
    %get3A_1800 = tpu.vector_load %arg13[%get3A_1797, %get3A_1798, %get3A_1799] {strides = array<i32>} : memref<16x8x16xi32, #tpu.memory_space<vmem>>, vector<1x1x16xi32>,
    %get3A_1801 = vector.shape_cast %get3A_1800 : vector<1x1x16xi32> to vector<16xi32>
    %add3A_1802 = arith.addi %add3A_1794, %get3A_1801 : vector<16xi32>
    %slice3A = vector.extract_strided_slice %add3A_1802 {offsets = [0], sizes = [1], strides = [1]} : vector<16xi32> to vector<1xi32>
    %squeeze3A = vector.extract %slice3A[0] : i32 from vector<1xi32>
    %sub3A = arith.constant 1 : i32
    %sub3A_1803 = arith.subi %squeeze3A, %sub3A : i32
    %max3A = arith.constant 0 : i32
    %max3A_1804 = arith.maxsi %sub3A_1803, %max3A : i32
    %eq3A_1805 = arith.constant 0 : i32
    %eq3A_1806 = arith.cmpi eq, %arg0, %eq3A_1805 : i32
    %jit3A = arith.constant 0 : i32
    %select_n3A_1807 = arith.select %eq3A_1806, %jit3A, %max3A_1804 : i32
    %eq3A_1808 = arith.constant 0 : i32
    %eq3A_1809 = arith.cmpi eq, %arg0, %eq3A_1808 : i32
    %sub3A_1810 = arith.constant 2500 : i32
    %sub3A_1811 = arith.subi %sub3A_1810, %max3A_1804 : i32
    %select_n3A_1812 = arith.select %eq3A_1809, %squeeze3A, %sub3A_1811 : i32
    %mul3A_1813 = arith.constant 5000 : i32
    %mul3A_1814 = arith.muli %arg0, %mul3A_1813 : i32
    %broadcast_in_dim3A_1815 = vector.broadcast %mul3A_1814 : i32 to vector<16xi32>
    %broadcast_in_dim3A_1816 = arith.constant 5000 : i32
    %broadcast_in_dim3A_1817 = vector.broadcast %broadcast_in_dim3A_1816 : i32 to vector<16xi32>
    %add3A_1818 = arith.constant 0 : i32
    %add3A_1819 = arith.addi %arg1, %add3A_1818 : i32
    %lt3A_1820 = arith.cmpi slt, %add3A_1819, %select_n3A_1812 : i32
    %convert_element_type3A_1821 = arith.extui %lt3A_1820 : i1 to i32
    %cond3A_1822 = arith.constant 0 : i32
    %cond3A_1823 = arith.cmpi ne, %convert_element_type3A_1821, %cond3A_1822 : i32
    scf.if %cond3A_1823 {
      %add3A_1835 = arith.addi %select_n3A_1807, %add3A_1819 : i32
      %dma_start3A_1836 = arith.constant 0 : i32
      %dma_start3A_1837 = arith.constant 0 : i32
      %dma_start3A_1838 = arith.constant 0 : i32
      %dma_start3A_1839 = arith.constant 0 : i32
      %dma_start3A_1840 = tpu.memref_slice %arg9[%dma_start3A_1836, %dma_start3A_1838, %dma_start3A_1839] : memref<2x1x128xi32, #tpu.memory_space<vmem>> -> memref<1x1x128xi32, #tpu.memory_space<vmem>>
      %dma_start3A_1841 = tpu.memref_squeeze %dma_start3A_1840 : memref<1x1x128xi32, #tpu.memory_space<vmem>> -> memref<1x128xi32, #tpu.memory_space<vmem>>
      %dma_start3A_1842 = arith.constant 0 : i32
      %dma_start3A_1843 = arith.constant 0 : i32
      %dma_start3A_1844 = tpu.memref_slice %arg4[%add3A_1835, %dma_start3A_1842, %dma_start3A_1843] : memref<2512x1x128xi32, #tpu.memory_space<hbm>> -> memref<1x1x128xi32, #tpu.memory_space<hbm>>
      %dma_start3A_1845 = tpu.memref_squeeze %dma_start3A_1844 : memref<1x1x128xi32, #tpu.memory_space<hbm>> -> memref<1x128xi32, #tpu.memory_space<hbm>>
      %dma_start3A_1846 = tpu.memref_slice %arg14[%dma_start3A_1837] : memref<2x!tpu.dma_semaphore, #tpu.memory_space<semaphore_mem>> -> memref<1x!tpu.dma_semaphore, #tpu.memory_space<semaphore_mem>>
      %dma_start3A_1847 = tpu.memref_squeeze %dma_start3A_1846 : memref<1x!tpu.dma_semaphore, #tpu.memory_space<semaphore_mem>> -> memref<!tpu.dma_semaphore, #tpu.memory_space<semaphore_mem>>
      %dma_start3A_1848 = arith.constant 0 : i32
      %dma_start3A_1849 = arith.constant 0 : i32
      %dma_start3A_1850 = tpu.memref_slice %arg9[%dma_start3A_1836, %dma_start3A_1848, %dma_start3A_1849] : memref<2x1x128xi32, #tpu.memory_space<vmem>> -> memref<1x1x128xi32, #tpu.memory_space<vmem>>
      %dma_start3A_1851 = tpu.memref_squeeze %dma_start3A_1850 : memref<1x1x128xi32, #tpu.memory_space<vmem>> -> memref<1x128xi32, #tpu.memory_space<vmem>>
      %dma_start3A_1852 = arith.constant 0 : i32
      %dma_start3A_1853 = arith.constant 0 : i32
      %dma_start3A_1854 = tpu.memref_slice %arg4[%add3A_1835, %dma_start3A_1852, %dma_start3A_1853] : memref<2512x1x128xi32, #tpu.memory_space<hbm>> -> memref<1x1x128xi32, #tpu.memory_space<hbm>>
      %dma_start3A_1855 = tpu.memref_squeeze %dma_start3A_1854 : memref<1x1x128xi32, #tpu.memory_space<hbm>> -> memref<1x128xi32, #tpu.memory_space<hbm>>
      tpu.enqueue_dma source(%dma_start3A_1855 : memref<1x128xi32, #tpu.memory_space<hbm>>) target(%dma_start3A_1851 : memref<1x128xi32, #tpu.memory_space<vmem>>) target_semaphore(%dma_start3A_1847 : memref<!tpu.dma_semaphore, #tpu.memory_space<semaphore_mem>>)
      %mul3A_1856 = arith.constant 128 : i32
      %mul3A_1857 = arith.muli %add3A_1835, %mul3A_1856 : i32
      %dma_start3A_1858 = arith.constant 0 : i32
      %dma_start3A_1859 = arith.constant 0 : i32
      %dma_start3A_1860 = arith.constant 0 : i32
      %dma_start3A_1861 = arith.constant 0 : i32
      %dma_start3A_1862 = tpu.memref_slice %arg8[%dma_start3A_1858, %dma_start3A_1860, %dma_start3A_1861] : memref<2x128x128xf32, #tpu.memory_space<vmem>> -> memref<1x128x128xf32, #tpu.memory_space<vmem>>
      %dma_start3A_1863 = tpu.memref_squeeze %dma_start3A_1862 : memref<1x128x128xf32, #tpu.memory_space<vmem>> -> memref<128x128xf32, #tpu.memory_space<vmem>>
      %dma_start3A_1864 = arith.constant 0 : i32
      %dma_start3A_1865 = tpu.memref_slice %arg3[%mul3A_1857, %dma_start3A_1864] : memref<320000x128xf32, #tpu.memory_space<hbm>> -> memref<128x128xf32, #tpu.memory_space<hbm>>
      %dma_start3A_1866 = tpu.memref_slice %arg14[%dma_start3A_1859] : memref<2x!tpu.dma_semaphore, #tpu.memory_space<semaphore_mem>> -> memref<1x!tpu.dma_semaphore, #tpu.memory_space<semaphore_mem>>
      %dma_start3A_1867 = tpu.memref_squeeze %dma_start3A_1866 : memref<1x!tpu.dma_semaphore, #tpu.memory_space<semaphore_mem>> -> memref<!tpu.dma_semaphore, #tpu.memory_space<semaphore_mem>>
      %dma_start3A_1868 = arith.constant 0 : i32
      %dma_start3A_1869 = arith.constant 0 : i32
      %dma_start3A_1870 = tpu.memref_slice %arg8[%dma_start3A_1858, %dma_start3A_1868, %dma_start3A_1869] : memref<2x128x128xf32, #tpu.memory_space<vmem>> -> memref<1x128x128xf32, #tpu.memory_space<vmem>>
      %dma_start3A_1871 = tpu.memref_squeeze %dma_start3A_1870 : memref<1x128x128xf32, #tpu.memory_space<vmem>> -> memref<128x128xf32, #tpu.memory_space<vmem>>
      %dma_start3A_1872 = arith.constant 0 : i32
      %dma_start3A_1873 = tpu.memref_slice %arg3[%mul3A_1857, %dma_start3A_1872] : memref<320000x128xf32, #tpu.memory_space<hbm>> -> memref<128x128xf32, #tpu.memory_space<hbm>>
      tpu.enqueue_dma source(%dma_start3A_1873 : memref<128x128xf32, #tpu.memory_space<hbm>>) target(%dma_start3A_1871 : memref<128x128xf32, #tpu.memory_space<vmem>>) target_semaphore(%dma_start3A_1867 : memref<!tpu.dma_semaphore, #tpu.memory_space<semaphore_mem>>)
    } else {
    }
    %scan3A = arith.constant 0 : i32
    %scan3A_1824 = arith.constant 0 : i32
    %scan3A_1825 = arith.constant 79 : i32
    %scan3A_1826 = arith.addi %scan3A_1824, %scan3A_1825 : i32
    %scan3A_1827 = arith.constant 1 : i32
    scf.for %scan3A_1835 = %scan3A_1824 to %scan3A_1826 step %scan3A_1827  : i32 {
      %mul3A_1836 = arith.constant 2 : i32
      %mul3A_1837 = arith.muli %mul3A_1836, %scan3A_1835 : i32
      %add3A_1838 = arith.constant 1 : i32
      %add3A_1839 = arith.addi %mul3A_1837, %add3A_1838 : i32
      %mul3A_1840 = arith.constant 16 : i32
      %mul3A_1841 = arith.muli %add3A_1839, %mul3A_1840 : i32
      %add3A_1842 = arith.addi %arg1, %mul3A_1841 : i32
      %lt3A_1843 = arith.cmpi slt, %add3A_1842, %select_n3A_1812 : i32
      %convert_element_type3A_1844 = arith.extui %lt3A_1843 : i1 to i32
      %cond3A_1845 = arith.constant 0 : i32
      %cond3A_1846 = arith.cmpi ne, %convert_element_type3A_1844, %cond3A_1845 : i32
      scf.if %cond3A_1846 {
        %add3A_1872 = arith.addi %select_n3A_1807, %add3A_1842 : i32
        %dma_start3A_1873 = arith.constant 1 : i32
        %dma_start3A_1874 = arith.constant 1 : i32
        %dma_start3A_1875 = arith.constant 0 : i32
        %dma_start3A_1876 = arith.constant 0 : i32
        %dma_start3A_1877 = tpu.memref_slice %arg9[%dma_start3A_1873, %dma_start3A_1875, %dma_start3A_1876] : memref<2x1x128xi32, #tpu.memory_space<vmem>> -> memref<1x1x128xi32, #tpu.memory_space<vmem>>
        %dma_start3A_1878 = tpu.memref_squeeze %dma_start3A_1877 : memref<1x1x128xi32, #tpu.memory_space<vmem>> -> memref<1x128xi32, #tpu.memory_space<vmem>>
        %dma_start3A_1879 = arith.constant 0 : i32
        %dma_start3A_1880 = arith.constant 0 : i32
        %dma_start3A_1881 = tpu.memref_slice %arg4[%add3A_1872, %dma_start3A_1879, %dma_start3A_1880] : memref<2512x1x128xi32, #tpu.memory_space<hbm>> -> memref<1x1x128xi32, #tpu.memory_space<hbm>>
        %dma_start3A_1882 = tpu.memref_squeeze %dma_start3A_1881 : memref<1x1x128xi32, #tpu.memory_space<hbm>> -> memref<1x128xi32, #tpu.memory_space<hbm>>
        %dma_start3A_1883 = tpu.memref_slice %arg14[%dma_start3A_1874] : memref<2x!tpu.dma_semaphore, #tpu.memory_space<semaphore_mem>> -> memref<1x!tpu.dma_semaphore, #tpu.memory_space<semaphore_mem>>
        %dma_start3A_1884 = tpu.memref_squeeze %dma_start3A_1883 : memref<1x!tpu.dma_semaphore, #tpu.memory_space<semaphore_mem>> -> memref<!tpu.dma_semaphore, #tpu.memory_space<semaphore_mem>>
        %dma_start3A_1885 = arith.constant 0 : i32
        %dma_start3A_1886 = arith.constant 0 : i32
        %dma_start3A_1887 = tpu.memref_slice %arg9[%dma_start3A_1873, %dma_start3A_1885, %dma_start3A_1886] : memref<2x1x128xi32, #tpu.memory_space<vmem>> -> memref<1x1x128xi32, #tpu.memory_space<vmem>>
        %dma_start3A_1888 = tpu.memref_squeeze %dma_start3A_1887 : memref<1x1x128xi32, #tpu.memory_space<vmem>> -> memref<1x128xi32, #tpu.memory_space<vmem>>
        %dma_start3A_1889 = arith.constant 0 : i32
        %dma_start3A_1890 = arith.constant 0 : i32
        %dma_start3A_1891 = tpu.memref_slice %arg4[%add3A_1872, %dma_start3A_1889, %dma_start3A_1890] : memref<2512x1x128xi32, #tpu.memory_space<hbm>> -> memref<1x1x128xi32, #tpu.memory_space<hbm>>
        %dma_start3A_1892 = tpu.memref_squeeze %dma_start3A_1891 : memref<1x1x128xi32, #tpu.memory_space<hbm>> -> memref<1x128xi32, #tpu.memory_space<hbm>>
        tpu.enqueue_dma source(%dma_start3A_1892 : memref<1x128xi32, #tpu.memory_space<hbm>>) target(%dma_start3A_1888 : memref<1x128xi32, #tpu.memory_space<vmem>>) target_semaphore(%dma_start3A_1884 : memref<!tpu.dma_semaphore, #tpu.memory_space<semaphore_mem>>)
        %mul3A_1893 = arith.constant 128 : i32
        %mul3A_1894 = arith.muli %add3A_1872, %mul3A_1893 : i32
        %dma_start3A_1895 = arith.constant 1 : i32
        %dma_start3A_1896 = arith.constant 1 : i32
        %dma_start3A_1897 = arith.constant 0 : i32
        %dma_start3A_1898 = arith.constant 0 : i32
        %dma_start3A_1899 = tpu.memref_slice %arg8[%dma_start3A_1895, %dma_start3A_1897, %dma_start3A_1898] : memref<2x128x128xf32, #tpu.memory_space<vmem>> -> memref<1x128x128xf32, #tpu.memory_space<vmem>>
        %dma_start3A_1900 = tpu.memref_squeeze %dma_start3A_1899 : memref<1x128x128xf32, #tpu.memory_space<vmem>> -> memref<128x128xf32, #tpu.memory_space<vmem>>
        %dma_start3A_1901 = arith.constant 0 : i32
        %dma_start3A_1902 = tpu.memref_slice %arg3[%mul3A_1894, %dma_start3A_1901] : memref<320000x128xf32, #tpu.memory_space<hbm>> -> memref<128x128xf32, #tpu.memory_space<hbm>>
        %dma_start3A_1903 = tpu.memref_slice %arg14[%dma_start3A_1896] : memref<2x!tpu.dma_semaphore, #tpu.memory_space<semaphore_mem>> -> memref<1x!tpu.dma_semaphore, #tpu.memory_space<semaphore_mem>>
        %dma_start3A_1904 = tpu.memref_squeeze %dma_start3A_1903 : memref<1x!tpu.dma_semaphore, #tpu.memory_space<semaphore_mem>> -> memref<!tpu.dma_semaphore, #tpu.memory_space<semaphore_mem>>
        %dma_start3A_1905 = arith.constant 0 : i32
        %dma_start3A_1906 = arith.constant 0 : i32
        %dma_start3A_1907 = tpu.memref_slice %arg8[%dma_start3A_1895, %dma_start3A_1905, %dma_start3A_1906] : memref<2x128x128xf32, #tpu.memory_space<vmem>> -> memref<1x128x128xf32, #tpu.memory_space<vmem>>
        %dma_start3A_1908 = tpu.memref_squeeze %dma_start3A_1907 : memref<1x128x128xf32, #tpu.memory_space<vmem>> -> memref<128x128xf32, #tpu.memory_space<vmem>>
        %dma_start3A_1909 = arith.constant 0 : i32
        %dma_start3A_1910 = tpu.memref_slice %arg3[%mul3A_1894, %dma_start3A_1909] : memref<320000x128xf32, #tpu.memory_space<hbm>> -> memref<128x128xf32, #tpu.memory_space<hbm>>
        tpu.enqueue_dma source(%dma_start3A_1910 : memref<128x128xf32, #tpu.memory_space<hbm>>) target(%dma_start3A_1908 : memref<128x128xf32, #tpu.memory_space<vmem>>) target_semaphore(%dma_start3A_1904 : memref<!tpu.dma_semaphore, #tpu.memory_space<semaphore_mem>>)
      } else {
      }
      %mul3A_1847 = arith.constant 16 : i32
      %mul3A_1848 = arith.muli %mul3A_1837, %mul3A_1847 : i32
      %add3A_1849 = arith.addi %arg1, %mul3A_1848 : i32
      %lt3A_1850 = arith.cmpi slt, %add3A_1849, %select_n3A_1812 : i32
      %convert_element_type3A_1851 = arith.extui %lt3A_1850 : i1 to i32
      %cond3A_1852 = arith.constant 0 : i32
      %cond3A_1853 = arith.cmpi ne, %convert_element_type3A_1851, %cond3A_1852 : i32
      scf.if %cond3A_1853 {
        %add3A_1872 = arith.addi %select_n3A_1807, %add3A_1849 : i32
        %mul3A_1873 = arith.constant 128 : i32
        %mul3A_1874 = arith.muli %add3A_1872, %mul3A_1873 : i32
        %dma_wait3A_1875 = arith.constant 0 : i32
        %dma_wait3A_1876 = arith.constant 0 : i32
        %dma_wait3A_1877 = arith.constant 0 : i32
        %dma_wait3A_1878 = arith.constant 0 : i32
        %dma_wait3A_1879 = tpu.memref_slice %arg8[%dma_wait3A_1875, %dma_wait3A_1877, %dma_wait3A_1878] : memref<2x128x128xf32, #tpu.memory_space<vmem>> -> memref<1x128x128xf32, #tpu.memory_space<vmem>>
        %dma_wait3A_1880 = tpu.memref_squeeze %dma_wait3A_1879 : memref<1x128x128xf32, #tpu.memory_space<vmem>> -> memref<128x128xf32, #tpu.memory_space<vmem>>
        %dma_wait3A_1881 = arith.constant 0 : i32
        %dma_wait3A_1882 = tpu.memref_slice %arg3[%mul3A_1874, %dma_wait3A_1881] : memref<320000x128xf32, #tpu.memory_space<hbm>> -> memref<128x128xf32, #tpu.memory_space<hbm>>
        %dma_wait3A_1883 = tpu.memref_slice %arg14[%dma_wait3A_1876] : memref<2x!tpu.dma_semaphore, #tpu.memory_space<semaphore_mem>> -> memref<1x!tpu.dma_semaphore, #tpu.memory_space<semaphore_mem>>
        %dma_wait3A_1884 = tpu.memref_squeeze %dma_wait3A_1883 : memref<1x!tpu.dma_semaphore, #tpu.memory_space<semaphore_mem>> -> memref<!tpu.dma_semaphore, #tpu.memory_space<semaphore_mem>>
        %dma_wait3A_1885 = arith.constant 0 : i32
        %dma_wait3A_1886 = arith.constant 0 : i32
        %dma_wait3A_1887 = tpu.memref_slice %arg8[%dma_wait3A_1875, %dma_wait3A_1885, %dma_wait3A_1886] : memref<2x128x128xf32, #tpu.memory_space<vmem>> -> memref<1x128x128xf32, #tpu.memory_space<vmem>>
        %dma_wait3A_1888 = tpu.memref_squeeze %dma_wait3A_1887 : memref<1x128x128xf32, #tpu.memory_space<vmem>> -> memref<128x128xf32, #tpu.memory_space<vmem>>
        %dma_wait3A_1889 = arith.constant 0 : i32
        %dma_wait3A_1890 = tpu.memref_slice %arg3[%mul3A_1874, %dma_wait3A_1889] : memref<320000x128xf32, #tpu.memory_space<hbm>> -> memref<128x128xf32, #tpu.memory_space<hbm>>
        tpu.wait_dma2 semaphore(%dma_wait3A_1884 : memref<!tpu.dma_semaphore, #tpu.memory_space<semaphore_mem>>) src(%dma_wait3A_1890 : memref<128x128xf32, #tpu.memory_space<hbm>>) dst(%dma_wait3A_1888 : memref<128x128xf32, #tpu.memory_space<vmem>>)
        %dma_wait3A_1891 = arith.constant 0 : i32
        %dma_wait3A_1892 = arith.constant 0 : i32
        %dma_wait3A_1893 = arith.constant 0 : i32
        %dma_wait3A_1894 = arith.constant 0 : i32
        %dma_wait3A_1895 = tpu.memref_slice %arg9[%dma_wait3A_1891, %dma_wait3A_1893, %dma_wait3A_1894] : memref<2x1x128xi32, #tpu.memory_space<vmem>> -> memref<1x1x128xi32, #tpu.memory_space<vmem>>
        %dma_wait3A_1896 = tpu.memref_squeeze %dma_wait3A_1895 : memref<1x1x128xi32, #tpu.memory_space<vmem>> -> memref<1x128xi32, #tpu.memory_space<vmem>>
        %dma_wait3A_1897 = arith.constant 0 : i32
        %dma_wait3A_1898 = arith.constant 0 : i32
        %dma_wait3A_1899 = tpu.memref_slice %arg4[%add3A_1872, %dma_wait3A_1897, %dma_wait3A_1898] : memref<2512x1x128xi32, #tpu.memory_space<hbm>> -> memref<1x1x128xi32, #tpu.memory_space<hbm>>
        %dma_wait3A_1900 = tpu.memref_squeeze %dma_wait3A_1899 : memref<1x1x128xi32, #tpu.memory_space<hbm>> -> memref<1x128xi32, #tpu.memory_space<hbm>>
        %dma_wait3A_1901 = tpu.memref_slice %arg14[%dma_wait3A_1892] : memref<2x!tpu.dma_semaphore, #tpu.memory_space<semaphore_mem>> -> memref<1x!tpu.dma_semaphore, #tpu.memory_space<semaphore_mem>>
        %dma_wait3A_1902 = tpu.memref_squeeze %dma_wait3A_1901 : memref<1x!tpu.dma_semaphore, #tpu.memory_space<semaphore_mem>> -> memref<!tpu.dma_semaphore, #tpu.memory_space<semaphore_mem>>
        %dma_wait3A_1903 = arith.constant 0 : i32
        %dma_wait3A_1904 = arith.constant 0 : i32
        %dma_wait3A_1905 = tpu.memref_slice %arg9[%dma_wait3A_1891, %dma_wait3A_1903, %dma_wait3A_1904] : memref<2x1x128xi32, #tpu.memory_space<vmem>> -> memref<1x1x128xi32, #tpu.memory_space<vmem>>
        %dma_wait3A_1906 = tpu.memref_squeeze %dma_wait3A_1905 : memref<1x1x128xi32, #tpu.memory_space<vmem>> -> memref<1x128xi32, #tpu.memory_space<vmem>>
        %dma_wait3A_1907 = arith.constant 0 : i32
        %dma_wait3A_1908 = arith.constant 0 : i32
        %dma_wait3A_1909 = tpu.memref_slice %arg4[%add3A_1872, %dma_wait3A_1907, %dma_wait3A_1908] : memref<2512x1x128xi32, #tpu.memory_space<hbm>> -> memref<1x1x128xi32, #tpu.memory_space<hbm>>
        %dma_wait3A_1910 = tpu.memref_squeeze %dma_wait3A_1909 : memref<1x1x128xi32, #tpu.memory_space<hbm>> -> memref<1x128xi32, #tpu.memory_space<hbm>>
        tpu.wait_dma2 semaphore(%dma_wait3A_1902 : memref<!tpu.dma_semaphore, #tpu.memory_space<semaphore_mem>>) src(%dma_wait3A_1910 : memref<1x128xi32, #tpu.memory_space<hbm>>) dst(%dma_wait3A_1906 : memref<1x128xi32, #tpu.memory_space<vmem>>)
        %get3A_1911 = arith.constant 0 : i32
        %get3A_1912 = arith.constant 0 : i32
        %get3A_1913 = arith.index_cast %get3A_1911 : i32 to index
        %get3A_1914 = arith.index_cast %get3A_1912 : i32 to index
        %get3A_1915 = arith.constant 0 : index
        %get3A_1916 = tpu.vector_load %arg9[%get3A_1913, %get3A_1914, %get3A_1915] {strides = array<i32>} : memref<2x1x128xi32, #tpu.memory_space<vmem>>, vector<1x1x16xi32>,
        %get3A_1917 = vector.shape_cast %get3A_1916 : vector<1x1x16xi32> to vector<16xi32>
        %sub3A_1918 = arith.subi %get3A_1917, %broadcast_in_dim3A_1815 : vector<16xi32>
        %ge3A = arith.cmpi sge, %sub3A_1918, %broadcast_in_dim3A_14 : vector<16xi32>
        %lt3A_1919 = arith.cmpi slt, %sub3A_1918, %broadcast_in_dim3A_10 : vector<16xi32>
        %and3A = arith.andi %ge3A, %lt3A_1919 : vector<16xi1>
        %select_n3A_1920 = arith.select %and3A, %sub3A_1918, %broadcast_in_dim3A_1817 : vector<16xi1>, vector<16xi32>
        %swap3A_1921 = arith.constant 0 : i32
        %swap3A_1922 = arith.constant 0 : i32
        %swap3A_1923 = arith.index_cast %swap3A_1921 : i32 to index
        %swap3A_1924 = arith.index_cast %swap3A_1922 : i32 to index
        %swap3A_1925 = arith.constant 0 : index
        %swap3A_1926 = tpu.vector_load %arg10[%swap3A_1923, %swap3A_1924, %swap3A_1925] {strides = array<i32>} : memref<2x1x128xi32, #tpu.memory_space<vmem>>, vector<1x1x16xi32>,
        %swap3A_1927 = vector.shape_cast %swap3A_1926 : vector<1x1x16xi32> to vector<16xi32>
        %swap3A_1928 = vector.shape_cast %select_n3A_1920 : vector<16xi32> to vector<1x1x16xi32>
        tpu.vector_store %arg10[%swap3A_1923, %swap3A_1924, %swap3A_1925], %swap3A_1928 {strides = array<i32>} : memref<2x1x128xi32, #tpu.memory_space<vmem>>, vector<1x1x16xi32>,
        %get3A_1929 = arith.constant 0 : i32
        %get3A_1930 = arith.constant 0 : i32
        %get3A_1931 = arith.index_cast %get3A_1929 : i32 to index
        %get3A_1932 = arith.index_cast %get3A_1930 : i32 to index
        %get3A_1933 = arith.constant 16 : index
        %get3A_1934 = tpu.vector_load %arg9[%get3A_1931, %get3A_1932, %get3A_1933] {strides = array<i32>} : memref<2x1x128xi32, #tpu.memory_space<vmem>>, vector<1x1x16xi32>,
        %get3A_1935 = vector.shape_cast %get3A_1934 : vector<1x1x16xi32> to vector<16xi32>
        %sub3A_1936 = arith.subi %get3A_1935, %broadcast_in_dim3A_1815 : vector<16xi32>
        %ge3A_1937 = arith.cmpi sge, %sub3A_1936, %broadcast_in_dim3A_14 : vector<16xi32>
        %lt3A_1938 = arith.cmpi slt, %sub3A_1936, %broadcast_in_dim3A_10 : vector<16xi32>
        %and3A_1939 = arith.andi %ge3A_1937, %lt3A_1938 : vector<16xi1>
        %select_n3A_1940 = arith.select %and3A_1939, %sub3A_1936, %broadcast_in_dim3A_1817 : vector<16xi1>, vector<16xi32>
        %swap3A_1941 = arith.constant 0 : i32
        %swap3A_1942 = arith.constant 0 : i32
        %swap3A_1943 = arith.index_cast %swap3A_1941 : i32 to index
        %swap3A_1944 = arith.index_cast %swap3A_1942 : i32 to index
        %swap3A_1945 = arith.constant 16 : index
        %swap3A_1946 = tpu.vector_load %arg10[%swap3A_1943, %swap3A_1944, %swap3A_1945] {strides = array<i32>} : memref<2x1x128xi32, #tpu.memory_space<vmem>>, vector<1x1x16xi32>,
        %swap3A_1947 = vector.shape_cast %swap3A_1946 : vector<1x1x16xi32> to vector<16xi32>
        %swap3A_1948 = vector.shape_cast %select_n3A_1940 : vector<16xi32> to vector<1x1x16xi32>
        tpu.vector_store %arg10[%swap3A_1943, %swap3A_1944, %swap3A_1945], %swap3A_1948 {strides = array<i32>} : memref<2x1x128xi32, #tpu.memory_space<vmem>>, vector<1x1x16xi32>,
        %get3A_1949 = arith.constant 0 : i32
        %get3A_1950 = arith.constant 0 : i32
        %get3A_1951 = arith.index_cast %get3A_1949 : i32 to index
        %get3A_1952 = arith.index_cast %get3A_1950 : i32 to index
        %get3A_1953 = arith.constant 32 : index
        %get3A_1954 = tpu.vector_load %arg9[%get3A_1951, %get3A_1952, %get3A_1953] {strides = array<i32>} : memref<2x1x128xi32, #tpu.memory_space<vmem>>, vector<1x1x16xi32>,
        %get3A_1955 = vector.shape_cast %get3A_1954 : vector<1x1x16xi32> to vector<16xi32>
        %sub3A_1956 = arith.subi %get3A_1955, %broadcast_in_dim3A_1815 : vector<16xi32>
        %ge3A_1957 = arith.cmpi sge, %sub3A_1956, %broadcast_in_dim3A_14 : vector<16xi32>
        %lt3A_1958 = arith.cmpi slt, %sub3A_1956, %broadcast_in_dim3A_10 : vector<16xi32>
        %and3A_1959 = arith.andi %ge3A_1957, %lt3A_1958 : vector<16xi1>
        %select_n3A_1960 = arith.select %and3A_1959, %sub3A_1956, %broadcast_in_dim3A_1817 : vector<16xi1>, vector<16xi32>
        %swap3A_1961 = arith.constant 0 : i32
        %swap3A_1962 = arith.constant 0 : i32
        %swap3A_1963 = arith.index_cast %swap3A_1961 : i32 to index
        %swap3A_1964 = arith.index_cast %swap3A_1962 : i32 to index
        %swap3A_1965 = arith.constant 32 : index
        %swap3A_1966 = tpu.vector_load %arg10[%swap3A_1963, %swap3A_1964, %swap3A_1965] {strides = array<i32>} : memref<2x1x128xi32, #tpu.memory_space<vmem>>, vector<1x1x16xi32>,
        %swap3A_1967 = vector.shape_cast %swap3A_1966 : vector<1x1x16xi32> to vector<16xi32>
        %swap3A_1968 = vector.shape_cast %select_n3A_1960 : vector<16xi32> to vector<1x1x16xi32>
        tpu.vector_store %arg10[%swap3A_1963, %swap3A_1964, %swap3A_1965], %swap3A_1968 {strides = array<i32>} : memref<2x1x128xi32, #tpu.memory_space<vmem>>, vector<1x1x16xi32>,
        %get3A_1969 = arith.constant 0 : i32
        %get3A_1970 = arith.constant 0 : i32
        %get3A_1971 = arith.index_cast %get3A_1969 : i32 to index
        %get3A_1972 = arith.index_cast %get3A_1970 : i32 to index
        %get3A_1973 = arith.constant 48 : index
        %get3A_1974 = tpu.vector_load %arg9[%get3A_1971, %get3A_1972, %get3A_1973] {strides = array<i32>} : memref<2x1x128xi32, #tpu.memory_space<vmem>>, vector<1x1x16xi32>,
        %get3A_1975 = vector.shape_cast %get3A_1974 : vector<1x1x16xi32> to vector<16xi32>
        %sub3A_1976 = arith.subi %get3A_1975, %broadcast_in_dim3A_1815 : vector<16xi32>
        %ge3A_1977 = arith.cmpi sge, %sub3A_1976, %broadcast_in_dim3A_14 : vector<16xi32>
        %lt3A_1978 = arith.cmpi slt, %sub3A_1976, %broadcast_in_dim3A_10 : vector<16xi32>
        %and3A_1979 = arith.andi %ge3A_1977, %lt3A_1978 : vector<16xi1>
        %select_n3A_1980 = arith.select %and3A_1979, %sub3A_1976, %broadcast_in_dim3A_1817 : vector<16xi1>, vector<16xi32>
        %swap3A_1981 = arith.constant 0 : i32
        %swap3A_1982 = arith.constant 0 : i32
        %swap3A_1983 = arith.index_cast %swap3A_1981 : i32 to index
        %swap3A_1984 = arith.index_cast %swap3A_1982 : i32 to index
        %swap3A_1985 = arith.constant 48 : index
        %swap3A_1986 = tpu.vector_load %arg10[%swap3A_1983, %swap3A_1984, %swap3A_1985] {strides = array<i32>} : memref<2x1x128xi32, #tpu.memory_space<vmem>>, vector<1x1x16xi32>,
        %swap3A_1987 = vector.shape_cast %swap3A_1986 : vector<1x1x16xi32> to vector<16xi32>
        %swap3A_1988 = vector.shape_cast %select_n3A_1980 : vector<16xi32> to vector<1x1x16xi32>
        tpu.vector_store %arg10[%swap3A_1983, %swap3A_1984, %swap3A_1985], %swap3A_1988 {strides = array<i32>} : memref<2x1x128xi32, #tpu.memory_space<vmem>>, vector<1x1x16xi32>,
        %get3A_1989 = arith.constant 0 : i32
        %get3A_1990 = arith.constant 0 : i32
        %get3A_1991 = arith.index_cast %get3A_1989 : i32 to index
        %get3A_1992 = arith.index_cast %get3A_1990 : i32 to index
        %get3A_1993 = arith.constant 64 : index
        %get3A_1994 = tpu.vector_load %arg9[%get3A_1991, %get3A_1992, %get3A_1993] {strides = array<i32>} : memref<2x1x128xi32, #tpu.memory_space<vmem>>, vector<1x1x16xi32>,
        %get3A_1995 = vector.shape_cast %get3A_1994 : vector<1x1x16xi32> to vector<16xi32>
        %sub3A_1996 = arith.subi %get3A_1995, %broadcast_in_dim3A_1815 : vector<16xi32>
        %ge3A_1997 = arith.cmpi sge, %sub3A_1996, %broadcast_in_dim3A_14 : vector<16xi32>
        %lt3A_1998 = arith.cmpi slt, %sub3A_1996, %broadcast_in_dim3A_10 : vector<16xi32>
        %and3A_1999 = arith.andi %ge3A_1997, %lt3A_1998 : vector<16xi1>
        %select_n3A_2000 = arith.select %and3A_1999, %sub3A_1996, %broadcast_in_dim3A_1817 : vector<16xi1>, vector<16xi32>
        %swap3A_2001 = arith.constant 0 : i32
        %swap3A_2002 = arith.constant 0 : i32
        %swap3A_2003 = arith.index_cast %swap3A_2001 : i32 to index
        %swap3A_2004 = arith.index_cast %swap3A_2002 : i32 to index
        %swap3A_2005 = arith.constant 64 : index
        %swap3A_2006 = tpu.vector_load %arg10[%swap3A_2003, %swap3A_2004, %swap3A_2005] {strides = array<i32>} : memref<2x1x128xi32, #tpu.memory_space<vmem>>, vector<1x1x16xi32>,
        %swap3A_2007 = vector.shape_cast %swap3A_2006 : vector<1x1x16xi32> to vector<16xi32>
        %swap3A_2008 = vector.shape_cast %select_n3A_2000 : vector<16xi32> to vector<1x1x16xi32>
        tpu.vector_store %arg10[%swap3A_2003, %swap3A_2004, %swap3A_2005], %swap3A_2008 {strides = array<i32>} : memref<2x1x128xi32, #tpu.memory_space<vmem>>, vector<1x1x16xi32>,
        %get3A_2009 = arith.constant 0 : i32
        %get3A_2010 = arith.constant 0 : i32
        %get3A_2011 = arith.index_cast %get3A_2009 : i32 to index
        %get3A_2012 = arith.index_cast %get3A_2010 : i32 to index
        %get3A_2013 = arith.constant 80 : index
        %get3A_2014 = tpu.vector_load %arg9[%get3A_2011, %get3A_2012, %get3A_2013] {strides = array<i32>} : memref<2x1x128xi32, #tpu.memory_space<vmem>>, vector<1x1x16xi32>,
        %get3A_2015 = vector.shape_cast %get3A_2014 : vector<1x1x16xi32> to vector<16xi32>
        %sub3A_2016 = arith.subi %get3A_2015, %broadcast_in_dim3A_1815 : vector<16xi32>
        %ge3A_2017 = arith.cmpi sge, %sub3A_2016, %broadcast_in_dim3A_14 : vector<16xi32>
        %lt3A_2018 = arith.cmpi slt, %sub3A_2016, %broadcast_in_dim3A_10 : vector<16xi32>
        %and3A_2019 = arith.andi %ge3A_2017, %lt3A_2018 : vector<16xi1>
        %select_n3A_2020 = arith.select %and3A_2019, %sub3A_2016, %broadcast_in_dim3A_1817 : vector<16xi1>, vector<16xi32>
        %swap3A_2021 = arith.constant 0 : i32
        %swap3A_2022 = arith.constant 0 : i32
        %swap3A_2023 = arith.index_cast %swap3A_2021 : i32 to index
        %swap3A_2024 = arith.index_cast %swap3A_2022 : i32 to index
        %swap3A_2025 = arith.constant 80 : index
        %swap3A_2026 = tpu.vector_load %arg10[%swap3A_2023, %swap3A_2024, %swap3A_2025] {strides = array<i32>} : memref<2x1x128xi32, #tpu.memory_space<vmem>>, vector<1x1x16xi32>,
        %swap3A_2027 = vector.shape_cast %swap3A_2026 : vector<1x1x16xi32> to vector<16xi32>
        %swap3A_2028 = vector.shape_cast %select_n3A_2020 : vector<16xi32> to vector<1x1x16xi32>
        tpu.vector_store %arg10[%swap3A_2023, %swap3A_2024, %swap3A_2025], %swap3A_2028 {strides = array<i32>} : memref<2x1x128xi32, #tpu.memory_space<vmem>>, vector<1x1x16xi32>,
        %get3A_2029 = arith.constant 0 : i32
        %get3A_2030 = arith.constant 0 : i32
        %get3A_2031 = arith.index_cast %get3A_2029 : i32 to index
        %get3A_2032 = arith.index_cast %get3A_2030 : i32 to index
        %get3A_2033 = arith.constant 96 : index
        %get3A_2034 = tpu.vector_load %arg9[%get3A_2031, %get3A_2032, %get3A_2033] {strides = array<i32>} : memref<2x1x128xi32, #tpu.memory_space<vmem>>, vector<1x1x16xi32>,
        %get3A_2035 = vector.shape_cast %get3A_2034 : vector<1x1x16xi32> to vector<16xi32>
        %sub3A_2036 = arith.subi %get3A_2035, %broadcast_in_dim3A_1815 : vector<16xi32>
        %ge3A_2037 = arith.cmpi sge, %sub3A_2036, %broadcast_in_dim3A_14 : vector<16xi32>
        %lt3A_2038 = arith.cmpi slt, %sub3A_2036, %broadcast_in_dim3A_10 : vector<16xi32>
        %and3A_2039 = arith.andi %ge3A_2037, %lt3A_2038 : vector<16xi1>
        %select_n3A_2040 = arith.select %and3A_2039, %sub3A_2036, %broadcast_in_dim3A_1817 : vector<16xi1>, vector<16xi32>
        %swap3A_2041 = arith.constant 0 : i32
        %swap3A_2042 = arith.constant 0 : i32
        %swap3A_2043 = arith.index_cast %swap3A_2041 : i32 to index
        %swap3A_2044 = arith.index_cast %swap3A_2042 : i32 to index
        %swap3A_2045 = arith.constant 96 : index
        %swap3A_2046 = tpu.vector_load %arg10[%swap3A_2043, %swap3A_2044, %swap3A_2045] {strides = array<i32>} : memref<2x1x128xi32, #tpu.memory_space<vmem>>, vector<1x1x16xi32>,
        %swap3A_2047 = vector.shape_cast %swap3A_2046 : vector<1x1x16xi32> to vector<16xi32>
        %swap3A_2048 = vector.shape_cast %select_n3A_2040 : vector<16xi32> to vector<1x1x16xi32>
        tpu.vector_store %arg10[%swap3A_2043, %swap3A_2044, %swap3A_2045], %swap3A_2048 {strides = array<i32>} : memref<2x1x128xi32, #tpu.memory_space<vmem>>, vector<1x1x16xi32>,
        %get3A_2049 = arith.constant 0 : i32
        %get3A_2050 = arith.constant 0 : i32
        %get3A_2051 = arith.index_cast %get3A_2049 : i32 to index
        %get3A_2052 = arith.index_cast %get3A_2050 : i32 to index
        %get3A_2053 = arith.constant 112 : index
        %get3A_2054 = tpu.vector_load %arg9[%get3A_2051, %get3A_2052, %get3A_2053] {strides = array<i32>} : memref<2x1x128xi32, #tpu.memory_space<vmem>>, vector<1x1x16xi32>,
        %get3A_2055 = vector.shape_cast %get3A_2054 : vector<1x1x16xi32> to vector<16xi32>
        %sub3A_2056 = arith.subi %get3A_2055, %broadcast_in_dim3A_1815 : vector<16xi32>
        %ge3A_2057 = arith.cmpi sge, %sub3A_2056, %broadcast_in_dim3A_14 : vector<16xi32>
        %lt3A_2058 = arith.cmpi slt, %sub3A_2056, %broadcast_in_dim3A_10 : vector<16xi32>
        %and3A_2059 = arith.andi %ge3A_2057, %lt3A_2058 : vector<16xi1>
        %select_n3A_2060 = arith.select %and3A_2059, %sub3A_2056, %broadcast_in_dim3A_1817 : vector<16xi1>, vector<16xi32>
        %swap3A_2061 = arith.constant 0 : i32
        %swap3A_2062 = arith.constant 0 : i32
        %swap3A_2063 = arith.index_cast %swap3A_2061 : i32 to index
        %swap3A_2064 = arith.index_cast %swap3A_2062 : i32 to index
        %swap3A_2065 = arith.constant 112 : index
        %swap3A_2066 = tpu.vector_load %arg10[%swap3A_2063, %swap3A_2064, %swap3A_2065] {strides = array<i32>} : memref<2x1x128xi32, #tpu.memory_space<vmem>>, vector<1x1x16xi32>,
        %swap3A_2067 = vector.shape_cast %swap3A_2066 : vector<1x1x16xi32> to vector<16xi32>
        %swap3A_2068 = vector.shape_cast %select_n3A_2060 : vector<16xi32> to vector<1x1x16xi32>
        tpu.vector_store %arg10[%swap3A_2063, %swap3A_2064, %swap3A_2065], %swap3A_2068 {strides = array<i32>} : memref<2x1x128xi32, #tpu.memory_space<vmem>>, vector<1x1x16xi32>,
        %run_scoped3A = arith.constant 0 : i32
        %run_scoped3A_2069 = arith.constant 0 : i32
        %run_scoped3A_2070 = arith.constant 0 : i32
        "tpu.region"() ({
          %run_scoped3A_2071 = tpu.sem_alloc : memref<!tpu.dma_semaphore, #tpu.memory_space<semaphore_mem>>
          %dma_start3A_2072 = arith.constant 0 : i32
          %dma_start3A_2073 = arith.constant 0 : i32
          %dma_start3A_2074 = tpu.memref_slice %arg8[%run_scoped3A, %dma_start3A_2072, %dma_start3A_2073] : memref<2x128x128xf32, #tpu.memory_space<vmem>> -> memref<1x128x128xf32, #tpu.memory_space<vmem>>
          %dma_start3A_2075 = tpu.memref_squeeze %dma_start3A_2074 : memref<1x128x128xf32, #tpu.memory_space<vmem>> -> memref<128x128xf32, #tpu.memory_space<vmem>>
          %dma_start3A_2076 = arith.constant 0 : i32
          %dma_start3A_2077 = tpu.memref_slice %arg10[%run_scoped3A_2069, %run_scoped3A_2070, %dma_start3A_2076] : memref<2x1x128xi32, #tpu.memory_space<vmem>> -> memref<1x1x128xi32, #tpu.memory_space<vmem>>
          %dma_start3A_2078 = tpu.memref_squeeze %dma_start3A_2077 : memref<1x1x128xi32, #tpu.memory_space<vmem>> -> memref<128xi32, #tpu.memory_space<vmem>>
          %dma_start3A_2079 = arith.constant 0 : i32
          %dma_start3A_2080 = arith.constant 0 : i32
          %dma_start3A_2081 = tpu.memref_slice %arg6[%dma_start3A_2079, %dma_start3A_2080] : memref<5008x128xf32, #tpu.memory_space<vmem_shared>> -> memref<5008x128xf32, #tpu.memory_space<vmem_shared>>
          tpu.enqueue_indirect_dma source(%dma_start3A_2075 : memref<128x128xf32, #tpu.memory_space<vmem>>) target(%dma_start3A_2081 : memref<5008x128xf32, #tpu.memory_space<vmem_shared>>) offsets(%dma_start3A_2078 : memref<128xi32, #tpu.memory_space<vmem>>) semaphore(%run_scoped3A_2071 : memref<!tpu.dma_semaphore, #tpu.memory_space<semaphore_mem>>) {add = true}
          %dma_wait3A_2082 = arith.constant 0 : i32
          %dma_wait3A_2083 = arith.constant 0 : i32
          %dma_wait3A_2084 = tpu.memref_slice %arg8[%run_scoped3A, %dma_wait3A_2082, %dma_wait3A_2083] : memref<2x128x128xf32, #tpu.memory_space<vmem>> -> memref<1x128x128xf32, #tpu.memory_space<vmem>>
          %dma_wait3A_2085 = tpu.memref_squeeze %dma_wait3A_2084 : memref<1x128x128xf32, #tpu.memory_space<vmem>> -> memref<128x128xf32, #tpu.memory_space<vmem>>
          %dma_wait3A_2086 = arith.constant 0 : i32
          %dma_wait3A_2087 = tpu.memref_slice %arg10[%run_scoped3A_2069, %run_scoped3A_2070, %dma_wait3A_2086] : memref<2x1x128xi32, #tpu.memory_space<vmem>> -> memref<1x1x128xi32, #tpu.memory_space<vmem>>
          %dma_wait3A_2088 = tpu.memref_squeeze %dma_wait3A_2087 : memref<1x1x128xi32, #tpu.memory_space<vmem>> -> memref<128xi32, #tpu.memory_space<vmem>>
          %dma_wait3A_2089 = arith.constant 0 : i32
          %dma_wait3A_2090 = arith.constant 0 : i32
          %dma_wait3A_2091 = tpu.memref_slice %arg6[%dma_wait3A_2089, %dma_wait3A_2090] : memref<5008x128xf32, #tpu.memory_space<vmem_shared>> -> memref<5008x128xf32, #tpu.memory_space<vmem_shared>>
          tpu.wait_indirect_dma semaphore(%run_scoped3A_2071 : memref<!tpu.dma_semaphore, #tpu.memory_space<semaphore_mem>>) src(%dma_wait3A_2085 : memref<128x128xf32, #tpu.memory_space<vmem>>) dst(%dma_wait3A_2091 : memref<5008x128xf32, #tpu.memory_space<vmem_shared>>)
          tpu.yield
        }) : () -> ()
      } else {
      }
      %add3A_1854 = arith.constant 2 : i32
      %add3A_1855 = arith.addi %mul3A_1837, %add3A_1854 : i32
      %mul3A_1856 = arith.constant 16 : i32
      %mul3A_1857 = arith.muli %add3A_1855, %mul3A_1856 : i32
      %add3A_1858 = arith.addi %arg1, %mul3A_1857 : i32
      %lt3A_1859 = arith.cmpi slt, %add3A_1858, %select_n3A_1812 : i32
      %convert_element_type3A_1860 = arith.extui %lt3A_1859 : i1 to i32
      %cond3A_1861 = arith.constant 0 : i32
      %cond3A_1862 = arith.cmpi ne, %convert_element_type3A_1860, %cond3A_1861 : i32
      scf.if %cond3A_1862 {
        %add3A_1872 = arith.addi %select_n3A_1807, %add3A_1858 : i32
        %dma_start3A_1873 = arith.constant 0 : i32
        %dma_start3A_1874 = arith.constant 0 : i32
        %dma_start3A_1875 = arith.constant 0 : i32
        %dma_start3A_1876 = arith.constant 0 : i32
        %dma_start3A_1877 = tpu.memref_slice %arg9[%dma_start3A_1873, %dma_start3A_1875, %dma_start3A_1876] : memref<2x1x128xi32, #tpu.memory_space<vmem>> -> memref<1x1x128xi32, #tpu.memory_space<vmem>>
        %dma_start3A_1878 = tpu.memref_squeeze %dma_start3A_1877 : memref<1x1x128xi32, #tpu.memory_space<vmem>> -> memref<1x128xi32, #tpu.memory_space<vmem>>
        %dma_start3A_1879 = arith.constant 0 : i32
        %dma_start3A_1880 = arith.constant 0 : i32
        %dma_start3A_1881 = tpu.memref_slice %arg4[%add3A_1872, %dma_start3A_1879, %dma_start3A_1880] : memref<2512x1x128xi32, #tpu.memory_space<hbm>> -> memref<1x1x128xi32, #tpu.memory_space<hbm>>
        %dma_start3A_1882 = tpu.memref_squeeze %dma_start3A_1881 : memref<1x1x128xi32, #tpu.memory_space<hbm>> -> memref<1x128xi32, #tpu.memory_space<hbm>>
        %dma_start3A_1883 = tpu.memref_slice %arg14[%dma_start3A_1874] : memref<2x!tpu.dma_semaphore, #tpu.memory_space<semaphore_mem>> -> memref<1x!tpu.dma_semaphore, #tpu.memory_space<semaphore_mem>>
        %dma_start3A_1884 = tpu.memref_squeeze %dma_start3A_1883 : memref<1x!tpu.dma_semaphore, #tpu.memory_space<semaphore_mem>> -> memref<!tpu.dma_semaphore, #tpu.memory_space<semaphore_mem>>
        %dma_start3A_1885 = arith.constant 0 : i32
        %dma_start3A_1886 = arith.constant 0 : i32
        %dma_start3A_1887 = tpu.memref_slice %arg9[%dma_start3A_1873, %dma_start3A_1885, %dma_start3A_1886] : memref<2x1x128xi32, #tpu.memory_space<vmem>> -> memref<1x1x128xi32, #tpu.memory_space<vmem>>
        %dma_start3A_1888 = tpu.memref_squeeze %dma_start3A_1887 : memref<1x1x128xi32, #tpu.memory_space<vmem>> -> memref<1x128xi32, #tpu.memory_space<vmem>>
        %dma_start3A_1889 = arith.constant 0 : i32
        %dma_start3A_1890 = arith.constant 0 : i32
        %dma_start3A_1891 = tpu.memref_slice %arg4[%add3A_1872, %dma_start3A_1889, %dma_start3A_1890] : memref<2512x1x128xi32, #tpu.memory_space<hbm>> -> memref<1x1x128xi32, #tpu.memory_space<hbm>>
        %dma_start3A_1892 = tpu.memref_squeeze %dma_start3A_1891 : memref<1x1x128xi32, #tpu.memory_space<hbm>> -> memref<1x128xi32, #tpu.memory_space<hbm>>
        tpu.enqueue_dma source(%dma_start3A_1892 : memref<1x128xi32, #tpu.memory_space<hbm>>) target(%dma_start3A_1888 : memref<1x128xi32, #tpu.memory_space<vmem>>) target_semaphore(%dma_start3A_1884 : memref<!tpu.dma_semaphore, #tpu.memory_space<semaphore_mem>>)
        %mul3A_1893 = arith.constant 128 : i32
        %mul3A_1894 = arith.muli %add3A_1872, %mul3A_1893 : i32
        %dma_start3A_1895 = arith.constant 0 : i32
        %dma_start3A_1896 = arith.constant 0 : i32
        %dma_start3A_1897 = arith.constant 0 : i32
        %dma_start3A_1898 = arith.constant 0 : i32
        %dma_start3A_1899 = tpu.memref_slice %arg8[%dma_start3A_1895, %dma_start3A_1897, %dma_start3A_1898] : memref<2x128x128xf32, #tpu.memory_space<vmem>> -> memref<1x128x128xf32, #tpu.memory_space<vmem>>
        %dma_start3A_1900 = tpu.memref_squeeze %dma_start3A_1899 : memref<1x128x128xf32, #tpu.memory_space<vmem>> -> memref<128x128xf32, #tpu.memory_space<vmem>>
        %dma_start3A_1901 = arith.constant 0 : i32
        %dma_start3A_1902 = tpu.memref_slice %arg3[%mul3A_1894, %dma_start3A_1901] : memref<320000x128xf32, #tpu.memory_space<hbm>> -> memref<128x128xf32, #tpu.memory_space<hbm>>
        %dma_start3A_1903 = tpu.memref_slice %arg14[%dma_start3A_1896] : memref<2x!tpu.dma_semaphore, #tpu.memory_space<semaphore_mem>> -> memref<1x!tpu.dma_semaphore, #tpu.memory_space<semaphore_mem>>
        %dma_start3A_1904 = tpu.memref_squeeze %dma_start3A_1903 : memref<1x!tpu.dma_semaphore, #tpu.memory_space<semaphore_mem>> -> memref<!tpu.dma_semaphore, #tpu.memory_space<semaphore_mem>>
        %dma_start3A_1905 = arith.constant 0 : i32
        %dma_start3A_1906 = arith.constant 0 : i32
        %dma_start3A_1907 = tpu.memref_slice %arg8[%dma_start3A_1895, %dma_start3A_1905, %dma_start3A_1906] : memref<2x128x128xf32, #tpu.memory_space<vmem>> -> memref<1x128x128xf32, #tpu.memory_space<vmem>>
        %dma_start3A_1908 = tpu.memref_squeeze %dma_start3A_1907 : memref<1x128x128xf32, #tpu.memory_space<vmem>> -> memref<128x128xf32, #tpu.memory_space<vmem>>
        %dma_start3A_1909 = arith.constant 0 : i32
        %dma_start3A_1910 = tpu.memref_slice %arg3[%mul3A_1894, %dma_start3A_1909] : memref<320000x128xf32, #tpu.memory_space<hbm>> -> memref<128x128xf32, #tpu.memory_space<hbm>>
        tpu.enqueue_dma source(%dma_start3A_1910 : memref<128x128xf32, #tpu.memory_space<hbm>>) target(%dma_start3A_1908 : memref<128x128xf32, #tpu.memory_space<vmem>>) target_semaphore(%dma_start3A_1904 : memref<!tpu.dma_semaphore, #tpu.memory_space<semaphore_mem>>)
      } else {
      }
      %add3A_1863 = arith.constant 1 : i32
      %add3A_1864 = arith.addi %mul3A_1837, %add3A_1863 : i32
      %mul3A_1865 = arith.constant 16 : i32
      %mul3A_1866 = arith.muli %add3A_1864, %mul3A_1865 : i32
      %add3A_1867 = arith.addi %arg1, %mul3A_1866 : i32
      %lt3A_1868 = arith.cmpi slt, %add3A_1867, %select_n3A_1812 : i32
      %convert_element_type3A_1869 = arith.extui %lt3A_1868 : i1 to i32
      %cond3A_1870 = arith.constant 0 : i32
      %cond3A_1871 = arith.cmpi ne, %convert_element_type3A_1869, %cond3A_1870 : i32
      scf.if %cond3A_1871 {
        %add3A_1872 = arith.addi %select_n3A_1807, %add3A_1867 : i32
        %mul3A_1873 = arith.constant 128 : i32
        %mul3A_1874 = arith.muli %add3A_1872, %mul3A_1873 : i32
        %dma_wait3A_1875 = arith.constant 1 : i32
        %dma_wait3A_1876 = arith.constant 1 : i32
        %dma_wait3A_1877 = arith.constant 0 : i32
        %dma_wait3A_1878 = arith.constant 0 : i32
        %dma_wait3A_1879 = tpu.memref_slice %arg8[%dma_wait3A_1875, %dma_wait3A_1877, %dma_wait3A_1878] : memref<2x128x128xf32, #tpu.memory_space<vmem>> -> memref<1x128x128xf32, #tpu.memory_space<vmem>>
        %dma_wait3A_1880 = tpu.memref_squeeze %dma_wait3A_1879 : memref<1x128x128xf32, #tpu.memory_space<vmem>> -> memref<128x128xf32, #tpu.memory_space<vmem>>
        %dma_wait3A_1881 = arith.constant 0 : i32
        %dma_wait3A_1882 = tpu.memref_slice %arg3[%mul3A_1874, %dma_wait3A_1881] : memref<320000x128xf32, #tpu.memory_space<hbm>> -> memref<128x128xf32, #tpu.memory_space<hbm>>
        %dma_wait3A_1883 = tpu.memref_slice %arg14[%dma_wait3A_1876] : memref<2x!tpu.dma_semaphore, #tpu.memory_space<semaphore_mem>> -> memref<1x!tpu.dma_semaphore, #tpu.memory_space<semaphore_mem>>
        %dma_wait3A_1884 = tpu.memref_squeeze %dma_wait3A_1883 : memref<1x!tpu.dma_semaphore, #tpu.memory_space<semaphore_mem>> -> memref<!tpu.dma_semaphore, #tpu.memory_space<semaphore_mem>>
        %dma_wait3A_1885 = arith.constant 0 : i32
        %dma_wait3A_1886 = arith.constant 0 : i32
        %dma_wait3A_1887 = tpu.memref_slice %arg8[%dma_wait3A_1875, %dma_wait3A_1885, %dma_wait3A_1886] : memref<2x128x128xf32, #tpu.memory_space<vmem>> -> memref<1x128x128xf32, #tpu.memory_space<vmem>>
        %dma_wait3A_1888 = tpu.memref_squeeze %dma_wait3A_1887 : memref<1x128x128xf32, #tpu.memory_space<vmem>> -> memref<128x128xf32, #tpu.memory_space<vmem>>
        %dma_wait3A_1889 = arith.constant 0 : i32
        %dma_wait3A_1890 = tpu.memref_slice %arg3[%mul3A_1874, %dma_wait3A_1889] : memref<320000x128xf32, #tpu.memory_space<hbm>> -> memref<128x128xf32, #tpu.memory_space<hbm>>
        tpu.wait_dma2 semaphore(%dma_wait3A_1884 : memref<!tpu.dma_semaphore, #tpu.memory_space<semaphore_mem>>) src(%dma_wait3A_1890 : memref<128x128xf32, #tpu.memory_space<hbm>>) dst(%dma_wait3A_1888 : memref<128x128xf32, #tpu.memory_space<vmem>>)
        %dma_wait3A_1891 = arith.constant 1 : i32
        %dma_wait3A_1892 = arith.constant 1 : i32
        %dma_wait3A_1893 = arith.constant 0 : i32
        %dma_wait3A_1894 = arith.constant 0 : i32
        %dma_wait3A_1895 = tpu.memref_slice %arg9[%dma_wait3A_1891, %dma_wait3A_1893, %dma_wait3A_1894] : memref<2x1x128xi32, #tpu.memory_space<vmem>> -> memref<1x1x128xi32, #tpu.memory_space<vmem>>
        %dma_wait3A_1896 = tpu.memref_squeeze %dma_wait3A_1895 : memref<1x1x128xi32, #tpu.memory_space<vmem>> -> memref<1x128xi32, #tpu.memory_space<vmem>>
        %dma_wait3A_1897 = arith.constant 0 : i32
        %dma_wait3A_1898 = arith.constant 0 : i32
        %dma_wait3A_1899 = tpu.memref_slice %arg4[%add3A_1872, %dma_wait3A_1897, %dma_wait3A_1898] : memref<2512x1x128xi32, #tpu.memory_space<hbm>> -> memref<1x1x128xi32, #tpu.memory_space<hbm>>
        %dma_wait3A_1900 = tpu.memref_squeeze %dma_wait3A_1899 : memref<1x1x128xi32, #tpu.memory_space<hbm>> -> memref<1x128xi32, #tpu.memory_space<hbm>>
        %dma_wait3A_1901 = tpu.memref_slice %arg14[%dma_wait3A_1892] : memref<2x!tpu.dma_semaphore, #tpu.memory_space<semaphore_mem>> -> memref<1x!tpu.dma_semaphore, #tpu.memory_space<semaphore_mem>>
        %dma_wait3A_1902 = tpu.memref_squeeze %dma_wait3A_1901 : memref<1x!tpu.dma_semaphore, #tpu.memory_space<semaphore_mem>> -> memref<!tpu.dma_semaphore, #tpu.memory_space<semaphore_mem>>
        %dma_wait3A_1903 = arith.constant 0 : i32
        %dma_wait3A_1904 = arith.constant 0 : i32
        %dma_wait3A_1905 = tpu.memref_slice %arg9[%dma_wait3A_1891, %dma_wait3A_1903, %dma_wait3A_1904] : memref<2x1x128xi32, #tpu.memory_space<vmem>> -> memref<1x1x128xi32, #tpu.memory_space<vmem>>
        %dma_wait3A_1906 = tpu.memref_squeeze %dma_wait3A_1905 : memref<1x1x128xi32, #tpu.memory_space<vmem>> -> memref<1x128xi32, #tpu.memory_space<vmem>>
        %dma_wait3A_1907 = arith.constant 0 : i32
        %dma_wait3A_1908 = arith.constant 0 : i32
        %dma_wait3A_1909 = tpu.memref_slice %arg4[%add3A_1872, %dma_wait3A_1907, %dma_wait3A_1908] : memref<2512x1x128xi32, #tpu.memory_space<hbm>> -> memref<1x1x128xi32, #tpu.memory_space<hbm>>
        %dma_wait3A_1910 = tpu.memref_squeeze %dma_wait3A_1909 : memref<1x1x128xi32, #tpu.memory_space<hbm>> -> memref<1x128xi32, #tpu.memory_space<hbm>>
        tpu.wait_dma2 semaphore(%dma_wait3A_1902 : memref<!tpu.dma_semaphore, #tpu.memory_space<semaphore_mem>>) src(%dma_wait3A_1910 : memref<1x128xi32, #tpu.memory_space<hbm>>) dst(%dma_wait3A_1906 : memref<1x128xi32, #tpu.memory_space<vmem>>)
        %get3A_1911 = arith.constant 1 : i32
        %get3A_1912 = arith.constant 0 : i32
        %get3A_1913 = arith.index_cast %get3A_1911 : i32 to index
        %get3A_1914 = arith.index_cast %get3A_1912 : i32 to index
        %get3A_1915 = arith.constant 0 : index
        %get3A_1916 = tpu.vector_load %arg9[%get3A_1913, %get3A_1914, %get3A_1915] {strides = array<i32>} : memref<2x1x128xi32, #tpu.memory_space<vmem>>, vector<1x1x16xi32>,
        %get3A_1917 = vector.shape_cast %get3A_1916 : vector<1x1x16xi32> to vector<16xi32>
        %sub3A_1918 = arith.subi %get3A_1917, %broadcast_in_dim3A_1815 : vector<16xi32>
        %ge3A = arith.cmpi sge, %sub3A_1918, %broadcast_in_dim3A_14 : vector<16xi32>
        %lt3A_1919 = arith.cmpi slt, %sub3A_1918, %broadcast_in_dim3A_10 : vector<16xi32>
        %and3A = arith.andi %ge3A, %lt3A_1919 : vector<16xi1>
        %select_n3A_1920 = arith.select %and3A, %sub3A_1918, %broadcast_in_dim3A_1817 : vector<16xi1>, vector<16xi32>
        %swap3A_1921 = arith.constant 1 : i32
        %swap3A_1922 = arith.constant 0 : i32
        %swap3A_1923 = arith.index_cast %swap3A_1921 : i32 to index
        %swap3A_1924 = arith.index_cast %swap3A_1922 : i32 to index
        %swap3A_1925 = arith.constant 0 : index
        %swap3A_1926 = tpu.vector_load %arg10[%swap3A_1923, %swap3A_1924, %swap3A_1925] {strides = array<i32>} : memref<2x1x128xi32, #tpu.memory_space<vmem>>, vector<1x1x16xi32>,
        %swap3A_1927 = vector.shape_cast %swap3A_1926 : vector<1x1x16xi32> to vector<16xi32>
        %swap3A_1928 = vector.shape_cast %select_n3A_1920 : vector<16xi32> to vector<1x1x16xi32>
        tpu.vector_store %arg10[%swap3A_1923, %swap3A_1924, %swap3A_1925], %swap3A_1928 {strides = array<i32>} : memref<2x1x128xi32, #tpu.memory_space<vmem>>, vector<1x1x16xi32>,
        %get3A_1929 = arith.constant 1 : i32
        %get3A_1930 = arith.constant 0 : i32
        %get3A_1931 = arith.index_cast %get3A_1929 : i32 to index
        %get3A_1932 = arith.index_cast %get3A_1930 : i32 to index
        %get3A_1933 = arith.constant 16 : index
        %get3A_1934 = tpu.vector_load %arg9[%get3A_1931, %get3A_1932, %get3A_1933] {strides = array<i32>} : memref<2x1x128xi32, #tpu.memory_space<vmem>>, vector<1x1x16xi32>,
        %get3A_1935 = vector.shape_cast %get3A_1934 : vector<1x1x16xi32> to vector<16xi32>
        %sub3A_1936 = arith.subi %get3A_1935, %broadcast_in_dim3A_1815 : vector<16xi32>
        %ge3A_1937 = arith.cmpi sge, %sub3A_1936, %broadcast_in_dim3A_14 : vector<16xi32>
        %lt3A_1938 = arith.cmpi slt, %sub3A_1936, %broadcast_in_dim3A_10 : vector<16xi32>
        %and3A_1939 = arith.andi %ge3A_1937, %lt3A_1938 : vector<16xi1>
        %select_n3A_1940 = arith.select %and3A_1939, %sub3A_1936, %broadcast_in_dim3A_1817 : vector<16xi1>, vector<16xi32>
        %swap3A_1941 = arith.constant 1 : i32
        %swap3A_1942 = arith.constant 0 : i32
        %swap3A_1943 = arith.index_cast %swap3A_1941 : i32 to index
        %swap3A_1944 = arith.index_cast %swap3A_1942 : i32 to index
        %swap3A_1945 = arith.constant 16 : index
        %swap3A_1946 = tpu.vector_load %arg10[%swap3A_1943, %swap3A_1944, %swap3A_1945] {strides = array<i32>} : memref<2x1x128xi32, #tpu.memory_space<vmem>>, vector<1x1x16xi32>,
        %swap3A_1947 = vector.shape_cast %swap3A_1946 : vector<1x1x16xi32> to vector<16xi32>
        %swap3A_1948 = vector.shape_cast %select_n3A_1940 : vector<16xi32> to vector<1x1x16xi32>
        tpu.vector_store %arg10[%swap3A_1943, %swap3A_1944, %swap3A_1945], %swap3A_1948 {strides = array<i32>} : memref<2x1x128xi32, #tpu.memory_space<vmem>>, vector<1x1x16xi32>,
        %get3A_1949 = arith.constant 1 : i32
        %get3A_1950 = arith.constant 0 : i32
        %get3A_1951 = arith.index_cast %get3A_1949 : i32 to index
        %get3A_1952 = arith.index_cast %get3A_1950 : i32 to index
        %get3A_1953 = arith.constant 32 : index
        %get3A_1954 = tpu.vector_load %arg9[%get3A_1951, %get3A_1952, %get3A_1953] {strides = array<i32>} : memref<2x1x128xi32, #tpu.memory_space<vmem>>, vector<1x1x16xi32>,
        %get3A_1955 = vector.shape_cast %get3A_1954 : vector<1x1x16xi32> to vector<16xi32>
        %sub3A_1956 = arith.subi %get3A_1955, %broadcast_in_dim3A_1815 : vector<16xi32>
        %ge3A_1957 = arith.cmpi sge, %sub3A_1956, %broadcast_in_dim3A_14 : vector<16xi32>
        %lt3A_1958 = arith.cmpi slt, %sub3A_1956, %broadcast_in_dim3A_10 : vector<16xi32>
        %and3A_1959 = arith.andi %ge3A_1957, %lt3A_1958 : vector<16xi1>
        %select_n3A_1960 = arith.select %and3A_1959, %sub3A_1956, %broadcast_in_dim3A_1817 : vector<16xi1>, vector<16xi32>
        %swap3A_1961 = arith.constant 1 : i32
        %swap3A_1962 = arith.constant 0 : i32
        %swap3A_1963 = arith.index_cast %swap3A_1961 : i32 to index
        %swap3A_1964 = arith.index_cast %swap3A_1962 : i32 to index
        %swap3A_1965 = arith.constant 32 : index
        %swap3A_1966 = tpu.vector_load %arg10[%swap3A_1963, %swap3A_1964, %swap3A_1965] {strides = array<i32>} : memref<2x1x128xi32, #tpu.memory_space<vmem>>, vector<1x1x16xi32>,
        %swap3A_1967 = vector.shape_cast %swap3A_1966 : vector<1x1x16xi32> to vector<16xi32>
        %swap3A_1968 = vector.shape_cast %select_n3A_1960 : vector<16xi32> to vector<1x1x16xi32>
        tpu.vector_store %arg10[%swap3A_1963, %swap3A_1964, %swap3A_1965], %swap3A_1968 {strides = array<i32>} : memref<2x1x128xi32, #tpu.memory_space<vmem>>, vector<1x1x16xi32>,
        %get3A_1969 = arith.constant 1 : i32
        %get3A_1970 = arith.constant 0 : i32
        %get3A_1971 = arith.index_cast %get3A_1969 : i32 to index
        %get3A_1972 = arith.index_cast %get3A_1970 : i32 to index
        %get3A_1973 = arith.constant 48 : index
        %get3A_1974 = tpu.vector_load %arg9[%get3A_1971, %get3A_1972, %get3A_1973] {strides = array<i32>} : memref<2x1x128xi32, #tpu.memory_space<vmem>>, vector<1x1x16xi32>,
        %get3A_1975 = vector.shape_cast %get3A_1974 : vector<1x1x16xi32> to vector<16xi32>
        %sub3A_1976 = arith.subi %get3A_1975, %broadcast_in_dim3A_1815 : vector<16xi32>
        %ge3A_1977 = arith.cmpi sge, %sub3A_1976, %broadcast_in_dim3A_14 : vector<16xi32>
        %lt3A_1978 = arith.cmpi slt, %sub3A_1976, %broadcast_in_dim3A_10 : vector<16xi32>
        %and3A_1979 = arith.andi %ge3A_1977, %lt3A_1978 : vector<16xi1>
        %select_n3A_1980 = arith.select %and3A_1979, %sub3A_1976, %broadcast_in_dim3A_1817 : vector<16xi1>, vector<16xi32>
        %swap3A_1981 = arith.constant 1 : i32
        %swap3A_1982 = arith.constant 0 : i32
        %swap3A_1983 = arith.index_cast %swap3A_1981 : i32 to index
        %swap3A_1984 = arith.index_cast %swap3A_1982 : i32 to index
        %swap3A_1985 = arith.constant 48 : index
        %swap3A_1986 = tpu.vector_load %arg10[%swap3A_1983, %swap3A_1984, %swap3A_1985] {strides = array<i32>} : memref<2x1x128xi32, #tpu.memory_space<vmem>>, vector<1x1x16xi32>,
        %swap3A_1987 = vector.shape_cast %swap3A_1986 : vector<1x1x16xi32> to vector<16xi32>
        %swap3A_1988 = vector.shape_cast %select_n3A_1980 : vector<16xi32> to vector<1x1x16xi32>
        tpu.vector_store %arg10[%swap3A_1983, %swap3A_1984, %swap3A_1985], %swap3A_1988 {strides = array<i32>} : memref<2x1x128xi32, #tpu.memory_space<vmem>>, vector<1x1x16xi32>,
        %get3A_1989 = arith.constant 1 : i32
        %get3A_1990 = arith.constant 0 : i32
        %get3A_1991 = arith.index_cast %get3A_1989 : i32 to index
        %get3A_1992 = arith.index_cast %get3A_1990 : i32 to index
        %get3A_1993 = arith.constant 64 : index
        %get3A_1994 = tpu.vector_load %arg9[%get3A_1991, %get3A_1992, %get3A_1993] {strides = array<i32>} : memref<2x1x128xi32, #tpu.memory_space<vmem>>, vector<1x1x16xi32>,
        %get3A_1995 = vector.shape_cast %get3A_1994 : vector<1x1x16xi32> to vector<16xi32>
        %sub3A_1996 = arith.subi %get3A_1995, %broadcast_in_dim3A_1815 : vector<16xi32>
        %ge3A_1997 = arith.cmpi sge, %sub3A_1996, %broadcast_in_dim3A_14 : vector<16xi32>
        %lt3A_1998 = arith.cmpi slt, %sub3A_1996, %broadcast_in_dim3A_10 : vector<16xi32>
        %and3A_1999 = arith.andi %ge3A_1997, %lt3A_1998 : vector<16xi1>
        %select_n3A_2000 = arith.select %and3A_1999, %sub3A_1996, %broadcast_in_dim3A_1817 : vector<16xi1>, vector<16xi32>
        %swap3A_2001 = arith.constant 1 : i32
        %swap3A_2002 = arith.constant 0 : i32
        %swap3A_2003 = arith.index_cast %swap3A_2001 : i32 to index
        %swap3A_2004 = arith.index_cast %swap3A_2002 : i32 to index
        %swap3A_2005 = arith.constant 64 : index
        %swap3A_2006 = tpu.vector_load %arg10[%swap3A_2003, %swap3A_2004, %swap3A_2005] {strides = array<i32>} : memref<2x1x128xi32, #tpu.memory_space<vmem>>, vector<1x1x16xi32>,
        %swap3A_2007 = vector.shape_cast %swap3A_2006 : vector<1x1x16xi32> to vector<16xi32>
        %swap3A_2008 = vector.shape_cast %select_n3A_2000 : vector<16xi32> to vector<1x1x16xi32>
        tpu.vector_store %arg10[%swap3A_2003, %swap3A_2004, %swap3A_2005], %swap3A_2008 {strides = array<i32>} : memref<2x1x128xi32, #tpu.memory_space<vmem>>, vector<1x1x16xi32>,
        %get3A_2009 = arith.constant 1 : i32
        %get3A_2010 = arith.constant 0 : i32
        %get3A_2011 = arith.index_cast %get3A_2009 : i32 to index
        %get3A_2012 = arith.index_cast %get3A_2010 : i32 to index
        %get3A_2013 = arith.constant 80 : index
        %get3A_2014 = tpu.vector_load %arg9[%get3A_2011, %get3A_2012, %get3A_2013] {strides = array<i32>} : memref<2x1x128xi32, #tpu.memory_space<vmem>>, vector<1x1x16xi32>,
        %get3A_2015 = vector.shape_cast %get3A_2014 : vector<1x1x16xi32> to vector<16xi32>
        %sub3A_2016 = arith.subi %get3A_2015, %broadcast_in_dim3A_1815 : vector<16xi32>
        %ge3A_2017 = arith.cmpi sge, %sub3A_2016, %broadcast_in_dim3A_14 : vector<16xi32>
        %lt3A_2018 = arith.cmpi slt, %sub3A_2016, %broadcast_in_dim3A_10 : vector<16xi32>
        %and3A_2019 = arith.andi %ge3A_2017, %lt3A_2018 : vector<16xi1>
        %select_n3A_2020 = arith.select %and3A_2019, %sub3A_2016, %broadcast_in_dim3A_1817 : vector<16xi1>, vector<16xi32>
        %swap3A_2021 = arith.constant 1 : i32
        %swap3A_2022 = arith.constant 0 : i32
        %swap3A_2023 = arith.index_cast %swap3A_2021 : i32 to index
        %swap3A_2024 = arith.index_cast %swap3A_2022 : i32 to index
        %swap3A_2025 = arith.constant 80 : index
        %swap3A_2026 = tpu.vector_load %arg10[%swap3A_2023, %swap3A_2024, %swap3A_2025] {strides = array<i32>} : memref<2x1x128xi32, #tpu.memory_space<vmem>>, vector<1x1x16xi32>,
        %swap3A_2027 = vector.shape_cast %swap3A_2026 : vector<1x1x16xi32> to vector<16xi32>
        %swap3A_2028 = vector.shape_cast %select_n3A_2020 : vector<16xi32> to vector<1x1x16xi32>
        tpu.vector_store %arg10[%swap3A_2023, %swap3A_2024, %swap3A_2025], %swap3A_2028 {strides = array<i32>} : memref<2x1x128xi32, #tpu.memory_space<vmem>>, vector<1x1x16xi32>,
        %get3A_2029 = arith.constant 1 : i32
        %get3A_2030 = arith.constant 0 : i32
        %get3A_2031 = arith.index_cast %get3A_2029 : i32 to index
        %get3A_2032 = arith.index_cast %get3A_2030 : i32 to index
        %get3A_2033 = arith.constant 96 : index
        %get3A_2034 = tpu.vector_load %arg9[%get3A_2031, %get3A_2032, %get3A_2033] {strides = array<i32>} : memref<2x1x128xi32, #tpu.memory_space<vmem>>, vector<1x1x16xi32>,
        %get3A_2035 = vector.shape_cast %get3A_2034 : vector<1x1x16xi32> to vector<16xi32>
        %sub3A_2036 = arith.subi %get3A_2035, %broadcast_in_dim3A_1815 : vector<16xi32>
        %ge3A_2037 = arith.cmpi sge, %sub3A_2036, %broadcast_in_dim3A_14 : vector<16xi32>
        %lt3A_2038 = arith.cmpi slt, %sub3A_2036, %broadcast_in_dim3A_10 : vector<16xi32>
        %and3A_2039 = arith.andi %ge3A_2037, %lt3A_2038 : vector<16xi1>
        %select_n3A_2040 = arith.select %and3A_2039, %sub3A_2036, %broadcast_in_dim3A_1817 : vector<16xi1>, vector<16xi32>
        %swap3A_2041 = arith.constant 1 : i32
        %swap3A_2042 = arith.constant 0 : i32
        %swap3A_2043 = arith.index_cast %swap3A_2041 : i32 to index
        %swap3A_2044 = arith.index_cast %swap3A_2042 : i32 to index
        %swap3A_2045 = arith.constant 96 : index
        %swap3A_2046 = tpu.vector_load %arg10[%swap3A_2043, %swap3A_2044, %swap3A_2045] {strides = array<i32>} : memref<2x1x128xi32, #tpu.memory_space<vmem>>, vector<1x1x16xi32>,
        %swap3A_2047 = vector.shape_cast %swap3A_2046 : vector<1x1x16xi32> to vector<16xi32>
        %swap3A_2048 = vector.shape_cast %select_n3A_2040 : vector<16xi32> to vector<1x1x16xi32>
        tpu.vector_store %arg10[%swap3A_2043, %swap3A_2044, %swap3A_2045], %swap3A_2048 {strides = array<i32>} : memref<2x1x128xi32, #tpu.memory_space<vmem>>, vector<1x1x16xi32>,
        %get3A_2049 = arith.constant 1 : i32
        %get3A_2050 = arith.constant 0 : i32
        %get3A_2051 = arith.index_cast %get3A_2049 : i32 to index
        %get3A_2052 = arith.index_cast %get3A_2050 : i32 to index
        %get3A_2053 = arith.constant 112 : index
        %get3A_2054 = tpu.vector_load %arg9[%get3A_2051, %get3A_2052, %get3A_2053] {strides = array<i32>} : memref<2x1x128xi32, #tpu.memory_space<vmem>>, vector<1x1x16xi32>,
        %get3A_2055 = vector.shape_cast %get3A_2054 : vector<1x1x16xi32> to vector<16xi32>
        %sub3A_2056 = arith.subi %get3A_2055, %broadcast_in_dim3A_1815 : vector<16xi32>
        %ge3A_2057 = arith.cmpi sge, %sub3A_2056, %broadcast_in_dim3A_14 : vector<16xi32>
        %lt3A_2058 = arith.cmpi slt, %sub3A_2056, %broadcast_in_dim3A_10 : vector<16xi32>
        %and3A_2059 = arith.andi %ge3A_2057, %lt3A_2058 : vector<16xi1>
        %select_n3A_2060 = arith.select %and3A_2059, %sub3A_2056, %broadcast_in_dim3A_1817 : vector<16xi1>, vector<16xi32>
        %swap3A_2061 = arith.constant 1 : i32
        %swap3A_2062 = arith.constant 0 : i32
        %swap3A_2063 = arith.index_cast %swap3A_2061 : i32 to index
        %swap3A_2064 = arith.index_cast %swap3A_2062 : i32 to index
        %swap3A_2065 = arith.constant 112 : index
        %swap3A_2066 = tpu.vector_load %arg10[%swap3A_2063, %swap3A_2064, %swap3A_2065] {strides = array<i32>} : memref<2x1x128xi32, #tpu.memory_space<vmem>>, vector<1x1x16xi32>,
        %swap3A_2067 = vector.shape_cast %swap3A_2066 : vector<1x1x16xi32> to vector<16xi32>
        %swap3A_2068 = vector.shape_cast %select_n3A_2060 : vector<16xi32> to vector<1x1x16xi32>
        tpu.vector_store %arg10[%swap3A_2063, %swap3A_2064, %swap3A_2065], %swap3A_2068 {strides = array<i32>} : memref<2x1x128xi32, #tpu.memory_space<vmem>>, vector<1x1x16xi32>,
        %run_scoped3A = arith.constant 1 : i32
        %run_scoped3A_2069 = arith.constant 1 : i32
        %run_scoped3A_2070 = arith.constant 0 : i32
        "tpu.region"() ({
          %run_scoped3A_2071 = tpu.sem_alloc : memref<!tpu.dma_semaphore, #tpu.memory_space<semaphore_mem>>
          %dma_start3A_2072 = arith.constant 0 : i32
          %dma_start3A_2073 = arith.constant 0 : i32
          %dma_start3A_2074 = tpu.memref_slice %arg8[%run_scoped3A, %dma_start3A_2072, %dma_start3A_2073] : memref<2x128x128xf32, #tpu.memory_space<vmem>> -> memref<1x128x128xf32, #tpu.memory_space<vmem>>
          %dma_start3A_2075 = tpu.memref_squeeze %dma_start3A_2074 : memref<1x128x128xf32, #tpu.memory_space<vmem>> -> memref<128x128xf32, #tpu.memory_space<vmem>>
          %dma_start3A_2076 = arith.constant 0 : i32
          %dma_start3A_2077 = tpu.memref_slice %arg10[%run_scoped3A_2069, %run_scoped3A_2070, %dma_start3A_2076] : memref<2x1x128xi32, #tpu.memory_space<vmem>> -> memref<1x1x128xi32, #tpu.memory_space<vmem>>
          %dma_start3A_2078 = tpu.memref_squeeze %dma_start3A_2077 : memref<1x1x128xi32, #tpu.memory_space<vmem>> -> memref<128xi32, #tpu.memory_space<vmem>>
          %dma_start3A_2079 = arith.constant 0 : i32
          %dma_start3A_2080 = arith.constant 0 : i32
          %dma_start3A_2081 = tpu.memref_slice %arg6[%dma_start3A_2079, %dma_start3A_2080] : memref<5008x128xf32, #tpu.memory_space<vmem_shared>> -> memref<5008x128xf32, #tpu.memory_space<vmem_shared>>
          tpu.enqueue_indirect_dma source(%dma_start3A_2075 : memref<128x128xf32, #tpu.memory_space<vmem>>) target(%dma_start3A_2081 : memref<5008x128xf32, #tpu.memory_space<vmem_shared>>) offsets(%dma_start3A_2078 : memref<128xi32, #tpu.memory_space<vmem>>) semaphore(%run_scoped3A_2071 : memref<!tpu.dma_semaphore, #tpu.memory_space<semaphore_mem>>) {add = true}
          %dma_wait3A_2082 = arith.constant 0 : i32
          %dma_wait3A_2083 = arith.constant 0 : i32
          %dma_wait3A_2084 = tpu.memref_slice %arg8[%run_scoped3A, %dma_wait3A_2082, %dma_wait3A_2083] : memref<2x128x128xf32, #tpu.memory_space<vmem>> -> memref<1x128x128xf32, #tpu.memory_space<vmem>>
          %dma_wait3A_2085 = tpu.memref_squeeze %dma_wait3A_2084 : memref<1x128x128xf32, #tpu.memory_space<vmem>> -> memref<128x128xf32, #tpu.memory_space<vmem>>
          %dma_wait3A_2086 = arith.constant 0 : i32
          %dma_wait3A_2087 = tpu.memref_slice %arg10[%run_scoped3A_2069, %run_scoped3A_2070, %dma_wait3A_2086] : memref<2x1x128xi32, #tpu.memory_space<vmem>> -> memref<1x1x128xi32, #tpu.memory_space<vmem>>
          %dma_wait3A_2088 = tpu.memref_squeeze %dma_wait3A_2087 : memref<1x1x128xi32, #tpu.memory_space<vmem>> -> memref<128xi32, #tpu.memory_space<vmem>>
          %dma_wait3A_2089 = arith.constant 0 : i32
          %dma_wait3A_2090 = arith.constant 0 : i32
          %dma_wait3A_2091 = tpu.memref_slice %arg6[%dma_wait3A_2089, %dma_wait3A_2090] : memref<5008x128xf32, #tpu.memory_space<vmem_shared>> -> memref<5008x128xf32, #tpu.memory_space<vmem_shared>>
          tpu.wait_indirect_dma semaphore(%run_scoped3A_2071 : memref<!tpu.dma_semaphore, #tpu.memory_space<semaphore_mem>>) src(%dma_wait3A_2085 : memref<128x128xf32, #tpu.memory_space<vmem>>) dst(%dma_wait3A_2091 : memref<5008x128xf32, #tpu.memory_space<vmem_shared>>)
          tpu.yield
        }) : () -> ()
      } else {
      }
    }
    %scan3A_1828 = arith.constant 79 : i32
    %barrier3A_1829 = arith.constant 0 : index
    tpu.barrier barrier_id(%barrier3A_1829)
    "tpu.region"() ({
      %run_scoped3A = tpu.sem_alloc : memref<!tpu.dma_semaphore, #tpu.memory_space<semaphore_mem>>
      %dma_start3A_1835 = arith.constant 0 : i32
      %dma_start3A_1836 = tpu.memref_slice %arg5[%add3A, %dma_start3A_1835] : memref<10000x128xf32, #tpu.memory_space<hbm>> -> memref<312x128xf32, #tpu.memory_space<hbm>>
      %dma_start3A_1837 = arith.constant 0 : i32
      %dma_start3A_1838 = tpu.memref_slice %arg6[%mul3A_0, %dma_start3A_1837] : memref<5008x128xf32, #tpu.memory_space<vmem_shared>> -> memref<312x128xf32, #tpu.memory_space<vmem_shared>>
      tpu.enqueue_dma source(%dma_start3A_1838 : memref<312x128xf32, #tpu.memory_space<vmem_shared>>) target(%dma_start3A_1836 : memref<312x128xf32, #tpu.memory_space<hbm>>) target_semaphore(%run_scoped3A : memref<!tpu.dma_semaphore, #tpu.memory_space<semaphore_mem>>)
      %dma_wait3A_1839 = arith.constant 0 : i32
      %dma_wait3A_1840 = tpu.memref_slice %arg5[%add3A, %dma_wait3A_1839] : memref<10000x128xf32, #tpu.memory_space<hbm>> -> memref<312x128xf32, #tpu.memory_space<hbm>>
      %dma_wait3A_1841 = arith.constant 0 : i32
      %dma_wait3A_1842 = tpu.memref_slice %arg6[%mul3A_0, %dma_wait3A_1841] : memref<5008x128xf32, #tpu.memory_space<vmem_shared>> -> memref<312x128xf32, #tpu.memory_space<vmem_shared>>
      tpu.wait_dma2 semaphore(%run_scoped3A : memref<!tpu.dma_semaphore, #tpu.memory_space<semaphore_mem>>) src(%dma_wait3A_1842 : memref<312x128xf32, #tpu.memory_space<vmem_shared>>) dst(%dma_wait3A_1840 : memref<312x128xf32, #tpu.memory_space<hbm>>)
      tpu.yield
    }) : () -> ()
    %eq3A_1830 = arith.constant 15 : i32
    %eq3A_1831 = arith.cmpi eq, %arg1, %eq3A_1830 : i32
    %convert_element_type3A_1832 = arith.extui %eq3A_1831 : i1 to i32
    %cond3A_1833 = arith.constant 0 : i32
    %cond3A_1834 = arith.cmpi ne, %convert_element_type3A_1832, %cond3A_1833 : i32
    scf.if %cond3A_1834 {
      %mul3A_1835 = arith.constant 5000 : i32
      %mul3A_1836 = arith.muli %arg0, %mul3A_1835 : i32
      %add3A_1837 = arith.constant 4992 : i32
      %add3A_1838 = arith.addi %mul3A_1836, %add3A_1837 : i32
      "tpu.region"() ({
        %run_scoped3A = tpu.sem_alloc : memref<!tpu.dma_semaphore, #tpu.memory_space<semaphore_mem>>
        %dma_start3A_1839 = arith.constant 0 : i32
        %dma_start3A_1840 = tpu.memref_slice %arg5[%add3A_1838, %dma_start3A_1839] : memref<10000x128xf32, #tpu.memory_space<hbm>> -> memref<8x128xf32, #tpu.memory_space<hbm>>
        %dma_start3A_1841 = arith.constant 4992 : i32
        %dma_start3A_1842 = arith.constant 0 : i32
        %dma_start3A_1843 = tpu.memref_slice %arg6[%dma_start3A_1841, %dma_start3A_1842] : memref<5008x128xf32, #tpu.memory_space<vmem_shared>> -> memref<8x128xf32, #tpu.memory_space<vmem_shared>>
        tpu.enqueue_dma source(%dma_start3A_1843 : memref<8x128xf32, #tpu.memory_space<vmem_shared>>) target(%dma_start3A_1840 : memref<8x128xf32, #tpu.memory_space<hbm>>) target_semaphore(%run_scoped3A : memref<!tpu.dma_semaphore, #tpu.memory_space<semaphore_mem>>)
        %dma_wait3A_1844 = arith.constant 0 : i32
        %dma_wait3A_1845 = tpu.memref_slice %arg5[%add3A_1838, %dma_wait3A_1844] : memref<10000x128xf32, #tpu.memory_space<hbm>> -> memref<8x128xf32, #tpu.memory_space<hbm>>
        %dma_wait3A_1846 = arith.constant 4992 : i32
        %dma_wait3A_1847 = arith.constant 0 : i32
        %dma_wait3A_1848 = tpu.memref_slice %arg6[%dma_wait3A_1846, %dma_wait3A_1847] : memref<5008x128xf32, #tpu.memory_space<vmem_shared>> -> memref<8x128xf32, #tpu.memory_space<vmem_shared>>
        tpu.wait_dma2 semaphore(%run_scoped3A : memref<!tpu.dma_semaphore, #tpu.memory_space<semaphore_mem>>) src(%dma_wait3A_1848 : memref<8x128xf32, #tpu.memory_space<vmem_shared>>) dst(%dma_wait3A_1845 : memref<8x128xf32, #tpu.memory_space<hbm>>)
        tpu.yield
      }) : () -> ()
    } else {
    }
    return
  }
}

</mosaic_0001>

<sc_bundles>
// kernel: kernel.3.cloned.1.call-start
scs
__scs_entry_jumppad:
0x0: {  	(pc) =	sbr.rel $0x88, $3  }
0x1: {  	(tag) =	ssettag $0x0;
	lr =	simm.s32 $0x1  }
0x2: {  	[smem:$0x3F9E] =	sst lr;
	_ =	strace $0xD0000000  }
0x3: {  	_ = 	snop  }
0x4: {  	_ = 	snop  }
0x5: {  	_ = 	snop  }
0x6: {  	_ = 	snop  }
0x7: {  	_ = 	snop  }
__scs_overlays_trampoline_lowered:
0x8: {  	[smem:$0x3FAD] =	sst s0  }
0x9: {  	[smem:$0x3FAE] =	sst s1  }
0xa: {  	[smem:$0x3FAF] =	sst s2  }
0xb: {  	[smem:$0x3FB0] =	sst s3  }
0xc: {  	[smem:$0x3FB1] =	sst s4  }
0xd: {  	[smem:$0x3FB2] =	sst s5  }
0xe: {  	[smem:$0x3FB3] =	sst s6  }
0xf: {  	[smem:$0x3FB4] =	sst s7  }
0x10: {  	[smem:$0x3FB5] =	sst s8  }
0x11: {  	[smem:$0x3FB6] =	sst s9;
	s0 =	simm.s32 @!p0 $0x0  }
0x12: {  	s1 =	sld [smem:$0x3F9C];
	s0 =	simm.s32 @p0 $0x1  }
0x13: {  	[smem:$0x3FB7] =	sst s0;
	s0 =	simm.s32 @!p1 $0x0  }
0x14: {  	s2 =	sld [smem:$0x3F9B];
	s0 =	simm.s32 @p1 $0x1  }
0x15: {  	[smem:$0x3FB8] =	sst s0;
	s0 =	simm.s32 @!p2 $0x0  }
0x16: {  	s3 =	sld [smem:$0x3FDB];
	s0 =	simm.s32 @p2 $0x1  }
0x17: {  	s4 =	simm.s32 $0x1BF5;
	[smem:$0x3FBA] =	sst s0  }
0x18: {  	s0 =	sld [smem:$0x3F9D];
	_ =	swait.ge [sflag:s4], $0x0  }
0x19: {  	s7 =	sld [smem:$0x3F9E]  }
0x1a: {  	s8 =	sadd.s32 $0xFFFFE003, lr  }
0x1b: {  	s9 =	sadd.s32 $0xFFFFFEF7, lr;
	s5 =	simm.s32 $0xFFFFFFFF;
	p2 =	slt.u32 s8, $0xFFFFF086  }
0x1c: {  	p1 =	slt.u32 s9, $0xF7A;
	s5 =	simm.s32 @!p2 $0x0  }
0x1d: {  	s5 =	simm.s32 @p1 $0x1;
	p0 =	seq.s32 s7, s2  }
0x1e: {  	s7 =	smul.u32 @!p0 $0xF7A, s2;
	p2 =	seq.s32 @!p0 s5, $0x0  }
0x1f: {  	s9 =	smul.u32 $0xF7A, s1;
	s8 =	simm.s32 @!p0 $0x1BF5;
	p2 =	por !p2, p0  }
0x20: {  	[sflag:s8] =	ssyncset.s32 @!p0 $0xFFFFF086;
	s6 =	sadd.s32 @!p0 s3, s7;
	s7 =	simm.s32 @!p0 $0x108  }
0x21: {  	s3 =	sadd.s32 s3, s9;
	s6 =	sadd.s32 @!p0 $0x88, s6;
	s7 =	simm.s32 @p2 $0x1082  }
0x22: {  	[simem:s7], [sflag:s8] =	dma.local @!p0 [hbm:s6], $0xF7A  }
0x23: {  	s9 =	sor.u32 $0xD0000000, s2;
	s6 =	simm.s32 $0x108;
	_ =	swait.ge @!p0 [sflag:s8], $0x0  }
0x24: {  	s3 =	sadd.s32 $0x88, s3;
	s6 =	simm.s32 @!p1 $0x1082;
	[sflag:s4] =	ssyncset.s32 $0xFFFFF086  }
0x25: {  	[simem:s6], [sflag:s4] =	dma.local [hbm:s3], $0xF7A  }
0x26: {  	[smem:$0x3F9E] =	sst s1;
	(tag) =	ssettag s2;
	_ =	strace s9  }
0x27: {  	s1 =	sld [smem:$0x3FAE]  }
0x28: {  	s2 =	sld [smem:$0x3FAF]  }
0x29: {  	s4 =	sld [smem:$0x3FB1]  }
0x2a: {  	p0 =	seq.s32 s5, $0x0;
	s5 =	sld [smem:$0x3FB2]  }
0x2b: {  	s6 =	sld [smem:$0x3FB3]  }
0x2c: {  	s7 =	sld [smem:$0x3FB4]  }
0x2d: {  	s3 =	simm.s32 $0x108;
	s8 =	sld [smem:$0x3FB5]  }
0x2e: {  	s3 =	simm.s32 @!p0 $0x1082;
	s9 =	sld [smem:$0x3FB6]  }
0x2f: {  	lr =	sadd.s32 s0, s3;
	s0 =	sld [smem:$0x3FAD]  }
0x30: {  	s3 =	sld [smem:$0x3FB0]  }
0x31: {  	[smem:$0x3FB9] =	sst s10  }
0x32: {  	s10 =	sld [smem:$0x3FB7];
	_ =	sdelay $0x3  }
0x33: {  	p0 =	seq.s32 s10, $0x1;
	s10 =	sld [smem:$0x3FB9];
	_ =	sdelay $0x3  }
0x34: {  	[smem:$0x3FB9] =	sst s10  }
0x35: {  	s10 =	sld [smem:$0x3FB8];
	_ =	sdelay $0x3  }
0x36: {  	p1 =	seq.s32 s10, $0x1;
	s10 =	sld [smem:$0x3FB9];
	_ =	sdelay $0x3  }
0x37: {  	[smem:$0x3FB9] =	sst s10  }
0x38: {  	s10 =	sld [smem:$0x3FBA]  }
0x39: {  	_ = 	snop;
	(pc) =	sbr.ind lr, $3  }
0x3a: {  	_ = 	snop  }
0x3b: {  	_ = 	snop  }
0x3c: {  	p2 =	seq.s32 s10, $0x1;
	s10 =	sld [smem:$0x3FB9]  }
0x3d: {  	_ =	shalt  }
0x3e: {  	_ =	shalt  }
0x3f: {  	_ =	shalt  }
0x40: {  	_ =	shalt  }
0x41: {  	_ =	shalt  }
0x42: {  	_ =	shalt  }
0x43: {  	_ =	shalt  }
0x44: {  	_ =	shalt  }
0x45: {  	_ =	shalt  }
0x46: {  	_ =	shalt  }
0x47: {  	_ =	shalt  }
0x48: {  	_ =	shalt  }
0x49: {  	_ =	shalt  }
0x4a: {  	_ =	shalt  }
0x4b: {  	_ =	shalt  }
0x4c: {  	_ =	shalt  }
0x4d: {  	_ =	shalt  }
0x4e: {  	_ =	shalt  }
0x4f: {  	_ =	shalt  }
0x50: {  	_ =	shalt  }
0x51: {  	_ =	shalt  }
0x52: {  	_ =	shalt  }
0x53: {  	_ =	shalt  }
0x54: {  	_ =	shalt  }
0x55: {  	_ =	shalt  }
0x56: {  	_ =	shalt  }
0x57: {  	_ =	shalt  }
0x58: {  	_ =	shalt  }
0x59: {  	_ =	shalt  }
0x5a: {  	_ =	shalt  }
0x5b: {  	_ =	shalt  }
0x5c: {  	_ =	shalt  }
0x5d: {  	_ =	shalt  }
0x5e: {  	_ =	shalt  }
0x5f: {  	_ =	shalt  }
0x60: {  	_ =	shalt  }
0x61: {  	_ =	shalt  }
0x62: {  	_ =	shalt  }
0x63: {  	_ =	shalt  }
0x64: {  	_ =	shalt  }
0x65: {  	_ =	shalt  }
0x66: {  	_ =	shalt  }
0x67: {  	_ =	shalt  }
0x68: {  	_ =	shalt  }
0x69: {  	_ =	shalt  }
0x6a: {  	_ =	shalt  }
0x6b: {  	_ =	shalt  }
0x6c: {  	_ =	shalt  }
0x6d: {  	_ =	shalt  }
0x6e: {  	_ =	shalt  }
0x6f: {  	_ =	shalt  }
0x70: {  	_ =	shalt  }
0x71: {  	_ =	shalt  }
0x72: {  	_ =	shalt  }
0x73: {  	_ =	shalt  }
0x74: {  	_ =	shalt  }
0x75: {  	_ =	shalt  }
0x76: {  	_ =	shalt  }
0x77: {  	_ =	shalt  }
0x78: {  	_ =	shalt  }
0x79: {  	_ =	shalt  }
0x7a: {  	_ =	shalt  }
0x7b: {  	_ =	shalt  }
0x7c: {  	_ =	shalt  }
0x7d: {  	_ =	shalt  }
0x7e: {  	_ =	shalt  }
0x7f: {  	_ =	shalt  }
0x80: {  	_ =	shalt  }
0x81: {  	_ =	shalt  }
0x82: {  	_ =	shalt  }
0x83: {  	_ =	shalt  }
0x84: {  	_ =	shalt  }
0x85: {  	_ =	shalt  }
0x86: {  	_ =	shalt  }
0x87: {  	_ =	shalt  }
.Lfunc_end0:
.L_simem_size_0:
called_computation_lowered:
.L_overlay_start_0:
0x88: {  	s2 =	sld [smem:$0x3FD9]  }
0x89: {  	s3 =	sld [smem:$0x3FFE];
	_ =	sdelay $0x1  }
0x8a: {  	s1 =	srdreg.scid  }
0x8b: {  	s0 =	sand.u32 $0x1, s1  }
0x8c: {  	s17 =	sshll.u32 s0, $0xA;
	s2 =	sadd.s32 s3, s2  }
0x8d: {  	s2 =	sadd.s32 s2, s17  }
0x8e: {  	[smem:$0x3FC5] =	sst s2  }
0x8f: {  	_ = 	snop  }
0x90: {  	s2 =	sld [smem:$0x3FC9]  }
0x91: {  	s18 =	sld [smem:$0x3FC8]  }
0x92: {  	s4 =	sld [smem:$0x3FD0];
	(tm) =	ssettm $0x1  }
0x93: {  	s5 =	sld [smem:$0x3FFB];
	_ =	sdelay $0x3  }
0x94: {  	_ =	strace s5  }
0x95: {  	s5 =	sld [smem:$0x3FFC];
	_ =	sdelay $0x3  }
0x96: {  	_ =	strace s5  }
0x97: {  	s5 =	sld [smem:$0x3FFD];
	_ =	sdelay $0x3  }
0x98: {  	_ =	strace s5  }
0x99: {  	_ =	strace $0x8FFFFFFF  }
0x9a: {  	s19 =	sld [smem:$0x3FDB];
	_ =	sdelay $0x1  }
0x9b: {  	s6 =	simm.s32 $_scs_section_size  }
0x9c: {  	s7 =	simm.s32 $_size__tile_overlayer_lowered;
	s8 =	simm.s32 $_tile_overlayer_lowered  }
0x9d: {  	s22 =	simm.s32 $0x1BFF;
	s21 =	sshll.u32 s8, $0x1;
	s5 =	sadd.s32 s6, s19  }
0x9e: {  	s9 =	simm.s32 $0x0;
	s20 =	sshll.u32 s7, $0x1;
	s7 =	sadd.s32 s21, s5  }
0x9f: {  	[timem:s9], [sflag:s22] =	dma.local [hbm:s7], s20  }
0xa0: {  	_ =	swait.ge [sflag:s22], s20  }
0xa1: {  	s6 =	ssub.s32 $0x0, s20;
	[sflag:s22] =	ssyncset.done $0x0  }
0xa2: {  	[sflag:s22] =	ssyncadd.s32 s6;
	_ =	sdelay $0x1  }
0xa3: {  	s23 =	simm.s32 $0x1B8B  }
0xa4: {  	_ =	swait.ge [sflag:s23], $0x1  }
0xa5: {  	[sflag:s23] =	ssyncset.done $0x0  }
0xa6: {  	s25 =	simm.s32 $0x1B8E;
	s24 =	sld [smem:$0x3FFE];
	[sflag:s23] =	ssyncadd.s32 $0xFFFFFFFF  }
0xa7: {  	s26 =	simm.s32 $execute0_lowered;
	[smem:$0x3FD2] =	sst s25  }
0xa8: {  	s7 =	sshll.u32 s26, $0x1;
	_ =	strace $0x80000046;
	[dreg:$0x1] =	wrdreg $0xFFFFFFFF  }
0xa9: {  	s28 =	simm.s32 $_size_execute0_lowered;
	s5 =	sadd.s32 s5, s7;
	[dreg:$0x0] =	wrdreg $0x0  }
0xaa: {  	s7 =	sshll.u32 s28, $0x1;
	[dreg:$0x2] =	wrdreg s5  }
0xab: {  	[dreg:$0x3] =	wrdreg s7  }
0xac: {  	[dreg:$0x4] =	wrdreg $0xC0  }
0xad: {  	_ =	task [dreg:s9], $0x5FFFF  }
0xae: {  	[dreg:$0x1] =	wrdreg $0xFFFFFFFF  }
0xaf: {  	[dreg:$0x0] =	wrdreg $0x60  }
0xb0: {  	[dreg:$0x2] =	wrdreg s2  }
0xb1: {  	[dreg:$0x3] =	wrdreg s18  }
0xb2: {  	[dreg:$0x4] =	wrdreg s24  }
0xb3: {  	[dreg:$0x5] =	wrdreg s4  }
0xb4: {  	[dreg:$0x6] =	wrdreg $0x0  }
0xb5: {  	[dreg:$0x7] =	wrdreg $0x9C800  }
0xb6: {  	[dreg:$0x8] =	wrdreg $0x9  }
0xb7: {  	_ =	task.clear_ibuf [dreg:s9], $0x9FFFF;
	_ =	strace $0x90000046  }
0xb8: {  	s29 =	simm.s32 $0x9;
	_ =	strace $0x80000048  }
0xb9: {  	_ =	swait.ge [sflag:s29], $0x1  }
0xba: {  	[sflag:s29] =	ssyncadd.s32 $0xFFFFFFFF  }
0xbb: {  	_ =	strace $0x90000048  }
0xbc: {  	_ =	sfence  }
0xbd: {  	s30 =	sld [smem:$0x0];
	_ =	sdelay $0x2  }
0xbe: {  	s31 =	sshll.u32 s1, $0xD;
	s1 =	sshrl.u32 s1, $0x2  }
0xbf: {  	s3 =	sand.u32 $0x4000, s31;
	s1 =	sadd.s32 s1, s30  }
0xc0: {  	s0 =	sor.u32 s3, s0;
	s1 =	sshll.u32 s1, $0x11  }
0xc1: {  	s0 =	sor.u32 s1, s0  }
0xc2: {  	s0 =	sadd.s32 $0x8F2B, s0  }
0xc3: {  	[sflag:s0] =	ssyncadd.remote.s32 $0x1  }
0xc4: {  	_ =	sfence.sel $0xFFFF  }
0xc5: {  	[dreg:$0x0] =	wrdreg $0xFFFFFFFF;
	(pc) =	sbr.abs _section_cstart, $3  }
0xc6: {  	[dreg:$0x1] =	wrdreg $0xFFFFFFFF  }
0xc7: {  	_ =	task.clear_ibuf [dreg:s9], $0x2FFFF;
	_ =	strace $0x9FFFFFFF  }
0xc8: {  	(tm) =	ssettm $0x7FFFFFFF  }
0xc9: {  	_ =	shalt  }
tec
execute0_lowered:
.L_overlay_start_1:
0x0: {  	(tag) =	ssettag $0x1  }
0x1: {  	s7 =	rddreg [dreg:$0x0]  }
0x2: {  	s1 =	rddreg [dreg:$0x1]  }
0x3: {  	s5 =	rddreg [dreg:$0x2]  }
0x4: {  	s14 =	rddreg [dreg:$0x3]  }
0x5: {  	s2 =	rddreg [dreg:$0x4]  }
0x6: {  	s21 =	rddreg [dreg:$0x5]  }
0x7: {  	s0 =	srdreg.scid;
	s6 =	simm.s32 $0x0;
	s4 =	stileid.u32  }
0x8: {  	s28 =	simm.s32 $0x3;
	s30 =	simm.s32 $0x0;
	s9 =	smul.u32 $0x138, s4  }
0x9: {  	s3 =	sand.u32 $0x1, s0;
	[smem:$0x7FF] =	sst s6;
	s11 =	smul.u32 $0x27000, s4  }
0xa: {  	s6 =	sadd.s32 $0x400, s5;
	s13 =	smul.u32 $0x9D0, s4;
	s25 =	sadd.s32 $0x9C000, s2  }
0xb: {  	p0 =	sgt.s32 s4, $0x3;
	s29 =	sadd.s32 $0x3C00, s21;
	s17 =	sadd.s32 $0x1800, s21  }
0xc: {  	s18 =	sadd.s32 $0x1000, s21;
	s0 =	smul.u32 $0x1388, s3;
	s8 =	ssub.s32 $0x2, s3  }
0xd: {  	_ =	strace $0x80000047;
	s22 =	smul.u32 $0x9C400, s3;
	[dreg:$0x9] =	wrdreg s25  }
0xe: {  	p2 =	sgt.s32 @p0 s4, $0x5;
	[dreg:$0xc] =	wrdreg s29;
	s10 =	sshrl.u32 s8, $0x1  }
0xf: {  	s20 =	sshrl.u32 s11, $0x2;
	p1 =	por !p2, !p0;
	p4 =	por p2, !p0  }
0x10: {  	s5 =	ssub.s32 s8, s10;
	s19 =	sadd.s32 s9, s0;
	s23 =	sadd.s32 s20, s2  }
0x11: {  	s12 =	sshrl.u32 s22, $0x3;
	p3 =	seq.s32 @!p1 s4, $0x6;
	p4 =	seq.s32 @!p4 s4, $0x4  }
0x12: {  	s8 =	sadd.s32 $0xC00, s21;
	s20 =	sadd.s32 $0x800, s21;
	s15 =	sshll.u32 s19, $0x4  }
0x13: {  	s16 =	sadd.s32 $0x13800, s12;
	p3 =	por @p0 !p3, !p2;
	s19 =	sadd.s32 $0x1400, s21  }
0x14: {  	p2 =	por @p0 !p4, p2;
	s24 =	sadd.s32 s7, s15;
	s7 =	sadd.s32 s7, s16  }
0x15: {  	p3 =	por !p3, !p0;
	p2 =	por !p2, !p0;
	[dreg:$0xa] =	wrdreg s7  }
0x16: {  	s7 =	sadd.s32 $0x1C00, s21;
	s19 =	smov.u32 @p2 s18;
	s18 =	sadd.s32 s14, s16  }
0x17: {  	s7 =	smov.u32 @p3 s17;
	p3 =	sgt.s32 @!p0 s4, $0x1;
	s17 =	sadd.s32 s14, s15  }
0x18: {  	s14 =	sadd.s32 $0x400, s21;
	p2 =	por !p3, p0;
	p4 =	por p3, p0  }
0x19: {  	s7 =	smov.u32 @p1 s19;
	p5 =	seq.s32 @!p2 s4, $0x2;
	p4 =	seq.s32 @!p4 s4, $0x0  }
0x1a: {  	p1 =	seq.s32 s3, $0x0;
	p5 =	por @!p0 !p5, !p3;
	p3 =	por @!p0 !p4, p3  }
0x1b: {  	s3 =	simm.s32 @!p1 $0x0;
	p4 =	por !p5, p0;
	p3 =	por !p3, p0  }
0x1c: {  	s3 =	simm.s32 @p1 $0x1;
	s8 =	smov.u32 @p4 s20;
	s14 =	smov.u32 @p3 s21  }
0x1d: {  	s31 =	sadd.s32 $0x3800, s21;
	[smem:$0x7F9] =	sst s3;
	s8 =	smov.u32 @p2 s14  }
0x1e: {  	s3 =	sadd.s32 $0x2400, s21;
	s8 =	smov.u32 @p0 s7;
	p0 =	sgt.s32 s4, $0x9  }
0x1f: {  	s14 =	sadd.s32 $0x2C00, s21;
	s7 =	sadd.s32 $0x2800, s21;
	p1 =	seq.s32 @p0 s4, $0xA  }
0x20: {  	[dreg:$0xe] =	wrdreg s8;
	p2 =	seq.s32 @!p0 s4, $0x8;
	p1 =	por !p1, !p0  }
0x21: {  	s8 =	sadd.s32 $0x2000, s21;
	s7 =	smov.u32 @p1 s14;
	p1 =	por !p2, p0  }
0x22: {  	[dreg:$0xd] =	wrdreg s31;
	s11 =	sadd.s32 $0x3400, s21;
	s8 =	smov.u32 @p1 s3  }
0x23: {  	s15 =	sadd.s32 $0x3000, s21;
	s8 =	smov.u32 @p0 s7;
	p0 =	seq.s32 s4, $0xC  }
0x24: {  	s26 =	sadd.s32 s6, s13;
	s11 =	smov.u32 @p0 s15;
	p0 =	sgt.s32 s4, $0x7  }
0x25: {  	s25 =	simm.s32 $0x4;
	[dreg:$0xb] =	wrdreg s26;
	s3 =	simm.s32 @!p0 $0x0  }
0x26: {  	[dreg:$0x7] =	wrdreg s23;
	s3 =	simm.s32 @p0 $0x1;
	p0 =	sgt.s32 s4, $0xB  }
0x27: {  	s9 =	sshll.u32 s4, $0x6;
	[smem:$0x7FA] =	sst s3;
	s3 =	simm.s32 @!p0 $0x0  }
0x28: {  	[dreg:$0x8] =	wrdreg s24;
	s3 =	simm.s32 @p0 $0x1;
	p0 =	sgt.s32 s4, $0xD  }
0x29: {  	s22 =	sshll.u32 s4, $0xB;
	[smem:$0x7FB] =	sst s3;
	s3 =	simm.s32 @!p0 $0x0  }
0x2a: {  	[dreg:$0x10] =	wrdreg s8;
	s3 =	simm.s32 @p0 $0x1;
	p0 =	seq.s32 s4, $0xE  }
0x2b: {  	s10 =	sor.u32 $0x1C03, s9;
	[smem:$0x7FC] =	sst s3;
	s3 =	simm.s32 @!p0 $0x0  }
0x2c: {  	s23 =	sshll.u32 s4, $0x4;
	[dreg:$0xf] =	wrdreg s11;
	s3 =	simm.s32 @p0 $0x1  }
0x2d: {  	v1 =	vimm.s32 $0x0;
	v0 =	vmov s0;
	s21 =	smax.u32 s5, $0x1;
	p1 =	sne.s32 s4, $0xF;
	[smem:$0x7FD] =	sst s3  }
.LBB2_1:
0x2e: {  	s0 =	rddreg [dreg:$0x7]  }
0x2f: {  	s3 =	rddreg [dreg:$0x8];
	s0 =	sshrl.u32 s0, $0x3  }
0x30: {  	[spmem:s0], [sflag:s10] =	dma.local [hbm:s3], $0x1380  }
0x31: {  	s3 =	rddreg [dreg:$0x9]  }
0x32: {  	s31 =	sshrl.u32 @!p1 s3, $0x3;
	s3 =	rddreg [dreg:$0xa]  }
0x33: {  	[spmem:s31], [sflag:s10] =	dma.local @!p1 [hbm:s3], $0x80  }
0x34: {  	s26 =	simm.s32 $0x0;
	s7 =	simm.s32 $0x11F00;
	s5 =	rddreg [dreg:$0xb]  }
0x35: {  	[tilespmem:s7], [sflag:$0x4] =	stream.linear.gather [hbm4b:s5+s26], $0x4E80, $0x38;
	[tilespmem:$0x1B180] =	vst v63  }
0x36: {  	_ =	swait.ge [sflag:s25], $0x4E80  }
0x37: {  	[sflag:s25] =	ssyncset.done $0x0  }
0x38: {  	[sflag:s25] =	ssyncadd.s32 $0xFFFFB180  }
0x39: {  	v2 =	vld [tilespmem:$0x11F00]  }
0x3a: {  	v3 =	vld [tilespmem:$0x11F80]  }
0x3b: {  	v4 =	vld [tilespmem:$0x12000]  }
0x3c: {  	v5 =	vld [tilespmem:$0x12080]  }
0x3d: {  	v6 =	vld [tilespmem:$0x12100]  }
0x3e: {  	v7 =	vld [tilespmem:$0x12180]  }
0x3f: {  	vm0 =	vlt.s32 v2, $0x1388;
	vm1 =	vlt.s32 v3, $0x1388;
	v2 =	vld [tilespmem:$0x12200]  }
0x40: {  	v51 =	vld [tilespmem:$0x12280];
	vm5 =	vlt.s32 v4, $0x1388;
	v3 =	vsel vm0, $0x1, v1;
	v8 =	vsel vm1, $0x1, v1  }
0x41: {  	v53 =	vld [tilespmem:$0x12300];
	vm6 =	vlt.s32 v5, $0x1388;
	v52 =	vsel vm5, $0x1, v1;
	v3 =	vadd.s32 v3, v8  }
0x42: {  	v55 =	vld [tilespmem:$0x12380];
	vm7 =	vlt.s32 v6, $0x1388;
	v54 =	vsel vm6, $0x1, v1;
	v3 =	vadd.s32 v52, v3  }
0x43: {  	v57 =	vld [tilespmem:$0x12400];
	vm8 =	vlt.s32 v7, $0x1388;
	v56 =	vsel vm7, $0x1, v1;
	v3 =	vadd.s32 v54, v3  }
0x44: {  	v58 =	vsel vm8, $0x1, v1;
	v3 =	vadd.s32 v56, v3;
	vm9 =	vlt.s32 v2, $0x1388;
	v2 =	vld [tilespmem:$0x12480]  }
0x45: {  	v60 =	vld [tilespmem:$0x12500];
	vm10 =	vlt.s32 v51, $0x1388;
	v3 =	vadd.s32 v58, v3;
	v59 =	vsel vm9, $0x1, v1  }
0x46: {  	v62 =	vld [tilespmem:$0x12580];
	vm11 =	vlt.s32 v53, $0x1388;
	v61 =	vsel vm10, $0x1, v1;
	v3 =	vadd.s32 v59, v3  }
0x47: {  	v12 =	vld [tilespmem:$0x12600];
	vm12 =	vlt.s32 v55, $0x1388;
	v63 =	vsel vm11, $0x1, v1;
	v3 =	vadd.s32 v61, v3  }
0x48: {  	v14 =	vld [tilespmem:$0x12680];
	vm13 =	vlt.s32 v57, $0x1388;
	v13 =	vsel vm12, $0x1, v1;
	v3 =	vadd.s32 v63, v3  }
0x49: {  	v15 =	vsel vm13, $0x1, v1;
	v3 =	vadd.s32 v13, v3;
	vm14 =	vlt.s32 v2, $0x1388;
	v2 =	vld [tilespmem:$0x12700]  }
0x4a: {  	v17 =	vld [tilespmem:$0x12780];
	vm15 =	vlt.s32 v60, $0x1388;
	v3 =	vadd.s32 v15, v3;
	v16 =	vsel vm14, $0x1, v1  }
0x4b: {  	v19 =	vld [tilespmem:$0x12800];
	vm4 =	vlt.s32 v62, $0x1388;
	v18 =	vsel vm15, $0x1, v1;
	v3 =	vadd.s32 v16, v3  }
0x4c: {  	v21 =	vld [tilespmem:$0x12880];
	v20 =	vsel vm4, $0x1, v1;
	vm5 =	vlt.s32 v12, $0x1388;
	v3 =	vadd.s32 v18, v3  }
0x4d: {  	v23 =	vld [tilespmem:$0x12900];
	vm6 =	vlt.s32 v14, $0x1388;
	v22 =	vsel vm5, $0x1, v1;
	v3 =	vadd.s32 v20, v3  }
0x4e: {  	v24 =	vsel vm6, $0x1, v1;
	v3 =	vadd.s32 v22, v3;
	vm7 =	vlt.s32 v2, $0x1388;
	v2 =	vld [tilespmem:$0x12980]  }
0x4f: {  	v26 =	vld [tilespmem:$0x12A00];
	vm8 =	vlt.s32 v17, $0x1388;
	v3 =	vadd.s32 v24, v3;
	v25 =	vsel vm7, $0x1, v1  }
0x50: {  	v28 =	vld [tilespmem:$0x12A80];
	v27 =	vsel vm8, $0x1, v1;
	vm9 =	vlt.s32 v19, $0x1388;
	v3 =	vadd.s32 v25, v3  }
0x51: {  	v30 =	vld [tilespmem:$0x12B00];
	vm10 =	vlt.s32 v21, $0x1388;
	v29 =	vsel vm9, $0x1, v1;
	v3 =	vadd.s32 v27, v3  }
0x52: {  	v32 =	vld [tilespmem:$0x12B80];
	vm11 =	vlt.s32 v23, $0x1388;
	v31 =	vsel vm10, $0x1, v1;
	v3 =	vadd.s32 v29, v3  }
0x53: {  	v33 =	vsel vm11, $0x1, v1;
	v3 =	vadd.s32 v31, v3;
	vm12 =	vlt.s32 v2, $0x1388;
	v2 =	vld [tilespmem:$0x12C00]  }
0x54: {  	v35 =	vld [tilespmem:$0x12C80];
	vm13 =	vlt.s32 v26, $0x1388;
	v3 =	vadd.s32 v33, v3;
	v34 =	vsel vm12, $0x1, v1  }
0x55: {  	v37 =	vld [tilespmem:$0x12D00];
	v36 =	vsel vm13, $0x1, v1;
	vm14 =	vlt.s32 v28, $0x1388;
	v3 =	vadd.s32 v34, v3  }
0x56: {  	v39 =	vld [tilespmem:$0x12D80];
	vm15 =	vlt.s32 v30, $0x1388;
	v38 =	vsel vm14, $0x1, v1;
	v3 =	vadd.s32 v36, v3  }
0x57: {  	v41 =	vld [tilespmem:$0x12E00];
	vm4 =	vlt.s32 v32, $0x1388;
	v40 =	vsel vm15, $0x1, v1;
	v3 =	vadd.s32 v38, v3  }
0x58: {  	v42 =	vsel vm4, $0x1, v1;
	v3 =	vadd.s32 v40, v3;
	vm5 =	vlt.s32 v2, $0x1388;
	v2 =	vld [tilespmem:$0x12E80]  }
0x59: {  	v44 =	vld [tilespmem:$0x12F00];
	vm6 =	vlt.s32 v35, $0x1388;
	v3 =	vadd.s32 v42, v3;
	v43 =	vsel vm5, $0x1, v1  }
0x5a: {  	v46 =	vld [tilespmem:$0x12F80];
	v45 =	vsel vm6, $0x1, v1;
	vm7 =	vlt.s32 v37, $0x1388;
	v3 =	vadd.s32 v43, v3  }
0x5b: {  	v48 =	vld [tilespmem:$0x13000];
	vm8 =	vlt.s32 v39, $0x1388;
	v47 =	vsel vm7, $0x1, v1;
	v3 =	vadd.s32 v45, v3  }
0x5c: {  	v50 =	vld [tilespmem:$0x13080];
	v49 =	vsel vm8, $0x1, v1;
	vm9 =	vlt.s32 v41, $0x1388;
	v3 =	vadd.s32 v47, v3  }
0x5d: {  	v51 =	vsel vm9, $0x1, v1;
	v3 =	vadd.s32 v49, v3;
	vm10 =	vlt.s32 v2, $0x1388;
	v2 =	vld [tilespmem:$0x13100]  }
0x5e: {  	v53 =	vld [tilespmem:$0x13180];
	vm11 =	vlt.s32 v44, $0x1388;
	v3 =	vadd.s32 v51, v3;
	v52 =	vsel vm10, $0x1, v1  }
0x5f: {  	v55 =	vld [tilespmem:$0x13200];
	v54 =	vsel vm11, $0x1, v1;
	vm12 =	vlt.s32 v46, $0x1388;
	v3 =	vadd.s32 v52, v3  }
0x60: {  	v57 =	vld [tilespmem:$0x13280];
	vm13 =	vlt.s32 v48, $0x1388;
	v56 =	vsel vm12, $0x1, v1;
	v3 =	vadd.s32 v54, v3  }
0x61: {  	v58 =	vsel vm13, $0x1, v1;
	v59 =	vld [tilespmem:$0x13300];
	vm14 =	vlt.s32 v50, $0x1388;
	v3 =	vadd.s32 v56, v3  }
0x62: {  	v60 =	vsel vm14, $0x1, v1;
	v3 =	vadd.s32 v58, v3;
	vm15 =	vlt.s32 v2, $0x1388;
	v2 =	vld [tilespmem:$0x13380]  }
0x63: {  	v62 =	vld [tilespmem:$0x13400];
	vm4 =	vlt.s32 v53, $0x1388;
	v3 =	vadd.s32 v60, v3;
	v61 =	vsel vm15, $0x1, v1  }
0x64: {  	v12 =	vld [tilespmem:$0x13480];
	v63 =	vsel vm4, $0x1, v1;
	vm5 =	vlt.s32 v55, $0x1388;
	v3 =	vadd.s32 v61, v3  }
0x65: {  	v14 =	vld [tilespmem:$0x13500];
	vm6 =	vlt.s32 v57, $0x1388;
	v13 =	vsel vm5, $0x1, v1;
	v3 =	vadd.s32 v63, v3  }
0x66: {  	v15 =	vsel vm6, $0x1, v1;
	v16 =	vld [tilespmem:$0x13580];
	vm7 =	vlt.s32 v59, $0x1388;
	v3 =	vadd.s32 v13, v3  }
0x67: {  	v17 =	vsel vm7, $0x1, v1;
	v3 =	vadd.s32 v15, v3;
	vm8 =	vlt.s32 v2, $0x1388;
	v2 =	vld [tilespmem:$0x13600]  }
0x68: {  	v19 =	vld [tilespmem:$0x13680];
	vm9 =	vlt.s32 v62, $0x1388;
	v3 =	vadd.s32 v17, v3;
	v18 =	vsel vm8, $0x1, v1  }
0x69: {  	v21 =	vld [tilespmem:$0x13700];
	v20 =	vsel vm9, $0x1, v1;
	vm10 =	vlt.s32 v12, $0x1388;
	v3 =	vadd.s32 v18, v3  }
0x6a: {  	v23 =	vld [tilespmem:$0x13780];
	vm11 =	vlt.s32 v14, $0x1388;
	v22 =	vsel vm10, $0x1, v1;
	v3 =	vadd.s32 v20, v3  }
0x6b: {  	v24 =	vsel vm11, $0x1, v1;
	v25 =	vld [tilespmem:$0x13800];
	vm12 =	vlt.s32 v16, $0x1388;
	v3 =	vadd.s32 v22, v3  }
0x6c: {  	v26 =	vsel vm12, $0x1, v1;
	v3 =	vadd.s32 v24, v3;
	vm13 =	vlt.s32 v2, $0x1388;
	v2 =	vld [tilespmem:$0x13880]  }
0x6d: {  	v28 =	vld [tilespmem:$0x13900];
	vm14 =	vlt.s32 v19, $0x1388;
	v3 =	vadd.s32 v26, v3;
	v27 =	vsel vm13, $0x1, v1  }
0x6e: {  	v30 =	vld [tilespmem:$0x13980];
	v29 =	vsel vm14, $0x1, v1;
	vm15 =	vlt.s32 v21, $0x1388;
	v3 =	vadd.s32 v27, v3  }
0x6f: {  	v32 =	vld [tilespmem:$0x13A00];
	vm4 =	vlt.s32 v23, $0x1388;
	v31 =	vsel vm15, $0x1, v1;
	v3 =	vadd.s32 v29, v3  }
0x70: {  	v33 =	vsel vm4, $0x1, v1;
	v34 =	vld [tilespmem:$0x13A80];
	vm5 =	vlt.s32 v25, $0x1388;
	v3 =	vadd.s32 v31, v3  }
0x71: {  	v35 =	vsel vm5, $0x1, v1;
	v3 =	vadd.s32 v33, v3;
	vm6 =	vlt.s32 v2, $0x1388;
	v2 =	vld [tilespmem:$0x13B00]  }
0x72: {  	v37 =	vld [tilespmem:$0x13B80];
	vm7 =	vlt.s32 v28, $0x1388;
	v3 =	vadd.s32 v35, v3;
	v36 =	vsel vm6, $0x1, v1  }
0x73: {  	v39 =	vld [tilespmem:$0x13C00];
	v38 =	vsel vm7, $0x1, v1;
	vm8 =	vlt.s32 v30, $0x1388;
	v3 =	vadd.s32 v36, v3  }
0x74: {  	v41 =	vld [tilespmem:$0x13C80];
	vm9 =	vlt.s32 v32, $0x1388;
	v40 =	vsel vm8, $0x1, v1;
	v3 =	vadd.s32 v38, v3  }
0x75: {  	v42 =	vsel vm9, $0x1, v1;
	v43 =	vld [tilespmem:$0x13D00];
	vm10 =	vlt.s32 v34, $0x1388;
	v3 =	vadd.s32 v40, v3  }
0x76: {  	v44 =	vsel vm10, $0x1, v1;
	v3 =	vadd.s32 v42, v3;
	vm11 =	vlt.s32 v2, $0x1388;
	v2 =	vld [tilespmem:$0x13D80]  }
0x77: {  	v46 =	vld [tilespmem:$0x13E00];
	vm12 =	vlt.s32 v37, $0x1388;
	v3 =	vadd.s32 v44, v3;
	v45 =	vsel vm11, $0x1, v1  }
0x78: {  	v48 =	vld [tilespmem:$0x13E80];
	v47 =	vsel vm12, $0x1, v1;
	vm13 =	vlt.s32 v39, $0x1388;
	v3 =	vadd.s32 v45, v3  }
0x79: {  	v50 =	vld [tilespmem:$0x13F00];
	vm14 =	vlt.s32 v41, $0x1388;
	v49 =	vsel vm13, $0x1, v1;
	v3 =	vadd.s32 v47, v3  }
0x7a: {  	v51 =	vsel vm14, $0x1, v1;
	v52 =	vld [tilespmem:$0x13F80];
	vm15 =	vlt.s32 v43, $0x1388;
	v3 =	vadd.s32 v49, v3  }
0x7b: {  	v53 =	vsel vm15, $0x1, v1;
	v3 =	vadd.s32 v51, v3;
	vm4 =	vlt.s32 v2, $0x1388;
	v2 =	vld [tilespmem:$0x14000]  }
0x7c: {  	v55 =	vld [tilespmem:$0x14080];
	vm5 =	vlt.s32 v46, $0x1388;
	v3 =	vadd.s32 v53, v3;
	v54 =	vsel vm4, $0x1, v1  }
0x7d: {  	v57 =	vld [tilespmem:$0x14100];
	v56 =	vsel vm5, $0x1, v1;
	vm6 =	vlt.s32 v48, $0x1388;
	v3 =	vadd.s32 v54, v3  }
0x7e: {  	v59 =	vld [tilespmem:$0x14180];
	vm7 =	vlt.s32 v50, $0x1388;
	v58 =	vsel vm6, $0x1, v1;
	v3 =	vadd.s32 v56, v3  }
0x7f: {  	v60 =	vsel vm7, $0x1, v1;
	v61 =	vld [tilespmem:$0x14200];
	vm8 =	vlt.s32 v52, $0x1388;
	v3 =	vadd.s32 v58, v3  }
0x80: {  	v62 =	vsel vm8, $0x1, v1;
	v3 =	vadd.s32 v60, v3;
	vm9 =	vlt.s32 v2, $0x1388;
	v2 =	vld [tilespmem:$0x14280]  }
0x81: {  	v12 =	vld [tilespmem:$0x14300];
	vm10 =	vlt.s32 v55, $0x1388;
	v3 =	vadd.s32 v62, v3;
	v63 =	vsel vm9, $0x1, v1  }
0x82: {  	v14 =	vld [tilespmem:$0x14380];
	v13 =	vsel vm10, $0x1, v1;
	vm11 =	vlt.s32 v57, $0x1388;
	v3 =	vadd.s32 v63, v3  }
0x83: {  	v16 =	vld [tilespmem:$0x14400];
	vm12 =	vlt.s32 v59, $0x1388;
	v15 =	vsel vm11, $0x1, v1;
	v3 =	vadd.s32 v13, v3  }
0x84: {  	v17 =	vsel vm12, $0x1, v1;
	v18 =	vld [tilespmem:$0x14480];
	vm13 =	vlt.s32 v61, $0x1388;
	v3 =	vadd.s32 v15, v3  }
0x85: {  	v19 =	vsel vm13, $0x1, v1;
	v3 =	vadd.s32 v17, v3;
	vm14 =	vlt.s32 v2, $0x1388;
	v2 =	vld [tilespmem:$0x14500]  }
0x86: {  	v21 =	vld [tilespmem:$0x14580];
	vm15 =	vlt.s32 v12, $0x1388;
	v3 =	vadd.s32 v19, v3;
	v20 =	vsel vm14, $0x1, v1  }
0x87: {  	v23 =	vld [tilespmem:$0x14600];
	v22 =	vsel vm15, $0x1, v1;
	vm4 =	vlt.s32 v14, $0x1388;
	v3 =	vadd.s32 v20, v3  }
0x88: {  	v25 =	vld [tilespmem:$0x14680];
	vm5 =	vlt.s32 v16, $0x1388;
	v24 =	vsel vm4, $0x1, v1;
	v3 =	vadd.s32 v22, v3  }
0x89: {  	v26 =	vsel vm5, $0x1, v1;
	v27 =	vld [tilespmem:$0x14700];
	vm6 =	vlt.s32 v18, $0x1388;
	v3 =	vadd.s32 v24, v3  }
0x8a: {  	v28 =	vsel vm6, $0x1, v1;
	v3 =	vadd.s32 v26, v3;
	vm7 =	vlt.s32 v2, $0x1388;
	v2 =	vld [tilespmem:$0x14780]  }
0x8b: {  	v30 =	vld [tilespmem:$0x14800];
	vm8 =	vlt.s32 v21, $0x1388;
	v3 =	vadd.s32 v28, v3;
	v29 =	vsel vm7, $0x1, v1  }
0x8c: {  	v32 =	vld [tilespmem:$0x14880];
	v31 =	vsel vm8, $0x1, v1;
	vm9 =	vlt.s32 v23, $0x1388;
	v3 =	vadd.s32 v29, v3  }
0x8d: {  	v34 =	vld [tilespmem:$0x14900];
	vm10 =	vlt.s32 v25, $0x1388;
	v33 =	vsel vm9, $0x1, v1;
	v3 =	vadd.s32 v31, v3  }
0x8e: {  	v35 =	vsel vm10, $0x1, v1;
	v36 =	vld [tilespmem:$0x14980];
	vm11 =	vlt.s32 v27, $0x1388;
	v3 =	vadd.s32 v33, v3  }
0x8f: {  	v37 =	vsel vm11, $0x1, v1;
	v3 =	vadd.s32 v35, v3;
	vm12 =	vlt.s32 v2, $0x1388;
	v2 =	vld [tilespmem:$0x14A00]  }
0x90: {  	v39 =	vld [tilespmem:$0x14A80];
	vm13 =	vlt.s32 v30, $0x1388;
	v3 =	vadd.s32 v37, v3;
	v38 =	vsel vm12, $0x1, v1  }
0x91: {  	v41 =	vld [tilespmem:$0x14B00];
	v40 =	vsel vm13, $0x1, v1;
	vm14 =	vlt.s32 v32, $0x1388;
	v3 =	vadd.s32 v38, v3  }
0x92: {  	v43 =	vld [tilespmem:$0x14B80];
	vm15 =	vlt.s32 v34, $0x1388;
	v42 =	vsel vm14, $0x1, v1;
	v3 =	vadd.s32 v40, v3  }
0x93: {  	v44 =	vsel vm15, $0x1, v1;
	v45 =	vld [tilespmem:$0x14C00];
	vm4 =	vlt.s32 v36, $0x1388;
	v3 =	vadd.s32 v42, v3  }
0x94: {  	v46 =	vsel vm4, $0x1, v1;
	v3 =	vadd.s32 v44, v3;
	vm5 =	vlt.s32 v2, $0x1388;
	v2 =	vld [tilespmem:$0x14C80]  }
0x95: {  	v48 =	vld [tilespmem:$0x14D00];
	vm6 =	vlt.s32 v39, $0x1388;
	v3 =	vadd.s32 v46, v3;
	v47 =	vsel vm5, $0x1, v1  }
0x96: {  	v50 =	vld [tilespmem:$0x14D80];
	v49 =	vsel vm6, $0x1, v1;
	vm7 =	vlt.s32 v41, $0x1388;
	v3 =	vadd.s32 v47, v3  }
0x97: {  	v52 =	vld [tilespmem:$0x14E00];
	vm8 =	vlt.s32 v43, $0x1388;
	v51 =	vsel vm7, $0x1, v1;
	v3 =	vadd.s32 v49, v3  }
0x98: {  	v53 =	vsel vm8, $0x1, v1;
	v54 =	vld [tilespmem:$0x14E80];
	vm9 =	vlt.s32 v45, $0x1388;
	v3 =	vadd.s32 v51, v3  }
0x99: {  	v55 =	vsel vm9, $0x1, v1;
	v3 =	vadd.s32 v53, v3;
	vm10 =	vlt.s32 v2, $0x1388;
	v2 =	vld [tilespmem:$0x14F00]  }
0x9a: {  	v57 =	vld [tilespmem:$0x14F80];
	vm11 =	vlt.s32 v48, $0x1388;
	v3 =	vadd.s32 v55, v3;
	v56 =	vsel vm10, $0x1, v1  }
0x9b: {  	v59 =	vld [tilespmem:$0x15000];
	v58 =	vsel vm11, $0x1, v1;
	vm12 =	vlt.s32 v50, $0x1388;
	v3 =	vadd.s32 v56, v3  }
0x9c: {  	v61 =	vld [tilespmem:$0x15080];
	vm13 =	vlt.s32 v52, $0x1388;
	v60 =	vsel vm12, $0x1, v1;
	v3 =	vadd.s32 v58, v3  }
0x9d: {  	v62 =	vsel vm13, $0x1, v1;
	v63 =	vld [tilespmem:$0x15100];
	vm14 =	vlt.s32 v54, $0x1388;
	v3 =	vadd.s32 v60, v3  }
0x9e: {  	v12 =	vsel vm14, $0x1, v1;
	v3 =	vadd.s32 v62, v3;
	vm15 =	vlt.s32 v2, $0x1388;
	v2 =	vld [tilespmem:$0x15180]  }
0x9f: {  	v14 =	vld [tilespmem:$0x15200];
	vm4 =	vlt.s32 v57, $0x1388;
	v3 =	vadd.s32 v12, v3;
	v13 =	vsel vm15, $0x1, v1  }
0xa0: {  	v16 =	vld [tilespmem:$0x15280];
	v15 =	vsel vm4, $0x1, v1;
	vm5 =	vlt.s32 v59, $0x1388;
	v3 =	vadd.s32 v13, v3  }
0xa1: {  	v18 =	vld [tilespmem:$0x15300];
	vm6 =	vlt.s32 v61, $0x1388;
	v17 =	vsel vm5, $0x1, v1;
	v3 =	vadd.s32 v15, v3  }
0xa2: {  	v19 =	vsel vm6, $0x1, v1;
	v20 =	vld [tilespmem:$0x15380];
	vm7 =	vlt.s32 v63, $0x1388;
	v3 =	vadd.s32 v17, v3  }
0xa3: {  	v21 =	vsel vm7, $0x1, v1;
	v3 =	vadd.s32 v19, v3;
	vm8 =	vlt.s32 v2, $0x1388;
	v2 =	vld [tilespmem:$0x15400]  }
0xa4: {  	v23 =	vld [tilespmem:$0x15480];
	vm9 =	vlt.s32 v14, $0x1388;
	v3 =	vadd.s32 v21, v3;
	v22 =	vsel vm8, $0x1, v1  }
0xa5: {  	v25 =	vld [tilespmem:$0x15500];
	v24 =	vsel vm9, $0x1, v1;
	vm10 =	vlt.s32 v16, $0x1388;
	v3 =	vadd.s32 v22, v3  }
0xa6: {  	v27 =	vld [tilespmem:$0x15580];
	vm11 =	vlt.s32 v18, $0x1388;
	v26 =	vsel vm10, $0x1, v1;
	v3 =	vadd.s32 v24, v3  }
0xa7: {  	v28 =	vsel vm11, $0x1, v1;
	v29 =	vld [tilespmem:$0x15600];
	vm12 =	vlt.s32 v20, $0x1388;
	v3 =	vadd.s32 v26, v3  }
0xa8: {  	v30 =	vsel vm12, $0x1, v1;
	v3 =	vadd.s32 v28, v3;
	vm13 =	vlt.s32 v2, $0x1388;
	v2 =	vld [tilespmem:$0x15680]  }
0xa9: {  	v32 =	vld [tilespmem:$0x15700];
	vm14 =	vlt.s32 v23, $0x1388;
	v3 =	vadd.s32 v30, v3;
	v31 =	vsel vm13, $0x1, v1  }
0xaa: {  	v34 =	vld [tilespmem:$0x15780];
	v33 =	vsel vm14, $0x1, v1;
	vm15 =	vlt.s32 v25, $0x1388;
	v3 =	vadd.s32 v31, v3  }
0xab: {  	v36 =	vld [tilespmem:$0x15800];
	vm4 =	vlt.s32 v27, $0x1388;
	v35 =	vsel vm15, $0x1, v1;
	v3 =	vadd.s32 v33, v3  }
0xac: {  	v37 =	vsel vm4, $0x1, v1;
	v38 =	vld [tilespmem:$0x15880];
	vm5 =	vlt.s32 v29, $0x1388;
	v3 =	vadd.s32 v35, v3  }
0xad: {  	v39 =	vsel vm5, $0x1, v1;
	v3 =	vadd.s32 v37, v3;
	vm6 =	vlt.s32 v2, $0x1388;
	v2 =	vld [tilespmem:$0x15900]  }
0xae: {  	v41 =	vld [tilespmem:$0x15980];
	vm7 =	vlt.s32 v32, $0x1388;
	v3 =	vadd.s32 v39, v3;
	v40 =	vsel vm6, $0x1, v1  }
0xaf: {  	v43 =	vld [tilespmem:$0x15A00];
	v42 =	vsel vm7, $0x1, v1;
	vm8 =	vlt.s32 v34, $0x1388;
	v3 =	vadd.s32 v40, v3  }
0xb0: {  	v45 =	vld [tilespmem:$0x15A80];
	vm9 =	vlt.s32 v36, $0x1388;
	v44 =	vsel vm8, $0x1, v1;
	v3 =	vadd.s32 v42, v3  }
0xb1: {  	v46 =	vsel vm9, $0x1, v1;
	v47 =	vld [tilespmem:$0x15B00];
	vm10 =	vlt.s32 v38, $0x1388;
	v3 =	vadd.s32 v44, v3  }
0xb2: {  	v48 =	vsel vm10, $0x1, v1;
	v3 =	vadd.s32 v46, v3;
	vm11 =	vlt.s32 v2, $0x1388;
	v2 =	vld [tilespmem:$0x15B80]  }
0xb3: {  	v50 =	vld [tilespmem:$0x15C00];
	vm12 =	vlt.s32 v41, $0x1388;
	v3 =	vadd.s32 v48, v3;
	v49 =	vsel vm11, $0x1, v1  }
0xb4: {  	v52 =	vld [tilespmem:$0x15C80];
	v51 =	vsel vm12, $0x1, v1;
	vm13 =	vlt.s32 v43, $0x1388;
	v3 =	vadd.s32 v49, v3  }
0xb5: {  	v54 =	vld [tilespmem:$0x15D00];
	vm14 =	vlt.s32 v45, $0x1388;
	v53 =	vsel vm13, $0x1, v1;
	v3 =	vadd.s32 v51, v3  }
0xb6: {  	v55 =	vsel vm14, $0x1, v1;
	v56 =	vld [tilespmem:$0x15D80];
	vm15 =	vlt.s32 v47, $0x1388;
	v3 =	vadd.s32 v53, v3  }
0xb7: {  	v57 =	vsel vm15, $0x1, v1;
	v3 =	vadd.s32 v55, v3;
	vm4 =	vlt.s32 v2, $0x1388;
	v2 =	vld [tilespmem:$0x15E00]  }
0xb8: {  	v59 =	vld [tilespmem:$0x15E80];
	vm5 =	vlt.s32 v50, $0x1388;
	v3 =	vadd.s32 v57, v3;
	v58 =	vsel vm4, $0x1, v1  }
0xb9: {  	v61 =	vld [tilespmem:$0x15F00];
	v60 =	vsel vm5, $0x1, v1;
	vm6 =	vlt.s32 v52, $0x1388;
	v3 =	vadd.s32 v58, v3  }
0xba: {  	v63 =	vld [tilespmem:$0x15F80];
	vm7 =	vlt.s32 v54, $0x1388;
	v62 =	vsel vm6, $0x1, v1;
	v3 =	vadd.s32 v60, v3  }
0xbb: {  	v12 =	vsel vm7, $0x1, v1;
	v13 =	vld [tilespmem:$0x16000];
	vm8 =	vlt.s32 v56, $0x1388;
	v3 =	vadd.s32 v62, v3  }
0xbc: {  	v14 =	vsel vm8, $0x1, v1;
	v3 =	vadd.s32 v12, v3;
	vm9 =	vlt.s32 v2, $0x1388;
	v2 =	vld [tilespmem:$0x16080]  }
0xbd: {  	v16 =	vld [tilespmem:$0x16100];
	vm10 =	vlt.s32 v59, $0x1388;
	v3 =	vadd.s32 v14, v3;
	v15 =	vsel vm9, $0x1, v1  }
0xbe: {  	v18 =	vld [tilespmem:$0x16180];
	v17 =	vsel vm10, $0x1, v1;
	vm11 =	vlt.s32 v61, $0x1388;
	v3 =	vadd.s32 v15, v3  }
0xbf: {  	v20 =	vld [tilespmem:$0x16200];
	vm12 =	vlt.s32 v63, $0x1388;
	v19 =	vsel vm11, $0x1, v1;
	v3 =	vadd.s32 v17, v3  }
0xc0: {  	v21 =	vsel vm12, $0x1, v1;
	v22 =	vld [tilespmem:$0x16280];
	vm13 =	vlt.s32 v13, $0x1388;
	v3 =	vadd.s32 v19, v3  }
0xc1: {  	v23 =	vsel vm13, $0x1, v1;
	v3 =	vadd.s32 v21, v3;
	vm14 =	vlt.s32 v2, $0x1388;
	v2 =	vld [tilespmem:$0x16300]  }
0xc2: {  	v25 =	vld [tilespmem:$0x16380];
	vm15 =	vlt.s32 v16, $0x1388;
	v3 =	vadd.s32 v23, v3;
	v24 =	vsel vm14, $0x1, v1  }
0xc3: {  	v27 =	vld [tilespmem:$0x16400];
	v26 =	vsel vm15, $0x1, v1;
	vm4 =	vlt.s32 v18, $0x1388;
	v3 =	vadd.s32 v24, v3  }
0xc4: {  	v29 =	vld [tilespmem:$0x16480];
	vm5 =	vlt.s32 v20, $0x1388;
	v28 =	vsel vm4, $0x1, v1;
	v3 =	vadd.s32 v26, v3  }
0xc5: {  	v30 =	vsel vm5, $0x1, v1;
	v31 =	vld [tilespmem:$0x16500];
	vm6 =	vlt.s32 v22, $0x1388;
	v3 =	vadd.s32 v28, v3  }
0xc6: {  	v32 =	vsel vm6, $0x1, v1;
	v3 =	vadd.s32 v30, v3;
	vm7 =	vlt.s32 v2, $0x1388;
	v2 =	vld [tilespmem:$0x16580]  }
0xc7: {  	v34 =	vld [tilespmem:$0x16600];
	vm8 =	vlt.s32 v25, $0x1388;
	v3 =	vadd.s32 v32, v3;
	v33 =	vsel vm7, $0x1, v1  }
0xc8: {  	v36 =	vld [tilespmem:$0x16680];
	v35 =	vsel vm8, $0x1, v1;
	vm9 =	vlt.s32 v27, $0x1388;
	v3 =	vadd.s32 v33, v3  }
0xc9: {  	v38 =	vld [tilespmem:$0x16700];
	vm10 =	vlt.s32 v29, $0x1388;
	v37 =	vsel vm9, $0x1, v1;
	v3 =	vadd.s32 v35, v3  }
0xca: {  	v39 =	vsel vm10, $0x1, v1;
	v40 =	vld [tilespmem:$0x16780];
	vm11 =	vlt.s32 v31, $0x1388;
	v3 =	vadd.s32 v37, v3  }
0xcb: {  	v41 =	vsel vm11, $0x1, v1;
	v3 =	vadd.s32 v39, v3;
	vm12 =	vlt.s32 v2, $0x1388;
	v2 =	vld [tilespmem:$0x16800]  }
0xcc: {  	v43 =	vld [tilespmem:$0x16880];
	vm13 =	vlt.s32 v34, $0x1388;
	v3 =	vadd.s32 v41, v3;
	v42 =	vsel vm12, $0x1, v1  }
0xcd: {  	v45 =	vld [tilespmem:$0x16900];
	v44 =	vsel vm13, $0x1, v1;
	vm14 =	vlt.s32 v36, $0x1388;
	v3 =	vadd.s32 v42, v3  }
0xce: {  	v47 =	vld [tilespmem:$0x16980];
	vm15 =	vlt.s32 v38, $0x1388;
	v46 =	vsel vm14, $0x1, v1;
	v3 =	vadd.s32 v44, v3  }
0xcf: {  	v48 =	vsel vm15, $0x1, v1;
	v49 =	vld [tilespmem:$0x16A00];
	vm4 =	vlt.s32 v40, $0x1388;
	v3 =	vadd.s32 v46, v3  }
0xd0: {  	v50 =	vsel vm4, $0x1, v1;
	v3 =	vadd.s32 v48, v3;
	vm5 =	vlt.s32 v2, $0x1388;
	v2 =	vld [tilespmem:$0x16A80]  }
0xd1: {  	v52 =	vld [tilespmem:$0x16B00];
	vm6 =	vlt.s32 v43, $0x1388;
	v3 =	vadd.s32 v50, v3;
	v51 =	vsel vm5, $0x1, v1  }
0xd2: {  	v54 =	vld [tilespmem:$0x16B80];
	v53 =	vsel vm6, $0x1, v1;
	vm7 =	vlt.s32 v45, $0x1388;
	v3 =	vadd.s32 v51, v3  }
0xd3: {  	v56 =	vld [tilespmem:$0x16C00];
	vm8 =	vlt.s32 v47, $0x1388;
	v55 =	vsel vm7, $0x1, v1;
	v3 =	vadd.s32 v53, v3  }
0xd4: {  	v57 =	vsel vm8, $0x1, v1;
	v58 =	vld [tilespmem:$0x16C80];
	vm9 =	vlt.s32 v49, $0x1388;
	v3 =	vadd.s32 v55, v3  }
0xd5: {  	s29 =	sld [smem:$0x7FA];
	v59 =	vsel vm9, $0x1, v1;
	v3 =	vadd.s32 v57, v3;
	vm10 =	vlt.s32 v2, $0x1388;
	v2 =	vld [tilespmem:$0x16D00]  }
0xd6: {  	vm11 =	vlt.s32 v52, $0x1388;
	v3 =	vadd.s32 v59, v3;
	v60 =	vsel vm10, $0x1, v1  }
0xd7: {  	v4 =	vsel vm11, $0x1, v1;
	vm12 =	vlt.s32 v54, $0x1388;
	v3 =	vadd.s32 v60, v3  }
0xd8: {  	p0 =	seq.s32 s29, $0x1;
	vm13 =	vlt.s32 v56, $0x1388;
	v61 =	vsel vm12, $0x1, v1;
	v3 =	vadd.s32 v4, v3  }
.Ltmp0:
0xd9: {  	v62 =	vsel vm13, $0x1, v1;
	vm14 =	vlt.s32 v58, $0x1388;
	v3 =	vadd.s32 v61, v3;
	(pc) =	sbr.rel @p0 .LBB2_4-.Ltmp0, $4  }
0xda: {  	v63 =	vsel vm14, $0x1, v1;
	v3 =	vadd.s32 v62, v3;
	vm15 =	vlt.s32 v2, $0x1388  }
0xdb: {  	v2 =	vadd.s32 v63, v3;
	v3 =	vsel vm15, $0x1, v1  }
0xdc: {  	v2 =	vadd.s32 v3, v2  }
0xdd: {  	[tilespmem:$0x16D80] =	vst v2  }
.Ltmp1:
0xde: {  	(pc) =	sbr.rel .LBB2_3-.Ltmp1, $2  }
0xdf: {  	_ =	sdelay $0x2  }
0xe0: {  	s3 =	rddreg [dreg:$0xe]  }
.LBB2_4:
0xe1: {  	s3 =	sld [smem:$0x7FB];
	_ =	sdelay $0x2  }
0xe2: {  	p0 =	seq.s32 s3, $0x1  }
.Ltmp2:
0xe3: {  	_ = 	snop;
	(pc) =	sbr.rel @p0 .LBB2_6-.Ltmp2, $1  }
0xe4: {  	_ =	sdelay $0x3  }
.Ltmp3:
0xe5: {  	(pc) =	sbr.rel .LBB2_3-.Ltmp3, $2  }
0xe6: {  	_ =	sdelay $0x2  }
0xe7: {  	s3 =	rddreg [dreg:$0x10]  }
.LBB2_6:
0xe8: {  	s3 =	sld [smem:$0x7FC];
	_ =	sdelay $0x2  }
0xe9: {  	p0 =	seq.s32 s3, $0x1  }
.Ltmp4:
0xea: {  	_ = 	snop;
	(pc) =	sbr.rel @p0 .LBB2_8-.Ltmp4, $1  }
0xeb: {  	_ =	sdelay $0x3  }
.Ltmp5:
0xec: {  	(pc) =	sbr.rel .LBB2_3-.Ltmp5, $2  }
0xed: {  	_ =	sdelay $0x2  }
0xee: {  	s3 =	rddreg [dreg:$0xf]  }
.LBB2_8:
0xef: {  	s5 =	sld [smem:$0x7FD];
	_ =	sdelay $0x2  }
0xf0: {  	p0 =	seq.s32 s5, $0x1  }
.Ltmp6:
0xf1: {  	_ = 	snop;
	(pc) =	sbr.rel @!p0 .LBB2_9-.Ltmp6, $2  }
0xf2: {  	_ =	sdelay $0x2  }
0xf3: {  	s3 =	rddreg [dreg:$0xd]  }
.LBB2_3:
0xf4: {  	s5 =	simm.s32 $0x16D80  }
0xf5: {  	[spmem:s3] =	stream.linear.scatter [tilespmem:s5], [sflag:$0x4], $0x400, $0x38;
	[tilespmem:$0x1B180] =	vst v63  }
0xf6: {  	_ =	swait.ge [sflag:s25], $0x400  }
0xf7: {  	[sflag:s25] =	ssyncset.done $0x0  }
0xf8: {  	[sflag:s25] =	ssyncadd.s32 $0xFFFFFC00  }
0xf9: {  	_ =	swait.ge [sflag:s28], $0x1380  }
0xfa: {  	[sflag:s28] =	ssyncset.done $0x0  }
0xfb: {  	[sflag:s28] =	ssyncadd.s32 $0xFFFFEC80  }
.LBB2_10:
0xfc: {  	[bflag:$0x0] =	sbarrier.arrive $0xFFFF  }
0xfd: {  	s5 =	simm.s32 $0x17180;
	s3 =	rddreg [dreg:$0x5]  }
0xfe: {  	[tilespmem:s5], [sflag:$0x4] =	stream.linear.gather [spmem:s3], $0x4000, $0x38;
	[tilespmem:$0x1B180] =	vst v63  }
0xff: {  	_ =	swait.ge [sflag:s25], $0x4000  }
0x100: {  	[sflag:s25] =	ssyncset.done $0x0  }
0x101: {  	[sflag:s25] =	ssyncadd.s32 $0xFFFFC000  }
0x102: {  	v2 =	vld [tilespmem:$0x17180]  }
0x103: {  	v3 =	vld [tilespmem:$0x17580]  }
0x104: {  	v4 =	vld [tilespmem:$0x17980]  }
0x105: {  	v5 =	vld [tilespmem:$0x17D80]  }
0x106: {  	v6 =	vld [tilespmem:$0x18180]  }
0x107: {  	v7 =	vld [tilespmem:$0x18580];
	(v2sf) =	vpush v2, $0x0  }
0x108: {  	v2 =	vld [tilespmem:$0x18980];
	(v2sf) =	vpush v3, $0x0  }
0x109: {  	v3 =	vld [tilespmem:$0x18D80];
	(v2sf) =	vpush v4, $0x0  }
0x10a: {  	v58 =	vld [tilespmem:$0x19180];
	(v2sf) =	vpush v5, $0x0  }
0x10b: {  	v59 =	vld [tilespmem:$0x19580];
	(v2sf) =	vpush v6, $0x0  }
0x10c: {  	v60 =	vld [tilespmem:$0x19980];
	(v2sf) =	vpush v7, $0x0  }
0x10d: {  	v61 =	vld [tilespmem:$0x19D80];
	(v2sf) =	vpush v2, $0x0  }
0x10e: {  	v2 =	vld [tilespmem:$0x1A180];
	(v2sf) =	vpush v3, $0x0  }
0x10f: {  	v3 =	vld [tilespmem:$0x1A580];
	(v2sf) =	vpush v58, $0x0  }
0x110: {  	v62 =	vld [tilespmem:$0x1A980];
	(v2sf) =	vpush v59, $0x0  }
0x111: {  	v63 =	vld [tilespmem:$0x1AD80];
	(v2sf) =	vpush v60, $0x0  }
0x112: {  	(v2sf) =	vpush v61, $0x0  }
0x113: {  	(v2sf) =	vpush v2, $0x0  }
0x114: {  	(v2sf) =	vpush v3, $0x0  }
0x115: {  	(v2sf) =	vpush v62, $0x0  }
0x116: {  	s24 =	spop (v2sf);
	(v2sf) =	vpush v63, $0x0  }
0x117: {  	s26 =	spop (v2sf)  }
0x118: {  	s7 =	spop (v2sf);
	s3 =	sadd.s32 s24, s26  }
0x119: {  	s8 =	spop (v2sf);
	s3 =	sadd.s32 s7, s3  }
0x11a: {  	s11 =	spop (v2sf);
	s3 =	sadd.s32 s8, s3  }
0x11b: {  	s12 =	spop (v2sf);
	s3 =	sadd.s32 s11, s3  }
0x11c: {  	s13 =	spop (v2sf);
	s3 =	sadd.s32 s12, s3  }
0x11d: {  	s14 =	spop (v2sf);
	s3 =	sadd.s32 s13, s3  }
0x11e: {  	s15 =	spop (v2sf);
	s3 =	sadd.s32 s14, s3  }
0x11f: {  	s16 =	spop (v2sf);
	s3 =	sadd.s32 s15, s3  }
0x120: {  	s19 =	spop (v2sf);
	s3 =	sadd.s32 s16, s3  }
0x121: {  	s20 =	spop (v2sf);
	s3 =	sadd.s32 s19, s3  }
0x122: {  	s24 =	spop (v2sf);
	s3 =	sadd.s32 s20, s3  }
0x123: {  	s26 =	spop (v2sf);
	s3 =	sadd.s32 s24, s3  }
0x124: {  	s8 =	spop (v2sf);
	s3 =	sadd.s32 s26, s3  }
0x125: {  	s3 =	sadd.s32 s8, s3;
	s11 =	spop (v2sf)  }
0x126: {  	s3 =	sadd.s32 s11, s3  }
0x127: {  	s12 =	sld [smem:$0x7F9];
	s5 =	sadd.s32 $0xFFFFFFFF, s3  }
0x128: {  	p0 =	sgt.s32 s5, $0x0  }
0x129: {  	s5 =	simm.s32 @!p0 $0x0  }
0x12a: {  	p0 =	seq.s32 s12, $0x1;
	s15 =	ssub.s32 $0x9C4, s5  }
0x12b: {  	s15 =	smov.u32 @p0 s3  }
0x12c: {  	s5 =	simm.s32 @p0 $0x0;
	p0 =	sge.s32 s4, s15  }
0x12d: {  	s13 =	sadd.s32 $0x0, s4;
	s24 =	sshll.u32 s5, $0xB;
	s3 =	sadd.s32 @!p0 s4, s5  }
0x12e: {  	s26 =	sadd.s32 $0x10, s13;
	s20 =	sadd.s32 s24, s22;
	s7 =	sshll.u32 @!p0 s3, $0x4  }
0x12f: {  	s14 =	simm.s32 @!p0 $0x0;
	s3 =	sshll.u32 @!p0 s3, $0xB;
	s7 =	sand.u32 @!p0 $0x1FFFFFF0, s7  }
0x130: {  	s16 =	simm.s32 @!p0 $0x11D00;
	s3 =	sand.u32 @!p0 $0x1FFFF800, s3;
	s7 =	sadd.s32 @!p0 s6, s7  }
0x131: {  	[tilespmem:s16], [sflag:$0x1] =	stream.linear.gather @!p0 [hbm4b:s7+s14], $0x80, $0x38;
	[tilespmem:$0x1B180] =	vst v63  }
0x132: {  	s5 =	sshll.u32 s5, $0x4;
	s3 =	sadd.s32 @!p0 s1, s3;
	s7 =	simm.s32 @!p0 $0x9D00  }
0x133: {  	[tilespmem:s7], [sflag:$0x1] =	stream.linear.gather @!p0 [hbm4b:s3+s14], $0x4000, $0x38;
	[tilespmem:$0x1B180] =	vst v63  }
0x134: {  	p2 =	sge.s32 s13, s15;
	s19 =	sadd.s32 s5, s23;
	p0 =	sge.s32 s26, s15  }
0x135: {  	s3 =	sadd.s32 @!p0 $0x8000, s20;
	s5 =	sadd.s32 @!p0 $0x100, s19;
	s14 =	simm.s32 @!p0 $0x11D80  }
0x136: {  	p5 =	por p2, p2;
	s3 =	sand.u32 @!p0 $0x1FFFF800, s3;
	s5 =	sand.u32 @!p0 $0x1FFFFFF0, s5  }
0x137: {  	s16 =	sadd.s32 @!p0 s1, s3;
	s3 =	sadd.s32 @!p0 s6, s5;
	s5 =	simm.s32 @!p0 $0x0  }
0x138: {  	[tilespmem:s14], [sflag:$0x2] =	stream.linear.gather @!p0 [hbm4b:s3+s5], $0x80, $0x38;
	[tilespmem:$0x1B180] =	vst v63  }
0x139: {  	p6 =	por p0, p0;
	s14 =	simm.s32 @!p0 $0xDD00;
	s3 =	simm.s32 @!p5 $0x1  }
0x13a: {  	[tilespmem:s14], [sflag:$0x2] =	stream.linear.gather @!p6 [hbm4b:s16+s5], $0x4000, $0x38;
	[tilespmem:$0x1B180] =	vst v63  }
0x13b: {  	s24 =	sadd.s32 $0x20, s13;
	s29 =	sadd.s32 $0x200, s19;
	_ =	swait.ge @!p5 [sflag:s3], $0x4000  }
0x13c: {  	s26 =	simm.s32 $0x20;
	s5 =	smov.u32 s20;
	[sflag:s3] =	ssyncset.done @!p5 $0x0  }
.LBB2_11:
0x13d: {  	[sflag:s3] =	ssyncadd.s32 @!p5 $0xFFFFC000  }
0x13e: {  	s20 =	sadd.s32 $0x10000, s20;
	s7 =	smov.u32 s26;
	s26 =	sadd.s32 $0x20, s26  }
0x13f: {  	p4 =	sne.s32 s26, $0x9E0;
	_ =	swait.ge @!p5 [sflag:s3], $0x80  }
0x140: {  	[sflag:s3] =	ssyncset.done @!p5 $0x0  }
0x141: {  	[sflag:s3] =	ssyncadd.s32 @!p5 $0xFFFFFF80  }
0x142: {  	v2 =	vld @!p5 [tilespmem:$0x11D50]  }
0x143: {  	v3 =	vld @!p5 [tilespmem:$0x11D40]  }
0x144: {  	v4 =	vld @!p5 [tilespmem:$0x11D70]  }
0x145: {  	v5 =	vld @!p5 [tilespmem:$0x11D20]  }
0x146: {  	v6 =	vld @!p5 [tilespmem:$0x11D30]  }
0x147: {  	v7 =	vld @!p5 [tilespmem:$0x11D10]  }
0x148: {  	s8 =	sadd.s32 s7, s4;
	v3 =	vsub.s32 @!p5 v3, v0;
	v8 =	vld @!p5 [tilespmem:$0x11D60]  }
0x149: {  	s7 =	sadd.s32 $0x20, s8;
	s3 =	sadd.s32 $0x10, s8;
	v9 =	vld @!p5 [tilespmem:$0x11D00];
	v3 =	vmin.u32 @!p5 v3, $0x1388;
	v4 =	vsub.s32 @!p5 v4, v0  }
0x14a: {  	v2 =	vsub.s32 @!p5 v2, v0;
	[tilespmem:$0x11E40] =	vst @!p5 v3;
	v3 =	vmin.u32 @!p5 v4, $0x1388  }
0x14b: {  	p3 =	sge.s32 s3, s15;
	v2 =	vmin.u32 @!p5 v2, $0x1388;
	v4 =	vsub.s32 @!p5 v5, v0;
	[tilespmem:$0x11E70] =	vst @!p5 v3  }
0x14c: {  	s3 =	sadd.s32 @!p3 $0x8000, s20;
	v4 =	vmin.u32 @!p5 v4, $0x1388;
	v5 =	vsub.s32 @!p5 v6, v0;
	v3 =	vsub.s32 @!p5 v7, v0;
	[tilespmem:$0x11E50] =	vst @!p5 v2  }
0x14d: {  	s16 =	sadd.s32 @!p3 $0x100, s29;
	s3 =	sand.u32 @!p3 $0x1FFFF800, s3;
	v2 =	vmin.u32 @!p5 v3, $0x1388;
	[tilespmem:$0x11E20] =	vst @!p5 v4;
	v3 =	vmin.u32 @!p5 v5, $0x1388;
	v4 =	vsub.s32 @!p5 v8, v0  }
0x14e: {  	s11 =	sand.u32 @!p3 $0x1FFFFFF0, s16;
	s16 =	sadd.s32 @!p3 s1, s3;
	v5 =	vsub.s32 @!p5 v9, v0;
	[tilespmem:$0x11E10] =	vst @!p5 v2;
	v2 =	vmin.u32 @!p5 v4, $0x1388  }
0x14f: {  	p2 =	sge.s32 s8, s15;
	s3 =	sadd.s32 @!p3 s6, s11;
	v4 =	vmin.u32 @!p5 v5, $0x1388;
	[tilespmem:$0x11E60] =	vst @!p5 v2  }
0x150: {  	p0 =	sge.s32 s24, s15;
	s8 =	simm.s32 @!p5 $0x9D00;
	s11 =	simm.s32 @!p5 $0x5;
	[tilespmem:$0x11E30] =	vst @!p5 v3  }
0x151: {  	s24 =	simm.s32 @!p5 $0x80;
	s12 =	simm.s32 @!p5 $0x11E00;
	s13 =	simm.s32 @!p0 $0x11D00;
	[tilespmem:$0x11E00] =	vst @!p5 v4  }
0x152: {  	[spmem:s2] =	stream.indirect.scatter.add.f32 @!p5 [tilespmem:s8], [sflag:$0x5], $0x80, s12, s24, $0xb8;
	[tilespmem:$0x1B180] =	vst v63  }
0x153: {  	s5 =	sadd.s32 @!p0 $0x10000, s5;
	s8 =	sadd.s32 @!p0 $0x200, s19;
	_ =	swait.ge @!p5 [sflag:s11], $0x4000  }
0x154: {  	s5 =	sand.u32 @!p0 $0x1FFFF800, s5;
	s8 =	sand.u32 @!p0 $0x1FFFFFF0, s8;
	[sflag:s11] =	ssyncset.done @!p5 $0x0  }
0x155: {  	s8 =	sadd.s32 @!p0 s6, s8;
	[sflag:s11] =	ssyncadd.s32 @!p5 $0xFFFFC000;
	s11 =	simm.s32 @!p0 $0x0  }
0x156: {  	[tilespmem:s13], [sflag:$0x1] =	stream.linear.gather @!p0 [hbm4b:s8+s11], $0x80, $0x38;
	[tilespmem:$0x1B180] =	vst v63  }
0x157: {  	s5 =	sadd.s32 @!p0 s1, s5;
	s12 =	simm.s32 @!p6 $0x2;
	s8 =	simm.s32 @!p0 $0x9D00  }
0x158: {  	[tilespmem:s8], [sflag:$0x1] =	stream.linear.gather @!p0 [hbm4b:s5+s11], $0x4000, $0x38;
	[tilespmem:$0x1B180] =	vst v63  }
0x159: {  	s24 =	smov.u32 s7;
	s5 =	smov.u32 s20;
	_ =	swait.ge @!p6 [sflag:s12], $0x4000  }
0x15a: {  	s19 =	smov.u32 s29;
	p5 =	por p2, p2;
	[sflag:s12] =	ssyncset.done @!p6 $0x0  }
0x15b: {  	[sflag:s12] =	ssyncadd.s32 @!p6 $0xFFFFC000  }
0x15c: {  	_ =	swait.ge @!p6 [sflag:s12], $0x80  }
0x15d: {  	[sflag:s12] =	ssyncset.done @!p6 $0x0  }
0x15e: {  	[sflag:s12] =	ssyncadd.s32 @!p6 $0xFFFFFF80  }
0x15f: {  	v2 =	vld @!p6 [tilespmem:$0x11D80]  }
0x160: {  	v3 =	vld @!p6 [tilespmem:$0x11D90]  }
0x161: {  	v4 =	vld @!p6 [tilespmem:$0x11DA0]  }
0x162: {  	v5 =	vld @!p6 [tilespmem:$0x11DB0]  }
0x163: {  	v6 =	vld @!p6 [tilespmem:$0x11DC0]  }
0x164: {  	v2 =	vsub.s32 @!p6 v2, v0;
	v7 =	vld @!p6 [tilespmem:$0x11DD0]  }
0x165: {  	v2 =	vmin.u32 @!p6 v2, $0x1388;
	v3 =	vsub.s32 @!p6 v3, v0;
	v8 =	vld @!p6 [tilespmem:$0x11DE0]  }
0x166: {  	[tilespmem:$0x11E80] =	vst @!p6 v2;
	v2 =	vmin.u32 @!p6 v3, $0x1388;
	v3 =	vsub.s32 @!p6 v4, v0;
	v4 =	vld @!p6 [tilespmem:$0x11DF0]  }
0x167: {  	[tilespmem:$0x11E90] =	vst @!p6 v2;
	v2 =	vmin.u32 @!p6 v3, $0x1388;
	v3 =	vsub.s32 @!p6 v5, v0  }
0x168: {  	[tilespmem:$0x11EA0] =	vst @!p6 v2;
	v2 =	vmin.u32 @!p6 v3, $0x1388;
	v3 =	vsub.s32 @!p6 v6, v0  }
0x169: {  	[tilespmem:$0x11EB0] =	vst @!p6 v2;
	v2 =	vmin.u32 @!p6 v3, $0x1388;
	v3 =	vsub.s32 @!p6 v7, v0  }
0x16a: {  	[tilespmem:$0x11EC0] =	vst @!p6 v2;
	v2 =	vmin.u32 @!p6 v3, $0x1388;
	v3 =	vsub.s32 @!p6 v8, v0  }
0x16b: {  	[tilespmem:$0x11ED0] =	vst @!p6 v2;
	v2 =	vmin.u32 @!p6 v3, $0x1388;
	v3 =	vsub.s32 @!p6 v4, v0  }
0x16c: {  	[tilespmem:$0x11EE0] =	vst @!p6 v2;
	v2 =	vmin.u32 @!p6 v3, $0x1388  }
0x16d: {  	s7 =	simm.s32 @!p6 $0x80;
	s8 =	simm.s32 @!p6 $0x11E80;
	s11 =	simm.s32 @!p6 $0x4;
	[tilespmem:$0x11EF0] =	vst @!p6 v2  }
0x16e: {  	[spmem:s2] =	stream.indirect.scatter.add.f32 @!p6 [tilespmem:s14], [sflag:$0x4], $0x80, s8, s7, $0xb8;
	[tilespmem:$0x1B180] =	vst v63  }
0x16f: {  	_ =	swait.ge @!p6 [sflag:s11], $0x4000  }
0x170: {  	[sflag:s11] =	ssyncset.done @!p6 $0x0  }
0x171: {  	s7 =	simm.s32 @!p3 $0x0;
	s8 =	simm.s32 @!p3 $0x11D80;
	[sflag:s11] =	ssyncadd.s32 @!p6 $0xFFFFC000  }
0x172: {  	[tilespmem:s8], [sflag:$0x2] =	stream.linear.gather @!p3 [hbm4b:s3+s7], $0x80, $0x38;
	[tilespmem:$0x1B180] =	vst v63  }
.Ltmp7:
0x173: {  	_ = 	snop;
	(pc) =	sbr.rel @p4 .LBB2_11-.Ltmp7, $4  }
0x174: {  	s14 =	simm.s32 @!p3 $0xDD00;
	p6 =	por p3, p3;
	s3 =	simm.s32 @!p5 $0x1  }
0x175: {  	[tilespmem:s14], [sflag:$0x2] =	stream.linear.gather @!p6 [hbm4b:s16+s7], $0x4000, $0x38;
	[tilespmem:$0x1B180] =	vst v63  }
0x176: {  	_ =	swait.ge @!p5 [sflag:s3], $0x4000  }
0x177: {  	s29 =	sadd.s32 $0x200, s29;
	[sflag:s3] =	ssyncset.done @!p5 $0x0  }
0x178: {  	[sflag:s3] =	ssyncadd.s32 @!p5 $0xFFFFC000  }
0x179: {  	_ =	swait.ge @!p5 [sflag:s3], $0x80  }
0x17a: {  	[sflag:s3] =	ssyncset.done @!p5 $0x0  }
0x17b: {  	[sflag:s3] =	ssyncadd.s32 @!p5 $0xFFFFFF80  }
0x17c: {  	v2 =	vld @!p5 [tilespmem:$0x11D40]  }
0x17d: {  	v3 =	vld @!p5 [tilespmem:$0x11D70]  }
0x17e: {  	v4 =	vld @!p5 [tilespmem:$0x11D50]  }
0x17f: {  	v5 =	vld @!p5 [tilespmem:$0x11D20]  }
0x180: {  	v6 =	vld @!p5 [tilespmem:$0x11D10]  }
0x181: {  	v7 =	vld @!p5 [tilespmem:$0x11D60];
	v2 =	vsub.s32 @!p5 v2, v0  }
0x182: {  	v8 =	vld @!p5 [tilespmem:$0x11D30];
	v3 =	vsub.s32 @!p5 v3, v0;
	v2 =	vmin.u32 @!p5 v2, $0x1388  }
0x183: {  	v9 =	vld @!p5 [tilespmem:$0x11D00];
	v3 =	vmin.u32 @!p5 v3, $0x1388;
	[tilespmem:$0x11E40] =	vst @!p5 v2;
	v2 =	vsub.s32 @!p5 v4, v0  }
0x184: {  	v4 =	vsub.s32 @!p5 v5, v0;
	[tilespmem:$0x11E70] =	vst @!p5 v3;
	v2 =	vmin.u32 @!p5 v2, $0x1388  }
0x185: {  	v3 =	vsub.s32 @!p5 v6, v0;
	v4 =	vmin.u32 @!p5 v4, $0x1388;
	[tilespmem:$0x11E50] =	vst @!p5 v2  }
0x186: {  	v2 =	vmin.u32 @!p5 v3, $0x1388;
	[tilespmem:$0x11E20] =	vst @!p5 v4;
	v3 =	vsub.s32 @!p5 v7, v0  }
0x187: {  	v4 =	vsub.s32 @!p5 v8, v0;
	[tilespmem:$0x11E10] =	vst @!p5 v2;
	v2 =	vmin.u32 @!p5 v3, $0x1388  }
0x188: {  	v3 =	vmin.u32 @!p5 v4, $0x1388;
	v4 =	vsub.s32 @!p5 v9, v0;
	[tilespmem:$0x11E60] =	vst @!p5 v2  }
0x189: {  	s7 =	simm.s32 @!p5 $0x5;
	p0 =	sge.s32 s24, s15;
	s8 =	simm.s32 @!p5 $0x80;
	v2 =	vmin.u32 @!p5 v4, $0x1388;
	[tilespmem:$0x11E30] =	vst @!p5 v3  }
0x18a: {  	s11 =	simm.s32 @!p5 $0x11E00;
	s12 =	simm.s32 @!p0 $0x11D00;
	s3 =	simm.s32 @!p5 $0x9D00;
	[tilespmem:$0x11E00] =	vst @!p5 v2  }
0x18b: {  	[spmem:s2] =	stream.indirect.scatter.add.f32 @!p5 [tilespmem:s3], [sflag:$0x5], $0x80, s11, s8, $0xb8;
	[tilespmem:$0x1B180] =	vst v63  }
0x18c: {  	s5 =	sadd.s32 @!p0 $0x10000, s5;
	s3 =	sadd.s32 @!p0 $0x200, s19;
	_ =	swait.ge @!p5 [sflag:s7], $0x4000  }
0x18d: {  	s5 =	sand.u32 @!p0 $0x1FFFF800, s5;
	s3 =	sand.u32 @!p0 $0x1FFFFFF0, s3;
	[sflag:s7] =	ssyncset.done @!p5 $0x0  }
0x18e: {  	s3 =	sadd.s32 @!p0 s6, s3;
	[sflag:s7] =	ssyncadd.s32 @!p5 $0xFFFFC000;
	s7 =	simm.s32 @!p0 $0x0  }
0x18f: {  	[tilespmem:s12], [sflag:$0x1] =	stream.linear.gather @!p0 [hbm4b:s3+s7], $0x80, $0x38;
	[tilespmem:$0x1B180] =	vst v63  }
0x190: {  	s8 =	simm.s32 @!p6 $0x2;
	s3 =	sadd.s32 @!p0 s1, s5;
	s5 =	simm.s32 @!p0 $0x9D00  }
0x191: {  	[tilespmem:s5], [sflag:$0x1] =	stream.linear.gather @!p0 [hbm4b:s3+s7], $0x4000, $0x38;
	[tilespmem:$0x1B180] =	vst v63  }
0x192: {  	_ =	swait.ge @!p6 [sflag:s8], $0x4000  }
0x193: {  	[sflag:s8] =	ssyncset.done @!p6 $0x0  }
0x194: {  	[sflag:s8] =	ssyncadd.s32 @!p6 $0xFFFFC000  }
0x195: {  	_ =	swait.ge @!p6 [sflag:s8], $0x80  }
0x196: {  	[sflag:s8] =	ssyncset.done @!p6 $0x0  }
0x197: {  	[sflag:s8] =	ssyncadd.s32 @!p6 $0xFFFFFF80  }
0x198: {  	v2 =	vld @!p6 [tilespmem:$0x11D80]  }
0x199: {  	v3 =	vld @!p6 [tilespmem:$0x11D90]  }
0x19a: {  	v4 =	vld @!p6 [tilespmem:$0x11DA0]  }
0x19b: {  	v5 =	vld @!p6 [tilespmem:$0x11DB0]  }
0x19c: {  	v6 =	vld @!p6 [tilespmem:$0x11DC0]  }
0x19d: {  	v7 =	vld @!p6 [tilespmem:$0x11DD0];
	v2 =	vsub.s32 @!p6 v2, v0  }
0x19e: {  	v8 =	vld @!p6 [tilespmem:$0x11DE0];
	v3 =	vsub.s32 @!p6 v3, v0;
	v2 =	vmin.u32 @!p6 v2, $0x1388  }
0x19f: {  	[tilespmem:$0x11E80] =	vst @!p6 v2;
	v2 =	vmin.u32 @!p6 v3, $0x1388;
	v3 =	vsub.s32 @!p6 v4, v0;
	v4 =	vld @!p6 [tilespmem:$0x11DF0]  }
0x1a0: {  	[tilespmem:$0x11E90] =	vst @!p6 v2;
	v2 =	vmin.u32 @!p6 v3, $0x1388;
	v3 =	vsub.s32 @!p6 v5, v0  }
0x1a1: {  	[tilespmem:$0x11EA0] =	vst @!p6 v2;
	v2 =	vmin.u32 @!p6 v3, $0x1388;
	v3 =	vsub.s32 @!p6 v6, v0  }
0x1a2: {  	[tilespmem:$0x11EB0] =	vst @!p6 v2;
	v2 =	vmin.u32 @!p6 v3, $0x1388;
	v3 =	vsub.s32 @!p6 v7, v0  }
0x1a3: {  	[tilespmem:$0x11EC0] =	vst @!p6 v2;
	v2 =	vmin.u32 @!p6 v3, $0x1388;
	v3 =	vsub.s32 @!p6 v8, v0  }
0x1a4: {  	[tilespmem:$0x11ED0] =	vst @!p6 v2;
	v2 =	vmin.u32 @!p6 v3, $0x1388;
	v3 =	vsub.s32 @!p6 v4, v0  }
0x1a5: {  	[tilespmem:$0x11EE0] =	vst @!p6 v2;
	v2 =	vmin.u32 @!p6 v3, $0x1388  }
0x1a6: {  	s3 =	simm.s32 @!p6 $0x80;
	s5 =	simm.s32 @!p6 $0x11E80;
	s7 =	simm.s32 @!p6 $0x4;
	[tilespmem:$0x11EF0] =	vst @!p6 v2  }
0x1a7: {  	[spmem:s2] =	stream.indirect.scatter.add.f32 @!p6 [tilespmem:s14], [sflag:$0x4], $0x80, s5, s3, $0xb8;
	[tilespmem:$0x1B180] =	vst v63  }
0x1a8: {  	_ =	swait.ge @!p6 [sflag:s7], $0x4000  }
0x1a9: {  	[sflag:s7] =	ssyncset.done @!p6 $0x0  }
0x1aa: {  	[sflag:s7] =	ssyncadd.s32 @!p6 $0xFFFFC000  }
0x1ab: {  	s3 =	sor.u32 $0x1C04, s9;
	[bflag:$0x0] =	sbarrier.arrive $0xFFFF  }
0x1ac: {  	[hbm:s17], [sflag:s3] =	dma.local [spmem:s0], $0x1380  }
0x1ad: {  	_ =	swait.ge [sflag:s25], $0x1380  }
0x1ae: {  	s30 =	sadd.s32 $0x1, s30;
	[sflag:s25] =	ssyncset.done $0x0  }
0x1af: {  	p0 =	sne.s32 s30, s21;
	[sflag:s25] =	ssyncadd.s32 $0xFFFFEC80  }
0x1b0: {  	[hbm:s18], [sflag:s3] =	dma.local @!p1 [spmem:s31], $0x80  }
.Ltmp8:
0x1b1: {  	_ = 	snop;
	(pc) =	sbr.rel @p0 .LBB2_1-.Ltmp8, $4  }
.Ltmp9:
0x1b2: {  	s0 =	simm.s32 @!p1 $0x4;
	(pc) =	sbr.rel @!p0 .LBB2_13-.Ltmp9, $4  }
0x1b3: {  	_ =	swait.ge @!p1 [sflag:s0], $0x80  }
0x1b4: {  	[sflag:s0] =	ssyncset.done @!p1 $0x0  }
0x1b5: {  	[sflag:s0] =	ssyncadd.s32 @!p1 $0xFFFFFF80  }
0x1b6: {  	_ = 	snop  }
.LBB2_9:
0x1b7: {  	s3 =	rddreg [dreg:$0xc];
	s5 =	simm.s32 $0x16D80  }
0x1b8: {  	[spmem:s3] =	stream.linear.scatter [tilespmem:s5], [sflag:$0x4], $0x400, $0x38;
	[tilespmem:$0x1B180] =	vst v63  }
0x1b9: {  	_ =	swait.ge [sflag:s25], $0x400  }
0x1ba: {  	[sflag:s25] =	ssyncset.done $0x0  }
0x1bb: {  	[sflag:s25] =	ssyncadd.s32 $0xFFFFFC00  }
0x1bc: {  	_ =	swait.ge [sflag:s28], $0x1380  }
.Ltmp10:
0x1bd: {  	[sflag:s28] =	ssyncset.done $0x0;
	(pc) =	sbr.rel .LBB2_10-.Ltmp10, $4  }
0x1be: {  	[sflag:s28] =	ssyncadd.s32 $0xFFFFEC80  }
0x1bf: {  	_ =	swait.ge [sflag:s28], $0x80  }
0x1c0: {  	[sflag:s28] =	ssyncset.done $0x0  }
0x1c1: {  	[sflag:s28] =	ssyncadd.s32 $0xFFFFFF80  }
.LBB2_13:
0x1c2: {  	_ =	sfence.sel $0x180000  }
0x1c3: {  	[bflag:$0x0] =	sbarrier.arrive $0xFFFF  }
0x1c4: {  	_ =	strace $0x90000047  }
0x1c5: {  	[bflag:$0x2] =	sbarrier.arrive $0xFFFF  }
0x1c6: {  	p0 =	sne.s32 s4, $0x0;
	s0 =	rddreg [dreg:$0x6]  }
0x1c7: {  	s0 =	sadd.s32 @!p0 $0x100000, s0  }
0x1c8: {  	[sflag:s0] =	ssyncadd.tile.s32 @!p0 $0x1;
	_ =	shalt  }
.Lfunc_end2:
_tile_overlayer_lowered:
.L_overlay_start_2:
0x1c9: {  	(tag) =	ssettag $0x2  }
0x1ca: {  	s0 =	rddreg [dreg:$0x0];
	s2 =	stileid.u32  }
0x1cb: {  	s1 =	rddreg [dreg:$0x1];
	p0 =	sne.s32 s2, $0x0  }
0x1cc: {  	s3 =	rddreg [dreg:$0x2];
	[bflag:$0x3] =	sbarrier.arrive $0xFFFF;
	s2 =	simm.s32 @!p0 $0x1C04  }
0x1cd: {  	[timem:s3], [sflag:s2] =	dma.local @!p0 [hbm:s0], s1  }
0x1ce: {  	s0 =	simm.s32 @!p0 $0x4  }
0x1cf: {  	_ =	swait.ge @!p0 [sflag:s0], s1  }
0x1d0: {  	s1 =	ssub.s32 @!p0 $0x0, s1;
	[sflag:s0] =	ssyncset.done @!p0 $0x0  }
0x1d1: {  	[sflag:s0] =	ssyncadd.s32 @!p0 s1  }
0x1d2: {  	[bflag:$0x3] =	sbarrier.arrive $0xFFFF  }
0x1d3: {  	_ =	shalt  }

</sc_bundles>
